<compile_context>
chip_gen: v7x
topology: tpu7x:2x2x1
jax: 0.10.2.dev20260603
libtpu: 0.0.44.dev20260713+nightly
codegen_flags: <defaults>
</compile_context>

<pallas_src>
import functools

import jax
import jax.numpy as jnp
from jax import lax
from jax.experimental import pallas as pl
from jax.experimental.pallas import tpu as pltpu
from jax.experimental.pallas import tpu_sc as plsc

N_NODES = 100000
N_EDGES = 6400000

NC = 2
NS = 16
NW = NC * NS
CHUNK = 400
G = 2
GD = 10
KCH = 500
NBLK = KCH // G
NPAD = 100352
RPS = NPAD // NS
RB = 2048


def _sc_mesh():
    return plsc.VectorSubcoreMesh(core_axis_name="c", subcore_axis_name="s")


_SC_PARAMS = pltpu.CompilerParams(use_tc_tiling_on_sc=False)


@functools.partial(
    pl.kernel,
    out_type=jax.ShapeDtypeStruct((NC, NPAD), jnp.float32),
    mesh=_sc_mesh(),
    compiler_params=_SC_PARAMS,
    scratch_types=[
        pltpu.VMEM((GD, CHUNK), jnp.int32),
        pltpu.VMEM((GD, CHUNK), jnp.int32),
        pltpu.VMEM((CHUNK,), jnp.float32),
        pltpu.VMEM_SHARED((NPAD,), jnp.float32),
        pltpu.SemaphoreType.DMA,
        pltpu.SemaphoreType.DMA,
    ],
)
def _sc_degree(er, zeros1, out, dstA, dstB, ones_v, deg_sp, ssemA, ssemB):
    c = lax.axis_index("c")
    s = lax.axis_index("s")
    wid = c * NS + s
    rsl = pl.ds(s * RPS, RPS)
    pltpu.sync_copy(zeros1.at[rsl], deg_sp.at[rsl])
    for i in range(CHUNK // 16):
        ones_v[pl.ds(i * 16, 16)] = jnp.ones((16,), jnp.float32)
    plsc.subcore_barrier()

    def load(o, dv):
        pltpu.sync_copy(er.at[1, wid, pl.ds(o * GD, GD)], dv)

    def issue(dv, sem):
        for b in range(GD):
            pltpu.async_copy(ones_v, deg_sp.at[dv.at[b]], sem, add=True)

    def drain(dv, sem):
        for b in range(GD):
            pltpu.make_async_copy(ones_v, deg_sp.at[dv.at[b]], sem).wait()

    NBLKD = KCH // GD
    load(0, dstA)

    def body(tt, carry):
        issue(dstA, ssemA)
        load(2 * tt + 1, dstB)
        drain(dstA, ssemA)
        issue(dstB, ssemB)
        load(2 * tt + 2, dstA)
        drain(dstB, ssemB)
        return carry

    lax.fori_loop(0, NBLKD // 2 - 1, body, 0)
    issue(dstA, ssemA)
    load(NBLKD - 1, dstB)
    drain(dstA, ssemA)
    issue(dstB, ssemB)
    drain(dstB, ssemB)
    plsc.subcore_barrier()
    pltpu.sync_copy(deg_sp.at[rsl], out.at[c, rsl])


def _make_sc_agg(D):
    @functools.partial(
        pl.kernel,
        out_type=jax.ShapeDtypeStruct((NC, NPAD, D), jnp.float32),
        mesh=_sc_mesh(),
        compiler_params=_SC_PARAMS,
        scratch_types=[
            pltpu.VMEM((G, CHUNK), jnp.int32),
            pltpu.VMEM((G, CHUNK), jnp.int32),
            pltpu.VMEM((G, CHUNK), jnp.int32),
            pltpu.VMEM((G, CHUNK), jnp.int32),
            pltpu.VMEM((G, CHUNK, D), jnp.float32),
            pltpu.VMEM((G, CHUNK, D), jnp.float32),
            pltpu.VMEM_SHARED((NPAD, D), jnp.float32),
            pltpu.SemaphoreType.DMA,
            pltpu.SemaphoreType.DMA,
            pltpu.SemaphoreType.DMA,
            pltpu.SemaphoreType.DMA,
        ],
    )
    def sc_agg(y, er, zeros, out,
               srcA, dstA, srcB, dstB, rowsA, rowsB, agg_sp,
               gsemA, gsemB, ssemA, ssemB):
        c = lax.axis_index("c")
        s = lax.axis_index("s")
        wid = c * NS + s
        rsl = pl.ds(s * RPS, RPS)
        pltpu.sync_copy(zeros.at[rsl], agg_sp.at[rsl])
        plsc.subcore_barrier()

        def load_idx(t, sv, dv):
            pltpu.sync_copy(er.at[0, wid, pl.ds(t * G, G)], sv)
            pltpu.sync_copy(er.at[1, wid, pl.ds(t * G, G)], dv)

        def issue_gathers(sv, rv, gsem):
            for b in range(G):
                pltpu.async_copy(y.at[sv.at[b]], rv.at[b], gsem)

        def wait_gathers(sv, rv, gsem):
            for b in range(G):
                pltpu.make_async_copy(y.at[sv.at[b]], rv.at[b], gsem).wait()

        def issue_scatters(dv, rv, ssem):
            for b in range(G):
                pltpu.async_copy(rv.at[b], agg_sp.at[dv.at[b]], ssem, add=True)

        def wait_scatters(dv, rv, ssem):
            for b in range(G):
                pltpu.make_async_copy(rv.at[b], agg_sp.at[dv.at[b]], ssem).wait()

        load_idx(0, srcA, dstA)
        issue_gathers(srcA, rowsA, gsemA)
        load_idx(1, srcB, dstB)
        issue_gathers(srcB, rowsB, gsemB)

        def half(t_next, sv, dv, rv, gsem, ssem):
            wait_gathers(sv, rv, gsem)
            issue_scatters(dv, rv, ssem)
            wait_scatters(dv, rv, ssem)
            load_idx(t_next, sv, dv)
            issue_gathers(sv, rv, gsem)

        def body(tt, carry):
            half(2 * tt + 2, srcA, dstA, rowsA, gsemA, ssemA)
            half(2 * tt + 3, srcB, dstB, rowsB, gsemB, ssemB)
            return carry

        lax.fori_loop(0, NBLK // 2 - 1, body, 0)

        wait_gathers(srcA, rowsA, gsemA)
        issue_scatters(dstA, rowsA, ssemA)
        wait_gathers(srcB, rowsB, gsemB)
        issue_scatters(dstB, rowsB, ssemB)
        wait_scatters(dstA, rowsA, ssemA)
        wait_scatters(dstB, rowsB, ssemB)

        plsc.subcore_barrier()
        pltpu.sync_copy(agg_sp.at[rsl], out.at[c, rsl])

    return sc_agg


_sc_agg16 = _make_sc_agg(16)


def _tc1_body(degp, x16, dinv_o, xs_o):
    deg = degp[0, :] + degp[1, :] + 1.0
    dinv = lax.rsqrt(deg)
    dinv_o[...] = dinv
    xs_o[...] = x16[...] * dinv[:, None]


def _tc1(degp, x16):
    return pl.pallas_call(
        _tc1_body,
        grid=(NPAD // RB,),
        in_specs=[
            pl.BlockSpec((NC, RB), lambda i: (0, i)),
            pl.BlockSpec((RB, 16), lambda i: (i, 0)),
        ],
        out_specs=[
            pl.BlockSpec((RB,), lambda i: (i,)),
            pl.BlockSpec((RB, 16), lambda i: (i, 0)),
        ],
        out_shape=[
            jax.ShapeDtypeStruct((NPAD,), jnp.float32),
            jax.ShapeDtypeStruct((NPAD, 16), jnp.float32),
        ],
    )(degp, x16)


def _tc2_body(aggp, xs, dinv, w1, b1, hs_o):
    dv = dinv[...][:, None]
    t = (aggp[0] + aggp[1] + xs[...]) * dv
    h1 = jnp.maximum(jnp.dot(t, w1[...]) + b1[...], 0.0)
    hs_o[...] = h1 * dv


def _tc2(aggp, xs, dinv, w1p, b1):
    return pl.pallas_call(
        _tc2_body,
        grid=(NPAD // RB,),
        in_specs=[
            pl.BlockSpec((NC, RB, 16), lambda i: (0, i, 0)),
            pl.BlockSpec((RB, 16), lambda i: (i, 0)),
            pl.BlockSpec((RB,), lambda i: (i,)),
            pl.BlockSpec((16, 16), lambda i: (0, 0)),
            pl.BlockSpec((16,), lambda i: (0,)),
        ],
        out_specs=pl.BlockSpec((RB, 16), lambda i: (i, 0)),
        out_shape=jax.ShapeDtypeStruct((NPAD, 16), jnp.float32),
    )(aggp, xs, dinv, w1p, b1)


def _tc3_body(aggp, hs, dinv, w2, b2, out_o):
    t = (aggp[0] + aggp[1] + hs[...]) * dinv[...][:, None]
    h2 = jnp.dot(t, w2[...]) + b2[...]
    m = jnp.max(h2, axis=1, keepdims=True)
    e = jnp.exp(h2 - m)
    lse = jnp.log(jnp.sum(e, axis=1, keepdims=True))
    out_o[...] = h2 - m - lse


def _tc3(aggp, hs, dinv, w2, b2):
    return pl.pallas_call(
        _tc3_body,
        grid=(NPAD // RB,),
        in_specs=[
            pl.BlockSpec((NC, RB, 16), lambda i: (0, i, 0)),
            pl.BlockSpec((RB, 16), lambda i: (i, 0)),
            pl.BlockSpec((RB,), lambda i: (i,)),
            pl.BlockSpec((16, 7), lambda i: (0, 0)),
            pl.BlockSpec((7,), lambda i: (0,)),
        ],
        out_specs=pl.BlockSpec((RB, 7), lambda i: (i, 0)),
        out_shape=jax.ShapeDtypeStruct((NPAD, 7), jnp.float32),
    )(aggp, hs, dinv, w2, b2)


def kernel(x, edge_index, W1, b1, W2, b2):
    er = edge_index.reshape(2, NW, KCH, CHUNK)

    x16 = jnp.pad(x, ((0, NPAD - N_NODES), (0, 13)))
    w1p = jnp.pad(W1, ((0, 13), (0, 0)))
    z1 = jnp.zeros((NPAD,), jnp.float32)
    z16 = jnp.zeros((NPAD, 16), jnp.float32)

    degp = _sc_degree(er, z1)
    dinv, xs = _tc1(degp, x16)
    agg1p = _sc_agg16(xs, er, z16)
    hs = _tc2(agg1p, xs, dinv, w1p, b1)
    agg2p = _sc_agg16(hs, er, z16)
    out = _tc3(agg2p, hs, dinv, W2, b2)
    return out[:N_NODES]

# --- scband reference (transcript-rebuilt; emitter-appended) ---
"""Pipeline reference for scband-gcn-20151986553189 (READ-ONLY COPY).

The authoritative reference and input builder live on the scoring server;
editing this copy changes nothing except your own understanding.
"""

import jax, jax.numpy as jnp
import numpy as np

N = 100000
E = 6400000

def setup_inputs(seed: int = 0):
    key = jax.random.key(seed)
    k1, k2, k3, k4 = jax.random.split(key, 4)
    x = jax.random.normal(k1, (N, 3), dtype=jnp.float32)
    edge_index = jax.random.randint(k2, (2, E), 0, N, dtype=jnp.int32)
    W1 = jax.random.normal(k3, (3, 16), dtype=jnp.float32) * (1.0 / np.sqrt(3.0))
    b1 = jnp.zeros((16,), dtype=jnp.float32)
    W2 = jax.random.normal(k4, (16, 7), dtype=jnp.float32) * (1.0 / np.sqrt(16.0))
    b2 = jnp.zeros((7,), dtype=jnp.float32)
    return {"x": x, "edge_index": edge_index, "W1": W1, "b1": b1, "W2": W2, "b2": b2}

def gcn_conv(x, edge_index, W, b, n_nodes):
    # PyG GCNConv: out = D^{-1/2} (A + I) D^{-1/2} X W + b
    src = edge_index[0]
    dst = edge_index[1]
    loop = jnp.arange(n_nodes, dtype=src.dtype)
    src = jnp.concatenate([src, loop])
    dst = jnp.concatenate([dst, loop])
    h = x @ W
    deg = jnp.zeros((n_nodes,), dtype=h.dtype).at[dst].add(1.0)
    dinv = jnp.where(deg > 0, jax.lax.rsqrt(deg), 0.0)
    norm = dinv[src] * dinv[dst]
    msg = norm[:, None] * h[src]
    out = jax.ops.segment_sum(msg, dst, num_segments=n_nodes)
    return out + b

def reference(x, edge_index, W1, b1, W2, b2):
    h = gcn_conv(x, edge_index, W1, b1, N)
    h = jax.nn.relu(h)
    h = gcn_conv(h, edge_index, W2, b2, N)
    return jax.nn.log_softmax(h, axis=1)

if __name__ == "__main__":
    import jax
    _d = setup_inputs()
    print(jax.jit(kernel)(*tuple(_d.values())))

</pallas_src>

<mosaic_0001>
#map = affine_map<(d0, d1) -> (0, 0)>
#map1 = affine_map<(d0, d1) -> (0, 0, 0, 0)>
#map2 = affine_map<(d0, d1) -> (0, 0, 0)>
module attributes {stable_mosaic.version = 14 : i64} {
  func.func @sc_agg(%arg0: i32, %arg1: i32, %arg2: memref<100352x16xf32, #tpu.memory_space<hbm>>, %arg3: memref<2x32x500x400xi32, #tpu.memory_space<hbm>>, %arg4: memref<100352x16xf32, #tpu.memory_space<hbm>>, %arg5: memref<2x100352x16xf32, #tpu.memory_space<hbm>>, %arg6: memref<2x400xi32, #tpu.memory_space<vmem>>, %arg7: memref<2x400xi32, #tpu.memory_space<vmem>>, %arg8: memref<2x400xi32, #tpu.memory_space<vmem>>, %arg9: memref<2x400xi32, #tpu.memory_space<vmem>>, %arg10: memref<2x400x16xf32, #tpu.memory_space<vmem>>, %arg11: memref<2x400x16xf32, #tpu.memory_space<vmem>>, %arg12: memref<100352x16xf32, #tpu.memory_space<vmem_shared>>, %arg13: memref<!tpu.dma_semaphore, #tpu.memory_space<semaphore_mem>>, %arg14: memref<!tpu.dma_semaphore, #tpu.memory_space<semaphore_mem>>, %arg15: memref<!tpu.dma_semaphore, #tpu.memory_space<semaphore_mem>>, %arg16: memref<!tpu.dma_semaphore, #tpu.memory_space<semaphore_mem>>) attributes {dimension_semantics = [#tpu.dimension_semantics<core_parallel>, #tpu.dimension_semantics<subcore_parallel>], iteration_bounds = array<i64: 2, 16>, scalar_prefetch = 0 : i64, scratch_operands = 11 : i64, tpu.core_type = #tpu.core_type<sc_vector_subcore>, window_params = [{transform_indices = #map}, {transform_indices = #map1}, {transform_indices = #map}, {transform_indices = #map2}]} {
    %mul3A = arith.constant 16 : i32
    %mul3A_0 = arith.muli %arg0, %mul3A : i32
    %add3A = arith.addi %mul3A_0, %arg1 : i32
    %mul3A_1 = arith.constant 6272 : i32
    %mul3A_2 = arith.muli %arg1, %mul3A_1 : i32
    "tpu.region"() ({
      %run_scoped3A_202 = tpu.sem_alloc : memref<!tpu.dma_semaphore, #tpu.memory_space<semaphore_mem>>
      %dma_start3A_203 = arith.constant 0 : i32
      %dma_start3A_204 = tpu.memref_slice %arg12[%mul3A_2, %dma_start3A_203] : memref<100352x16xf32, #tpu.memory_space<vmem_shared>> -> memref<6272x16xf32, #tpu.memory_space<vmem_shared>>
      %dma_start3A_205 = arith.constant 0 : i32
      %dma_start3A_206 = tpu.memref_slice %arg4[%mul3A_2, %dma_start3A_205] : memref<100352x16xf32, #tpu.memory_space<hbm>> -> memref<6272x16xf32, #tpu.memory_space<hbm>>
      tpu.enqueue_dma source(%dma_start3A_206 : memref<6272x16xf32, #tpu.memory_space<hbm>>) target(%dma_start3A_204 : memref<6272x16xf32, #tpu.memory_space<vmem_shared>>) target_semaphore(%run_scoped3A_202 : memref<!tpu.dma_semaphore, #tpu.memory_space<semaphore_mem>>)
      %dma_wait3A_207 = arith.constant 0 : i32
      %dma_wait3A_208 = tpu.memref_slice %arg12[%mul3A_2, %dma_wait3A_207] : memref<100352x16xf32, #tpu.memory_space<vmem_shared>> -> memref<6272x16xf32, #tpu.memory_space<vmem_shared>>
      %dma_wait3A_209 = arith.constant 0 : i32
      %dma_wait3A_210 = tpu.memref_slice %arg4[%mul3A_2, %dma_wait3A_209] : memref<100352x16xf32, #tpu.memory_space<hbm>> -> memref<6272x16xf32, #tpu.memory_space<hbm>>
      tpu.wait_dma2 semaphore(%run_scoped3A_202 : memref<!tpu.dma_semaphore, #tpu.memory_space<semaphore_mem>>) src(%dma_wait3A_210 : memref<6272x16xf32, #tpu.memory_space<hbm>>) dst(%dma_wait3A_208 : memref<6272x16xf32, #tpu.memory_space<vmem_shared>>)
      tpu.yield
    }) : () -> ()
    %barrier3A = arith.constant 0 : index
    tpu.barrier barrier_id(%barrier3A)
    %run_scoped3A = arith.constant 0 : i32
    "tpu.region"() ({
      %run_scoped3A_202 = tpu.sem_alloc : memref<!tpu.dma_semaphore, #tpu.memory_space<semaphore_mem>>
      %dma_start3A_203 = arith.constant 0 : i32
      %dma_start3A_204 = arith.constant 0 : i32
      %dma_start3A_205 = tpu.memref_slice %arg3[%run_scoped3A, %add3A, %dma_start3A_203, %dma_start3A_204] : memref<2x32x500x400xi32, #tpu.memory_space<hbm>> -> memref<1x1x2x400xi32, #tpu.memory_space<hbm>>
      %dma_start3A_206 = tpu.memref_squeeze %dma_start3A_205 : memref<1x1x2x400xi32, #tpu.memory_space<hbm>> -> memref<2x400xi32, #tpu.memory_space<hbm>>
      %dma_start3A_207 = arith.constant 0 : i32
      %dma_start3A_208 = arith.constant 0 : i32
      %dma_start3A_209 = tpu.memref_slice %arg3[%run_scoped3A, %add3A, %dma_start3A_207, %dma_start3A_208] : memref<2x32x500x400xi32, #tpu.memory_space<hbm>> -> memref<1x1x2x400xi32, #tpu.memory_space<hbm>>
      %dma_start3A_210 = tpu.memref_squeeze %dma_start3A_209 : memref<1x1x2x400xi32, #tpu.memory_space<hbm>> -> memref<2x400xi32, #tpu.memory_space<hbm>>
      tpu.enqueue_dma source(%dma_start3A_210 : memref<2x400xi32, #tpu.memory_space<hbm>>) target(%arg6 : memref<2x400xi32, #tpu.memory_space<vmem>>) target_semaphore(%run_scoped3A_202 : memref<!tpu.dma_semaphore, #tpu.memory_space<semaphore_mem>>)
      %dma_wait3A_211 = arith.constant 0 : i32
      %dma_wait3A_212 = arith.constant 0 : i32
      %dma_wait3A_213 = tpu.memref_slice %arg3[%run_scoped3A, %add3A, %dma_wait3A_211, %dma_wait3A_212] : memref<2x32x500x400xi32, #tpu.memory_space<hbm>> -> memref<1x1x2x400xi32, #tpu.memory_space<hbm>>
      %dma_wait3A_214 = tpu.memref_squeeze %dma_wait3A_213 : memref<1x1x2x400xi32, #tpu.memory_space<hbm>> -> memref<2x400xi32, #tpu.memory_space<hbm>>
      %dma_wait3A_215 = arith.constant 0 : i32
      %dma_wait3A_216 = arith.constant 0 : i32
      %dma_wait3A_217 = tpu.memref_slice %arg3[%run_scoped3A, %add3A, %dma_wait3A_215, %dma_wait3A_216] : memref<2x32x500x400xi32, #tpu.memory_space<hbm>> -> memref<1x1x2x400xi32, #tpu.memory_space<hbm>>
      %dma_wait3A_218 = tpu.memref_squeeze %dma_wait3A_217 : memref<1x1x2x400xi32, #tpu.memory_space<hbm>> -> memref<2x400xi32, #tpu.memory_space<hbm>>
      tpu.wait_dma2 semaphore(%run_scoped3A_202 : memref<!tpu.dma_semaphore, #tpu.memory_space<semaphore_mem>>) src(%dma_wait3A_218 : memref<2x400xi32, #tpu.memory_space<hbm>>) dst(%arg6 : memref<2x400xi32, #tpu.memory_space<vmem>>)
      tpu.yield
    }) : () -> ()
    %run_scoped3A_3 = arith.constant 1 : i32
    "tpu.region"() ({
      %run_scoped3A_202 = tpu.sem_alloc : memref<!tpu.dma_semaphore, #tpu.memory_space<semaphore_mem>>
      %dma_start3A_203 = arith.constant 0 : i32
      %dma_start3A_204 = arith.constant 0 : i32
      %dma_start3A_205 = tpu.memref_slice %arg3[%run_scoped3A_3, %add3A, %dma_start3A_203, %dma_start3A_204] : memref<2x32x500x400xi32, #tpu.memory_space<hbm>> -> memref<1x1x2x400xi32, #tpu.memory_space<hbm>>
      %dma_start3A_206 = tpu.memref_squeeze %dma_start3A_205 : memref<1x1x2x400xi32, #tpu.memory_space<hbm>> -> memref<2x400xi32, #tpu.memory_space<hbm>>
      %dma_start3A_207 = arith.constant 0 : i32
      %dma_start3A_208 = arith.constant 0 : i32
      %dma_start3A_209 = tpu.memref_slice %arg3[%run_scoped3A_3, %add3A, %dma_start3A_207, %dma_start3A_208] : memref<2x32x500x400xi32, #tpu.memory_space<hbm>> -> memref<1x1x2x400xi32, #tpu.memory_space<hbm>>
      %dma_start3A_210 = tpu.memref_squeeze %dma_start3A_209 : memref<1x1x2x400xi32, #tpu.memory_space<hbm>> -> memref<2x400xi32, #tpu.memory_space<hbm>>
      tpu.enqueue_dma source(%dma_start3A_210 : memref<2x400xi32, #tpu.memory_space<hbm>>) target(%arg7 : memref<2x400xi32, #tpu.memory_space<vmem>>) target_semaphore(%run_scoped3A_202 : memref<!tpu.dma_semaphore, #tpu.memory_space<semaphore_mem>>)
      %dma_wait3A_211 = arith.constant 0 : i32
      %dma_wait3A_212 = arith.constant 0 : i32
      %dma_wait3A_213 = tpu.memref_slice %arg3[%run_scoped3A_3, %add3A, %dma_wait3A_211, %dma_wait3A_212] : memref<2x32x500x400xi32, #tpu.memory_space<hbm>> -> memref<1x1x2x400xi32, #tpu.memory_space<hbm>>
      %dma_wait3A_214 = tpu.memref_squeeze %dma_wait3A_213 : memref<1x1x2x400xi32, #tpu.memory_space<hbm>> -> memref<2x400xi32, #tpu.memory_space<hbm>>
      %dma_wait3A_215 = arith.constant 0 : i32
      %dma_wait3A_216 = arith.constant 0 : i32
      %dma_wait3A_217 = tpu.memref_slice %arg3[%run_scoped3A_3, %add3A, %dma_wait3A_215, %dma_wait3A_216] : memref<2x32x500x400xi32, #tpu.memory_space<hbm>> -> memref<1x1x2x400xi32, #tpu.memory_space<hbm>>
      %dma_wait3A_218 = tpu.memref_squeeze %dma_wait3A_217 : memref<1x1x2x400xi32, #tpu.memory_space<hbm>> -> memref<2x400xi32, #tpu.memory_space<hbm>>
      tpu.wait_dma2 semaphore(%run_scoped3A_202 : memref<!tpu.dma_semaphore, #tpu.memory_space<semaphore_mem>>) src(%dma_wait3A_218 : memref<2x400xi32, #tpu.memory_space<hbm>>) dst(%arg7 : memref<2x400xi32, #tpu.memory_space<vmem>>)
      tpu.yield
    }) : () -> ()
    %dma_start3A = arith.constant 0 : i32
    %dma_start3A_4 = arith.constant 0 : i32
    %dma_start3A_5 = arith.constant 0 : i32
    %dma_start3A_6 = arith.constant 0 : i32
    %dma_start3A_7 = tpu.memref_slice %arg10[%dma_start3A_4, %dma_start3A_5, %dma_start3A_6] : memref<2x400x16xf32, #tpu.memory_space<vmem>> -> memref<1x400x16xf32, #tpu.memory_space<vmem>>
    %dma_start3A_8 = tpu.memref_squeeze %dma_start3A_7 : memref<1x400x16xf32, #tpu.memory_space<vmem>> -> memref<400x16xf32, #tpu.memory_space<vmem>>
    %dma_start3A_9 = arith.constant 0 : i32
    %dma_start3A_10 = tpu.memref_slice %arg6[%dma_start3A, %dma_start3A_9] : memref<2x400xi32, #tpu.memory_space<vmem>> -> memref<1x400xi32, #tpu.memory_space<vmem>>
    %dma_start3A_11 = tpu.memref_squeeze %dma_start3A_10 : memref<1x400xi32, #tpu.memory_space<vmem>> -> memref<400xi32, #tpu.memory_space<vmem>>
    %dma_start3A_12 = arith.constant 0 : i32
    %dma_start3A_13 = arith.constant 0 : i32
    %dma_start3A_14 = tpu.memref_slice %arg2[%dma_start3A_12, %dma_start3A_13] : memref<100352x16xf32, #tpu.memory_space<hbm>> -> memref<100352x16xf32, #tpu.memory_space<hbm>>
    tpu.enqueue_indirect_dma source(%dma_start3A_14 : memref<100352x16xf32, #tpu.memory_space<hbm>>) target(%dma_start3A_8 : memref<400x16xf32, #tpu.memory_space<vmem>>) offsets(%dma_start3A_11 : memref<400xi32, #tpu.memory_space<vmem>>) semaphore(%arg13 : memref<!tpu.dma_semaphore, #tpu.memory_space<semaphore_mem>>)
    %dma_start3A_15 = arith.constant 1 : i32
    %dma_start3A_16 = arith.constant 1 : i32
    %dma_start3A_17 = arith.constant 0 : i32
    %dma_start3A_18 = arith.constant 0 : i32
    %dma_start3A_19 = tpu.memref_slice %arg10[%dma_start3A_16, %dma_start3A_17, %dma_start3A_18] : memref<2x400x16xf32, #tpu.memory_space<vmem>> -> memref<1x400x16xf32, #tpu.memory_space<vmem>>
    %dma_start3A_20 = tpu.memref_squeeze %dma_start3A_19 : memref<1x400x16xf32, #tpu.memory_space<vmem>> -> memref<400x16xf32, #tpu.memory_space<vmem>>
    %dma_start3A_21 = arith.constant 0 : i32
    %dma_start3A_22 = tpu.memref_slice %arg6[%dma_start3A_15, %dma_start3A_21] : memref<2x400xi32, #tpu.memory_space<vmem>> -> memref<1x400xi32, #tpu.memory_space<vmem>>
    %dma_start3A_23 = tpu.memref_squeeze %dma_start3A_22 : memref<1x400xi32, #tpu.memory_space<vmem>> -> memref<400xi32, #tpu.memory_space<vmem>>
    %dma_start3A_24 = arith.constant 0 : i32
    %dma_start3A_25 = arith.constant 0 : i32
    %dma_start3A_26 = tpu.memref_slice %arg2[%dma_start3A_24, %dma_start3A_25] : memref<100352x16xf32, #tpu.memory_space<hbm>> -> memref<100352x16xf32, #tpu.memory_space<hbm>>
    tpu.enqueue_indirect_dma source(%dma_start3A_26 : memref<100352x16xf32, #tpu.memory_space<hbm>>) target(%dma_start3A_20 : memref<400x16xf32, #tpu.memory_space<vmem>>) offsets(%dma_start3A_23 : memref<400xi32, #tpu.memory_space<vmem>>) semaphore(%arg13 : memref<!tpu.dma_semaphore, #tpu.memory_space<semaphore_mem>>)
    %run_scoped3A_27 = arith.constant 0 : i32
    "tpu.region"() ({
      %run_scoped3A_202 = tpu.sem_alloc : memref<!tpu.dma_semaphore, #tpu.memory_space<semaphore_mem>>
      %dma_start3A_203 = arith.constant 2 : i32
      %dma_start3A_204 = arith.constant 0 : i32
      %dma_start3A_205 = tpu.memref_slice %arg3[%run_scoped3A_27, %add3A, %dma_start3A_203, %dma_start3A_204] : memref<2x32x500x400xi32, #tpu.memory_space<hbm>> -> memref<1x1x2x400xi32, #tpu.memory_space<hbm>>
      %dma_start3A_206 = tpu.memref_squeeze %dma_start3A_205 : memref<1x1x2x400xi32, #tpu.memory_space<hbm>> -> memref<2x400xi32, #tpu.memory_space<hbm>>
      %dma_start3A_207 = arith.constant 2 : i32
      %dma_start3A_208 = arith.constant 0 : i32
      %dma_start3A_209 = tpu.memref_slice %arg3[%run_scoped3A_27, %add3A, %dma_start3A_207, %dma_start3A_208] : memref<2x32x500x400xi32, #tpu.memory_space<hbm>> -> memref<1x1x2x400xi32, #tpu.memory_space<hbm>>
      %dma_start3A_210 = tpu.memref_squeeze %dma_start3A_209 : memref<1x1x2x400xi32, #tpu.memory_space<hbm>> -> memref<2x400xi32, #tpu.memory_space<hbm>>
      tpu.enqueue_dma source(%dma_start3A_210 : memref<2x400xi32, #tpu.memory_space<hbm>>) target(%arg8 : memref<2x400xi32, #tpu.memory_space<vmem>>) target_semaphore(%run_scoped3A_202 : memref<!tpu.dma_semaphore, #tpu.memory_space<semaphore_mem>>)
      %dma_wait3A_211 = arith.constant 2 : i32
      %dma_wait3A_212 = arith.constant 0 : i32
      %dma_wait3A_213 = tpu.memref_slice %arg3[%run_scoped3A_27, %add3A, %dma_wait3A_211, %dma_wait3A_212] : memref<2x32x500x400xi32, #tpu.memory_space<hbm>> -> memref<1x1x2x400xi32, #tpu.memory_space<hbm>>
      %dma_wait3A_214 = tpu.memref_squeeze %dma_wait3A_213 : memref<1x1x2x400xi32, #tpu.memory_space<hbm>> -> memref<2x400xi32, #tpu.memory_space<hbm>>
      %dma_wait3A_215 = arith.constant 2 : i32
      %dma_wait3A_216 = arith.constant 0 : i32
      %dma_wait3A_217 = tpu.memref_slice %arg3[%run_scoped3A_27, %add3A, %dma_wait3A_215, %dma_wait3A_216] : memref<2x32x500x400xi32, #tpu.memory_space<hbm>> -> memref<1x1x2x400xi32, #tpu.memory_space<hbm>>
      %dma_wait3A_218 = tpu.memref_squeeze %dma_wait3A_217 : memref<1x1x2x400xi32, #tpu.memory_space<hbm>> -> memref<2x400xi32, #tpu.memory_space<hbm>>
      tpu.wait_dma2 semaphore(%run_scoped3A_202 : memref<!tpu.dma_semaphore, #tpu.memory_space<semaphore_mem>>) src(%dma_wait3A_218 : memref<2x400xi32, #tpu.memory_space<hbm>>) dst(%arg8 : memref<2x400xi32, #tpu.memory_space<vmem>>)
      tpu.yield
    }) : () -> ()
    %run_scoped3A_28 = arith.constant 1 : i32
    "tpu.region"() ({
      %run_scoped3A_202 = tpu.sem_alloc : memref<!tpu.dma_semaphore, #tpu.memory_space<semaphore_mem>>
      %dma_start3A_203 = arith.constant 2 : i32
      %dma_start3A_204 = arith.constant 0 : i32
      %dma_start3A_205 = tpu.memref_slice %arg3[%run_scoped3A_28, %add3A, %dma_start3A_203, %dma_start3A_204] : memref<2x32x500x400xi32, #tpu.memory_space<hbm>> -> memref<1x1x2x400xi32, #tpu.memory_space<hbm>>
      %dma_start3A_206 = tpu.memref_squeeze %dma_start3A_205 : memref<1x1x2x400xi32, #tpu.memory_space<hbm>> -> memref<2x400xi32, #tpu.memory_space<hbm>>
      %dma_start3A_207 = arith.constant 2 : i32
      %dma_start3A_208 = arith.constant 0 : i32
      %dma_start3A_209 = tpu.memref_slice %arg3[%run_scoped3A_28, %add3A, %dma_start3A_207, %dma_start3A_208] : memref<2x32x500x400xi32, #tpu.memory_space<hbm>> -> memref<1x1x2x400xi32, #tpu.memory_space<hbm>>
      %dma_start3A_210 = tpu.memref_squeeze %dma_start3A_209 : memref<1x1x2x400xi32, #tpu.memory_space<hbm>> -> memref<2x400xi32, #tpu.memory_space<hbm>>
      tpu.enqueue_dma source(%dma_start3A_210 : memref<2x400xi32, #tpu.memory_space<hbm>>) target(%arg9 : memref<2x400xi32, #tpu.memory_space<vmem>>) target_semaphore(%run_scoped3A_202 : memref<!tpu.dma_semaphore, #tpu.memory_space<semaphore_mem>>)
      %dma_wait3A_211 = arith.constant 2 : i32
      %dma_wait3A_212 = arith.constant 0 : i32
      %dma_wait3A_213 = tpu.memref_slice %arg3[%run_scoped3A_28, %add3A, %dma_wait3A_211, %dma_wait3A_212] : memref<2x32x500x400xi32, #tpu.memory_space<hbm>> -> memref<1x1x2x400xi32, #tpu.memory_space<hbm>>
      %dma_wait3A_214 = tpu.memref_squeeze %dma_wait3A_213 : memref<1x1x2x400xi32, #tpu.memory_space<hbm>> -> memref<2x400xi32, #tpu.memory_space<hbm>>
      %dma_wait3A_215 = arith.constant 2 : i32
      %dma_wait3A_216 = arith.constant 0 : i32
      %dma_wait3A_217 = tpu.memref_slice %arg3[%run_scoped3A_28, %add3A, %dma_wait3A_215, %dma_wait3A_216] : memref<2x32x500x400xi32, #tpu.memory_space<hbm>> -> memref<1x1x2x400xi32, #tpu.memory_space<hbm>>
      %dma_wait3A_218 = tpu.memref_squeeze %dma_wait3A_217 : memref<1x1x2x400xi32, #tpu.memory_space<hbm>> -> memref<2x400xi32, #tpu.memory_space<hbm>>
      tpu.wait_dma2 semaphore(%run_scoped3A_202 : memref<!tpu.dma_semaphore, #tpu.memory_space<semaphore_mem>>) src(%dma_wait3A_218 : memref<2x400xi32, #tpu.memory_space<hbm>>) dst(%arg9 : memref<2x400xi32, #tpu.memory_space<vmem>>)
      tpu.yield
    }) : () -> ()
    %dma_start3A_29 = arith.constant 0 : i32
    %dma_start3A_30 = arith.constant 0 : i32
    %dma_start3A_31 = arith.constant 0 : i32
    %dma_start3A_32 = arith.constant 0 : i32
    %dma_start3A_33 = tpu.memref_slice %arg11[%dma_start3A_30, %dma_start3A_31, %dma_start3A_32] : memref<2x400x16xf32, #tpu.memory_space<vmem>> -> memref<1x400x16xf32, #tpu.memory_space<vmem>>
    %dma_start3A_34 = tpu.memref_squeeze %dma_start3A_33 : memref<1x400x16xf32, #tpu.memory_space<vmem>> -> memref<400x16xf32, #tpu.memory_space<vmem>>
    %dma_start3A_35 = arith.constant 0 : i32
    %dma_start3A_36 = tpu.memref_slice %arg8[%dma_start3A_29, %dma_start3A_35] : memref<2x400xi32, #tpu.memory_space<vmem>> -> memref<1x400xi32, #tpu.memory_space<vmem>>
    %dma_start3A_37 = tpu.memref_squeeze %dma_start3A_36 : memref<1x400xi32, #tpu.memory_space<vmem>> -> memref<400xi32, #tpu.memory_space<vmem>>
    %dma_start3A_38 = arith.constant 0 : i32
    %dma_start3A_39 = arith.constant 0 : i32
    %dma_start3A_40 = tpu.memref_slice %arg2[%dma_start3A_38, %dma_start3A_39] : memref<100352x16xf32, #tpu.memory_space<hbm>> -> memref<100352x16xf32, #tpu.memory_space<hbm>>
    tpu.enqueue_indirect_dma source(%dma_start3A_40 : memref<100352x16xf32, #tpu.memory_space<hbm>>) target(%dma_start3A_34 : memref<400x16xf32, #tpu.memory_space<vmem>>) offsets(%dma_start3A_37 : memref<400xi32, #tpu.memory_space<vmem>>) semaphore(%arg14 : memref<!tpu.dma_semaphore, #tpu.memory_space<semaphore_mem>>)
    %dma_start3A_41 = arith.constant 1 : i32
    %dma_start3A_42 = arith.constant 1 : i32
    %dma_start3A_43 = arith.constant 0 : i32
    %dma_start3A_44 = arith.constant 0 : i32
    %dma_start3A_45 = tpu.memref_slice %arg11[%dma_start3A_42, %dma_start3A_43, %dma_start3A_44] : memref<2x400x16xf32, #tpu.memory_space<vmem>> -> memref<1x400x16xf32, #tpu.memory_space<vmem>>
    %dma_start3A_46 = tpu.memref_squeeze %dma_start3A_45 : memref<1x400x16xf32, #tpu.memory_space<vmem>> -> memref<400x16xf32, #tpu.memory_space<vmem>>
    %dma_start3A_47 = arith.constant 0 : i32
    %dma_start3A_48 = tpu.memref_slice %arg8[%dma_start3A_41, %dma_start3A_47] : memref<2x400xi32, #tpu.memory_space<vmem>> -> memref<1x400xi32, #tpu.memory_space<vmem>>
    %dma_start3A_49 = tpu.memref_squeeze %dma_start3A_48 : memref<1x400xi32, #tpu.memory_space<vmem>> -> memref<400xi32, #tpu.memory_space<vmem>>
    %dma_start3A_50 = arith.constant 0 : i32
    %dma_start3A_51 = arith.constant 0 : i32
    %dma_start3A_52 = tpu.memref_slice %arg2[%dma_start3A_50, %dma_start3A_51] : memref<100352x16xf32, #tpu.memory_space<hbm>> -> memref<100352x16xf32, #tpu.memory_space<hbm>>
    tpu.enqueue_indirect_dma source(%dma_start3A_52 : memref<100352x16xf32, #tpu.memory_space<hbm>>) target(%dma_start3A_46 : memref<400x16xf32, #tpu.memory_space<vmem>>) offsets(%dma_start3A_49 : memref<400xi32, #tpu.memory_space<vmem>>) semaphore(%arg14 : memref<!tpu.dma_semaphore, #tpu.memory_space<semaphore_mem>>)
    %scan3A = arith.constant 0 : i32
    %scan3A_53 = arith.constant 0 : i32
    %scan3A_54 = arith.constant 124 : i32
    %scan3A_55 = arith.addi %scan3A_53, %scan3A_54 : i32
    %scan3A_56 = arith.constant 1 : i32
    scf.for %scan3A_202 = %scan3A_53 to %scan3A_55 step %scan3A_56  : i32 {
      %mul3A_203 = arith.constant 2 : i32
      %mul3A_204 = arith.muli %mul3A_203, %scan3A_202 : i32
      %add3A_205 = arith.constant 2 : i32
      %add3A_206 = arith.addi %mul3A_204, %add3A_205 : i32
      %dma_wait3A_207 = arith.constant 0 : i32
      %dma_wait3A_208 = arith.constant 0 : i32
      %dma_wait3A_209 = arith.constant 0 : i32
      %dma_wait3A_210 = arith.constant 0 : i32
      %dma_wait3A_211 = tpu.memref_slice %arg10[%dma_wait3A_208, %dma_wait3A_209, %dma_wait3A_210] : memref<2x400x16xf32, #tpu.memory_space<vmem>> -> memref<1x400x16xf32, #tpu.memory_space<vmem>>
      %dma_wait3A_212 = tpu.memref_squeeze %dma_wait3A_211 : memref<1x400x16xf32, #tpu.memory_space<vmem>> -> memref<400x16xf32, #tpu.memory_space<vmem>>
      %dma_wait3A_213 = arith.constant 0 : i32
      %dma_wait3A_214 = tpu.memref_slice %arg6[%dma_wait3A_207, %dma_wait3A_213] : memref<2x400xi32, #tpu.memory_space<vmem>> -> memref<1x400xi32, #tpu.memory_space<vmem>>
      %dma_wait3A_215 = tpu.memref_squeeze %dma_wait3A_214 : memref<1x400xi32, #tpu.memory_space<vmem>> -> memref<400xi32, #tpu.memory_space<vmem>>
      %dma_wait3A_216 = arith.constant 0 : i32
      %dma_wait3A_217 = arith.constant 0 : i32
      %dma_wait3A_218 = tpu.memref_slice %arg2[%dma_wait3A_216, %dma_wait3A_217] : memref<100352x16xf32, #tpu.memory_space<hbm>> -> memref<100352x16xf32, #tpu.memory_space<hbm>>
      tpu.wait_indirect_dma semaphore(%arg13 : memref<!tpu.dma_semaphore, #tpu.memory_space<semaphore_mem>>) src(%dma_wait3A_218 : memref<100352x16xf32, #tpu.memory_space<hbm>>) dst(%dma_wait3A_212 : memref<400x16xf32, #tpu.memory_space<vmem>>)
      %dma_wait3A_219 = arith.constant 1 : i32
      %dma_wait3A_220 = arith.constant 1 : i32
      %dma_wait3A_221 = arith.constant 0 : i32
      %dma_wait3A_222 = arith.constant 0 : i32
      %dma_wait3A_223 = tpu.memref_slice %arg10[%dma_wait3A_220, %dma_wait3A_221, %dma_wait3A_222] : memref<2x400x16xf32, #tpu.memory_space<vmem>> -> memref<1x400x16xf32, #tpu.memory_space<vmem>>
      %dma_wait3A_224 = tpu.memref_squeeze %dma_wait3A_223 : memref<1x400x16xf32, #tpu.memory_space<vmem>> -> memref<400x16xf32, #tpu.memory_space<vmem>>
      %dma_wait3A_225 = arith.constant 0 : i32
      %dma_wait3A_226 = tpu.memref_slice %arg6[%dma_wait3A_219, %dma_wait3A_225] : memref<2x400xi32, #tpu.memory_space<vmem>> -> memref<1x400xi32, #tpu.memory_space<vmem>>
      %dma_wait3A_227 = tpu.memref_squeeze %dma_wait3A_226 : memref<1x400xi32, #tpu.memory_space<vmem>> -> memref<400xi32, #tpu.memory_space<vmem>>
      %dma_wait3A_228 = arith.constant 0 : i32
      %dma_wait3A_229 = arith.constant 0 : i32
      %dma_wait3A_230 = tpu.memref_slice %arg2[%dma_wait3A_228, %dma_wait3A_229] : memref<100352x16xf32, #tpu.memory_space<hbm>> -> memref<100352x16xf32, #tpu.memory_space<hbm>>
      tpu.wait_indirect_dma semaphore(%arg13 : memref<!tpu.dma_semaphore, #tpu.memory_space<semaphore_mem>>) src(%dma_wait3A_230 : memref<100352x16xf32, #tpu.memory_space<hbm>>) dst(%dma_wait3A_224 : memref<400x16xf32, #tpu.memory_space<vmem>>)
      %dma_start3A_231 = arith.constant 0 : i32
      %dma_start3A_232 = arith.constant 0 : i32
      %dma_start3A_233 = arith.constant 0 : i32
      %dma_start3A_234 = arith.constant 0 : i32
      %dma_start3A_235 = tpu.memref_slice %arg10[%dma_start3A_231, %dma_start3A_233, %dma_start3A_234] : memref<2x400x16xf32, #tpu.memory_space<vmem>> -> memref<1x400x16xf32, #tpu.memory_space<vmem>>
      %dma_start3A_236 = tpu.memref_squeeze %dma_start3A_235 : memref<1x400x16xf32, #tpu.memory_space<vmem>> -> memref<400x16xf32, #tpu.memory_space<vmem>>
      %dma_start3A_237 = arith.constant 0 : i32
      %dma_start3A_238 = tpu.memref_slice %arg7[%dma_start3A_232, %dma_start3A_237] : memref<2x400xi32, #tpu.memory_space<vmem>> -> memref<1x400xi32, #tpu.memory_space<vmem>>
      %dma_start3A_239 = tpu.memref_squeeze %dma_start3A_238 : memref<1x400xi32, #tpu.memory_space<vmem>> -> memref<400xi32, #tpu.memory_space<vmem>>
      %dma_start3A_240 = arith.constant 0 : i32
      %dma_start3A_241 = arith.constant 0 : i32
      %dma_start3A_242 = tpu.memref_slice %arg12[%dma_start3A_240, %dma_start3A_241] : memref<100352x16xf32, #tpu.memory_space<vmem_shared>> -> memref<100352x16xf32, #tpu.memory_space<vmem_shared>>
      tpu.enqueue_indirect_dma source(%dma_start3A_236 : memref<400x16xf32, #tpu.memory_space<vmem>>) target(%dma_start3A_242 : memref<100352x16xf32, #tpu.memory_space<vmem_shared>>) offsets(%dma_start3A_239 : memref<400xi32, #tpu.memory_space<vmem>>) semaphore(%arg15 : memref<!tpu.dma_semaphore, #tpu.memory_space<semaphore_mem>>) {add = true}
      %dma_start3A_243 = arith.constant 1 : i32
      %dma_start3A_244 = arith.constant 1 : i32
      %dma_start3A_245 = arith.constant 0 : i32
      %dma_start3A_246 = arith.constant 0 : i32
      %dma_start3A_247 = tpu.memref_slice %arg10[%dma_start3A_243, %dma_start3A_245, %dma_start3A_246] : memref<2x400x16xf32, #tpu.memory_space<vmem>> -> memref<1x400x16xf32, #tpu.memory_space<vmem>>
      %dma_start3A_248 = tpu.memref_squeeze %dma_start3A_247 : memref<1x400x16xf32, #tpu.memory_space<vmem>> -> memref<400x16xf32, #tpu.memory_space<vmem>>
      %dma_start3A_249 = arith.constant 0 : i32
      %dma_start3A_250 = tpu.memref_slice %arg7[%dma_start3A_244, %dma_start3A_249] : memref<2x400xi32, #tpu.memory_space<vmem>> -> memref<1x400xi32, #tpu.memory_space<vmem>>
      %dma_start3A_251 = tpu.memref_squeeze %dma_start3A_250 : memref<1x400xi32, #tpu.memory_space<vmem>> -> memref<400xi32, #tpu.memory_space<vmem>>
      %dma_start3A_252 = arith.constant 0 : i32
      %dma_start3A_253 = arith.constant 0 : i32
      %dma_start3A_254 = tpu.memref_slice %arg12[%dma_start3A_252, %dma_start3A_253] : memref<100352x16xf32, #tpu.memory_space<vmem_shared>> -> memref<100352x16xf32, #tpu.memory_space<vmem_shared>>
      tpu.enqueue_indirect_dma source(%dma_start3A_248 : memref<400x16xf32, #tpu.memory_space<vmem>>) target(%dma_start3A_254 : memref<100352x16xf32, #tpu.memory_space<vmem_shared>>) offsets(%dma_start3A_251 : memref<400xi32, #tpu.memory_space<vmem>>) semaphore(%arg15 : memref<!tpu.dma_semaphore, #tpu.memory_space<semaphore_mem>>) {add = true}
      %dma_wait3A_255 = arith.constant 0 : i32
      %dma_wait3A_256 = arith.constant 0 : i32
      %dma_wait3A_257 = arith.constant 0 : i32
      %dma_wait3A_258 = arith.constant 0 : i32
      %dma_wait3A_259 = tpu.memref_slice %arg10[%dma_wait3A_255, %dma_wait3A_257, %dma_wait3A_258] : memref<2x400x16xf32, #tpu.memory_space<vmem>> -> memref<1x400x16xf32, #tpu.memory_space<vmem>>
      %dma_wait3A_260 = tpu.memref_squeeze %dma_wait3A_259 : memref<1x400x16xf32, #tpu.memory_space<vmem>> -> memref<400x16xf32, #tpu.memory_space<vmem>>
      %dma_wait3A_261 = arith.constant 0 : i32
      %dma_wait3A_262 = tpu.memref_slice %arg7[%dma_wait3A_256, %dma_wait3A_261] : memref<2x400xi32, #tpu.memory_space<vmem>> -> memref<1x400xi32, #tpu.memory_space<vmem>>
      %dma_wait3A_263 = tpu.memref_squeeze %dma_wait3A_262 : memref<1x400xi32, #tpu.memory_space<vmem>> -> memref<400xi32, #tpu.memory_space<vmem>>
      %dma_wait3A_264 = arith.constant 0 : i32
      %dma_wait3A_265 = arith.constant 0 : i32
      %dma_wait3A_266 = tpu.memref_slice %arg12[%dma_wait3A_264, %dma_wait3A_265] : memref<100352x16xf32, #tpu.memory_space<vmem_shared>> -> memref<100352x16xf32, #tpu.memory_space<vmem_shared>>
      tpu.wait_indirect_dma semaphore(%arg15 : memref<!tpu.dma_semaphore, #tpu.memory_space<semaphore_mem>>) src(%dma_wait3A_260 : memref<400x16xf32, #tpu.memory_space<vmem>>) dst(%dma_wait3A_266 : memref<100352x16xf32, #tpu.memory_space<vmem_shared>>)
      %dma_wait3A_267 = arith.constant 1 : i32
      %dma_wait3A_268 = arith.constant 1 : i32
      %dma_wait3A_269 = arith.constant 0 : i32
      %dma_wait3A_270 = arith.constant 0 : i32
      %dma_wait3A_271 = tpu.memref_slice %arg10[%dma_wait3A_267, %dma_wait3A_269, %dma_wait3A_270] : memref<2x400x16xf32, #tpu.memory_space<vmem>> -> memref<1x400x16xf32, #tpu.memory_space<vmem>>
      %dma_wait3A_272 = tpu.memref_squeeze %dma_wait3A_271 : memref<1x400x16xf32, #tpu.memory_space<vmem>> -> memref<400x16xf32, #tpu.memory_space<vmem>>
      %dma_wait3A_273 = arith.constant 0 : i32
      %dma_wait3A_274 = tpu.memref_slice %arg7[%dma_wait3A_268, %dma_wait3A_273] : memref<2x400xi32, #tpu.memory_space<vmem>> -> memref<1x400xi32, #tpu.memory_space<vmem>>
      %dma_wait3A_275 = tpu.memref_squeeze %dma_wait3A_274 : memref<1x400xi32, #tpu.memory_space<vmem>> -> memref<400xi32, #tpu.memory_space<vmem>>
      %dma_wait3A_276 = arith.constant 0 : i32
      %dma_wait3A_277 = arith.constant 0 : i32
      %dma_wait3A_278 = tpu.memref_slice %arg12[%dma_wait3A_276, %dma_wait3A_277] : memref<100352x16xf32, #tpu.memory_space<vmem_shared>> -> memref<100352x16xf32, #tpu.memory_space<vmem_shared>>
      tpu.wait_indirect_dma semaphore(%arg15 : memref<!tpu.dma_semaphore, #tpu.memory_space<semaphore_mem>>) src(%dma_wait3A_272 : memref<400x16xf32, #tpu.memory_space<vmem>>) dst(%dma_wait3A_278 : memref<100352x16xf32, #tpu.memory_space<vmem_shared>>)
      %mul3A_279 = arith.constant 2 : i32
      %mul3A_280 = arith.muli %add3A_206, %mul3A_279 : i32
      %run_scoped3A_281 = arith.constant 0 : i32
      "tpu.region"() ({
        %run_scoped3A_415 = tpu.sem_alloc : memref<!tpu.dma_semaphore, #tpu.memory_space<semaphore_mem>>
        %dma_start3A_416 = arith.constant 0 : i32
        %dma_start3A_417 = tpu.memref_slice %arg3[%run_scoped3A_281, %add3A, %mul3A_280, %dma_start3A_416] : memref<2x32x500x400xi32, #tpu.memory_space<hbm>> -> memref<1x1x2x400xi32, #tpu.memory_space<hbm>>
        %dma_start3A_418 = tpu.memref_squeeze %dma_start3A_417 : memref<1x1x2x400xi32, #tpu.memory_space<hbm>> -> memref<2x400xi32, #tpu.memory_space<hbm>>
        %dma_start3A_419 = arith.constant 0 : i32
        %dma_start3A_420 = tpu.memref_slice %arg3[%run_scoped3A_281, %add3A, %mul3A_280, %dma_start3A_419] : memref<2x32x500x400xi32, #tpu.memory_space<hbm>> -> memref<1x1x2x400xi32, #tpu.memory_space<hbm>>
        %dma_start3A_421 = tpu.memref_squeeze %dma_start3A_420 : memref<1x1x2x400xi32, #tpu.memory_space<hbm>> -> memref<2x400xi32, #tpu.memory_space<hbm>>
        tpu.enqueue_dma source(%dma_start3A_421 : memref<2x400xi32, #tpu.memory_space<hbm>>) target(%arg6 : memref<2x400xi32, #tpu.memory_space<vmem>>) target_semaphore(%run_scoped3A_415 : memref<!tpu.dma_semaphore, #tpu.memory_space<semaphore_mem>>)
        %dma_wait3A_422 = arith.constant 0 : i32
        %dma_wait3A_423 = tpu.memref_slice %arg3[%run_scoped3A_281, %add3A, %mul3A_280, %dma_wait3A_422] : memref<2x32x500x400xi32, #tpu.memory_space<hbm>> -> memref<1x1x2x400xi32, #tpu.memory_space<hbm>>
        %dma_wait3A_424 = tpu.memref_squeeze %dma_wait3A_423 : memref<1x1x2x400xi32, #tpu.memory_space<hbm>> -> memref<2x400xi32, #tpu.memory_space<hbm>>
        %dma_wait3A_425 = arith.constant 0 : i32
        %dma_wait3A_426 = tpu.memref_slice %arg3[%run_scoped3A_281, %add3A, %mul3A_280, %dma_wait3A_425] : memref<2x32x500x400xi32, #tpu.memory_space<hbm>> -> memref<1x1x2x400xi32, #tpu.memory_space<hbm>>
        %dma_wait3A_427 = tpu.memref_squeeze %dma_wait3A_426 : memref<1x1x2x400xi32, #tpu.memory_space<hbm>> -> memref<2x400xi32, #tpu.memory_space<hbm>>
        tpu.wait_dma2 semaphore(%run_scoped3A_415 : memref<!tpu.dma_semaphore, #tpu.memory_space<semaphore_mem>>) src(%dma_wait3A_427 : memref<2x400xi32, #tpu.memory_space<hbm>>) dst(%arg6 : memref<2x400xi32, #tpu.memory_space<vmem>>)
        tpu.yield
      }) : () -> ()
      %mul3A_282 = arith.constant 2 : i32
      %mul3A_283 = arith.muli %add3A_206, %mul3A_282 : i32
      %run_scoped3A_284 = arith.constant 1 : i32
      "tpu.region"() ({
        %run_scoped3A_415 = tpu.sem_alloc : memref<!tpu.dma_semaphore, #tpu.memory_space<semaphore_mem>>
        %dma_start3A_416 = arith.constant 0 : i32
        %dma_start3A_417 = tpu.memref_slice %arg3[%run_scoped3A_284, %add3A, %mul3A_283, %dma_start3A_416] : memref<2x32x500x400xi32, #tpu.memory_space<hbm>> -> memref<1x1x2x400xi32, #tpu.memory_space<hbm>>
        %dma_start3A_418 = tpu.memref_squeeze %dma_start3A_417 : memref<1x1x2x400xi32, #tpu.memory_space<hbm>> -> memref<2x400xi32, #tpu.memory_space<hbm>>
        %dma_start3A_419 = arith.constant 0 : i32
        %dma_start3A_420 = tpu.memref_slice %arg3[%run_scoped3A_284, %add3A, %mul3A_283, %dma_start3A_419] : memref<2x32x500x400xi32, #tpu.memory_space<hbm>> -> memref<1x1x2x400xi32, #tpu.memory_space<hbm>>
        %dma_start3A_421 = tpu.memref_squeeze %dma_start3A_420 : memref<1x1x2x400xi32, #tpu.memory_space<hbm>> -> memref<2x400xi32, #tpu.memory_space<hbm>>
        tpu.enqueue_dma source(%dma_start3A_421 : memref<2x400xi32, #tpu.memory_space<hbm>>) target(%arg7 : memref<2x400xi32, #tpu.memory_space<vmem>>) target_semaphore(%run_scoped3A_415 : memref<!tpu.dma_semaphore, #tpu.memory_space<semaphore_mem>>)
        %dma_wait3A_422 = arith.constant 0 : i32
        %dma_wait3A_423 = tpu.memref_slice %arg3[%run_scoped3A_284, %add3A, %mul3A_283, %dma_wait3A_422] : memref<2x32x500x400xi32, #tpu.memory_space<hbm>> -> memref<1x1x2x400xi32, #tpu.memory_space<hbm>>
        %dma_wait3A_424 = tpu.memref_squeeze %dma_wait3A_423 : memref<1x1x2x400xi32, #tpu.memory_space<hbm>> -> memref<2x400xi32, #tpu.memory_space<hbm>>
        %dma_wait3A_425 = arith.constant 0 : i32
        %dma_wait3A_426 = tpu.memref_slice %arg3[%run_scoped3A_284, %add3A, %mul3A_283, %dma_wait3A_425] : memref<2x32x500x400xi32, #tpu.memory_space<hbm>> -> memref<1x1x2x400xi32, #tpu.memory_space<hbm>>
        %dma_wait3A_427 = tpu.memref_squeeze %dma_wait3A_426 : memref<1x1x2x400xi32, #tpu.memory_space<hbm>> -> memref<2x400xi32, #tpu.memory_space<hbm>>
        tpu.wait_dma2 semaphore(%run_scoped3A_415 : memref<!tpu.dma_semaphore, #tpu.memory_space<semaphore_mem>>) src(%dma_wait3A_427 : memref<2x400xi32, #tpu.memory_space<hbm>>) dst(%arg7 : memref<2x400xi32, #tpu.memory_space<vmem>>)
        tpu.yield
      }) : () -> ()
      %dma_start3A_285 = arith.constant 0 : i32
      %dma_start3A_286 = arith.constant 0 : i32
      %dma_start3A_287 = arith.constant 0 : i32
      %dma_start3A_288 = arith.constant 0 : i32
      %dma_start3A_289 = tpu.memref_slice %arg10[%dma_start3A_286, %dma_start3A_287, %dma_start3A_288] : memref<2x400x16xf32, #tpu.memory_space<vmem>> -> memref<1x400x16xf32, #tpu.memory_space<vmem>>
      %dma_start3A_290 = tpu.memref_squeeze %dma_start3A_289 : memref<1x400x16xf32, #tpu.memory_space<vmem>> -> memref<400x16xf32, #tpu.memory_space<vmem>>
      %dma_start3A_291 = arith.constant 0 : i32
      %dma_start3A_292 = tpu.memref_slice %arg6[%dma_start3A_285, %dma_start3A_291] : memref<2x400xi32, #tpu.memory_space<vmem>> -> memref<1x400xi32, #tpu.memory_space<vmem>>
      %dma_start3A_293 = tpu.memref_squeeze %dma_start3A_292 : memref<1x400xi32, #tpu.memory_space<vmem>> -> memref<400xi32, #tpu.memory_space<vmem>>
      %dma_start3A_294 = arith.constant 0 : i32
      %dma_start3A_295 = arith.constant 0 : i32
      %dma_start3A_296 = tpu.memref_slice %arg2[%dma_start3A_294, %dma_start3A_295] : memref<100352x16xf32, #tpu.memory_space<hbm>> -> memref<100352x16xf32, #tpu.memory_space<hbm>>
      tpu.enqueue_indirect_dma source(%dma_start3A_296 : memref<100352x16xf32, #tpu.memory_space<hbm>>) target(%dma_start3A_290 : memref<400x16xf32, #tpu.memory_space<vmem>>) offsets(%dma_start3A_293 : memref<400xi32, #tpu.memory_space<vmem>>) semaphore(%arg13 : memref<!tpu.dma_semaphore, #tpu.memory_space<semaphore_mem>>)
      %dma_start3A_297 = arith.constant 1 : i32
      %dma_start3A_298 = arith.constant 1 : i32
      %dma_start3A_299 = arith.constant 0 : i32
      %dma_start3A_300 = arith.constant 0 : i32
      %dma_start3A_301 = tpu.memref_slice %arg10[%dma_start3A_298, %dma_start3A_299, %dma_start3A_300] : memref<2x400x16xf32, #tpu.memory_space<vmem>> -> memref<1x400x16xf32, #tpu.memory_space<vmem>>
      %dma_start3A_302 = tpu.memref_squeeze %dma_start3A_301 : memref<1x400x16xf32, #tpu.memory_space<vmem>> -> memref<400x16xf32, #tpu.memory_space<vmem>>
      %dma_start3A_303 = arith.constant 0 : i32
      %dma_start3A_304 = tpu.memref_slice %arg6[%dma_start3A_297, %dma_start3A_303] : memref<2x400xi32, #tpu.memory_space<vmem>> -> memref<1x400xi32, #tpu.memory_space<vmem>>
      %dma_start3A_305 = tpu.memref_squeeze %dma_start3A_304 : memref<1x400xi32, #tpu.memory_space<vmem>> -> memref<400xi32, #tpu.memory_space<vmem>>
      %dma_start3A_306 = arith.constant 0 : i32
      %dma_start3A_307 = arith.constant 0 : i32
      %dma_start3A_308 = tpu.memref_slice %arg2[%dma_start3A_306, %dma_start3A_307] : memref<100352x16xf32, #tpu.memory_space<hbm>> -> memref<100352x16xf32, #tpu.memory_space<hbm>>
      tpu.enqueue_indirect_dma source(%dma_start3A_308 : memref<100352x16xf32, #tpu.memory_space<hbm>>) target(%dma_start3A_302 : memref<400x16xf32, #tpu.memory_space<vmem>>) offsets(%dma_start3A_305 : memref<400xi32, #tpu.memory_space<vmem>>) semaphore(%arg13 : memref<!tpu.dma_semaphore, #tpu.memory_space<semaphore_mem>>)
      %mul3A_309 = arith.constant 2 : i32
      %mul3A_310 = arith.muli %mul3A_309, %scan3A_202 : i32
      %add3A_311 = arith.constant 3 : i32
      %add3A_312 = arith.addi %mul3A_310, %add3A_311 : i32
      %dma_wait3A_313 = arith.constant 0 : i32
      %dma_wait3A_314 = arith.constant 0 : i32
      %dma_wait3A_315 = arith.constant 0 : i32
      %dma_wait3A_316 = arith.constant 0 : i32
      %dma_wait3A_317 = tpu.memref_slice %arg11[%dma_wait3A_314, %dma_wait3A_315, %dma_wait3A_316] : memref<2x400x16xf32, #tpu.memory_space<vmem>> -> memref<1x400x16xf32, #tpu.memory_space<vmem>>
      %dma_wait3A_318 = tpu.memref_squeeze %dma_wait3A_317 : memref<1x400x16xf32, #tpu.memory_space<vmem>> -> memref<400x16xf32, #tpu.memory_space<vmem>>
      %dma_wait3A_319 = arith.constant 0 : i32
      %dma_wait3A_320 = tpu.memref_slice %arg8[%dma_wait3A_313, %dma_wait3A_319] : memref<2x400xi32, #tpu.memory_space<vmem>> -> memref<1x400xi32, #tpu.memory_space<vmem>>
      %dma_wait3A_321 = tpu.memref_squeeze %dma_wait3A_320 : memref<1x400xi32, #tpu.memory_space<vmem>> -> memref<400xi32, #tpu.memory_space<vmem>>
      %dma_wait3A_322 = arith.constant 0 : i32
      %dma_wait3A_323 = arith.constant 0 : i32
      %dma_wait3A_324 = tpu.memref_slice %arg2[%dma_wait3A_322, %dma_wait3A_323] : memref<100352x16xf32, #tpu.memory_space<hbm>> -> memref<100352x16xf32, #tpu.memory_space<hbm>>
      tpu.wait_indirect_dma semaphore(%arg14 : memref<!tpu.dma_semaphore, #tpu.memory_space<semaphore_mem>>) src(%dma_wait3A_324 : memref<100352x16xf32, #tpu.memory_space<hbm>>) dst(%dma_wait3A_318 : memref<400x16xf32, #tpu.memory_space<vmem>>)
      %dma_wait3A_325 = arith.constant 1 : i32
      %dma_wait3A_326 = arith.constant 1 : i32
      %dma_wait3A_327 = arith.constant 0 : i32
      %dma_wait3A_328 = arith.constant 0 : i32
      %dma_wait3A_329 = tpu.memref_slice %arg11[%dma_wait3A_326, %dma_wait3A_327, %dma_wait3A_328] : memref<2x400x16xf32, #tpu.memory_space<vmem>> -> memref<1x400x16xf32, #tpu.memory_space<vmem>>
      %dma_wait3A_330 = tpu.memref_squeeze %dma_wait3A_329 : memref<1x400x16xf32, #tpu.memory_space<vmem>> -> memref<400x16xf32, #tpu.memory_space<vmem>>
      %dma_wait3A_331 = arith.constant 0 : i32
      %dma_wait3A_332 = tpu.memref_slice %arg8[%dma_wait3A_325, %dma_wait3A_331] : memref<2x400xi32, #tpu.memory_space<vmem>> -> memref<1x400xi32, #tpu.memory_space<vmem>>
      %dma_wait3A_333 = tpu.memref_squeeze %dma_wait3A_332 : memref<1x400xi32, #tpu.memory_space<vmem>> -> memref<400xi32, #tpu.memory_space<vmem>>
      %dma_wait3A_334 = arith.constant 0 : i32
      %dma_wait3A_335 = arith.constant 0 : i32
      %dma_wait3A_336 = tpu.memref_slice %arg2[%dma_wait3A_334, %dma_wait3A_335] : memref<100352x16xf32, #tpu.memory_space<hbm>> -> memref<100352x16xf32, #tpu.memory_space<hbm>>
      tpu.wait_indirect_dma semaphore(%arg14 : memref<!tpu.dma_semaphore, #tpu.memory_space<semaphore_mem>>) src(%dma_wait3A_336 : memref<100352x16xf32, #tpu.memory_space<hbm>>) dst(%dma_wait3A_330 : memref<400x16xf32, #tpu.memory_space<vmem>>)
      %dma_start3A_337 = arith.constant 0 : i32
      %dma_start3A_338 = arith.constant 0 : i32
      %dma_start3A_339 = arith.constant 0 : i32
      %dma_start3A_340 = arith.constant 0 : i32
      %dma_start3A_341 = tpu.memref_slice %arg11[%dma_start3A_337, %dma_start3A_339, %dma_start3A_340] : memref<2x400x16xf32, #tpu.memory_space<vmem>> -> memref<1x400x16xf32, #tpu.memory_space<vmem>>
      %dma_start3A_342 = tpu.memref_squeeze %dma_start3A_341 : memref<1x400x16xf32, #tpu.memory_space<vmem>> -> memref<400x16xf32, #tpu.memory_space<vmem>>
      %dma_start3A_343 = arith.constant 0 : i32
      %dma_start3A_344 = tpu.memref_slice %arg9[%dma_start3A_338, %dma_start3A_343] : memref<2x400xi32, #tpu.memory_space<vmem>> -> memref<1x400xi32, #tpu.memory_space<vmem>>
      %dma_start3A_345 = tpu.memref_squeeze %dma_start3A_344 : memref<1x400xi32, #tpu.memory_space<vmem>> -> memref<400xi32, #tpu.memory_space<vmem>>
      %dma_start3A_346 = arith.constant 0 : i32
      %dma_start3A_347 = arith.constant 0 : i32
      %dma_start3A_348 = tpu.memref_slice %arg12[%dma_start3A_346, %dma_start3A_347] : memref<100352x16xf32, #tpu.memory_space<vmem_shared>> -> memref<100352x16xf32, #tpu.memory_space<vmem_shared>>
      tpu.enqueue_indirect_dma source(%dma_start3A_342 : memref<400x16xf32, #tpu.memory_space<vmem>>) target(%dma_start3A_348 : memref<100352x16xf32, #tpu.memory_space<vmem_shared>>) offsets(%dma_start3A_345 : memref<400xi32, #tpu.memory_space<vmem>>) semaphore(%arg16 : memref<!tpu.dma_semaphore, #tpu.memory_space<semaphore_mem>>) {add = true}
      %dma_start3A_349 = arith.constant 1 : i32
      %dma_start3A_350 = arith.constant 1 : i32
      %dma_start3A_351 = arith.constant 0 : i32
      %dma_start3A_352 = arith.constant 0 : i32
      %dma_start3A_353 = tpu.memref_slice %arg11[%dma_start3A_349, %dma_start3A_351, %dma_start3A_352] : memref<2x400x16xf32, #tpu.memory_space<vmem>> -> memref<1x400x16xf32, #tpu.memory_space<vmem>>
      %dma_start3A_354 = tpu.memref_squeeze %dma_start3A_353 : memref<1x400x16xf32, #tpu.memory_space<vmem>> -> memref<400x16xf32, #tpu.memory_space<vmem>>
      %dma_start3A_355 = arith.constant 0 : i32
      %dma_start3A_356 = tpu.memref_slice %arg9[%dma_start3A_350, %dma_start3A_355] : memref<2x400xi32, #tpu.memory_space<vmem>> -> memref<1x400xi32, #tpu.memory_space<vmem>>
      %dma_start3A_357 = tpu.memref_squeeze %dma_start3A_356 : memref<1x400xi32, #tpu.memory_space<vmem>> -> memref<400xi32, #tpu.memory_space<vmem>>
      %dma_start3A_358 = arith.constant 0 : i32
      %dma_start3A_359 = arith.constant 0 : i32
      %dma_start3A_360 = tpu.memref_slice %arg12[%dma_start3A_358, %dma_start3A_359] : memref<100352x16xf32, #tpu.memory_space<vmem_shared>> -> memref<100352x16xf32, #tpu.memory_space<vmem_shared>>
      tpu.enqueue_indirect_dma source(%dma_start3A_354 : memref<400x16xf32, #tpu.memory_space<vmem>>) target(%dma_start3A_360 : memref<100352x16xf32, #tpu.memory_space<vmem_shared>>) offsets(%dma_start3A_357 : memref<400xi32, #tpu.memory_space<vmem>>) semaphore(%arg16 : memref<!tpu.dma_semaphore, #tpu.memory_space<semaphore_mem>>) {add = true}
      %dma_wait3A_361 = arith.constant 0 : i32
      %dma_wait3A_362 = arith.constant 0 : i32
      %dma_wait3A_363 = arith.constant 0 : i32
      %dma_wait3A_364 = arith.constant 0 : i32
      %dma_wait3A_365 = tpu.memref_slice %arg11[%dma_wait3A_361, %dma_wait3A_363, %dma_wait3A_364] : memref<2x400x16xf32, #tpu.memory_space<vmem>> -> memref<1x400x16xf32, #tpu.memory_space<vmem>>
      %dma_wait3A_366 = tpu.memref_squeeze %dma_wait3A_365 : memref<1x400x16xf32, #tpu.memory_space<vmem>> -> memref<400x16xf32, #tpu.memory_space<vmem>>
      %dma_wait3A_367 = arith.constant 0 : i32
      %dma_wait3A_368 = tpu.memref_slice %arg9[%dma_wait3A_362, %dma_wait3A_367] : memref<2x400xi32, #tpu.memory_space<vmem>> -> memref<1x400xi32, #tpu.memory_space<vmem>>
      %dma_wait3A_369 = tpu.memref_squeeze %dma_wait3A_368 : memref<1x400xi32, #tpu.memory_space<vmem>> -> memref<400xi32, #tpu.memory_space<vmem>>
      %dma_wait3A_370 = arith.constant 0 : i32
      %dma_wait3A_371 = arith.constant 0 : i32
      %dma_wait3A_372 = tpu.memref_slice %arg12[%dma_wait3A_370, %dma_wait3A_371] : memref<100352x16xf32, #tpu.memory_space<vmem_shared>> -> memref<100352x16xf32, #tpu.memory_space<vmem_shared>>
      tpu.wait_indirect_dma semaphore(%arg16 : memref<!tpu.dma_semaphore, #tpu.memory_space<semaphore_mem>>) src(%dma_wait3A_366 : memref<400x16xf32, #tpu.memory_space<vmem>>) dst(%dma_wait3A_372 : memref<100352x16xf32, #tpu.memory_space<vmem_shared>>)
      %dma_wait3A_373 = arith.constant 1 : i32
      %dma_wait3A_374 = arith.constant 1 : i32
      %dma_wait3A_375 = arith.constant 0 : i32
      %dma_wait3A_376 = arith.constant 0 : i32
      %dma_wait3A_377 = tpu.memref_slice %arg11[%dma_wait3A_373, %dma_wait3A_375, %dma_wait3A_376] : memref<2x400x16xf32, #tpu.memory_space<vmem>> -> memref<1x400x16xf32, #tpu.memory_space<vmem>>
      %dma_wait3A_378 = tpu.memref_squeeze %dma_wait3A_377 : memref<1x400x16xf32, #tpu.memory_space<vmem>> -> memref<400x16xf32, #tpu.memory_space<vmem>>
      %dma_wait3A_379 = arith.constant 0 : i32
      %dma_wait3A_380 = tpu.memref_slice %arg9[%dma_wait3A_374, %dma_wait3A_379] : memref<2x400xi32, #tpu.memory_space<vmem>> -> memref<1x400xi32, #tpu.memory_space<vmem>>
      %dma_wait3A_381 = tpu.memref_squeeze %dma_wait3A_380 : memref<1x400xi32, #tpu.memory_space<vmem>> -> memref<400xi32, #tpu.memory_space<vmem>>
      %dma_wait3A_382 = arith.constant 0 : i32
      %dma_wait3A_383 = arith.constant 0 : i32
      %dma_wait3A_384 = tpu.memref_slice %arg12[%dma_wait3A_382, %dma_wait3A_383] : memref<100352x16xf32, #tpu.memory_space<vmem_shared>> -> memref<100352x16xf32, #tpu.memory_space<vmem_shared>>
      tpu.wait_indirect_dma semaphore(%arg16 : memref<!tpu.dma_semaphore, #tpu.memory_space<semaphore_mem>>) src(%dma_wait3A_378 : memref<400x16xf32, #tpu.memory_space<vmem>>) dst(%dma_wait3A_384 : memref<100352x16xf32, #tpu.memory_space<vmem_shared>>)
      %mul3A_385 = arith.constant 2 : i32
      %mul3A_386 = arith.muli %add3A_312, %mul3A_385 : i32
      %run_scoped3A_387 = arith.constant 0 : i32
      "tpu.region"() ({
        %run_scoped3A_415 = tpu.sem_alloc : memref<!tpu.dma_semaphore, #tpu.memory_space<semaphore_mem>>
        %dma_start3A_416 = arith.constant 0 : i32
        %dma_start3A_417 = tpu.memref_slice %arg3[%run_scoped3A_387, %add3A, %mul3A_386, %dma_start3A_416] : memref<2x32x500x400xi32, #tpu.memory_space<hbm>> -> memref<1x1x2x400xi32, #tpu.memory_space<hbm>>
        %dma_start3A_418 = tpu.memref_squeeze %dma_start3A_417 : memref<1x1x2x400xi32, #tpu.memory_space<hbm>> -> memref<2x400xi32, #tpu.memory_space<hbm>>
        %dma_start3A_419 = arith.constant 0 : i32
        %dma_start3A_420 = tpu.memref_slice %arg3[%run_scoped3A_387, %add3A, %mul3A_386, %dma_start3A_419] : memref<2x32x500x400xi32, #tpu.memory_space<hbm>> -> memref<1x1x2x400xi32, #tpu.memory_space<hbm>>
        %dma_start3A_421 = tpu.memref_squeeze %dma_start3A_420 : memref<1x1x2x400xi32, #tpu.memory_space<hbm>> -> memref<2x400xi32, #tpu.memory_space<hbm>>
        tpu.enqueue_dma source(%dma_start3A_421 : memref<2x400xi32, #tpu.memory_space<hbm>>) target(%arg8 : memref<2x400xi32, #tpu.memory_space<vmem>>) target_semaphore(%run_scoped3A_415 : memref<!tpu.dma_semaphore, #tpu.memory_space<semaphore_mem>>)
        %dma_wait3A_422 = arith.constant 0 : i32
        %dma_wait3A_423 = tpu.memref_slice %arg3[%run_scoped3A_387, %add3A, %mul3A_386, %dma_wait3A_422] : memref<2x32x500x400xi32, #tpu.memory_space<hbm>> -> memref<1x1x2x400xi32, #tpu.memory_space<hbm>>
        %dma_wait3A_424 = tpu.memref_squeeze %dma_wait3A_423 : memref<1x1x2x400xi32, #tpu.memory_space<hbm>> -> memref<2x400xi32, #tpu.memory_space<hbm>>
        %dma_wait3A_425 = arith.constant 0 : i32
        %dma_wait3A_426 = tpu.memref_slice %arg3[%run_scoped3A_387, %add3A, %mul3A_386, %dma_wait3A_425] : memref<2x32x500x400xi32, #tpu.memory_space<hbm>> -> memref<1x1x2x400xi32, #tpu.memory_space<hbm>>
        %dma_wait3A_427 = tpu.memref_squeeze %dma_wait3A_426 : memref<1x1x2x400xi32, #tpu.memory_space<hbm>> -> memref<2x400xi32, #tpu.memory_space<hbm>>
        tpu.wait_dma2 semaphore(%run_scoped3A_415 : memref<!tpu.dma_semaphore, #tpu.memory_space<semaphore_mem>>) src(%dma_wait3A_427 : memref<2x400xi32, #tpu.memory_space<hbm>>) dst(%arg8 : memref<2x400xi32, #tpu.memory_space<vmem>>)
        tpu.yield
      }) : () -> ()
      %mul3A_388 = arith.constant 2 : i32
      %mul3A_389 = arith.muli %add3A_312, %mul3A_388 : i32
      %run_scoped3A_390 = arith.constant 1 : i32
      "tpu.region"() ({
        %run_scoped3A_415 = tpu.sem_alloc : memref<!tpu.dma_semaphore, #tpu.memory_space<semaphore_mem>>
        %dma_start3A_416 = arith.constant 0 : i32
        %dma_start3A_417 = tpu.memref_slice %arg3[%run_scoped3A_390, %add3A, %mul3A_389, %dma_start3A_416] : memref<2x32x500x400xi32, #tpu.memory_space<hbm>> -> memref<1x1x2x400xi32, #tpu.memory_space<hbm>>
        %dma_start3A_418 = tpu.memref_squeeze %dma_start3A_417 : memref<1x1x2x400xi32, #tpu.memory_space<hbm>> -> memref<2x400xi32, #tpu.memory_space<hbm>>
        %dma_start3A_419 = arith.constant 0 : i32
        %dma_start3A_420 = tpu.memref_slice %arg3[%run_scoped3A_390, %add3A, %mul3A_389, %dma_start3A_419] : memref<2x32x500x400xi32, #tpu.memory_space<hbm>> -> memref<1x1x2x400xi32, #tpu.memory_space<hbm>>
        %dma_start3A_421 = tpu.memref_squeeze %dma_start3A_420 : memref<1x1x2x400xi32, #tpu.memory_space<hbm>> -> memref<2x400xi32, #tpu.memory_space<hbm>>
        tpu.enqueue_dma source(%dma_start3A_421 : memref<2x400xi32, #tpu.memory_space<hbm>>) target(%arg9 : memref<2x400xi32, #tpu.memory_space<vmem>>) target_semaphore(%run_scoped3A_415 : memref<!tpu.dma_semaphore, #tpu.memory_space<semaphore_mem>>)
        %dma_wait3A_422 = arith.constant 0 : i32
        %dma_wait3A_423 = tpu.memref_slice %arg3[%run_scoped3A_390, %add3A, %mul3A_389, %dma_wait3A_422] : memref<2x32x500x400xi32, #tpu.memory_space<hbm>> -> memref<1x1x2x400xi32, #tpu.memory_space<hbm>>
        %dma_wait3A_424 = tpu.memref_squeeze %dma_wait3A_423 : memref<1x1x2x400xi32, #tpu.memory_space<hbm>> -> memref<2x400xi32, #tpu.memory_space<hbm>>
        %dma_wait3A_425 = arith.constant 0 : i32
        %dma_wait3A_426 = tpu.memref_slice %arg3[%run_scoped3A_390, %add3A, %mul3A_389, %dma_wait3A_425] : memref<2x32x500x400xi32, #tpu.memory_space<hbm>> -> memref<1x1x2x400xi32, #tpu.memory_space<hbm>>
        %dma_wait3A_427 = tpu.memref_squeeze %dma_wait3A_426 : memref<1x1x2x400xi32, #tpu.memory_space<hbm>> -> memref<2x400xi32, #tpu.memory_space<hbm>>
        tpu.wait_dma2 semaphore(%run_scoped3A_415 : memref<!tpu.dma_semaphore, #tpu.memory_space<semaphore_mem>>) src(%dma_wait3A_427 : memref<2x400xi32, #tpu.memory_space<hbm>>) dst(%arg9 : memref<2x400xi32, #tpu.memory_space<vmem>>)
        tpu.yield
      }) : () -> ()
      %dma_start3A_391 = arith.constant 0 : i32
      %dma_start3A_392 = arith.constant 0 : i32
      %dma_start3A_393 = arith.constant 0 : i32
      %dma_start3A_394 = arith.constant 0 : i32
      %dma_start3A_395 = tpu.memref_slice %arg11[%dma_start3A_392, %dma_start3A_393, %dma_start3A_394] : memref<2x400x16xf32, #tpu.memory_space<vmem>> -> memref<1x400x16xf32, #tpu.memory_space<vmem>>
      %dma_start3A_396 = tpu.memref_squeeze %dma_start3A_395 : memref<1x400x16xf32, #tpu.memory_space<vmem>> -> memref<400x16xf32, #tpu.memory_space<vmem>>
      %dma_start3A_397 = arith.constant 0 : i32
      %dma_start3A_398 = tpu.memref_slice %arg8[%dma_start3A_391, %dma_start3A_397] : memref<2x400xi32, #tpu.memory_space<vmem>> -> memref<1x400xi32, #tpu.memory_space<vmem>>
      %dma_start3A_399 = tpu.memref_squeeze %dma_start3A_398 : memref<1x400xi32, #tpu.memory_space<vmem>> -> memref<400xi32, #tpu.memory_space<vmem>>
      %dma_start3A_400 = arith.constant 0 : i32
      %dma_start3A_401 = arith.constant 0 : i32
      %dma_start3A_402 = tpu.memref_slice %arg2[%dma_start3A_400, %dma_start3A_401] : memref<100352x16xf32, #tpu.memory_space<hbm>> -> memref<100352x16xf32, #tpu.memory_space<hbm>>
      tpu.enqueue_indirect_dma source(%dma_start3A_402 : memref<100352x16xf32, #tpu.memory_space<hbm>>) target(%dma_start3A_396 : memref<400x16xf32, #tpu.memory_space<vmem>>) offsets(%dma_start3A_399 : memref<400xi32, #tpu.memory_space<vmem>>) semaphore(%arg14 : memref<!tpu.dma_semaphore, #tpu.memory_space<semaphore_mem>>)
      %dma_start3A_403 = arith.constant 1 : i32
      %dma_start3A_404 = arith.constant 1 : i32
      %dma_start3A_405 = arith.constant 0 : i32
      %dma_start3A_406 = arith.constant 0 : i32
      %dma_start3A_407 = tpu.memref_slice %arg11[%dma_start3A_404, %dma_start3A_405, %dma_start3A_406] : memref<2x400x16xf32, #tpu.memory_space<vmem>> -> memref<1x400x16xf32, #tpu.memory_space<vmem>>
      %dma_start3A_408 = tpu.memref_squeeze %dma_start3A_407 : memref<1x400x16xf32, #tpu.memory_space<vmem>> -> memref<400x16xf32, #tpu.memory_space<vmem>>
      %dma_start3A_409 = arith.constant 0 : i32
      %dma_start3A_410 = tpu.memref_slice %arg8[%dma_start3A_403, %dma_start3A_409] : memref<2x400xi32, #tpu.memory_space<vmem>> -> memref<1x400xi32, #tpu.memory_space<vmem>>
      %dma_start3A_411 = tpu.memref_squeeze %dma_start3A_410 : memref<1x400xi32, #tpu.memory_space<vmem>> -> memref<400xi32, #tpu.memory_space<vmem>>
      %dma_start3A_412 = arith.constant 0 : i32
      %dma_start3A_413 = arith.constant 0 : i32
      %dma_start3A_414 = tpu.memref_slice %arg2[%dma_start3A_412, %dma_start3A_413] : memref<100352x16xf32, #tpu.memory_space<hbm>> -> memref<100352x16xf32, #tpu.memory_space<hbm>>
      tpu.enqueue_indirect_dma source(%dma_start3A_414 : memref<100352x16xf32, #tpu.memory_space<hbm>>) target(%dma_start3A_408 : memref<400x16xf32, #tpu.memory_space<vmem>>) offsets(%dma_start3A_411 : memref<400xi32, #tpu.memory_space<vmem>>) semaphore(%arg14 : memref<!tpu.dma_semaphore, #tpu.memory_space<semaphore_mem>>)
    }
    %scan3A_57 = arith.constant 124 : i32
    %dma_wait3A = arith.constant 0 : i32
    %dma_wait3A_58 = arith.constant 0 : i32
    %dma_wait3A_59 = arith.constant 0 : i32
    %dma_wait3A_60 = arith.constant 0 : i32
    %dma_wait3A_61 = tpu.memref_slice %arg10[%dma_wait3A_58, %dma_wait3A_59, %dma_wait3A_60] : memref<2x400x16xf32, #tpu.memory_space<vmem>> -> memref<1x400x16xf32, #tpu.memory_space<vmem>>
    %dma_wait3A_62 = tpu.memref_squeeze %dma_wait3A_61 : memref<1x400x16xf32, #tpu.memory_space<vmem>> -> memref<400x16xf32, #tpu.memory_space<vmem>>
    %dma_wait3A_63 = arith.constant 0 : i32
    %dma_wait3A_64 = tpu.memref_slice %arg6[%dma_wait3A, %dma_wait3A_63] : memref<2x400xi32, #tpu.memory_space<vmem>> -> memref<1x400xi32, #tpu.memory_space<vmem>>
    %dma_wait3A_65 = tpu.memref_squeeze %dma_wait3A_64 : memref<1x400xi32, #tpu.memory_space<vmem>> -> memref<400xi32, #tpu.memory_space<vmem>>
    %dma_wait3A_66 = arith.constant 0 : i32
    %dma_wait3A_67 = arith.constant 0 : i32
    %dma_wait3A_68 = tpu.memref_slice %arg2[%dma_wait3A_66, %dma_wait3A_67] : memref<100352x16xf32, #tpu.memory_space<hbm>> -> memref<100352x16xf32, #tpu.memory_space<hbm>>
    tpu.wait_indirect_dma semaphore(%arg13 : memref<!tpu.dma_semaphore, #tpu.memory_space<semaphore_mem>>) src(%dma_wait3A_68 : memref<100352x16xf32, #tpu.memory_space<hbm>>) dst(%dma_wait3A_62 : memref<400x16xf32, #tpu.memory_space<vmem>>)
    %dma_wait3A_69 = arith.constant 1 : i32
    %dma_wait3A_70 = arith.constant 1 : i32
    %dma_wait3A_71 = arith.constant 0 : i32
    %dma_wait3A_72 = arith.constant 0 : i32
    %dma_wait3A_73 = tpu.memref_slice %arg10[%dma_wait3A_70, %dma_wait3A_71, %dma_wait3A_72] : memref<2x400x16xf32, #tpu.memory_space<vmem>> -> memref<1x400x16xf32, #tpu.memory_space<vmem>>
    %dma_wait3A_74 = tpu.memref_squeeze %dma_wait3A_73 : memref<1x400x16xf32, #tpu.memory_space<vmem>> -> memref<400x16xf32, #tpu.memory_space<vmem>>
    %dma_wait3A_75 = arith.constant 0 : i32
    %dma_wait3A_76 = tpu.memref_slice %arg6[%dma_wait3A_69, %dma_wait3A_75] : memref<2x400xi32, #tpu.memory_space<vmem>> -> memref<1x400xi32, #tpu.memory_space<vmem>>
    %dma_wait3A_77 = tpu.memref_squeeze %dma_wait3A_76 : memref<1x400xi32, #tpu.memory_space<vmem>> -> memref<400xi32, #tpu.memory_space<vmem>>
    %dma_wait3A_78 = arith.constant 0 : i32
    %dma_wait3A_79 = arith.constant 0 : i32
    %dma_wait3A_80 = tpu.memref_slice %arg2[%dma_wait3A_78, %dma_wait3A_79] : memref<100352x16xf32, #tpu.memory_space<hbm>> -> memref<100352x16xf32, #tpu.memory_space<hbm>>
    tpu.wait_indirect_dma semaphore(%arg13 : memref<!tpu.dma_semaphore, #tpu.memory_space<semaphore_mem>>) src(%dma_wait3A_80 : memref<100352x16xf32, #tpu.memory_space<hbm>>) dst(%dma_wait3A_74 : memref<400x16xf32, #tpu.memory_space<vmem>>)
    %dma_start3A_81 = arith.constant 0 : i32
    %dma_start3A_82 = arith.constant 0 : i32
    %dma_start3A_83 = arith.constant 0 : i32
    %dma_start3A_84 = arith.constant 0 : i32
    %dma_start3A_85 = tpu.memref_slice %arg10[%dma_start3A_81, %dma_start3A_83, %dma_start3A_84] : memref<2x400x16xf32, #tpu.memory_space<vmem>> -> memref<1x400x16xf32, #tpu.memory_space<vmem>>
    %dma_start3A_86 = tpu.memref_squeeze %dma_start3A_85 : memref<1x400x16xf32, #tpu.memory_space<vmem>> -> memref<400x16xf32, #tpu.memory_space<vmem>>
    %dma_start3A_87 = arith.constant 0 : i32
    %dma_start3A_88 = tpu.memref_slice %arg7[%dma_start3A_82, %dma_start3A_87] : memref<2x400xi32, #tpu.memory_space<vmem>> -> memref<1x400xi32, #tpu.memory_space<vmem>>
    %dma_start3A_89 = tpu.memref_squeeze %dma_start3A_88 : memref<1x400xi32, #tpu.memory_space<vmem>> -> memref<400xi32, #tpu.memory_space<vmem>>
    %dma_start3A_90 = arith.constant 0 : i32
    %dma_start3A_91 = arith.constant 0 : i32
    %dma_start3A_92 = tpu.memref_slice %arg12[%dma_start3A_90, %dma_start3A_91] : memref<100352x16xf32, #tpu.memory_space<vmem_shared>> -> memref<100352x16xf32, #tpu.memory_space<vmem_shared>>
    tpu.enqueue_indirect_dma source(%dma_start3A_86 : memref<400x16xf32, #tpu.memory_space<vmem>>) target(%dma_start3A_92 : memref<100352x16xf32, #tpu.memory_space<vmem_shared>>) offsets(%dma_start3A_89 : memref<400xi32, #tpu.memory_space<vmem>>) semaphore(%arg15 : memref<!tpu.dma_semaphore, #tpu.memory_space<semaphore_mem>>) {add = true}
    %dma_start3A_93 = arith.constant 1 : i32
    %dma_start3A_94 = arith.constant 1 : i32
    %dma_start3A_95 = arith.constant 0 : i32
    %dma_start3A_96 = arith.constant 0 : i32
    %dma_start3A_97 = tpu.memref_slice %arg10[%dma_start3A_93, %dma_start3A_95, %dma_start3A_96] : memref<2x400x16xf32, #tpu.memory_space<vmem>> -> memref<1x400x16xf32, #tpu.memory_space<vmem>>
    %dma_start3A_98 = tpu.memref_squeeze %dma_start3A_97 : memref<1x400x16xf32, #tpu.memory_space<vmem>> -> memref<400x16xf32, #tpu.memory_space<vmem>>
    %dma_start3A_99 = arith.constant 0 : i32
    %dma_start3A_100 = tpu.memref_slice %arg7[%dma_start3A_94, %dma_start3A_99] : memref<2x400xi32, #tpu.memory_space<vmem>> -> memref<1x400xi32, #tpu.memory_space<vmem>>
    %dma_start3A_101 = tpu.memref_squeeze %dma_start3A_100 : memref<1x400xi32, #tpu.memory_space<vmem>> -> memref<400xi32, #tpu.memory_space<vmem>>
    %dma_start3A_102 = arith.constant 0 : i32
    %dma_start3A_103 = arith.constant 0 : i32
    %dma_start3A_104 = tpu.memref_slice %arg12[%dma_start3A_102, %dma_start3A_103] : memref<100352x16xf32, #tpu.memory_space<vmem_shared>> -> memref<100352x16xf32, #tpu.memory_space<vmem_shared>>
    tpu.enqueue_indirect_dma source(%dma_start3A_98 : memref<400x16xf32, #tpu.memory_space<vmem>>) target(%dma_start3A_104 : memref<100352x16xf32, #tpu.memory_space<vmem_shared>>) offsets(%dma_start3A_101 : memref<400xi32, #tpu.memory_space<vmem>>) semaphore(%arg15 : memref<!tpu.dma_semaphore, #tpu.memory_space<semaphore_mem>>) {add = true}
    %dma_wait3A_105 = arith.constant 0 : i32
    %dma_wait3A_106 = arith.constant 0 : i32
    %dma_wait3A_107 = arith.constant 0 : i32
    %dma_wait3A_108 = arith.constant 0 : i32
    %dma_wait3A_109 = tpu.memref_slice %arg11[%dma_wait3A_106, %dma_wait3A_107, %dma_wait3A_108] : memref<2x400x16xf32, #tpu.memory_space<vmem>> -> memref<1x400x16xf32, #tpu.memory_space<vmem>>
    %dma_wait3A_110 = tpu.memref_squeeze %dma_wait3A_109 : memref<1x400x16xf32, #tpu.memory_space<vmem>> -> memref<400x16xf32, #tpu.memory_space<vmem>>
    %dma_wait3A_111 = arith.constant 0 : i32
    %dma_wait3A_112 = tpu.memref_slice %arg8[%dma_wait3A_105, %dma_wait3A_111] : memref<2x400xi32, #tpu.memory_space<vmem>> -> memref<1x400xi32, #tpu.memory_space<vmem>>
    %dma_wait3A_113 = tpu.memref_squeeze %dma_wait3A_112 : memref<1x400xi32, #tpu.memory_space<vmem>> -> memref<400xi32, #tpu.memory_space<vmem>>
    %dma_wait3A_114 = arith.constant 0 : i32
    %dma_wait3A_115 = arith.constant 0 : i32
    %dma_wait3A_116 = tpu.memref_slice %arg2[%dma_wait3A_114, %dma_wait3A_115] : memref<100352x16xf32, #tpu.memory_space<hbm>> -> memref<100352x16xf32, #tpu.memory_space<hbm>>
    tpu.wait_indirect_dma semaphore(%arg14 : memref<!tpu.dma_semaphore, #tpu.memory_space<semaphore_mem>>) src(%dma_wait3A_116 : memref<100352x16xf32, #tpu.memory_space<hbm>>) dst(%dma_wait3A_110 : memref<400x16xf32, #tpu.memory_space<vmem>>)
    %dma_wait3A_117 = arith.constant 1 : i32
    %dma_wait3A_118 = arith.constant 1 : i32
    %dma_wait3A_119 = arith.constant 0 : i32
    %dma_wait3A_120 = arith.constant 0 : i32
    %dma_wait3A_121 = tpu.memref_slice %arg11[%dma_wait3A_118, %dma_wait3A_119, %dma_wait3A_120] : memref<2x400x16xf32, #tpu.memory_space<vmem>> -> memref<1x400x16xf32, #tpu.memory_space<vmem>>
    %dma_wait3A_122 = tpu.memref_squeeze %dma_wait3A_121 : memref<1x400x16xf32, #tpu.memory_space<vmem>> -> memref<400x16xf32, #tpu.memory_space<vmem>>
    %dma_wait3A_123 = arith.constant 0 : i32
    %dma_wait3A_124 = tpu.memref_slice %arg8[%dma_wait3A_117, %dma_wait3A_123] : memref<2x400xi32, #tpu.memory_space<vmem>> -> memref<1x400xi32, #tpu.memory_space<vmem>>
    %dma_wait3A_125 = tpu.memref_squeeze %dma_wait3A_124 : memref<1x400xi32, #tpu.memory_space<vmem>> -> memref<400xi32, #tpu.memory_space<vmem>>
    %dma_wait3A_126 = arith.constant 0 : i32
    %dma_wait3A_127 = arith.constant 0 : i32
    %dma_wait3A_128 = tpu.memref_slice %arg2[%dma_wait3A_126, %dma_wait3A_127] : memref<100352x16xf32, #tpu.memory_space<hbm>> -> memref<100352x16xf32, #tpu.memory_space<hbm>>
    tpu.wait_indirect_dma semaphore(%arg14 : memref<!tpu.dma_semaphore, #tpu.memory_space<semaphore_mem>>) src(%dma_wait3A_128 : memref<100352x16xf32, #tpu.memory_space<hbm>>) dst(%dma_wait3A_122 : memref<400x16xf32, #tpu.memory_space<vmem>>)
    %dma_start3A_129 = arith.constant 0 : i32
    %dma_start3A_130 = arith.constant 0 : i32
    %dma_start3A_131 = arith.constant 0 : i32
    %dma_start3A_132 = arith.constant 0 : i32
    %dma_start3A_133 = tpu.memref_slice %arg11[%dma_start3A_129, %dma_start3A_131, %dma_start3A_132] : memref<2x400x16xf32, #tpu.memory_space<vmem>> -> memref<1x400x16xf32, #tpu.memory_space<vmem>>
    %dma_start3A_134 = tpu.memref_squeeze %dma_start3A_133 : memref<1x400x16xf32, #tpu.memory_space<vmem>> -> memref<400x16xf32, #tpu.memory_space<vmem>>
    %dma_start3A_135 = arith.constant 0 : i32
    %dma_start3A_136 = tpu.memref_slice %arg9[%dma_start3A_130, %dma_start3A_135] : memref<2x400xi32, #tpu.memory_space<vmem>> -> memref<1x400xi32, #tpu.memory_space<vmem>>
    %dma_start3A_137 = tpu.memref_squeeze %dma_start3A_136 : memref<1x400xi32, #tpu.memory_space<vmem>> -> memref<400xi32, #tpu.memory_space<vmem>>
    %dma_start3A_138 = arith.constant 0 : i32
    %dma_start3A_139 = arith.constant 0 : i32
    %dma_start3A_140 = tpu.memref_slice %arg12[%dma_start3A_138, %dma_start3A_139] : memref<100352x16xf32, #tpu.memory_space<vmem_shared>> -> memref<100352x16xf32, #tpu.memory_space<vmem_shared>>
    tpu.enqueue_indirect_dma source(%dma_start3A_134 : memref<400x16xf32, #tpu.memory_space<vmem>>) target(%dma_start3A_140 : memref<100352x16xf32, #tpu.memory_space<vmem_shared>>) offsets(%dma_start3A_137 : memref<400xi32, #tpu.memory_space<vmem>>) semaphore(%arg16 : memref<!tpu.dma_semaphore, #tpu.memory_space<semaphore_mem>>) {add = true}
    %dma_start3A_141 = arith.constant 1 : i32
    %dma_start3A_142 = arith.constant 1 : i32
    %dma_start3A_143 = arith.constant 0 : i32
    %dma_start3A_144 = arith.constant 0 : i32
    %dma_start3A_145 = tpu.memref_slice %arg11[%dma_start3A_141, %dma_start3A_143, %dma_start3A_144] : memref<2x400x16xf32, #tpu.memory_space<vmem>> -> memref<1x400x16xf32, #tpu.memory_space<vmem>>
    %dma_start3A_146 = tpu.memref_squeeze %dma_start3A_145 : memref<1x400x16xf32, #tpu.memory_space<vmem>> -> memref<400x16xf32, #tpu.memory_space<vmem>>
    %dma_start3A_147 = arith.constant 0 : i32
    %dma_start3A_148 = tpu.memref_slice %arg9[%dma_start3A_142, %dma_start3A_147] : memref<2x400xi32, #tpu.memory_space<vmem>> -> memref<1x400xi32, #tpu.memory_space<vmem>>
    %dma_start3A_149 = tpu.memref_squeeze %dma_start3A_148 : memref<1x400xi32, #tpu.memory_space<vmem>> -> memref<400xi32, #tpu.memory_space<vmem>>
    %dma_start3A_150 = arith.constant 0 : i32
    %dma_start3A_151 = arith.constant 0 : i32
    %dma_start3A_152 = tpu.memref_slice %arg12[%dma_start3A_150, %dma_start3A_151] : memref<100352x16xf32, #tpu.memory_space<vmem_shared>> -> memref<100352x16xf32, #tpu.memory_space<vmem_shared>>
    tpu.enqueue_indirect_dma source(%dma_start3A_146 : memref<400x16xf32, #tpu.memory_space<vmem>>) target(%dma_start3A_152 : memref<100352x16xf32, #tpu.memory_space<vmem_shared>>) offsets(%dma_start3A_149 : memref<400xi32, #tpu.memory_space<vmem>>) semaphore(%arg16 : memref<!tpu.dma_semaphore, #tpu.memory_space<semaphore_mem>>) {add = true}
    %dma_wait3A_153 = arith.constant 0 : i32
    %dma_wait3A_154 = arith.constant 0 : i32
    %dma_wait3A_155 = arith.constant 0 : i32
    %dma_wait3A_156 = arith.constant 0 : i32
    %dma_wait3A_157 = tpu.memref_slice %arg10[%dma_wait3A_153, %dma_wait3A_155, %dma_wait3A_156] : memref<2x400x16xf32, #tpu.memory_space<vmem>> -> memref<1x400x16xf32, #tpu.memory_space<vmem>>
    %dma_wait3A_158 = tpu.memref_squeeze %dma_wait3A_157 : memref<1x400x16xf32, #tpu.memory_space<vmem>> -> memref<400x16xf32, #tpu.memory_space<vmem>>
    %dma_wait3A_159 = arith.constant 0 : i32
    %dma_wait3A_160 = tpu.memref_slice %arg7[%dma_wait3A_154, %dma_wait3A_159] : memref<2x400xi32, #tpu.memory_space<vmem>> -> memref<1x400xi32, #tpu.memory_space<vmem>>
    %dma_wait3A_161 = tpu.memref_squeeze %dma_wait3A_160 : memref<1x400xi32, #tpu.memory_space<vmem>> -> memref<400xi32, #tpu.memory_space<vmem>>
    %dma_wait3A_162 = arith.constant 0 : i32
    %dma_wait3A_163 = arith.constant 0 : i32
    %dma_wait3A_164 = tpu.memref_slice %arg12[%dma_wait3A_162, %dma_wait3A_163] : memref<100352x16xf32, #tpu.memory_space<vmem_shared>> -> memref<100352x16xf32, #tpu.memory_space<vmem_shared>>
    tpu.wait_indirect_dma semaphore(%arg15 : memref<!tpu.dma_semaphore, #tpu.memory_space<semaphore_mem>>) src(%dma_wait3A_158 : memref<400x16xf32, #tpu.memory_space<vmem>>) dst(%dma_wait3A_164 : memref<100352x16xf32, #tpu.memory_space<vmem_shared>>)
    %dma_wait3A_165 = arith.constant 1 : i32
    %dma_wait3A_166 = arith.constant 1 : i32
    %dma_wait3A_167 = arith.constant 0 : i32
    %dma_wait3A_168 = arith.constant 0 : i32
    %dma_wait3A_169 = tpu.memref_slice %arg10[%dma_wait3A_165, %dma_wait3A_167, %dma_wait3A_168] : memref<2x400x16xf32, #tpu.memory_space<vmem>> -> memref<1x400x16xf32, #tpu.memory_space<vmem>>
    %dma_wait3A_170 = tpu.memref_squeeze %dma_wait3A_169 : memref<1x400x16xf32, #tpu.memory_space<vmem>> -> memref<400x16xf32, #tpu.memory_space<vmem>>
    %dma_wait3A_171 = arith.constant 0 : i32
    %dma_wait3A_172 = tpu.memref_slice %arg7[%dma_wait3A_166, %dma_wait3A_171] : memref<2x400xi32, #tpu.memory_space<vmem>> -> memref<1x400xi32, #tpu.memory_space<vmem>>
    %dma_wait3A_173 = tpu.memref_squeeze %dma_wait3A_172 : memref<1x400xi32, #tpu.memory_space<vmem>> -> memref<400xi32, #tpu.memory_space<vmem>>
    %dma_wait3A_174 = arith.constant 0 : i32
    %dma_wait3A_175 = arith.constant 0 : i32
    %dma_wait3A_176 = tpu.memref_slice %arg12[%dma_wait3A_174, %dma_wait3A_175] : memref<100352x16xf32, #tpu.memory_space<vmem_shared>> -> memref<100352x16xf32, #tpu.memory_space<vmem_shared>>
    tpu.wait_indirect_dma semaphore(%arg15 : memref<!tpu.dma_semaphore, #tpu.memory_space<semaphore_mem>>) src(%dma_wait3A_170 : memref<400x16xf32, #tpu.memory_space<vmem>>) dst(%dma_wait3A_176 : memref<100352x16xf32, #tpu.memory_space<vmem_shared>>)
    %dma_wait3A_177 = arith.constant 0 : i32
    %dma_wait3A_178 = arith.constant 0 : i32
    %dma_wait3A_179 = arith.constant 0 : i32
    %dma_wait3A_180 = arith.constant 0 : i32
    %dma_wait3A_181 = tpu.memref_slice %arg11[%dma_wait3A_177, %dma_wait3A_179, %dma_wait3A_180] : memref<2x400x16xf32, #tpu.memory_space<vmem>> -> memref<1x400x16xf32, #tpu.memory_space<vmem>>
    %dma_wait3A_182 = tpu.memref_squeeze %dma_wait3A_181 : memref<1x400x16xf32, #tpu.memory_space<vmem>> -> memref<400x16xf32, #tpu.memory_space<vmem>>
    %dma_wait3A_183 = arith.constant 0 : i32
    %dma_wait3A_184 = tpu.memref_slice %arg9[%dma_wait3A_178, %dma_wait3A_183] : memref<2x400xi32, #tpu.memory_space<vmem>> -> memref<1x400xi32, #tpu.memory_space<vmem>>
    %dma_wait3A_185 = tpu.memref_squeeze %dma_wait3A_184 : memref<1x400xi32, #tpu.memory_space<vmem>> -> memref<400xi32, #tpu.memory_space<vmem>>
    %dma_wait3A_186 = arith.constant 0 : i32
    %dma_wait3A_187 = arith.constant 0 : i32
    %dma_wait3A_188 = tpu.memref_slice %arg12[%dma_wait3A_186, %dma_wait3A_187] : memref<100352x16xf32, #tpu.memory_space<vmem_shared>> -> memref<100352x16xf32, #tpu.memory_space<vmem_shared>>
    tpu.wait_indirect_dma semaphore(%arg16 : memref<!tpu.dma_semaphore, #tpu.memory_space<semaphore_mem>>) src(%dma_wait3A_182 : memref<400x16xf32, #tpu.memory_space<vmem>>) dst(%dma_wait3A_188 : memref<100352x16xf32, #tpu.memory_space<vmem_shared>>)
    %dma_wait3A_189 = arith.constant 1 : i32
    %dma_wait3A_190 = arith.constant 1 : i32
    %dma_wait3A_191 = arith.constant 0 : i32
    %dma_wait3A_192 = arith.constant 0 : i32
    %dma_wait3A_193 = tpu.memref_slice %arg11[%dma_wait3A_189, %dma_wait3A_191, %dma_wait3A_192] : memref<2x400x16xf32, #tpu.memory_space<vmem>> -> memref<1x400x16xf32, #tpu.memory_space<vmem>>
    %dma_wait3A_194 = tpu.memref_squeeze %dma_wait3A_193 : memref<1x400x16xf32, #tpu.memory_space<vmem>> -> memref<400x16xf32, #tpu.memory_space<vmem>>
    %dma_wait3A_195 = arith.constant 0 : i32
    %dma_wait3A_196 = tpu.memref_slice %arg9[%dma_wait3A_190, %dma_wait3A_195] : memref<2x400xi32, #tpu.memory_space<vmem>> -> memref<1x400xi32, #tpu.memory_space<vmem>>
    %dma_wait3A_197 = tpu.memref_squeeze %dma_wait3A_196 : memref<1x400xi32, #tpu.memory_space<vmem>> -> memref<400xi32, #tpu.memory_space<vmem>>
    %dma_wait3A_198 = arith.constant 0 : i32
    %dma_wait3A_199 = arith.constant 0 : i32
    %dma_wait3A_200 = tpu.memref_slice %arg12[%dma_wait3A_198, %dma_wait3A_199] : memref<100352x16xf32, #tpu.memory_space<vmem_shared>> -> memref<100352x16xf32, #tpu.memory_space<vmem_shared>>
    tpu.wait_indirect_dma semaphore(%arg16 : memref<!tpu.dma_semaphore, #tpu.memory_space<semaphore_mem>>) src(%dma_wait3A_194 : memref<400x16xf32, #tpu.memory_space<vmem>>) dst(%dma_wait3A_200 : memref<100352x16xf32, #tpu.memory_space<vmem_shared>>)
    %barrier3A_201 = arith.constant 0 : index
    tpu.barrier barrier_id(%barrier3A_201)
    "tpu.region"() ({
      %run_scoped3A_202 = tpu.sem_alloc : memref<!tpu.dma_semaphore, #tpu.memory_space<semaphore_mem>>
      %dma_start3A_203 = arith.constant 0 : i32
      %dma_start3A_204 = tpu.memref_slice %arg5[%arg0, %mul3A_2, %dma_start3A_203] : memref<2x100352x16xf32, #tpu.memory_space<hbm>> -> memref<1x6272x16xf32, #tpu.memory_space<hbm>>
      %dma_start3A_205 = tpu.memref_squeeze %dma_start3A_204 : memref<1x6272x16xf32, #tpu.memory_space<hbm>> -> memref<6272x16xf32, #tpu.memory_space<hbm>>
      %dma_start3A_206 = arith.constant 0 : i32
      %dma_start3A_207 = tpu.memref_slice %arg12[%mul3A_2, %dma_start3A_206] : memref<100352x16xf32, #tpu.memory_space<vmem_shared>> -> memref<6272x16xf32, #tpu.memory_space<vmem_shared>>
      tpu.enqueue_dma source(%dma_start3A_207 : memref<6272x16xf32, #tpu.memory_space<vmem_shared>>) target(%dma_start3A_205 : memref<6272x16xf32, #tpu.memory_space<hbm>>) target_semaphore(%run_scoped3A_202 : memref<!tpu.dma_semaphore, #tpu.memory_space<semaphore_mem>>)
      %dma_wait3A_208 = arith.constant 0 : i32
      %dma_wait3A_209 = tpu.memref_slice %arg5[%arg0, %mul3A_2, %dma_wait3A_208] : memref<2x100352x16xf32, #tpu.memory_space<hbm>> -> memref<1x6272x16xf32, #tpu.memory_space<hbm>>
      %dma_wait3A_210 = tpu.memref_squeeze %dma_wait3A_209 : memref<1x6272x16xf32, #tpu.memory_space<hbm>> -> memref<6272x16xf32, #tpu.memory_space<hbm>>
      %dma_wait3A_211 = arith.constant 0 : i32
      %dma_wait3A_212 = tpu.memref_slice %arg12[%mul3A_2, %dma_wait3A_211] : memref<100352x16xf32, #tpu.memory_space<vmem_shared>> -> memref<6272x16xf32, #tpu.memory_space<vmem_shared>>
      tpu.wait_dma2 semaphore(%run_scoped3A_202 : memref<!tpu.dma_semaphore, #tpu.memory_space<semaphore_mem>>) src(%dma_wait3A_212 : memref<6272x16xf32, #tpu.memory_space<vmem_shared>>) dst(%dma_wait3A_210 : memref<6272x16xf32, #tpu.memory_space<hbm>>)
      tpu.yield
    }) : () -> ()
    return
  }
}

#map = affine_map<(d0, d1) -> (0, 0)>
#map1 = affine_map<(d0, d1) -> (0, 0, 0, 0)>
#map2 = affine_map<(d0, d1) -> (0, 0, 0)>
module attributes {stable_mosaic.version = 14 : i64} {
  func.func @sc_agg(%arg0: i32, %arg1: i32, %arg2: memref<100352x16xf32, #tpu.memory_space<hbm>>, %arg3: memref<2x32x500x400xi32, #tpu.memory_space<hbm>>, %arg4: memref<100352x16xf32, #tpu.memory_space<hbm>>, %arg5: memref<2x100352x16xf32, #tpu.memory_space<hbm>>, %arg6: memref<2x400xi32, #tpu.memory_space<vmem>>, %arg7: memref<2x400xi32, #tpu.memory_space<vmem>>, %arg8: memref<2x400xi32, #tpu.memory_space<vmem>>, %arg9: memref<2x400xi32, #tpu.memory_space<vmem>>, %arg10: memref<2x400x16xf32, #tpu.memory_space<vmem>>, %arg11: memref<2x400x16xf32, #tpu.memory_space<vmem>>, %arg12: memref<100352x16xf32, #tpu.memory_space<vmem_shared>>, %arg13: memref<!tpu.dma_semaphore, #tpu.memory_space<semaphore_mem>>, %arg14: memref<!tpu.dma_semaphore, #tpu.memory_space<semaphore_mem>>, %arg15: memref<!tpu.dma_semaphore, #tpu.memory_space<semaphore_mem>>, %arg16: memref<!tpu.dma_semaphore, #tpu.memory_space<semaphore_mem>>) attributes {dimension_semantics = [#tpu.dimension_semantics<core_parallel>, #tpu.dimension_semantics<subcore_parallel>], iteration_bounds = array<i64: 2, 16>, scalar_prefetch = 0 : i64, scratch_operands = 11 : i64, tpu.core_type = #tpu.core_type<sc_vector_subcore>, window_params = [{transform_indices = #map}, {transform_indices = #map1}, {transform_indices = #map}, {transform_indices = #map2}]} {
    %mul3A = arith.constant 16 : i32
    %mul3A_0 = arith.muli %arg0, %mul3A : i32
    %add3A = arith.addi %mul3A_0, %arg1 : i32
    %mul3A_1 = arith.constant 6272 : i32
    %mul3A_2 = arith.muli %arg1, %mul3A_1 : i32
    "tpu.region"() ({
      %run_scoped3A_202 = tpu.sem_alloc : memref<!tpu.dma_semaphore, #tpu.memory_space<semaphore_mem>>
      %dma_start3A_203 = arith.constant 0 : i32
      %dma_start3A_204 = tpu.memref_slice %arg12[%mul3A_2, %dma_start3A_203] : memref<100352x16xf32, #tpu.memory_space<vmem_shared>> -> memref<6272x16xf32, #tpu.memory_space<vmem_shared>>
      %dma_start3A_205 = arith.constant 0 : i32
      %dma_start3A_206 = tpu.memref_slice %arg4[%mul3A_2, %dma_start3A_205] : memref<100352x16xf32, #tpu.memory_space<hbm>> -> memref<6272x16xf32, #tpu.memory_space<hbm>>
      tpu.enqueue_dma source(%dma_start3A_206 : memref<6272x16xf32, #tpu.memory_space<hbm>>) target(%dma_start3A_204 : memref<6272x16xf32, #tpu.memory_space<vmem_shared>>) target_semaphore(%run_scoped3A_202 : memref<!tpu.dma_semaphore, #tpu.memory_space<semaphore_mem>>)
      %dma_wait3A_207 = arith.constant 0 : i32
      %dma_wait3A_208 = tpu.memref_slice %arg12[%mul3A_2, %dma_wait3A_207] : memref<100352x16xf32, #tpu.memory_space<vmem_shared>> -> memref<6272x16xf32, #tpu.memory_space<vmem_shared>>
      %dma_wait3A_209 = arith.constant 0 : i32
      %dma_wait3A_210 = tpu.memref_slice %arg4[%mul3A_2, %dma_wait3A_209] : memref<100352x16xf32, #tpu.memory_space<hbm>> -> memref<6272x16xf32, #tpu.memory_space<hbm>>
      tpu.wait_dma2 semaphore(%run_scoped3A_202 : memref<!tpu.dma_semaphore, #tpu.memory_space<semaphore_mem>>) src(%dma_wait3A_210 : memref<6272x16xf32, #tpu.memory_space<hbm>>) dst(%dma_wait3A_208 : memref<6272x16xf32, #tpu.memory_space<vmem_shared>>)
      tpu.yield
    }) : () -> ()
    %barrier3A = arith.constant 0 : index
    tpu.barrier barrier_id(%barrier3A)
    %run_scoped3A = arith.constant 0 : i32
    "tpu.region"() ({
      %run_scoped3A_202 = tpu.sem_alloc : memref<!tpu.dma_semaphore, #tpu.memory_space<semaphore_mem>>
      %dma_start3A_203 = arith.constant 0 : i32
      %dma_start3A_204 = arith.constant 0 : i32
      %dma_start3A_205 = tpu.memref_slice %arg3[%run_scoped3A, %add3A, %dma_start3A_203, %dma_start3A_204] : memref<2x32x500x400xi32, #tpu.memory_space<hbm>> -> memref<1x1x2x400xi32, #tpu.memory_space<hbm>>
      %dma_start3A_206 = tpu.memref_squeeze %dma_start3A_205 : memref<1x1x2x400xi32, #tpu.memory_space<hbm>> -> memref<2x400xi32, #tpu.memory_space<hbm>>
      %dma_start3A_207 = arith.constant 0 : i32
      %dma_start3A_208 = arith.constant 0 : i32
      %dma_start3A_209 = tpu.memref_slice %arg3[%run_scoped3A, %add3A, %dma_start3A_207, %dma_start3A_208] : memref<2x32x500x400xi32, #tpu.memory_space<hbm>> -> memref<1x1x2x400xi32, #tpu.memory_space<hbm>>
      %dma_start3A_210 = tpu.memref_squeeze %dma_start3A_209 : memref<1x1x2x400xi32, #tpu.memory_space<hbm>> -> memref<2x400xi32, #tpu.memory_space<hbm>>
      tpu.enqueue_dma source(%dma_start3A_210 : memref<2x400xi32, #tpu.memory_space<hbm>>) target(%arg6 : memref<2x400xi32, #tpu.memory_space<vmem>>) target_semaphore(%run_scoped3A_202 : memref<!tpu.dma_semaphore, #tpu.memory_space<semaphore_mem>>)
      %dma_wait3A_211 = arith.constant 0 : i32
      %dma_wait3A_212 = arith.constant 0 : i32
      %dma_wait3A_213 = tpu.memref_slice %arg3[%run_scoped3A, %add3A, %dma_wait3A_211, %dma_wait3A_212] : memref<2x32x500x400xi32, #tpu.memory_space<hbm>> -> memref<1x1x2x400xi32, #tpu.memory_space<hbm>>
      %dma_wait3A_214 = tpu.memref_squeeze %dma_wait3A_213 : memref<1x1x2x400xi32, #tpu.memory_space<hbm>> -> memref<2x400xi32, #tpu.memory_space<hbm>>
      %dma_wait3A_215 = arith.constant 0 : i32
      %dma_wait3A_216 = arith.constant 0 : i32
      %dma_wait3A_217 = tpu.memref_slice %arg3[%run_scoped3A, %add3A, %dma_wait3A_215, %dma_wait3A_216] : memref<2x32x500x400xi32, #tpu.memory_space<hbm>> -> memref<1x1x2x400xi32, #tpu.memory_space<hbm>>
      %dma_wait3A_218 = tpu.memref_squeeze %dma_wait3A_217 : memref<1x1x2x400xi32, #tpu.memory_space<hbm>> -> memref<2x400xi32, #tpu.memory_space<hbm>>
      tpu.wait_dma2 semaphore(%run_scoped3A_202 : memref<!tpu.dma_semaphore, #tpu.memory_space<semaphore_mem>>) src(%dma_wait3A_218 : memref<2x400xi32, #tpu.memory_space<hbm>>) dst(%arg6 : memref<2x400xi32, #tpu.memory_space<vmem>>)
      tpu.yield
    }) : () -> ()
    %run_scoped3A_3 = arith.constant 1 : i32
    "tpu.region"() ({
      %run_scoped3A_202 = tpu.sem_alloc : memref<!tpu.dma_semaphore, #tpu.memory_space<semaphore_mem>>
      %dma_start3A_203 = arith.constant 0 : i32
      %dma_start3A_204 = arith.constant 0 : i32
      %dma_start3A_205 = tpu.memref_slice %arg3[%run_scoped3A_3, %add3A, %dma_start3A_203, %dma_start3A_204] : memref<2x32x500x400xi32, #tpu.memory_space<hbm>> -> memref<1x1x2x400xi32, #tpu.memory_space<hbm>>
      %dma_start3A_206 = tpu.memref_squeeze %dma_start3A_205 : memref<1x1x2x400xi32, #tpu.memory_space<hbm>> -> memref<2x400xi32, #tpu.memory_space<hbm>>
      %dma_start3A_207 = arith.constant 0 : i32
      %dma_start3A_208 = arith.constant 0 : i32
      %dma_start3A_209 = tpu.memref_slice %arg3[%run_scoped3A_3, %add3A, %dma_start3A_207, %dma_start3A_208] : memref<2x32x500x400xi32, #tpu.memory_space<hbm>> -> memref<1x1x2x400xi32, #tpu.memory_space<hbm>>
      %dma_start3A_210 = tpu.memref_squeeze %dma_start3A_209 : memref<1x1x2x400xi32, #tpu.memory_space<hbm>> -> memref<2x400xi32, #tpu.memory_space<hbm>>
      tpu.enqueue_dma source(%dma_start3A_210 : memref<2x400xi32, #tpu.memory_space<hbm>>) target(%arg7 : memref<2x400xi32, #tpu.memory_space<vmem>>) target_semaphore(%run_scoped3A_202 : memref<!tpu.dma_semaphore, #tpu.memory_space<semaphore_mem>>)
      %dma_wait3A_211 = arith.constant 0 : i32
      %dma_wait3A_212 = arith.constant 0 : i32
      %dma_wait3A_213 = tpu.memref_slice %arg3[%run_scoped3A_3, %add3A, %dma_wait3A_211, %dma_wait3A_212] : memref<2x32x500x400xi32, #tpu.memory_space<hbm>> -> memref<1x1x2x400xi32, #tpu.memory_space<hbm>>
      %dma_wait3A_214 = tpu.memref_squeeze %dma_wait3A_213 : memref<1x1x2x400xi32, #tpu.memory_space<hbm>> -> memref<2x400xi32, #tpu.memory_space<hbm>>
      %dma_wait3A_215 = arith.constant 0 : i32
      %dma_wait3A_216 = arith.constant 0 : i32
      %dma_wait3A_217 = tpu.memref_slice %arg3[%run_scoped3A_3, %add3A, %dma_wait3A_215, %dma_wait3A_216] : memref<2x32x500x400xi32, #tpu.memory_space<hbm>> -> memref<1x1x2x400xi32, #tpu.memory_space<hbm>>
      %dma_wait3A_218 = tpu.memref_squeeze %dma_wait3A_217 : memref<1x1x2x400xi32, #tpu.memory_space<hbm>> -> memref<2x400xi32, #tpu.memory_space<hbm>>
      tpu.wait_dma2 semaphore(%run_scoped3A_202 : memref<!tpu.dma_semaphore, #tpu.memory_space<semaphore_mem>>) src(%dma_wait3A_218 : memref<2x400xi32, #tpu.memory_space<hbm>>) dst(%arg7 : memref<2x400xi32, #tpu.memory_space<vmem>>)
      tpu.yield
    }) : () -> ()
    %dma_start3A = arith.constant 0 : i32
    %dma_start3A_4 = arith.constant 0 : i32
    %dma_start3A_5 = arith.constant 0 : i32
    %dma_start3A_6 = arith.constant 0 : i32
    %dma_start3A_7 = tpu.memref_slice %arg10[%dma_start3A_4, %dma_start3A_5, %dma_start3A_6] : memref<2x400x16xf32, #tpu.memory_space<vmem>> -> memref<1x400x16xf32, #tpu.memory_space<vmem>>
    %dma_start3A_8 = tpu.memref_squeeze %dma_start3A_7 : memref<1x400x16xf32, #tpu.memory_space<vmem>> -> memref<400x16xf32, #tpu.memory_space<vmem>>
    %dma_start3A_9 = arith.constant 0 : i32
    %dma_start3A_10 = tpu.memref_slice %arg6[%dma_start3A, %dma_start3A_9] : memref<2x400xi32, #tpu.memory_space<vmem>> -> memref<1x400xi32, #tpu.memory_space<vmem>>
    %dma_start3A_11 = tpu.memref_squeeze %dma_start3A_10 : memref<1x400xi32, #tpu.memory_space<vmem>> -> memref<400xi32, #tpu.memory_space<vmem>>
    %dma_start3A_12 = arith.constant 0 : i32
    %dma_start3A_13 = arith.constant 0 : i32
    %dma_start3A_14 = tpu.memref_slice %arg2[%dma_start3A_12, %dma_start3A_13] : memref<100352x16xf32, #tpu.memory_space<hbm>> -> memref<100352x16xf32, #tpu.memory_space<hbm>>
    tpu.enqueue_indirect_dma source(%dma_start3A_14 : memref<100352x16xf32, #tpu.memory_space<hbm>>) target(%dma_start3A_8 : memref<400x16xf32, #tpu.memory_space<vmem>>) offsets(%dma_start3A_11 : memref<400xi32, #tpu.memory_space<vmem>>) semaphore(%arg13 : memref<!tpu.dma_semaphore, #tpu.memory_space<semaphore_mem>>)
    %dma_start3A_15 = arith.constant 1 : i32
    %dma_start3A_16 = arith.constant 1 : i32
    %dma_start3A_17 = arith.constant 0 : i32
    %dma_start3A_18 = arith.constant 0 : i32
    %dma_start3A_19 = tpu.memref_slice %arg10[%dma_start3A_16, %dma_start3A_17, %dma_start3A_18] : memref<2x400x16xf32, #tpu.memory_space<vmem>> -> memref<1x400x16xf32, #tpu.memory_space<vmem>>
    %dma_start3A_20 = tpu.memref_squeeze %dma_start3A_19 : memref<1x400x16xf32, #tpu.memory_space<vmem>> -> memref<400x16xf32, #tpu.memory_space<vmem>>
    %dma_start3A_21 = arith.constant 0 : i32
    %dma_start3A_22 = tpu.memref_slice %arg6[%dma_start3A_15, %dma_start3A_21] : memref<2x400xi32, #tpu.memory_space<vmem>> -> memref<1x400xi32, #tpu.memory_space<vmem>>
    %dma_start3A_23 = tpu.memref_squeeze %dma_start3A_22 : memref<1x400xi32, #tpu.memory_space<vmem>> -> memref<400xi32, #tpu.memory_space<vmem>>
    %dma_start3A_24 = arith.constant 0 : i32
    %dma_start3A_25 = arith.constant 0 : i32
    %dma_start3A_26 = tpu.memref_slice %arg2[%dma_start3A_24, %dma_start3A_25] : memref<100352x16xf32, #tpu.memory_space<hbm>> -> memref<100352x16xf32, #tpu.memory_space<hbm>>
    tpu.enqueue_indirect_dma source(%dma_start3A_26 : memref<100352x16xf32, #tpu.memory_space<hbm>>) target(%dma_start3A_20 : memref<400x16xf32, #tpu.memory_space<vmem>>) offsets(%dma_start3A_23 : memref<400xi32, #tpu.memory_space<vmem>>) semaphore(%arg13 : memref<!tpu.dma_semaphore, #tpu.memory_space<semaphore_mem>>)
    %run_scoped3A_27 = arith.constant 0 : i32
    "tpu.region"() ({
      %run_scoped3A_202 = tpu.sem_alloc : memref<!tpu.dma_semaphore, #tpu.memory_space<semaphore_mem>>
      %dma_start3A_203 = arith.constant 2 : i32
      %dma_start3A_204 = arith.constant 0 : i32
      %dma_start3A_205 = tpu.memref_slice %arg3[%run_scoped3A_27, %add3A, %dma_start3A_203, %dma_start3A_204] : memref<2x32x500x400xi32, #tpu.memory_space<hbm>> -> memref<1x1x2x400xi32, #tpu.memory_space<hbm>>
      %dma_start3A_206 = tpu.memref_squeeze %dma_start3A_205 : memref<1x1x2x400xi32, #tpu.memory_space<hbm>> -> memref<2x400xi32, #tpu.memory_space<hbm>>
      %dma_start3A_207 = arith.constant 2 : i32
      %dma_start3A_208 = arith.constant 0 : i32
      %dma_start3A_209 = tpu.memref_slice %arg3[%run_scoped3A_27, %add3A, %dma_start3A_207, %dma_start3A_208] : memref<2x32x500x400xi32, #tpu.memory_space<hbm>> -> memref<1x1x2x400xi32, #tpu.memory_space<hbm>>
      %dma_start3A_210 = tpu.memref_squeeze %dma_start3A_209 : memref<1x1x2x400xi32, #tpu.memory_space<hbm>> -> memref<2x400xi32, #tpu.memory_space<hbm>>
      tpu.enqueue_dma source(%dma_start3A_210 : memref<2x400xi32, #tpu.memory_space<hbm>>) target(%arg8 : memref<2x400xi32, #tpu.memory_space<vmem>>) target_semaphore(%run_scoped3A_202 : memref<!tpu.dma_semaphore, #tpu.memory_space<semaphore_mem>>)
      %dma_wait3A_211 = arith.constant 2 : i32
      %dma_wait3A_212 = arith.constant 0 : i32
      %dma_wait3A_213 = tpu.memref_slice %arg3[%run_scoped3A_27, %add3A, %dma_wait3A_211, %dma_wait3A_212] : memref<2x32x500x400xi32, #tpu.memory_space<hbm>> -> memref<1x1x2x400xi32, #tpu.memory_space<hbm>>
      %dma_wait3A_214 = tpu.memref_squeeze %dma_wait3A_213 : memref<1x1x2x400xi32, #tpu.memory_space<hbm>> -> memref<2x400xi32, #tpu.memory_space<hbm>>
      %dma_wait3A_215 = arith.constant 2 : i32
      %dma_wait3A_216 = arith.constant 0 : i32
      %dma_wait3A_217 = tpu.memref_slice %arg3[%run_scoped3A_27, %add3A, %dma_wait3A_215, %dma_wait3A_216] : memref<2x32x500x400xi32, #tpu.memory_space<hbm>> -> memref<1x1x2x400xi32, #tpu.memory_space<hbm>>
      %dma_wait3A_218 = tpu.memref_squeeze %dma_wait3A_217 : memref<1x1x2x400xi32, #tpu.memory_space<hbm>> -> memref<2x400xi32, #tpu.memory_space<hbm>>
      tpu.wait_dma2 semaphore(%run_scoped3A_202 : memref<!tpu.dma_semaphore, #tpu.memory_space<semaphore_mem>>) src(%dma_wait3A_218 : memref<2x400xi32, #tpu.memory_space<hbm>>) dst(%arg8 : memref<2x400xi32, #tpu.memory_space<vmem>>)
      tpu.yield
    }) : () -> ()
    %run_scoped3A_28 = arith.constant 1 : i32
    "tpu.region"() ({
      %run_scoped3A_202 = tpu.sem_alloc : memref<!tpu.dma_semaphore, #tpu.memory_space<semaphore_mem>>
      %dma_start3A_203 = arith.constant 2 : i32
      %dma_start3A_204 = arith.constant 0 : i32
      %dma_start3A_205 = tpu.memref_slice %arg3[%run_scoped3A_28, %add3A, %dma_start3A_203, %dma_start3A_204] : memref<2x32x500x400xi32, #tpu.memory_space<hbm>> -> memref<1x1x2x400xi32, #tpu.memory_space<hbm>>
      %dma_start3A_206 = tpu.memref_squeeze %dma_start3A_205 : memref<1x1x2x400xi32, #tpu.memory_space<hbm>> -> memref<2x400xi32, #tpu.memory_space<hbm>>
      %dma_start3A_207 = arith.constant 2 : i32
      %dma_start3A_208 = arith.constant 0 : i32
      %dma_start3A_209 = tpu.memref_slice %arg3[%run_scoped3A_28, %add3A, %dma_start3A_207, %dma_start3A_208] : memref<2x32x500x400xi32, #tpu.memory_space<hbm>> -> memref<1x1x2x400xi32, #tpu.memory_space<hbm>>
      %dma_start3A_210 = tpu.memref_squeeze %dma_start3A_209 : memref<1x1x2x400xi32, #tpu.memory_space<hbm>> -> memref<2x400xi32, #tpu.memory_space<hbm>>
      tpu.enqueue_dma source(%dma_start3A_210 : memref<2x400xi32, #tpu.memory_space<hbm>>) target(%arg9 : memref<2x400xi32, #tpu.memory_space<vmem>>) target_semaphore(%run_scoped3A_202 : memref<!tpu.dma_semaphore, #tpu.memory_space<semaphore_mem>>)
      %dma_wait3A_211 = arith.constant 2 : i32
      %dma_wait3A_212 = arith.constant 0 : i32
      %dma_wait3A_213 = tpu.memref_slice %arg3[%run_scoped3A_28, %add3A, %dma_wait3A_211, %dma_wait3A_212] : memref<2x32x500x400xi32, #tpu.memory_space<hbm>> -> memref<1x1x2x400xi32, #tpu.memory_space<hbm>>
      %dma_wait3A_214 = tpu.memref_squeeze %dma_wait3A_213 : memref<1x1x2x400xi32, #tpu.memory_space<hbm>> -> memref<2x400xi32, #tpu.memory_space<hbm>>
      %dma_wait3A_215 = arith.constant 2 : i32
      %dma_wait3A_216 = arith.constant 0 : i32
      %dma_wait3A_217 = tpu.memref_slice %arg3[%run_scoped3A_28, %add3A, %dma_wait3A_215, %dma_wait3A_216] : memref<2x32x500x400xi32, #tpu.memory_space<hbm>> -> memref<1x1x2x400xi32, #tpu.memory_space<hbm>>
      %dma_wait3A_218 = tpu.memref_squeeze %dma_wait3A_217 : memref<1x1x2x400xi32, #tpu.memory_space<hbm>> -> memref<2x400xi32, #tpu.memory_space<hbm>>
      tpu.wait_dma2 semaphore(%run_scoped3A_202 : memref<!tpu.dma_semaphore, #tpu.memory_space<semaphore_mem>>) src(%dma_wait3A_218 : memref<2x400xi32, #tpu.memory_space<hbm>>) dst(%arg9 : memref<2x400xi32, #tpu.memory_space<vmem>>)
      tpu.yield
    }) : () -> ()
    %dma_start3A_29 = arith.constant 0 : i32
    %dma_start3A_30 = arith.constant 0 : i32
    %dma_start3A_31 = arith.constant 0 : i32
    %dma_start3A_32 = arith.constant 0 : i32
    %dma_start3A_33 = tpu.memref_slice %arg11[%dma_start3A_30, %dma_start3A_31, %dma_start3A_32] : memref<2x400x16xf32, #tpu.memory_space<vmem>> -> memref<1x400x16xf32, #tpu.memory_space<vmem>>
    %dma_start3A_34 = tpu.memref_squeeze %dma_start3A_33 : memref<1x400x16xf32, #tpu.memory_space<vmem>> -> memref<400x16xf32, #tpu.memory_space<vmem>>
    %dma_start3A_35 = arith.constant 0 : i32
    %dma_start3A_36 = tpu.memref_slice %arg8[%dma_start3A_29, %dma_start3A_35] : memref<2x400xi32, #tpu.memory_space<vmem>> -> memref<1x400xi32, #tpu.memory_space<vmem>>
    %dma_start3A_37 = tpu.memref_squeeze %dma_start3A_36 : memref<1x400xi32, #tpu.memory_space<vmem>> -> memref<400xi32, #tpu.memory_space<vmem>>
    %dma_start3A_38 = arith.constant 0 : i32
    %dma_start3A_39 = arith.constant 0 : i32
    %dma_start3A_40 = tpu.memref_slice %arg2[%dma_start3A_38, %dma_start3A_39] : memref<100352x16xf32, #tpu.memory_space<hbm>> -> memref<100352x16xf32, #tpu.memory_space<hbm>>
    tpu.enqueue_indirect_dma source(%dma_start3A_40 : memref<100352x16xf32, #tpu.memory_space<hbm>>) target(%dma_start3A_34 : memref<400x16xf32, #tpu.memory_space<vmem>>) offsets(%dma_start3A_37 : memref<400xi32, #tpu.memory_space<vmem>>) semaphore(%arg14 : memref<!tpu.dma_semaphore, #tpu.memory_space<semaphore_mem>>)
    %dma_start3A_41 = arith.constant 1 : i32
    %dma_start3A_42 = arith.constant 1 : i32
    %dma_start3A_43 = arith.constant 0 : i32
    %dma_start3A_44 = arith.constant 0 : i32
    %dma_start3A_45 = tpu.memref_slice %arg11[%dma_start3A_42, %dma_start3A_43, %dma_start3A_44] : memref<2x400x16xf32, #tpu.memory_space<vmem>> -> memref<1x400x16xf32, #tpu.memory_space<vmem>>
    %dma_start3A_46 = tpu.memref_squeeze %dma_start3A_45 : memref<1x400x16xf32, #tpu.memory_space<vmem>> -> memref<400x16xf32, #tpu.memory_space<vmem>>
    %dma_start3A_47 = arith.constant 0 : i32
    %dma_start3A_48 = tpu.memref_slice %arg8[%dma_start3A_41, %dma_start3A_47] : memref<2x400xi32, #tpu.memory_space<vmem>> -> memref<1x400xi32, #tpu.memory_space<vmem>>
    %dma_start3A_49 = tpu.memref_squeeze %dma_start3A_48 : memref<1x400xi32, #tpu.memory_space<vmem>> -> memref<400xi32, #tpu.memory_space<vmem>>
    %dma_start3A_50 = arith.constant 0 : i32
    %dma_start3A_51 = arith.constant 0 : i32
    %dma_start3A_52 = tpu.memref_slice %arg2[%dma_start3A_50, %dma_start3A_51] : memref<100352x16xf32, #tpu.memory_space<hbm>> -> memref<100352x16xf32, #tpu.memory_space<hbm>>
    tpu.enqueue_indirect_dma source(%dma_start3A_52 : memref<100352x16xf32, #tpu.memory_space<hbm>>) target(%dma_start3A_46 : memref<400x16xf32, #tpu.memory_space<vmem>>) offsets(%dma_start3A_49 : memref<400xi32, #tpu.memory_space<vmem>>) semaphore(%arg14 : memref<!tpu.dma_semaphore, #tpu.memory_space<semaphore_mem>>)
    %scan3A = arith.constant 0 : i32
    %scan3A_53 = arith.constant 0 : i32
    %scan3A_54 = arith.constant 124 : i32
    %scan3A_55 = arith.addi %scan3A_53, %scan3A_54 : i32
    %scan3A_56 = arith.constant 1 : i32
    scf.for %scan3A_202 = %scan3A_53 to %scan3A_55 step %scan3A_56  : i32 {
      %mul3A_203 = arith.constant 2 : i32
      %mul3A_204 = arith.muli %mul3A_203, %scan3A_202 : i32
      %add3A_205 = arith.constant 2 : i32
      %add3A_206 = arith.addi %mul3A_204, %add3A_205 : i32
      %dma_wait3A_207 = arith.constant 0 : i32
      %dma_wait3A_208 = arith.constant 0 : i32
      %dma_wait3A_209 = arith.constant 0 : i32
      %dma_wait3A_210 = arith.constant 0 : i32
      %dma_wait3A_211 = tpu.memref_slice %arg10[%dma_wait3A_208, %dma_wait3A_209, %dma_wait3A_210] : memref<2x400x16xf32, #tpu.memory_space<vmem>> -> memref<1x400x16xf32, #tpu.memory_space<vmem>>
      %dma_wait3A_212 = tpu.memref_squeeze %dma_wait3A_211 : memref<1x400x16xf32, #tpu.memory_space<vmem>> -> memref<400x16xf32, #tpu.memory_space<vmem>>
      %dma_wait3A_213 = arith.constant 0 : i32
      %dma_wait3A_214 = tpu.memref_slice %arg6[%dma_wait3A_207, %dma_wait3A_213] : memref<2x400xi32, #tpu.memory_space<vmem>> -> memref<1x400xi32, #tpu.memory_space<vmem>>
      %dma_wait3A_215 = tpu.memref_squeeze %dma_wait3A_214 : memref<1x400xi32, #tpu.memory_space<vmem>> -> memref<400xi32, #tpu.memory_space<vmem>>
      %dma_wait3A_216 = arith.constant 0 : i32
      %dma_wait3A_217 = arith.constant 0 : i32
      %dma_wait3A_218 = tpu.memref_slice %arg2[%dma_wait3A_216, %dma_wait3A_217] : memref<100352x16xf32, #tpu.memory_space<hbm>> -> memref<100352x16xf32, #tpu.memory_space<hbm>>
      tpu.wait_indirect_dma semaphore(%arg13 : memref<!tpu.dma_semaphore, #tpu.memory_space<semaphore_mem>>) src(%dma_wait3A_218 : memref<100352x16xf32, #tpu.memory_space<hbm>>) dst(%dma_wait3A_212 : memref<400x16xf32, #tpu.memory_space<vmem>>)
      %dma_wait3A_219 = arith.constant 1 : i32
      %dma_wait3A_220 = arith.constant 1 : i32
      %dma_wait3A_221 = arith.constant 0 : i32
      %dma_wait3A_222 = arith.constant 0 : i32
      %dma_wait3A_223 = tpu.memref_slice %arg10[%dma_wait3A_220, %dma_wait3A_221, %dma_wait3A_222] : memref<2x400x16xf32, #tpu.memory_space<vmem>> -> memref<1x400x16xf32, #tpu.memory_space<vmem>>
      %dma_wait3A_224 = tpu.memref_squeeze %dma_wait3A_223 : memref<1x400x16xf32, #tpu.memory_space<vmem>> -> memref<400x16xf32, #tpu.memory_space<vmem>>
      %dma_wait3A_225 = arith.constant 0 : i32
      %dma_wait3A_226 = tpu.memref_slice %arg6[%dma_wait3A_219, %dma_wait3A_225] : memref<2x400xi32, #tpu.memory_space<vmem>> -> memref<1x400xi32, #tpu.memory_space<vmem>>
      %dma_wait3A_227 = tpu.memref_squeeze %dma_wait3A_226 : memref<1x400xi32, #tpu.memory_space<vmem>> -> memref<400xi32, #tpu.memory_space<vmem>>
      %dma_wait3A_228 = arith.constant 0 : i32
      %dma_wait3A_229 = arith.constant 0 : i32
      %dma_wait3A_230 = tpu.memref_slice %arg2[%dma_wait3A_228, %dma_wait3A_229] : memref<100352x16xf32, #tpu.memory_space<hbm>> -> memref<100352x16xf32, #tpu.memory_space<hbm>>
      tpu.wait_indirect_dma semaphore(%arg13 : memref<!tpu.dma_semaphore, #tpu.memory_space<semaphore_mem>>) src(%dma_wait3A_230 : memref<100352x16xf32, #tpu.memory_space<hbm>>) dst(%dma_wait3A_224 : memref<400x16xf32, #tpu.memory_space<vmem>>)
      %dma_start3A_231 = arith.constant 0 : i32
      %dma_start3A_232 = arith.constant 0 : i32
      %dma_start3A_233 = arith.constant 0 : i32
      %dma_start3A_234 = arith.constant 0 : i32
      %dma_start3A_235 = tpu.memref_slice %arg10[%dma_start3A_231, %dma_start3A_233, %dma_start3A_234] : memref<2x400x16xf32, #tpu.memory_space<vmem>> -> memref<1x400x16xf32, #tpu.memory_space<vmem>>
      %dma_start3A_236 = tpu.memref_squeeze %dma_start3A_235 : memref<1x400x16xf32, #tpu.memory_space<vmem>> -> memref<400x16xf32, #tpu.memory_space<vmem>>
      %dma_start3A_237 = arith.constant 0 : i32
      %dma_start3A_238 = tpu.memref_slice %arg7[%dma_start3A_232, %dma_start3A_237] : memref<2x400xi32, #tpu.memory_space<vmem>> -> memref<1x400xi32, #tpu.memory_space<vmem>>
      %dma_start3A_239 = tpu.memref_squeeze %dma_start3A_238 : memref<1x400xi32, #tpu.memory_space<vmem>> -> memref<400xi32, #tpu.memory_space<vmem>>
      %dma_start3A_240 = arith.constant 0 : i32
      %dma_start3A_241 = arith.constant 0 : i32
      %dma_start3A_242 = tpu.memref_slice %arg12[%dma_start3A_240, %dma_start3A_241] : memref<100352x16xf32, #tpu.memory_space<vmem_shared>> -> memref<100352x16xf32, #tpu.memory_space<vmem_shared>>
      tpu.enqueue_indirect_dma source(%dma_start3A_236 : memref<400x16xf32, #tpu.memory_space<vmem>>) target(%dma_start3A_242 : memref<100352x16xf32, #tpu.memory_space<vmem_shared>>) offsets(%dma_start3A_239 : memref<400xi32, #tpu.memory_space<vmem>>) semaphore(%arg15 : memref<!tpu.dma_semaphore, #tpu.memory_space<semaphore_mem>>) {add = true}
      %dma_start3A_243 = arith.constant 1 : i32
      %dma_start3A_244 = arith.constant 1 : i32
      %dma_start3A_245 = arith.constant 0 : i32
      %dma_start3A_246 = arith.constant 0 : i32
      %dma_start3A_247 = tpu.memref_slice %arg10[%dma_start3A_243, %dma_start3A_245, %dma_start3A_246] : memref<2x400x16xf32, #tpu.memory_space<vmem>> -> memref<1x400x16xf32, #tpu.memory_space<vmem>>
      %dma_start3A_248 = tpu.memref_squeeze %dma_start3A_247 : memref<1x400x16xf32, #tpu.memory_space<vmem>> -> memref<400x16xf32, #tpu.memory_space<vmem>>
      %dma_start3A_249 = arith.constant 0 : i32
      %dma_start3A_250 = tpu.memref_slice %arg7[%dma_start3A_244, %dma_start3A_249] : memref<2x400xi32, #tpu.memory_space<vmem>> -> memref<1x400xi32, #tpu.memory_space<vmem>>
      %dma_start3A_251 = tpu.memref_squeeze %dma_start3A_250 : memref<1x400xi32, #tpu.memory_space<vmem>> -> memref<400xi32, #tpu.memory_space<vmem>>
      %dma_start3A_252 = arith.constant 0 : i32
      %dma_start3A_253 = arith.constant 0 : i32
      %dma_start3A_254 = tpu.memref_slice %arg12[%dma_start3A_252, %dma_start3A_253] : memref<100352x16xf32, #tpu.memory_space<vmem_shared>> -> memref<100352x16xf32, #tpu.memory_space<vmem_shared>>
      tpu.enqueue_indirect_dma source(%dma_start3A_248 : memref<400x16xf32, #tpu.memory_space<vmem>>) target(%dma_start3A_254 : memref<100352x16xf32, #tpu.memory_space<vmem_shared>>) offsets(%dma_start3A_251 : memref<400xi32, #tpu.memory_space<vmem>>) semaphore(%arg15 : memref<!tpu.dma_semaphore, #tpu.memory_space<semaphore_mem>>) {add = true}
      %dma_wait3A_255 = arith.constant 0 : i32
      %dma_wait3A_256 = arith.constant 0 : i32
      %dma_wait3A_257 = arith.constant 0 : i32
      %dma_wait3A_258 = arith.constant 0 : i32
      %dma_wait3A_259 = tpu.memref_slice %arg10[%dma_wait3A_255, %dma_wait3A_257, %dma_wait3A_258] : memref<2x400x16xf32, #tpu.memory_space<vmem>> -> memref<1x400x16xf32, #tpu.memory_space<vmem>>
      %dma_wait3A_260 = tpu.memref_squeeze %dma_wait3A_259 : memref<1x400x16xf32, #tpu.memory_space<vmem>> -> memref<400x16xf32, #tpu.memory_space<vmem>>
      %dma_wait3A_261 = arith.constant 0 : i32
      %dma_wait3A_262 = tpu.memref_slice %arg7[%dma_wait3A_256, %dma_wait3A_261] : memref<2x400xi32, #tpu.memory_space<vmem>> -> memref<1x400xi32, #tpu.memory_space<vmem>>
      %dma_wait3A_263 = tpu.memref_squeeze %dma_wait3A_262 : memref<1x400xi32, #tpu.memory_space<vmem>> -> memref<400xi32, #tpu.memory_space<vmem>>
      %dma_wait3A_264 = arith.constant 0 : i32
      %dma_wait3A_265 = arith.constant 0 : i32
      %dma_wait3A_266 = tpu.memref_slice %arg12[%dma_wait3A_264, %dma_wait3A_265] : memref<100352x16xf32, #tpu.memory_space<vmem_shared>> -> memref<100352x16xf32, #tpu.memory_space<vmem_shared>>
      tpu.wait_indirect_dma semaphore(%arg15 : memref<!tpu.dma_semaphore, #tpu.memory_space<semaphore_mem>>) src(%dma_wait3A_260 : memref<400x16xf32, #tpu.memory_space<vmem>>) dst(%dma_wait3A_266 : memref<100352x16xf32, #tpu.memory_space<vmem_shared>>)
      %dma_wait3A_267 = arith.constant 1 : i32
      %dma_wait3A_268 = arith.constant 1 : i32
      %dma_wait3A_269 = arith.constant 0 : i32
      %dma_wait3A_270 = arith.constant 0 : i32
      %dma_wait3A_271 = tpu.memref_slice %arg10[%dma_wait3A_267, %dma_wait3A_269, %dma_wait3A_270] : memref<2x400x16xf32, #tpu.memory_space<vmem>> -> memref<1x400x16xf32, #tpu.memory_space<vmem>>
      %dma_wait3A_272 = tpu.memref_squeeze %dma_wait3A_271 : memref<1x400x16xf32, #tpu.memory_space<vmem>> -> memref<400x16xf32, #tpu.memory_space<vmem>>
      %dma_wait3A_273 = arith.constant 0 : i32
      %dma_wait3A_274 = tpu.memref_slice %arg7[%dma_wait3A_268, %dma_wait3A_273] : memref<2x400xi32, #tpu.memory_space<vmem>> -> memref<1x400xi32, #tpu.memory_space<vmem>>
      %dma_wait3A_275 = tpu.memref_squeeze %dma_wait3A_274 : memref<1x400xi32, #tpu.memory_space<vmem>> -> memref<400xi32, #tpu.memory_space<vmem>>
      %dma_wait3A_276 = arith.constant 0 : i32
      %dma_wait3A_277 = arith.constant 0 : i32
      %dma_wait3A_278 = tpu.memref_slice %arg12[%dma_wait3A_276, %dma_wait3A_277] : memref<100352x16xf32, #tpu.memory_space<vmem_shared>> -> memref<100352x16xf32, #tpu.memory_space<vmem_shared>>
      tpu.wait_indirect_dma semaphore(%arg15 : memref<!tpu.dma_semaphore, #tpu.memory_space<semaphore_mem>>) src(%dma_wait3A_272 : memref<400x16xf32, #tpu.memory_space<vmem>>) dst(%dma_wait3A_278 : memref<100352x16xf32, #tpu.memory_space<vmem_shared>>)
      %mul3A_279 = arith.constant 2 : i32
      %mul3A_280 = arith.muli %add3A_206, %mul3A_279 : i32
      %run_scoped3A_281 = arith.constant 0 : i32
      "tpu.region"() ({
        %run_scoped3A_415 = tpu.sem_alloc : memref<!tpu.dma_semaphore, #tpu.memory_space<semaphore_mem>>
        %dma_start3A_416 = arith.constant 0 : i32
        %dma_start3A_417 = tpu.memref_slice %arg3[%run_scoped3A_281, %add3A, %mul3A_280, %dma_start3A_416] : memref<2x32x500x400xi32, #tpu.memory_space<hbm>> -> memref<1x1x2x400xi32, #tpu.memory_space<hbm>>
        %dma_start3A_418 = tpu.memref_squeeze %dma_start3A_417 : memref<1x1x2x400xi32, #tpu.memory_space<hbm>> -> memref<2x400xi32, #tpu.memory_space<hbm>>
        %dma_start3A_419 = arith.constant 0 : i32
        %dma_start3A_420 = tpu.memref_slice %arg3[%run_scoped3A_281, %add3A, %mul3A_280, %dma_start3A_419] : memref<2x32x500x400xi32, #tpu.memory_space<hbm>> -> memref<1x1x2x400xi32, #tpu.memory_space<hbm>>
        %dma_start3A_421 = tpu.memref_squeeze %dma_start3A_420 : memref<1x1x2x400xi32, #tpu.memory_space<hbm>> -> memref<2x400xi32, #tpu.memory_space<hbm>>
        tpu.enqueue_dma source(%dma_start3A_421 : memref<2x400xi32, #tpu.memory_space<hbm>>) target(%arg6 : memref<2x400xi32, #tpu.memory_space<vmem>>) target_semaphore(%run_scoped3A_415 : memref<!tpu.dma_semaphore, #tpu.memory_space<semaphore_mem>>)
        %dma_wait3A_422 = arith.constant 0 : i32
        %dma_wait3A_423 = tpu.memref_slice %arg3[%run_scoped3A_281, %add3A, %mul3A_280, %dma_wait3A_422] : memref<2x32x500x400xi32, #tpu.memory_space<hbm>> -> memref<1x1x2x400xi32, #tpu.memory_space<hbm>>
        %dma_wait3A_424 = tpu.memref_squeeze %dma_wait3A_423 : memref<1x1x2x400xi32, #tpu.memory_space<hbm>> -> memref<2x400xi32, #tpu.memory_space<hbm>>
        %dma_wait3A_425 = arith.constant 0 : i32
        %dma_wait3A_426 = tpu.memref_slice %arg3[%run_scoped3A_281, %add3A, %mul3A_280, %dma_wait3A_425] : memref<2x32x500x400xi32, #tpu.memory_space<hbm>> -> memref<1x1x2x400xi32, #tpu.memory_space<hbm>>
        %dma_wait3A_427 = tpu.memref_squeeze %dma_wait3A_426 : memref<1x1x2x400xi32, #tpu.memory_space<hbm>> -> memref<2x400xi32, #tpu.memory_space<hbm>>
        tpu.wait_dma2 semaphore(%run_scoped3A_415 : memref<!tpu.dma_semaphore, #tpu.memory_space<semaphore_mem>>) src(%dma_wait3A_427 : memref<2x400xi32, #tpu.memory_space<hbm>>) dst(%arg6 : memref<2x400xi32, #tpu.memory_space<vmem>>)
        tpu.yield
      }) : () -> ()
      %mul3A_282 = arith.constant 2 : i32
      %mul3A_283 = arith.muli %add3A_206, %mul3A_282 : i32
      %run_scoped3A_284 = arith.constant 1 : i32
      "tpu.region"() ({
        %run_scoped3A_415 = tpu.sem_alloc : memref<!tpu.dma_semaphore, #tpu.memory_space<semaphore_mem>>
        %dma_start3A_416 = arith.constant 0 : i32
        %dma_start3A_417 = tpu.memref_slice %arg3[%run_scoped3A_284, %add3A, %mul3A_283, %dma_start3A_416] : memref<2x32x500x400xi32, #tpu.memory_space<hbm>> -> memref<1x1x2x400xi32, #tpu.memory_space<hbm>>
        %dma_start3A_418 = tpu.memref_squeeze %dma_start3A_417 : memref<1x1x2x400xi32, #tpu.memory_space<hbm>> -> memref<2x400xi32, #tpu.memory_space<hbm>>
        %dma_start3A_419 = arith.constant 0 : i32
        %dma_start3A_420 = tpu.memref_slice %arg3[%run_scoped3A_284, %add3A, %mul3A_283, %dma_start3A_419] : memref<2x32x500x400xi32, #tpu.memory_space<hbm>> -> memref<1x1x2x400xi32, #tpu.memory_space<hbm>>
        %dma_start3A_421 = tpu.memref_squeeze %dma_start3A_420 : memref<1x1x2x400xi32, #tpu.memory_space<hbm>> -> memref<2x400xi32, #tpu.memory_space<hbm>>
        tpu.enqueue_dma source(%dma_start3A_421 : memref<2x400xi32, #tpu.memory_space<hbm>>) target(%arg7 : memref<2x400xi32, #tpu.memory_space<vmem>>) target_semaphore(%run_scoped3A_415 : memref<!tpu.dma_semaphore, #tpu.memory_space<semaphore_mem>>)
        %dma_wait3A_422 = arith.constant 0 : i32
        %dma_wait3A_423 = tpu.memref_slice %arg3[%run_scoped3A_284, %add3A, %mul3A_283, %dma_wait3A_422] : memref<2x32x500x400xi32, #tpu.memory_space<hbm>> -> memref<1x1x2x400xi32, #tpu.memory_space<hbm>>
        %dma_wait3A_424 = tpu.memref_squeeze %dma_wait3A_423 : memref<1x1x2x400xi32, #tpu.memory_space<hbm>> -> memref<2x400xi32, #tpu.memory_space<hbm>>
        %dma_wait3A_425 = arith.constant 0 : i32
        %dma_wait3A_426 = tpu.memref_slice %arg3[%run_scoped3A_284, %add3A, %mul3A_283, %dma_wait3A_425] : memref<2x32x500x400xi32, #tpu.memory_space<hbm>> -> memref<1x1x2x400xi32, #tpu.memory_space<hbm>>
        %dma_wait3A_427 = tpu.memref_squeeze %dma_wait3A_426 : memref<1x1x2x400xi32, #tpu.memory_space<hbm>> -> memref<2x400xi32, #tpu.memory_space<hbm>>
        tpu.wait_dma2 semaphore(%run_scoped3A_415 : memref<!tpu.dma_semaphore, #tpu.memory_space<semaphore_mem>>) src(%dma_wait3A_427 : memref<2x400xi32, #tpu.memory_space<hbm>>) dst(%arg7 : memref<2x400xi32, #tpu.memory_space<vmem>>)
        tpu.yield
      }) : () -> ()
      %dma_start3A_285 = arith.constant 0 : i32
      %dma_start3A_286 = arith.constant 0 : i32
      %dma_start3A_287 = arith.constant 0 : i32
      %dma_start3A_288 = arith.constant 0 : i32
      %dma_start3A_289 = tpu.memref_slice %arg10[%dma_start3A_286, %dma_start3A_287, %dma_start3A_288] : memref<2x400x16xf32, #tpu.memory_space<vmem>> -> memref<1x400x16xf32, #tpu.memory_space<vmem>>
      %dma_start3A_290 = tpu.memref_squeeze %dma_start3A_289 : memref<1x400x16xf32, #tpu.memory_space<vmem>> -> memref<400x16xf32, #tpu.memory_space<vmem>>
      %dma_start3A_291 = arith.constant 0 : i32
      %dma_start3A_292 = tpu.memref_slice %arg6[%dma_start3A_285, %dma_start3A_291] : memref<2x400xi32, #tpu.memory_space<vmem>> -> memref<1x400xi32, #tpu.memory_space<vmem>>
      %dma_start3A_293 = tpu.memref_squeeze %dma_start3A_292 : memref<1x400xi32, #tpu.memory_space<vmem>> -> memref<400xi32, #tpu.memory_space<vmem>>
      %dma_start3A_294 = arith.constant 0 : i32
      %dma_start3A_295 = arith.constant 0 : i32
      %dma_start3A_296 = tpu.memref_slice %arg2[%dma_start3A_294, %dma_start3A_295] : memref<100352x16xf32, #tpu.memory_space<hbm>> -> memref<100352x16xf32, #tpu.memory_space<hbm>>
      tpu.enqueue_indirect_dma source(%dma_start3A_296 : memref<100352x16xf32, #tpu.memory_space<hbm>>) target(%dma_start3A_290 : memref<400x16xf32, #tpu.memory_space<vmem>>) offsets(%dma_start3A_293 : memref<400xi32, #tpu.memory_space<vmem>>) semaphore(%arg13 : memref<!tpu.dma_semaphore, #tpu.memory_space<semaphore_mem>>)
      %dma_start3A_297 = arith.constant 1 : i32
      %dma_start3A_298 = arith.constant 1 : i32
      %dma_start3A_299 = arith.constant 0 : i32
      %dma_start3A_300 = arith.constant 0 : i32
      %dma_start3A_301 = tpu.memref_slice %arg10[%dma_start3A_298, %dma_start3A_299, %dma_start3A_300] : memref<2x400x16xf32, #tpu.memory_space<vmem>> -> memref<1x400x16xf32, #tpu.memory_space<vmem>>
      %dma_start3A_302 = tpu.memref_squeeze %dma_start3A_301 : memref<1x400x16xf32, #tpu.memory_space<vmem>> -> memref<400x16xf32, #tpu.memory_space<vmem>>
      %dma_start3A_303 = arith.constant 0 : i32
      %dma_start3A_304 = tpu.memref_slice %arg6[%dma_start3A_297, %dma_start3A_303] : memref<2x400xi32, #tpu.memory_space<vmem>> -> memref<1x400xi32, #tpu.memory_space<vmem>>
      %dma_start3A_305 = tpu.memref_squeeze %dma_start3A_304 : memref<1x400xi32, #tpu.memory_space<vmem>> -> memref<400xi32, #tpu.memory_space<vmem>>
      %dma_start3A_306 = arith.constant 0 : i32
      %dma_start3A_307 = arith.constant 0 : i32
      %dma_start3A_308 = tpu.memref_slice %arg2[%dma_start3A_306, %dma_start3A_307] : memref<100352x16xf32, #tpu.memory_space<hbm>> -> memref<100352x16xf32, #tpu.memory_space<hbm>>
      tpu.enqueue_indirect_dma source(%dma_start3A_308 : memref<100352x16xf32, #tpu.memory_space<hbm>>) target(%dma_start3A_302 : memref<400x16xf32, #tpu.memory_space<vmem>>) offsets(%dma_start3A_305 : memref<400xi32, #tpu.memory_space<vmem>>) semaphore(%arg13 : memref<!tpu.dma_semaphore, #tpu.memory_space<semaphore_mem>>)
      %mul3A_309 = arith.constant 2 : i32
      %mul3A_310 = arith.muli %mul3A_309, %scan3A_202 : i32
      %add3A_311 = arith.constant 3 : i32
      %add3A_312 = arith.addi %mul3A_310, %add3A_311 : i32
      %dma_wait3A_313 = arith.constant 0 : i32
      %dma_wait3A_314 = arith.constant 0 : i32
      %dma_wait3A_315 = arith.constant 0 : i32
      %dma_wait3A_316 = arith.constant 0 : i32
      %dma_wait3A_317 = tpu.memref_slice %arg11[%dma_wait3A_314, %dma_wait3A_315, %dma_wait3A_316] : memref<2x400x16xf32, #tpu.memory_space<vmem>> -> memref<1x400x16xf32, #tpu.memory_space<vmem>>
      %dma_wait3A_318 = tpu.memref_squeeze %dma_wait3A_317 : memref<1x400x16xf32, #tpu.memory_space<vmem>> -> memref<400x16xf32, #tpu.memory_space<vmem>>
      %dma_wait3A_319 = arith.constant 0 : i32
      %dma_wait3A_320 = tpu.memref_slice %arg8[%dma_wait3A_313, %dma_wait3A_319] : memref<2x400xi32, #tpu.memory_space<vmem>> -> memref<1x400xi32, #tpu.memory_space<vmem>>
      %dma_wait3A_321 = tpu.memref_squeeze %dma_wait3A_320 : memref<1x400xi32, #tpu.memory_space<vmem>> -> memref<400xi32, #tpu.memory_space<vmem>>
      %dma_wait3A_322 = arith.constant 0 : i32
      %dma_wait3A_323 = arith.constant 0 : i32
      %dma_wait3A_324 = tpu.memref_slice %arg2[%dma_wait3A_322, %dma_wait3A_323] : memref<100352x16xf32, #tpu.memory_space<hbm>> -> memref<100352x16xf32, #tpu.memory_space<hbm>>
      tpu.wait_indirect_dma semaphore(%arg14 : memref<!tpu.dma_semaphore, #tpu.memory_space<semaphore_mem>>) src(%dma_wait3A_324 : memref<100352x16xf32, #tpu.memory_space<hbm>>) dst(%dma_wait3A_318 : memref<400x16xf32, #tpu.memory_space<vmem>>)
      %dma_wait3A_325 = arith.constant 1 : i32
      %dma_wait3A_326 = arith.constant 1 : i32
      %dma_wait3A_327 = arith.constant 0 : i32
      %dma_wait3A_328 = arith.constant 0 : i32
      %dma_wait3A_329 = tpu.memref_slice %arg11[%dma_wait3A_326, %dma_wait3A_327, %dma_wait3A_328] : memref<2x400x16xf32, #tpu.memory_space<vmem>> -> memref<1x400x16xf32, #tpu.memory_space<vmem>>
      %dma_wait3A_330 = tpu.memref_squeeze %dma_wait3A_329 : memref<1x400x16xf32, #tpu.memory_space<vmem>> -> memref<400x16xf32, #tpu.memory_space<vmem>>
      %dma_wait3A_331 = arith.constant 0 : i32
      %dma_wait3A_332 = tpu.memref_slice %arg8[%dma_wait3A_325, %dma_wait3A_331] : memref<2x400xi32, #tpu.memory_space<vmem>> -> memref<1x400xi32, #tpu.memory_space<vmem>>
      %dma_wait3A_333 = tpu.memref_squeeze %dma_wait3A_332 : memref<1x400xi32, #tpu.memory_space<vmem>> -> memref<400xi32, #tpu.memory_space<vmem>>
      %dma_wait3A_334 = arith.constant 0 : i32
      %dma_wait3A_335 = arith.constant 0 : i32
      %dma_wait3A_336 = tpu.memref_slice %arg2[%dma_wait3A_334, %dma_wait3A_335] : memref<100352x16xf32, #tpu.memory_space<hbm>> -> memref<100352x16xf32, #tpu.memory_space<hbm>>
      tpu.wait_indirect_dma semaphore(%arg14 : memref<!tpu.dma_semaphore, #tpu.memory_space<semaphore_mem>>) src(%dma_wait3A_336 : memref<100352x16xf32, #tpu.memory_space<hbm>>) dst(%dma_wait3A_330 : memref<400x16xf32, #tpu.memory_space<vmem>>)
      %dma_start3A_337 = arith.constant 0 : i32
      %dma_start3A_338 = arith.constant 0 : i32
      %dma_start3A_339 = arith.constant 0 : i32
      %dma_start3A_340 = arith.constant 0 : i32
      %dma_start3A_341 = tpu.memref_slice %arg11[%dma_start3A_337, %dma_start3A_339, %dma_start3A_340] : memref<2x400x16xf32, #tpu.memory_space<vmem>> -> memref<1x400x16xf32, #tpu.memory_space<vmem>>
      %dma_start3A_342 = tpu.memref_squeeze %dma_start3A_341 : memref<1x400x16xf32, #tpu.memory_space<vmem>> -> memref<400x16xf32, #tpu.memory_space<vmem>>
      %dma_start3A_343 = arith.constant 0 : i32
      %dma_start3A_344 = tpu.memref_slice %arg9[%dma_start3A_338, %dma_start3A_343] : memref<2x400xi32, #tpu.memory_space<vmem>> -> memref<1x400xi32, #tpu.memory_space<vmem>>
      %dma_start3A_345 = tpu.memref_squeeze %dma_start3A_344 : memref<1x400xi32, #tpu.memory_space<vmem>> -> memref<400xi32, #tpu.memory_space<vmem>>
      %dma_start3A_346 = arith.constant 0 : i32
      %dma_start3A_347 = arith.constant 0 : i32
      %dma_start3A_348 = tpu.memref_slice %arg12[%dma_start3A_346, %dma_start3A_347] : memref<100352x16xf32, #tpu.memory_space<vmem_shared>> -> memref<100352x16xf32, #tpu.memory_space<vmem_shared>>
      tpu.enqueue_indirect_dma source(%dma_start3A_342 : memref<400x16xf32, #tpu.memory_space<vmem>>) target(%dma_start3A_348 : memref<100352x16xf32, #tpu.memory_space<vmem_shared>>) offsets(%dma_start3A_345 : memref<400xi32, #tpu.memory_space<vmem>>) semaphore(%arg16 : memref<!tpu.dma_semaphore, #tpu.memory_space<semaphore_mem>>) {add = true}
      %dma_start3A_349 = arith.constant 1 : i32
      %dma_start3A_350 = arith.constant 1 : i32
      %dma_start3A_351 = arith.constant 0 : i32
      %dma_start3A_352 = arith.constant 0 : i32
      %dma_start3A_353 = tpu.memref_slice %arg11[%dma_start3A_349, %dma_start3A_351, %dma_start3A_352] : memref<2x400x16xf32, #tpu.memory_space<vmem>> -> memref<1x400x16xf32, #tpu.memory_space<vmem>>
      %dma_start3A_354 = tpu.memref_squeeze %dma_start3A_353 : memref<1x400x16xf32, #tpu.memory_space<vmem>> -> memref<400x16xf32, #tpu.memory_space<vmem>>
      %dma_start3A_355 = arith.constant 0 : i32
      %dma_start3A_356 = tpu.memref_slice %arg9[%dma_start3A_350, %dma_start3A_355] : memref<2x400xi32, #tpu.memory_space<vmem>> -> memref<1x400xi32, #tpu.memory_space<vmem>>
      %dma_start3A_357 = tpu.memref_squeeze %dma_start3A_356 : memref<1x400xi32, #tpu.memory_space<vmem>> -> memref<400xi32, #tpu.memory_space<vmem>>
      %dma_start3A_358 = arith.constant 0 : i32
      %dma_start3A_359 = arith.constant 0 : i32
      %dma_start3A_360 = tpu.memref_slice %arg12[%dma_start3A_358, %dma_start3A_359] : memref<100352x16xf32, #tpu.memory_space<vmem_shared>> -> memref<100352x16xf32, #tpu.memory_space<vmem_shared>>
      tpu.enqueue_indirect_dma source(%dma_start3A_354 : memref<400x16xf32, #tpu.memory_space<vmem>>) target(%dma_start3A_360 : memref<100352x16xf32, #tpu.memory_space<vmem_shared>>) offsets(%dma_start3A_357 : memref<400xi32, #tpu.memory_space<vmem>>) semaphore(%arg16 : memref<!tpu.dma_semaphore, #tpu.memory_space<semaphore_mem>>) {add = true}
      %dma_wait3A_361 = arith.constant 0 : i32
      %dma_wait3A_362 = arith.constant 0 : i32
      %dma_wait3A_363 = arith.constant 0 : i32
      %dma_wait3A_364 = arith.constant 0 : i32
      %dma_wait3A_365 = tpu.memref_slice %arg11[%dma_wait3A_361, %dma_wait3A_363, %dma_wait3A_364] : memref<2x400x16xf32, #tpu.memory_space<vmem>> -> memref<1x400x16xf32, #tpu.memory_space<vmem>>
      %dma_wait3A_366 = tpu.memref_squeeze %dma_wait3A_365 : memref<1x400x16xf32, #tpu.memory_space<vmem>> -> memref<400x16xf32, #tpu.memory_space<vmem>>
      %dma_wait3A_367 = arith.constant 0 : i32
      %dma_wait3A_368 = tpu.memref_slice %arg9[%dma_wait3A_362, %dma_wait3A_367] : memref<2x400xi32, #tpu.memory_space<vmem>> -> memref<1x400xi32, #tpu.memory_space<vmem>>
      %dma_wait3A_369 = tpu.memref_squeeze %dma_wait3A_368 : memref<1x400xi32, #tpu.memory_space<vmem>> -> memref<400xi32, #tpu.memory_space<vmem>>
      %dma_wait3A_370 = arith.constant 0 : i32
      %dma_wait3A_371 = arith.constant 0 : i32
      %dma_wait3A_372 = tpu.memref_slice %arg12[%dma_wait3A_370, %dma_wait3A_371] : memref<100352x16xf32, #tpu.memory_space<vmem_shared>> -> memref<100352x16xf32, #tpu.memory_space<vmem_shared>>
      tpu.wait_indirect_dma semaphore(%arg16 : memref<!tpu.dma_semaphore, #tpu.memory_space<semaphore_mem>>) src(%dma_wait3A_366 : memref<400x16xf32, #tpu.memory_space<vmem>>) dst(%dma_wait3A_372 : memref<100352x16xf32, #tpu.memory_space<vmem_shared>>)
      %dma_wait3A_373 = arith.constant 1 : i32
      %dma_wait3A_374 = arith.constant 1 : i32
      %dma_wait3A_375 = arith.constant 0 : i32
      %dma_wait3A_376 = arith.constant 0 : i32
      %dma_wait3A_377 = tpu.memref_slice %arg11[%dma_wait3A_373, %dma_wait3A_375, %dma_wait3A_376] : memref<2x400x16xf32, #tpu.memory_space<vmem>> -> memref<1x400x16xf32, #tpu.memory_space<vmem>>
      %dma_wait3A_378 = tpu.memref_squeeze %dma_wait3A_377 : memref<1x400x16xf32, #tpu.memory_space<vmem>> -> memref<400x16xf32, #tpu.memory_space<vmem>>
      %dma_wait3A_379 = arith.constant 0 : i32
      %dma_wait3A_380 = tpu.memref_slice %arg9[%dma_wait3A_374, %dma_wait3A_379] : memref<2x400xi32, #tpu.memory_space<vmem>> -> memref<1x400xi32, #tpu.memory_space<vmem>>
      %dma_wait3A_381 = tpu.memref_squeeze %dma_wait3A_380 : memref<1x400xi32, #tpu.memory_space<vmem>> -> memref<400xi32, #tpu.memory_space<vmem>>
      %dma_wait3A_382 = arith.constant 0 : i32
      %dma_wait3A_383 = arith.constant 0 : i32
      %dma_wait3A_384 = tpu.memref_slice %arg12[%dma_wait3A_382, %dma_wait3A_383] : memref<100352x16xf32, #tpu.memory_space<vmem_shared>> -> memref<100352x16xf32, #tpu.memory_space<vmem_shared>>
      tpu.wait_indirect_dma semaphore(%arg16 : memref<!tpu.dma_semaphore, #tpu.memory_space<semaphore_mem>>) src(%dma_wait3A_378 : memref<400x16xf32, #tpu.memory_space<vmem>>) dst(%dma_wait3A_384 : memref<100352x16xf32, #tpu.memory_space<vmem_shared>>)
      %mul3A_385 = arith.constant 2 : i32
      %mul3A_386 = arith.muli %add3A_312, %mul3A_385 : i32
      %run_scoped3A_387 = arith.constant 0 : i32
      "tpu.region"() ({
        %run_scoped3A_415 = tpu.sem_alloc : memref<!tpu.dma_semaphore, #tpu.memory_space<semaphore_mem>>
        %dma_start3A_416 = arith.constant 0 : i32
        %dma_start3A_417 = tpu.memref_slice %arg3[%run_scoped3A_387, %add3A, %mul3A_386, %dma_start3A_416] : memref<2x32x500x400xi32, #tpu.memory_space<hbm>> -> memref<1x1x2x400xi32, #tpu.memory_space<hbm>>
        %dma_start3A_418 = tpu.memref_squeeze %dma_start3A_417 : memref<1x1x2x400xi32, #tpu.memory_space<hbm>> -> memref<2x400xi32, #tpu.memory_space<hbm>>
        %dma_start3A_419 = arith.constant 0 : i32
        %dma_start3A_420 = tpu.memref_slice %arg3[%run_scoped3A_387, %add3A, %mul3A_386, %dma_start3A_419] : memref<2x32x500x400xi32, #tpu.memory_space<hbm>> -> memref<1x1x2x400xi32, #tpu.memory_space<hbm>>
        %dma_start3A_421 = tpu.memref_squeeze %dma_start3A_420 : memref<1x1x2x400xi32, #tpu.memory_space<hbm>> -> memref<2x400xi32, #tpu.memory_space<hbm>>
        tpu.enqueue_dma source(%dma_start3A_421 : memref<2x400xi32, #tpu.memory_space<hbm>>) target(%arg8 : memref<2x400xi32, #tpu.memory_space<vmem>>) target_semaphore(%run_scoped3A_415 : memref<!tpu.dma_semaphore, #tpu.memory_space<semaphore_mem>>)
        %dma_wait3A_422 = arith.constant 0 : i32
        %dma_wait3A_423 = tpu.memref_slice %arg3[%run_scoped3A_387, %add3A, %mul3A_386, %dma_wait3A_422] : memref<2x32x500x400xi32, #tpu.memory_space<hbm>> -> memref<1x1x2x400xi32, #tpu.memory_space<hbm>>
        %dma_wait3A_424 = tpu.memref_squeeze %dma_wait3A_423 : memref<1x1x2x400xi32, #tpu.memory_space<hbm>> -> memref<2x400xi32, #tpu.memory_space<hbm>>
        %dma_wait3A_425 = arith.constant 0 : i32
        %dma_wait3A_426 = tpu.memref_slice %arg3[%run_scoped3A_387, %add3A, %mul3A_386, %dma_wait3A_425] : memref<2x32x500x400xi32, #tpu.memory_space<hbm>> -> memref<1x1x2x400xi32, #tpu.memory_space<hbm>>
        %dma_wait3A_427 = tpu.memref_squeeze %dma_wait3A_426 : memref<1x1x2x400xi32, #tpu.memory_space<hbm>> -> memref<2x400xi32, #tpu.memory_space<hbm>>
        tpu.wait_dma2 semaphore(%run_scoped3A_415 : memref<!tpu.dma_semaphore, #tpu.memory_space<semaphore_mem>>) src(%dma_wait3A_427 : memref<2x400xi32, #tpu.memory_space<hbm>>) dst(%arg8 : memref<2x400xi32, #tpu.memory_space<vmem>>)
        tpu.yield
      }) : () -> ()
      %mul3A_388 = arith.constant 2 : i32
      %mul3A_389 = arith.muli %add3A_312, %mul3A_388 : i32
      %run_scoped3A_390 = arith.constant 1 : i32
      "tpu.region"() ({
        %run_scoped3A_415 = tpu.sem_alloc : memref<!tpu.dma_semaphore, #tpu.memory_space<semaphore_mem>>
        %dma_start3A_416 = arith.constant 0 : i32
        %dma_start3A_417 = tpu.memref_slice %arg3[%run_scoped3A_390, %add3A, %mul3A_389, %dma_start3A_416] : memref<2x32x500x400xi32, #tpu.memory_space<hbm>> -> memref<1x1x2x400xi32, #tpu.memory_space<hbm>>
        %dma_start3A_418 = tpu.memref_squeeze %dma_start3A_417 : memref<1x1x2x400xi32, #tpu.memory_space<hbm>> -> memref<2x400xi32, #tpu.memory_space<hbm>>
        %dma_start3A_419 = arith.constant 0 : i32
        %dma_start3A_420 = tpu.memref_slice %arg3[%run_scoped3A_390, %add3A, %mul3A_389, %dma_start3A_419] : memref<2x32x500x400xi32, #tpu.memory_space<hbm>> -> memref<1x1x2x400xi32, #tpu.memory_space<hbm>>
        %dma_start3A_421 = tpu.memref_squeeze %dma_start3A_420 : memref<1x1x2x400xi32, #tpu.memory_space<hbm>> -> memref<2x400xi32, #tpu.memory_space<hbm>>
        tpu.enqueue_dma source(%dma_start3A_421 : memref<2x400xi32, #tpu.memory_space<hbm>>) target(%arg9 : memref<2x400xi32, #tpu.memory_space<vmem>>) target_semaphore(%run_scoped3A_415 : memref<!tpu.dma_semaphore, #tpu.memory_space<semaphore_mem>>)
        %dma_wait3A_422 = arith.constant 0 : i32
        %dma_wait3A_423 = tpu.memref_slice %arg3[%run_scoped3A_390, %add3A, %mul3A_389, %dma_wait3A_422] : memref<2x32x500x400xi32, #tpu.memory_space<hbm>> -> memref<1x1x2x400xi32, #tpu.memory_space<hbm>>
        %dma_wait3A_424 = tpu.memref_squeeze %dma_wait3A_423 : memref<1x1x2x400xi32, #tpu.memory_space<hbm>> -> memref<2x400xi32, #tpu.memory_space<hbm>>
        %dma_wait3A_425 = arith.constant 0 : i32
        %dma_wait3A_426 = tpu.memref_slice %arg3[%run_scoped3A_390, %add3A, %mul3A_389, %dma_wait3A_425] : memref<2x32x500x400xi32, #tpu.memory_space<hbm>> -> memref<1x1x2x400xi32, #tpu.memory_space<hbm>>
        %dma_wait3A_427 = tpu.memref_squeeze %dma_wait3A_426 : memref<1x1x2x400xi32, #tpu.memory_space<hbm>> -> memref<2x400xi32, #tpu.memory_space<hbm>>
        tpu.wait_dma2 semaphore(%run_scoped3A_415 : memref<!tpu.dma_semaphore, #tpu.memory_space<semaphore_mem>>) src(%dma_wait3A_427 : memref<2x400xi32, #tpu.memory_space<hbm>>) dst(%arg9 : memref<2x400xi32, #tpu.memory_space<vmem>>)
        tpu.yield
      }) : () -> ()
      %dma_start3A_391 = arith.constant 0 : i32
      %dma_start3A_392 = arith.constant 0 : i32
      %dma_start3A_393 = arith.constant 0 : i32
      %dma_start3A_394 = arith.constant 0 : i32
      %dma_start3A_395 = tpu.memref_slice %arg11[%dma_start3A_392, %dma_start3A_393, %dma_start3A_394] : memref<2x400x16xf32, #tpu.memory_space<vmem>> -> memref<1x400x16xf32, #tpu.memory_space<vmem>>
      %dma_start3A_396 = tpu.memref_squeeze %dma_start3A_395 : memref<1x400x16xf32, #tpu.memory_space<vmem>> -> memref<400x16xf32, #tpu.memory_space<vmem>>
      %dma_start3A_397 = arith.constant 0 : i32
      %dma_start3A_398 = tpu.memref_slice %arg8[%dma_start3A_391, %dma_start3A_397] : memref<2x400xi32, #tpu.memory_space<vmem>> -> memref<1x400xi32, #tpu.memory_space<vmem>>
      %dma_start3A_399 = tpu.memref_squeeze %dma_start3A_398 : memref<1x400xi32, #tpu.memory_space<vmem>> -> memref<400xi32, #tpu.memory_space<vmem>>
      %dma_start3A_400 = arith.constant 0 : i32
      %dma_start3A_401 = arith.constant 0 : i32
      %dma_start3A_402 = tpu.memref_slice %arg2[%dma_start3A_400, %dma_start3A_401] : memref<100352x16xf32, #tpu.memory_space<hbm>> -> memref<100352x16xf32, #tpu.memory_space<hbm>>
      tpu.enqueue_indirect_dma source(%dma_start3A_402 : memref<100352x16xf32, #tpu.memory_space<hbm>>) target(%dma_start3A_396 : memref<400x16xf32, #tpu.memory_space<vmem>>) offsets(%dma_start3A_399 : memref<400xi32, #tpu.memory_space<vmem>>) semaphore(%arg14 : memref<!tpu.dma_semaphore, #tpu.memory_space<semaphore_mem>>)
      %dma_start3A_403 = arith.constant 1 : i32
      %dma_start3A_404 = arith.constant 1 : i32
      %dma_start3A_405 = arith.constant 0 : i32
      %dma_start3A_406 = arith.constant 0 : i32
      %dma_start3A_407 = tpu.memref_slice %arg11[%dma_start3A_404, %dma_start3A_405, %dma_start3A_406] : memref<2x400x16xf32, #tpu.memory_space<vmem>> -> memref<1x400x16xf32, #tpu.memory_space<vmem>>
      %dma_start3A_408 = tpu.memref_squeeze %dma_start3A_407 : memref<1x400x16xf32, #tpu.memory_space<vmem>> -> memref<400x16xf32, #tpu.memory_space<vmem>>
      %dma_start3A_409 = arith.constant 0 : i32
      %dma_start3A_410 = tpu.memref_slice %arg8[%dma_start3A_403, %dma_start3A_409] : memref<2x400xi32, #tpu.memory_space<vmem>> -> memref<1x400xi32, #tpu.memory_space<vmem>>
      %dma_start3A_411 = tpu.memref_squeeze %dma_start3A_410 : memref<1x400xi32, #tpu.memory_space<vmem>> -> memref<400xi32, #tpu.memory_space<vmem>>
      %dma_start3A_412 = arith.constant 0 : i32
      %dma_start3A_413 = arith.constant 0 : i32
      %dma_start3A_414 = tpu.memref_slice %arg2[%dma_start3A_412, %dma_start3A_413] : memref<100352x16xf32, #tpu.memory_space<hbm>> -> memref<100352x16xf32, #tpu.memory_space<hbm>>
      tpu.enqueue_indirect_dma source(%dma_start3A_414 : memref<100352x16xf32, #tpu.memory_space<hbm>>) target(%dma_start3A_408 : memref<400x16xf32, #tpu.memory_space<vmem>>) offsets(%dma_start3A_411 : memref<400xi32, #tpu.memory_space<vmem>>) semaphore(%arg14 : memref<!tpu.dma_semaphore, #tpu.memory_space<semaphore_mem>>)
    }
    %scan3A_57 = arith.constant 124 : i32
    %dma_wait3A = arith.constant 0 : i32
    %dma_wait3A_58 = arith.constant 0 : i32
    %dma_wait3A_59 = arith.constant 0 : i32
    %dma_wait3A_60 = arith.constant 0 : i32
    %dma_wait3A_61 = tpu.memref_slice %arg10[%dma_wait3A_58, %dma_wait3A_59, %dma_wait3A_60] : memref<2x400x16xf32, #tpu.memory_space<vmem>> -> memref<1x400x16xf32, #tpu.memory_space<vmem>>
    %dma_wait3A_62 = tpu.memref_squeeze %dma_wait3A_61 : memref<1x400x16xf32, #tpu.memory_space<vmem>> -> memref<400x16xf32, #tpu.memory_space<vmem>>
    %dma_wait3A_63 = arith.constant 0 : i32
    %dma_wait3A_64 = tpu.memref_slice %arg6[%dma_wait3A, %dma_wait3A_63] : memref<2x400xi32, #tpu.memory_space<vmem>> -> memref<1x400xi32, #tpu.memory_space<vmem>>
    %dma_wait3A_65 = tpu.memref_squeeze %dma_wait3A_64 : memref<1x400xi32, #tpu.memory_space<vmem>> -> memref<400xi32, #tpu.memory_space<vmem>>
    %dma_wait3A_66 = arith.constant 0 : i32
    %dma_wait3A_67 = arith.constant 0 : i32
    %dma_wait3A_68 = tpu.memref_slice %arg2[%dma_wait3A_66, %dma_wait3A_67] : memref<100352x16xf32, #tpu.memory_space<hbm>> -> memref<100352x16xf32, #tpu.memory_space<hbm>>
    tpu.wait_indirect_dma semaphore(%arg13 : memref<!tpu.dma_semaphore, #tpu.memory_space<semaphore_mem>>) src(%dma_wait3A_68 : memref<100352x16xf32, #tpu.memory_space<hbm>>) dst(%dma_wait3A_62 : memref<400x16xf32, #tpu.memory_space<vmem>>)
    %dma_wait3A_69 = arith.constant 1 : i32
    %dma_wait3A_70 = arith.constant 1 : i32
    %dma_wait3A_71 = arith.constant 0 : i32
    %dma_wait3A_72 = arith.constant 0 : i32
    %dma_wait3A_73 = tpu.memref_slice %arg10[%dma_wait3A_70, %dma_wait3A_71, %dma_wait3A_72] : memref<2x400x16xf32, #tpu.memory_space<vmem>> -> memref<1x400x16xf32, #tpu.memory_space<vmem>>
    %dma_wait3A_74 = tpu.memref_squeeze %dma_wait3A_73 : memref<1x400x16xf32, #tpu.memory_space<vmem>> -> memref<400x16xf32, #tpu.memory_space<vmem>>
    %dma_wait3A_75 = arith.constant 0 : i32
    %dma_wait3A_76 = tpu.memref_slice %arg6[%dma_wait3A_69, %dma_wait3A_75] : memref<2x400xi32, #tpu.memory_space<vmem>> -> memref<1x400xi32, #tpu.memory_space<vmem>>
    %dma_wait3A_77 = tpu.memref_squeeze %dma_wait3A_76 : memref<1x400xi32, #tpu.memory_space<vmem>> -> memref<400xi32, #tpu.memory_space<vmem>>
    %dma_wait3A_78 = arith.constant 0 : i32
    %dma_wait3A_79 = arith.constant 0 : i32
    %dma_wait3A_80 = tpu.memref_slice %arg2[%dma_wait3A_78, %dma_wait3A_79] : memref<100352x16xf32, #tpu.memory_space<hbm>> -> memref<100352x16xf32, #tpu.memory_space<hbm>>
    tpu.wait_indirect_dma semaphore(%arg13 : memref<!tpu.dma_semaphore, #tpu.memory_space<semaphore_mem>>) src(%dma_wait3A_80 : memref<100352x16xf32, #tpu.memory_space<hbm>>) dst(%dma_wait3A_74 : memref<400x16xf32, #tpu.memory_space<vmem>>)
    %dma_start3A_81 = arith.constant 0 : i32
    %dma_start3A_82 = arith.constant 0 : i32
    %dma_start3A_83 = arith.constant 0 : i32
    %dma_start3A_84 = arith.constant 0 : i32
    %dma_start3A_85 = tpu.memref_slice %arg10[%dma_start3A_81, %dma_start3A_83, %dma_start3A_84] : memref<2x400x16xf32, #tpu.memory_space<vmem>> -> memref<1x400x16xf32, #tpu.memory_space<vmem>>
    %dma_start3A_86 = tpu.memref_squeeze %dma_start3A_85 : memref<1x400x16xf32, #tpu.memory_space<vmem>> -> memref<400x16xf32, #tpu.memory_space<vmem>>
    %dma_start3A_87 = arith.constant 0 : i32
    %dma_start3A_88 = tpu.memref_slice %arg7[%dma_start3A_82, %dma_start3A_87] : memref<2x400xi32, #tpu.memory_space<vmem>> -> memref<1x400xi32, #tpu.memory_space<vmem>>
    %dma_start3A_89 = tpu.memref_squeeze %dma_start3A_88 : memref<1x400xi32, #tpu.memory_space<vmem>> -> memref<400xi32, #tpu.memory_space<vmem>>
    %dma_start3A_90 = arith.constant 0 : i32
    %dma_start3A_91 = arith.constant 0 : i32
    %dma_start3A_92 = tpu.memref_slice %arg12[%dma_start3A_90, %dma_start3A_91] : memref<100352x16xf32, #tpu.memory_space<vmem_shared>> -> memref<100352x16xf32, #tpu.memory_space<vmem_shared>>
    tpu.enqueue_indirect_dma source(%dma_start3A_86 : memref<400x16xf32, #tpu.memory_space<vmem>>) target(%dma_start3A_92 : memref<100352x16xf32, #tpu.memory_space<vmem_shared>>) offsets(%dma_start3A_89 : memref<400xi32, #tpu.memory_space<vmem>>) semaphore(%arg15 : memref<!tpu.dma_semaphore, #tpu.memory_space<semaphore_mem>>) {add = true}
    %dma_start3A_93 = arith.constant 1 : i32
    %dma_start3A_94 = arith.constant 1 : i32
    %dma_start3A_95 = arith.constant 0 : i32
    %dma_start3A_96 = arith.constant 0 : i32
    %dma_start3A_97 = tpu.memref_slice %arg10[%dma_start3A_93, %dma_start3A_95, %dma_start3A_96] : memref<2x400x16xf32, #tpu.memory_space<vmem>> -> memref<1x400x16xf32, #tpu.memory_space<vmem>>
    %dma_start3A_98 = tpu.memref_squeeze %dma_start3A_97 : memref<1x400x16xf32, #tpu.memory_space<vmem>> -> memref<400x16xf32, #tpu.memory_space<vmem>>
    %dma_start3A_99 = arith.constant 0 : i32
    %dma_start3A_100 = tpu.memref_slice %arg7[%dma_start3A_94, %dma_start3A_99] : memref<2x400xi32, #tpu.memory_space<vmem>> -> memref<1x400xi32, #tpu.memory_space<vmem>>
    %dma_start3A_101 = tpu.memref_squeeze %dma_start3A_100 : memref<1x400xi32, #tpu.memory_space<vmem>> -> memref<400xi32, #tpu.memory_space<vmem>>
    %dma_start3A_102 = arith.constant 0 : i32
    %dma_start3A_103 = arith.constant 0 : i32
    %dma_start3A_104 = tpu.memref_slice %arg12[%dma_start3A_102, %dma_start3A_103] : memref<100352x16xf32, #tpu.memory_space<vmem_shared>> -> memref<100352x16xf32, #tpu.memory_space<vmem_shared>>
    tpu.enqueue_indirect_dma source(%dma_start3A_98 : memref<400x16xf32, #tpu.memory_space<vmem>>) target(%dma_start3A_104 : memref<100352x16xf32, #tpu.memory_space<vmem_shared>>) offsets(%dma_start3A_101 : memref<400xi32, #tpu.memory_space<vmem>>) semaphore(%arg15 : memref<!tpu.dma_semaphore, #tpu.memory_space<semaphore_mem>>) {add = true}
    %dma_wait3A_105 = arith.constant 0 : i32
    %dma_wait3A_106 = arith.constant 0 : i32
    %dma_wait3A_107 = arith.constant 0 : i32
    %dma_wait3A_108 = arith.constant 0 : i32
    %dma_wait3A_109 = tpu.memref_slice %arg11[%dma_wait3A_106, %dma_wait3A_107, %dma_wait3A_108] : memref<2x400x16xf32, #tpu.memory_space<vmem>> -> memref<1x400x16xf32, #tpu.memory_space<vmem>>
    %dma_wait3A_110 = tpu.memref_squeeze %dma_wait3A_109 : memref<1x400x16xf32, #tpu.memory_space<vmem>> -> memref<400x16xf32, #tpu.memory_space<vmem>>
    %dma_wait3A_111 = arith.constant 0 : i32
    %dma_wait3A_112 = tpu.memref_slice %arg8[%dma_wait3A_105, %dma_wait3A_111] : memref<2x400xi32, #tpu.memory_space<vmem>> -> memref<1x400xi32, #tpu.memory_space<vmem>>
    %dma_wait3A_113 = tpu.memref_squeeze %dma_wait3A_112 : memref<1x400xi32, #tpu.memory_space<vmem>> -> memref<400xi32, #tpu.memory_space<vmem>>
    %dma_wait3A_114 = arith.constant 0 : i32
    %dma_wait3A_115 = arith.constant 0 : i32
    %dma_wait3A_116 = tpu.memref_slice %arg2[%dma_wait3A_114, %dma_wait3A_115] : memref<100352x16xf32, #tpu.memory_space<hbm>> -> memref<100352x16xf32, #tpu.memory_space<hbm>>
    tpu.wait_indirect_dma semaphore(%arg14 : memref<!tpu.dma_semaphore, #tpu.memory_space<semaphore_mem>>) src(%dma_wait3A_116 : memref<100352x16xf32, #tpu.memory_space<hbm>>) dst(%dma_wait3A_110 : memref<400x16xf32, #tpu.memory_space<vmem>>)
    %dma_wait3A_117 = arith.constant 1 : i32
    %dma_wait3A_118 = arith.constant 1 : i32
    %dma_wait3A_119 = arith.constant 0 : i32
    %dma_wait3A_120 = arith.constant 0 : i32
    %dma_wait3A_121 = tpu.memref_slice %arg11[%dma_wait3A_118, %dma_wait3A_119, %dma_wait3A_120] : memref<2x400x16xf32, #tpu.memory_space<vmem>> -> memref<1x400x16xf32, #tpu.memory_space<vmem>>
    %dma_wait3A_122 = tpu.memref_squeeze %dma_wait3A_121 : memref<1x400x16xf32, #tpu.memory_space<vmem>> -> memref<400x16xf32, #tpu.memory_space<vmem>>
    %dma_wait3A_123 = arith.constant 0 : i32
    %dma_wait3A_124 = tpu.memref_slice %arg8[%dma_wait3A_117, %dma_wait3A_123] : memref<2x400xi32, #tpu.memory_space<vmem>> -> memref<1x400xi32, #tpu.memory_space<vmem>>
    %dma_wait3A_125 = tpu.memref_squeeze %dma_wait3A_124 : memref<1x400xi32, #tpu.memory_space<vmem>> -> memref<400xi32, #tpu.memory_space<vmem>>
    %dma_wait3A_126 = arith.constant 0 : i32
    %dma_wait3A_127 = arith.constant 0 : i32
    %dma_wait3A_128 = tpu.memref_slice %arg2[%dma_wait3A_126, %dma_wait3A_127] : memref<100352x16xf32, #tpu.memory_space<hbm>> -> memref<100352x16xf32, #tpu.memory_space<hbm>>
    tpu.wait_indirect_dma semaphore(%arg14 : memref<!tpu.dma_semaphore, #tpu.memory_space<semaphore_mem>>) src(%dma_wait3A_128 : memref<100352x16xf32, #tpu.memory_space<hbm>>) dst(%dma_wait3A_122 : memref<400x16xf32, #tpu.memory_space<vmem>>)
    %dma_start3A_129 = arith.constant 0 : i32
    %dma_start3A_130 = arith.constant 0 : i32
    %dma_start3A_131 = arith.constant 0 : i32
    %dma_start3A_132 = arith.constant 0 : i32
    %dma_start3A_133 = tpu.memref_slice %arg11[%dma_start3A_129, %dma_start3A_131, %dma_start3A_132] : memref<2x400x16xf32, #tpu.memory_space<vmem>> -> memref<1x400x16xf32, #tpu.memory_space<vmem>>
    %dma_start3A_134 = tpu.memref_squeeze %dma_start3A_133 : memref<1x400x16xf32, #tpu.memory_space<vmem>> -> memref<400x16xf32, #tpu.memory_space<vmem>>
    %dma_start3A_135 = arith.constant 0 : i32
    %dma_start3A_136 = tpu.memref_slice %arg9[%dma_start3A_130, %dma_start3A_135] : memref<2x400xi32, #tpu.memory_space<vmem>> -> memref<1x400xi32, #tpu.memory_space<vmem>>
    %dma_start3A_137 = tpu.memref_squeeze %dma_start3A_136 : memref<1x400xi32, #tpu.memory_space<vmem>> -> memref<400xi32, #tpu.memory_space<vmem>>
    %dma_start3A_138 = arith.constant 0 : i32
    %dma_start3A_139 = arith.constant 0 : i32
    %dma_start3A_140 = tpu.memref_slice %arg12[%dma_start3A_138, %dma_start3A_139] : memref<100352x16xf32, #tpu.memory_space<vmem_shared>> -> memref<100352x16xf32, #tpu.memory_space<vmem_shared>>
    tpu.enqueue_indirect_dma source(%dma_start3A_134 : memref<400x16xf32, #tpu.memory_space<vmem>>) target(%dma_start3A_140 : memref<100352x16xf32, #tpu.memory_space<vmem_shared>>) offsets(%dma_start3A_137 : memref<400xi32, #tpu.memory_space<vmem>>) semaphore(%arg16 : memref<!tpu.dma_semaphore, #tpu.memory_space<semaphore_mem>>) {add = true}
    %dma_start3A_141 = arith.constant 1 : i32
    %dma_start3A_142 = arith.constant 1 : i32
    %dma_start3A_143 = arith.constant 0 : i32
    %dma_start3A_144 = arith.constant 0 : i32
    %dma_start3A_145 = tpu.memref_slice %arg11[%dma_start3A_141, %dma_start3A_143, %dma_start3A_144] : memref<2x400x16xf32, #tpu.memory_space<vmem>> -> memref<1x400x16xf32, #tpu.memory_space<vmem>>
    %dma_start3A_146 = tpu.memref_squeeze %dma_start3A_145 : memref<1x400x16xf32, #tpu.memory_space<vmem>> -> memref<400x16xf32, #tpu.memory_space<vmem>>
    %dma_start3A_147 = arith.constant 0 : i32
    %dma_start3A_148 = tpu.memref_slice %arg9[%dma_start3A_142, %dma_start3A_147] : memref<2x400xi32, #tpu.memory_space<vmem>> -> memref<1x400xi32, #tpu.memory_space<vmem>>
    %dma_start3A_149 = tpu.memref_squeeze %dma_start3A_148 : memref<1x400xi32, #tpu.memory_space<vmem>> -> memref<400xi32, #tpu.memory_space<vmem>>
    %dma_start3A_150 = arith.constant 0 : i32
    %dma_start3A_151 = arith.constant 0 : i32
    %dma_start3A_152 = tpu.memref_slice %arg12[%dma_start3A_150, %dma_start3A_151] : memref<100352x16xf32, #tpu.memory_space<vmem_shared>> -> memref<100352x16xf32, #tpu.memory_space<vmem_shared>>
    tpu.enqueue_indirect_dma source(%dma_start3A_146 : memref<400x16xf32, #tpu.memory_space<vmem>>) target(%dma_start3A_152 : memref<100352x16xf32, #tpu.memory_space<vmem_shared>>) offsets(%dma_start3A_149 : memref<400xi32, #tpu.memory_space<vmem>>) semaphore(%arg16 : memref<!tpu.dma_semaphore, #tpu.memory_space<semaphore_mem>>) {add = true}
    %dma_wait3A_153 = arith.constant 0 : i32
    %dma_wait3A_154 = arith.constant 0 : i32
    %dma_wait3A_155 = arith.constant 0 : i32
    %dma_wait3A_156 = arith.constant 0 : i32
    %dma_wait3A_157 = tpu.memref_slice %arg10[%dma_wait3A_153, %dma_wait3A_155, %dma_wait3A_156] : memref<2x400x16xf32, #tpu.memory_space<vmem>> -> memref<1x400x16xf32, #tpu.memory_space<vmem>>
    %dma_wait3A_158 = tpu.memref_squeeze %dma_wait3A_157 : memref<1x400x16xf32, #tpu.memory_space<vmem>> -> memref<400x16xf32, #tpu.memory_space<vmem>>
    %dma_wait3A_159 = arith.constant 0 : i32
    %dma_wait3A_160 = tpu.memref_slice %arg7[%dma_wait3A_154, %dma_wait3A_159] : memref<2x400xi32, #tpu.memory_space<vmem>> -> memref<1x400xi32, #tpu.memory_space<vmem>>
    %dma_wait3A_161 = tpu.memref_squeeze %dma_wait3A_160 : memref<1x400xi32, #tpu.memory_space<vmem>> -> memref<400xi32, #tpu.memory_space<vmem>>
    %dma_wait3A_162 = arith.constant 0 : i32
    %dma_wait3A_163 = arith.constant 0 : i32
    %dma_wait3A_164 = tpu.memref_slice %arg12[%dma_wait3A_162, %dma_wait3A_163] : memref<100352x16xf32, #tpu.memory_space<vmem_shared>> -> memref<100352x16xf32, #tpu.memory_space<vmem_shared>>
    tpu.wait_indirect_dma semaphore(%arg15 : memref<!tpu.dma_semaphore, #tpu.memory_space<semaphore_mem>>) src(%dma_wait3A_158 : memref<400x16xf32, #tpu.memory_space<vmem>>) dst(%dma_wait3A_164 : memref<100352x16xf32, #tpu.memory_space<vmem_shared>>)
    %dma_wait3A_165 = arith.constant 1 : i32
    %dma_wait3A_166 = arith.constant 1 : i32
    %dma_wait3A_167 = arith.constant 0 : i32
    %dma_wait3A_168 = arith.constant 0 : i32
    %dma_wait3A_169 = tpu.memref_slice %arg10[%dma_wait3A_165, %dma_wait3A_167, %dma_wait3A_168] : memref<2x400x16xf32, #tpu.memory_space<vmem>> -> memref<1x400x16xf32, #tpu.memory_space<vmem>>
    %dma_wait3A_170 = tpu.memref_squeeze %dma_wait3A_169 : memref<1x400x16xf32, #tpu.memory_space<vmem>> -> memref<400x16xf32, #tpu.memory_space<vmem>>
    %dma_wait3A_171 = arith.constant 0 : i32
    %dma_wait3A_172 = tpu.memref_slice %arg7[%dma_wait3A_166, %dma_wait3A_171] : memref<2x400xi32, #tpu.memory_space<vmem>> -> memref<1x400xi32, #tpu.memory_space<vmem>>
    %dma_wait3A_173 = tpu.memref_squeeze %dma_wait3A_172 : memref<1x400xi32, #tpu.memory_space<vmem>> -> memref<400xi32, #tpu.memory_space<vmem>>
    %dma_wait3A_174 = arith.constant 0 : i32
    %dma_wait3A_175 = arith.constant 0 : i32
    %dma_wait3A_176 = tpu.memref_slice %arg12[%dma_wait3A_174, %dma_wait3A_175] : memref<100352x16xf32, #tpu.memory_space<vmem_shared>> -> memref<100352x16xf32, #tpu.memory_space<vmem_shared>>
    tpu.wait_indirect_dma semaphore(%arg15 : memref<!tpu.dma_semaphore, #tpu.memory_space<semaphore_mem>>) src(%dma_wait3A_170 : memref<400x16xf32, #tpu.memory_space<vmem>>) dst(%dma_wait3A_176 : memref<100352x16xf32, #tpu.memory_space<vmem_shared>>)
    %dma_wait3A_177 = arith.constant 0 : i32
    %dma_wait3A_178 = arith.constant 0 : i32
    %dma_wait3A_179 = arith.constant 0 : i32
    %dma_wait3A_180 = arith.constant 0 : i32
    %dma_wait3A_181 = tpu.memref_slice %arg11[%dma_wait3A_177, %dma_wait3A_179, %dma_wait3A_180] : memref<2x400x16xf32, #tpu.memory_space<vmem>> -> memref<1x400x16xf32, #tpu.memory_space<vmem>>
    %dma_wait3A_182 = tpu.memref_squeeze %dma_wait3A_181 : memref<1x400x16xf32, #tpu.memory_space<vmem>> -> memref<400x16xf32, #tpu.memory_space<vmem>>
    %dma_wait3A_183 = arith.constant 0 : i32
    %dma_wait3A_184 = tpu.memref_slice %arg9[%dma_wait3A_178, %dma_wait3A_183] : memref<2x400xi32, #tpu.memory_space<vmem>> -> memref<1x400xi32, #tpu.memory_space<vmem>>
    %dma_wait3A_185 = tpu.memref_squeeze %dma_wait3A_184 : memref<1x400xi32, #tpu.memory_space<vmem>> -> memref<400xi32, #tpu.memory_space<vmem>>
    %dma_wait3A_186 = arith.constant 0 : i32
    %dma_wait3A_187 = arith.constant 0 : i32
    %dma_wait3A_188 = tpu.memref_slice %arg12[%dma_wait3A_186, %dma_wait3A_187] : memref<100352x16xf32, #tpu.memory_space<vmem_shared>> -> memref<100352x16xf32, #tpu.memory_space<vmem_shared>>
    tpu.wait_indirect_dma semaphore(%arg16 : memref<!tpu.dma_semaphore, #tpu.memory_space<semaphore_mem>>) src(%dma_wait3A_182 : memref<400x16xf32, #tpu.memory_space<vmem>>) dst(%dma_wait3A_188 : memref<100352x16xf32, #tpu.memory_space<vmem_shared>>)
    %dma_wait3A_189 = arith.constant 1 : i32
    %dma_wait3A_190 = arith.constant 1 : i32
    %dma_wait3A_191 = arith.constant 0 : i32
    %dma_wait3A_192 = arith.constant 0 : i32
    %dma_wait3A_193 = tpu.memref_slice %arg11[%dma_wait3A_189, %dma_wait3A_191, %dma_wait3A_192] : memref<2x400x16xf32, #tpu.memory_space<vmem>> -> memref<1x400x16xf32, #tpu.memory_space<vmem>>
    %dma_wait3A_194 = tpu.memref_squeeze %dma_wait3A_193 : memref<1x400x16xf32, #tpu.memory_space<vmem>> -> memref<400x16xf32, #tpu.memory_space<vmem>>
    %dma_wait3A_195 = arith.constant 0 : i32
    %dma_wait3A_196 = tpu.memref_slice %arg9[%dma_wait3A_190, %dma_wait3A_195] : memref<2x400xi32, #tpu.memory_space<vmem>> -> memref<1x400xi32, #tpu.memory_space<vmem>>
    %dma_wait3A_197 = tpu.memref_squeeze %dma_wait3A_196 : memref<1x400xi32, #tpu.memory_space<vmem>> -> memref<400xi32, #tpu.memory_space<vmem>>
    %dma_wait3A_198 = arith.constant 0 : i32
    %dma_wait3A_199 = arith.constant 0 : i32
    %dma_wait3A_200 = tpu.memref_slice %arg12[%dma_wait3A_198, %dma_wait3A_199] : memref<100352x16xf32, #tpu.memory_space<vmem_shared>> -> memref<100352x16xf32, #tpu.memory_space<vmem_shared>>
    tpu.wait_indirect_dma semaphore(%arg16 : memref<!tpu.dma_semaphore, #tpu.memory_space<semaphore_mem>>) src(%dma_wait3A_194 : memref<400x16xf32, #tpu.memory_space<vmem>>) dst(%dma_wait3A_200 : memref<100352x16xf32, #tpu.memory_space<vmem_shared>>)
    %barrier3A_201 = arith.constant 0 : index
    tpu.barrier barrier_id(%barrier3A_201)
    "tpu.region"() ({
      %run_scoped3A_202 = tpu.sem_alloc : memref<!tpu.dma_semaphore, #tpu.memory_space<semaphore_mem>>
      %dma_start3A_203 = arith.constant 0 : i32
      %dma_start3A_204 = tpu.memref_slice %arg5[%arg0, %mul3A_2, %dma_start3A_203] : memref<2x100352x16xf32, #tpu.memory_space<hbm>> -> memref<1x6272x16xf32, #tpu.memory_space<hbm>>
      %dma_start3A_205 = tpu.memref_squeeze %dma_start3A_204 : memref<1x6272x16xf32, #tpu.memory_space<hbm>> -> memref<6272x16xf32, #tpu.memory_space<hbm>>
      %dma_start3A_206 = arith.constant 0 : i32
      %dma_start3A_207 = tpu.memref_slice %arg12[%mul3A_2, %dma_start3A_206] : memref<100352x16xf32, #tpu.memory_space<vmem_shared>> -> memref<6272x16xf32, #tpu.memory_space<vmem_shared>>
      tpu.enqueue_dma source(%dma_start3A_207 : memref<6272x16xf32, #tpu.memory_space<vmem_shared>>) target(%dma_start3A_205 : memref<6272x16xf32, #tpu.memory_space<hbm>>) target_semaphore(%run_scoped3A_202 : memref<!tpu.dma_semaphore, #tpu.memory_space<semaphore_mem>>)
      %dma_wait3A_208 = arith.constant 0 : i32
      %dma_wait3A_209 = tpu.memref_slice %arg5[%arg0, %mul3A_2, %dma_wait3A_208] : memref<2x100352x16xf32, #tpu.memory_space<hbm>> -> memref<1x6272x16xf32, #tpu.memory_space<hbm>>
      %dma_wait3A_210 = tpu.memref_squeeze %dma_wait3A_209 : memref<1x6272x16xf32, #tpu.memory_space<hbm>> -> memref<6272x16xf32, #tpu.memory_space<hbm>>
      %dma_wait3A_211 = arith.constant 0 : i32
      %dma_wait3A_212 = tpu.memref_slice %arg12[%mul3A_2, %dma_wait3A_211] : memref<100352x16xf32, #tpu.memory_space<vmem_shared>> -> memref<6272x16xf32, #tpu.memory_space<vmem_shared>>
      tpu.wait_dma2 semaphore(%run_scoped3A_202 : memref<!tpu.dma_semaphore, #tpu.memory_space<semaphore_mem>>) src(%dma_wait3A_212 : memref<6272x16xf32, #tpu.memory_space<vmem_shared>>) dst(%dma_wait3A_210 : memref<6272x16xf32, #tpu.memory_space<hbm>>)
      tpu.yield
    }) : () -> ()
    return
  }
}

#map = affine_map<(d0, d1) -> (0, 0, 0, 0)>
#map1 = affine_map<(d0, d1) -> (0)>
#map2 = affine_map<(d0, d1) -> (0, 0)>
module attributes {stable_mosaic.version = 14 : i64} {
  func.func @_sc_degree(%arg0: i32, %arg1: i32, %arg2: memref<2x32x500x400xi32, #tpu.memory_space<hbm>>, %arg3: memref<100352xf32, #tpu.memory_space<hbm>>, %arg4: memref<2x100352xf32, #tpu.memory_space<hbm>>, %arg5: memref<10x400xi32, #tpu.memory_space<vmem>>, %arg6: memref<10x400xi32, #tpu.memory_space<vmem>>, %arg7: memref<400xf32, #tpu.memory_space<vmem>>, %arg8: memref<100352xf32, #tpu.memory_space<vmem_shared>>, %arg9: memref<!tpu.dma_semaphore, #tpu.memory_space<semaphore_mem>>, %arg10: memref<!tpu.dma_semaphore, #tpu.memory_space<semaphore_mem>>) attributes {dimension_semantics = [#tpu.dimension_semantics<core_parallel>, #tpu.dimension_semantics<subcore_parallel>], iteration_bounds = array<i64: 2, 16>, scalar_prefetch = 0 : i64, scratch_operands = 6 : i64, tpu.core_type = #tpu.core_type<sc_vector_subcore>, window_params = [{transform_indices = #map}, {transform_indices = #map1}, {transform_indices = #map2}]} {
    %mul3A = arith.constant 16 : i32
    %mul3A_0 = arith.muli %arg0, %mul3A : i32
    %add3A = arith.addi %mul3A_0, %arg1 : i32
    %mul3A_1 = arith.constant 6272 : i32
    %mul3A_2 = arith.muli %arg1, %mul3A_1 : i32
    "tpu.region"() ({
      %run_scoped3A_396 = tpu.sem_alloc : memref<!tpu.dma_semaphore, #tpu.memory_space<semaphore_mem>>
      %dma_start3A_397 = tpu.memref_slice %arg8[%mul3A_2] : memref<100352xf32, #tpu.memory_space<vmem_shared>> -> memref<6272xf32, #tpu.memory_space<vmem_shared>>
      %dma_start3A_398 = tpu.memref_slice %arg3[%mul3A_2] : memref<100352xf32, #tpu.memory_space<hbm>> -> memref<6272xf32, #tpu.memory_space<hbm>>
      tpu.enqueue_dma source(%dma_start3A_398 : memref<6272xf32, #tpu.memory_space<hbm>>) target(%dma_start3A_397 : memref<6272xf32, #tpu.memory_space<vmem_shared>>) target_semaphore(%run_scoped3A_396 : memref<!tpu.dma_semaphore, #tpu.memory_space<semaphore_mem>>)
      %dma_wait3A_399 = tpu.memref_slice %arg8[%mul3A_2] : memref<100352xf32, #tpu.memory_space<vmem_shared>> -> memref<6272xf32, #tpu.memory_space<vmem_shared>>
      %dma_wait3A_400 = tpu.memref_slice %arg3[%mul3A_2] : memref<100352xf32, #tpu.memory_space<hbm>> -> memref<6272xf32, #tpu.memory_space<hbm>>
      tpu.wait_dma2 semaphore(%run_scoped3A_396 : memref<!tpu.dma_semaphore, #tpu.memory_space<semaphore_mem>>) src(%dma_wait3A_400 : memref<6272xf32, #tpu.memory_space<hbm>>) dst(%dma_wait3A_399 : memref<6272xf32, #tpu.memory_space<vmem_shared>>)
      tpu.yield
    }) : () -> ()
    %broadcast_in_dim3A = arith.constant 1.000000e+00 : f32
    %broadcast_in_dim3A_3 = vector.broadcast %broadcast_in_dim3A : f32 to vector<16xf32>
    %swap3A = arith.constant 0 : index
    %swap3A_4 = tpu.vector_load %arg7[%swap3A] {strides = array<i32>} : memref<400xf32, #tpu.memory_space<vmem>>, vector<16xf32>,
    %swap3A_5 = vector.shape_cast %swap3A_4 : vector<16xf32> to vector<16xf32>
    %swap3A_6 = vector.shape_cast %broadcast_in_dim3A_3 : vector<16xf32> to vector<16xf32>
    tpu.vector_store %arg7[%swap3A], %swap3A_6 {strides = array<i32>} : memref<400xf32, #tpu.memory_space<vmem>>, vector<16xf32>,
    %broadcast_in_dim3A_7 = arith.constant 1.000000e+00 : f32
    %broadcast_in_dim3A_8 = vector.broadcast %broadcast_in_dim3A_7 : f32 to vector<16xf32>
    %swap3A_9 = arith.constant 16 : index
    %swap3A_10 = tpu.vector_load %arg7[%swap3A_9] {strides = array<i32>} : memref<400xf32, #tpu.memory_space<vmem>>, vector<16xf32>,
    %swap3A_11 = vector.shape_cast %swap3A_10 : vector<16xf32> to vector<16xf32>
    %swap3A_12 = vector.shape_cast %broadcast_in_dim3A_8 : vector<16xf32> to vector<16xf32>
    tpu.vector_store %arg7[%swap3A_9], %swap3A_12 {strides = array<i32>} : memref<400xf32, #tpu.memory_space<vmem>>, vector<16xf32>,
    %broadcast_in_dim3A_13 = arith.constant 1.000000e+00 : f32
    %broadcast_in_dim3A_14 = vector.broadcast %broadcast_in_dim3A_13 : f32 to vector<16xf32>
    %swap3A_15 = arith.constant 32 : index
    %swap3A_16 = tpu.vector_load %arg7[%swap3A_15] {strides = array<i32>} : memref<400xf32, #tpu.memory_space<vmem>>, vector<16xf32>,
    %swap3A_17 = vector.shape_cast %swap3A_16 : vector<16xf32> to vector<16xf32>
    %swap3A_18 = vector.shape_cast %broadcast_in_dim3A_14 : vector<16xf32> to vector<16xf32>
    tpu.vector_store %arg7[%swap3A_15], %swap3A_18 {strides = array<i32>} : memref<400xf32, #tpu.memory_space<vmem>>, vector<16xf32>,
    %broadcast_in_dim3A_19 = arith.constant 1.000000e+00 : f32
    %broadcast_in_dim3A_20 = vector.broadcast %broadcast_in_dim3A_19 : f32 to vector<16xf32>
    %swap3A_21 = arith.constant 48 : index
    %swap3A_22 = tpu.vector_load %arg7[%swap3A_21] {strides = array<i32>} : memref<400xf32, #tpu.memory_space<vmem>>, vector<16xf32>,
    %swap3A_23 = vector.shape_cast %swap3A_22 : vector<16xf32> to vector<16xf32>
    %swap3A_24 = vector.shape_cast %broadcast_in_dim3A_20 : vector<16xf32> to vector<16xf32>
    tpu.vector_store %arg7[%swap3A_21], %swap3A_24 {strides = array<i32>} : memref<400xf32, #tpu.memory_space<vmem>>, vector<16xf32>,
    %broadcast_in_dim3A_25 = arith.constant 1.000000e+00 : f32
    %broadcast_in_dim3A_26 = vector.broadcast %broadcast_in_dim3A_25 : f32 to vector<16xf32>
    %swap3A_27 = arith.constant 64 : index
    %swap3A_28 = tpu.vector_load %arg7[%swap3A_27] {strides = array<i32>} : memref<400xf32, #tpu.memory_space<vmem>>, vector<16xf32>,
    %swap3A_29 = vector.shape_cast %swap3A_28 : vector<16xf32> to vector<16xf32>
    %swap3A_30 = vector.shape_cast %broadcast_in_dim3A_26 : vector<16xf32> to vector<16xf32>
    tpu.vector_store %arg7[%swap3A_27], %swap3A_30 {strides = array<i32>} : memref<400xf32, #tpu.memory_space<vmem>>, vector<16xf32>,
    %broadcast_in_dim3A_31 = arith.constant 1.000000e+00 : f32
    %broadcast_in_dim3A_32 = vector.broadcast %broadcast_in_dim3A_31 : f32 to vector<16xf32>
    %swap3A_33 = arith.constant 80 : index
    %swap3A_34 = tpu.vector_load %arg7[%swap3A_33] {strides = array<i32>} : memref<400xf32, #tpu.memory_space<vmem>>, vector<16xf32>,
    %swap3A_35 = vector.shape_cast %swap3A_34 : vector<16xf32> to vector<16xf32>
    %swap3A_36 = vector.shape_cast %broadcast_in_dim3A_32 : vector<16xf32> to vector<16xf32>
    tpu.vector_store %arg7[%swap3A_33], %swap3A_36 {strides = array<i32>} : memref<400xf32, #tpu.memory_space<vmem>>, vector<16xf32>,
    %broadcast_in_dim3A_37 = arith.constant 1.000000e+00 : f32
    %broadcast_in_dim3A_38 = vector.broadcast %broadcast_in_dim3A_37 : f32 to vector<16xf32>
    %swap3A_39 = arith.constant 96 : index
    %swap3A_40 = tpu.vector_load %arg7[%swap3A_39] {strides = array<i32>} : memref<400xf32, #tpu.memory_space<vmem>>, vector<16xf32>,
    %swap3A_41 = vector.shape_cast %swap3A_40 : vector<16xf32> to vector<16xf32>
    %swap3A_42 = vector.shape_cast %broadcast_in_dim3A_38 : vector<16xf32> to vector<16xf32>
    tpu.vector_store %arg7[%swap3A_39], %swap3A_42 {strides = array<i32>} : memref<400xf32, #tpu.memory_space<vmem>>, vector<16xf32>,
    %broadcast_in_dim3A_43 = arith.constant 1.000000e+00 : f32
    %broadcast_in_dim3A_44 = vector.broadcast %broadcast_in_dim3A_43 : f32 to vector<16xf32>
    %swap3A_45 = arith.constant 112 : index
    %swap3A_46 = tpu.vector_load %arg7[%swap3A_45] {strides = array<i32>} : memref<400xf32, #tpu.memory_space<vmem>>, vector<16xf32>,
    %swap3A_47 = vector.shape_cast %swap3A_46 : vector<16xf32> to vector<16xf32>
    %swap3A_48 = vector.shape_cast %broadcast_in_dim3A_44 : vector<16xf32> to vector<16xf32>
    tpu.vector_store %arg7[%swap3A_45], %swap3A_48 {strides = array<i32>} : memref<400xf32, #tpu.memory_space<vmem>>, vector<16xf32>,
    %broadcast_in_dim3A_49 = arith.constant 1.000000e+00 : f32
    %broadcast_in_dim3A_50 = vector.broadcast %broadcast_in_dim3A_49 : f32 to vector<16xf32>
    %swap3A_51 = arith.constant 128 : index
    %swap3A_52 = tpu.vector_load %arg7[%swap3A_51] {strides = array<i32>} : memref<400xf32, #tpu.memory_space<vmem>>, vector<16xf32>,
    %swap3A_53 = vector.shape_cast %swap3A_52 : vector<16xf32> to vector<16xf32>
    %swap3A_54 = vector.shape_cast %broadcast_in_dim3A_50 : vector<16xf32> to vector<16xf32>
    tpu.vector_store %arg7[%swap3A_51], %swap3A_54 {strides = array<i32>} : memref<400xf32, #tpu.memory_space<vmem>>, vector<16xf32>,
    %broadcast_in_dim3A_55 = arith.constant 1.000000e+00 : f32
    %broadcast_in_dim3A_56 = vector.broadcast %broadcast_in_dim3A_55 : f32 to vector<16xf32>
    %swap3A_57 = arith.constant 144 : index
    %swap3A_58 = tpu.vector_load %arg7[%swap3A_57] {strides = array<i32>} : memref<400xf32, #tpu.memory_space<vmem>>, vector<16xf32>,
    %swap3A_59 = vector.shape_cast %swap3A_58 : vector<16xf32> to vector<16xf32>
    %swap3A_60 = vector.shape_cast %broadcast_in_dim3A_56 : vector<16xf32> to vector<16xf32>
    tpu.vector_store %arg7[%swap3A_57], %swap3A_60 {strides = array<i32>} : memref<400xf32, #tpu.memory_space<vmem>>, vector<16xf32>,
    %broadcast_in_dim3A_61 = arith.constant 1.000000e+00 : f32
    %broadcast_in_dim3A_62 = vector.broadcast %broadcast_in_dim3A_61 : f32 to vector<16xf32>
    %swap3A_63 = arith.constant 160 : index
    %swap3A_64 = tpu.vector_load %arg7[%swap3A_63] {strides = array<i32>} : memref<400xf32, #tpu.memory_space<vmem>>, vector<16xf32>,
    %swap3A_65 = vector.shape_cast %swap3A_64 : vector<16xf32> to vector<16xf32>
    %swap3A_66 = vector.shape_cast %broadcast_in_dim3A_62 : vector<16xf32> to vector<16xf32>
    tpu.vector_store %arg7[%swap3A_63], %swap3A_66 {strides = array<i32>} : memref<400xf32, #tpu.memory_space<vmem>>, vector<16xf32>,
    %broadcast_in_dim3A_67 = arith.constant 1.000000e+00 : f32
    %broadcast_in_dim3A_68 = vector.broadcast %broadcast_in_dim3A_67 : f32 to vector<16xf32>
    %swap3A_69 = arith.constant 176 : index
    %swap3A_70 = tpu.vector_load %arg7[%swap3A_69] {strides = array<i32>} : memref<400xf32, #tpu.memory_space<vmem>>, vector<16xf32>,
    %swap3A_71 = vector.shape_cast %swap3A_70 : vector<16xf32> to vector<16xf32>
    %swap3A_72 = vector.shape_cast %broadcast_in_dim3A_68 : vector<16xf32> to vector<16xf32>
    tpu.vector_store %arg7[%swap3A_69], %swap3A_72 {strides = array<i32>} : memref<400xf32, #tpu.memory_space<vmem>>, vector<16xf32>,
    %broadcast_in_dim3A_73 = arith.constant 1.000000e+00 : f32
    %broadcast_in_dim3A_74 = vector.broadcast %broadcast_in_dim3A_73 : f32 to vector<16xf32>
    %swap3A_75 = arith.constant 192 : index
    %swap3A_76 = tpu.vector_load %arg7[%swap3A_75] {strides = array<i32>} : memref<400xf32, #tpu.memory_space<vmem>>, vector<16xf32>,
    %swap3A_77 = vector.shape_cast %swap3A_76 : vector<16xf32> to vector<16xf32>
    %swap3A_78 = vector.shape_cast %broadcast_in_dim3A_74 : vector<16xf32> to vector<16xf32>
    tpu.vector_store %arg7[%swap3A_75], %swap3A_78 {strides = array<i32>} : memref<400xf32, #tpu.memory_space<vmem>>, vector<16xf32>,
    %broadcast_in_dim3A_79 = arith.constant 1.000000e+00 : f32
    %broadcast_in_dim3A_80 = vector.broadcast %broadcast_in_dim3A_79 : f32 to vector<16xf32>
    %swap3A_81 = arith.constant 208 : index
    %swap3A_82 = tpu.vector_load %arg7[%swap3A_81] {strides = array<i32>} : memref<400xf32, #tpu.memory_space<vmem>>, vector<16xf32>,
    %swap3A_83 = vector.shape_cast %swap3A_82 : vector<16xf32> to vector<16xf32>
    %swap3A_84 = vector.shape_cast %broadcast_in_dim3A_80 : vector<16xf32> to vector<16xf32>
    tpu.vector_store %arg7[%swap3A_81], %swap3A_84 {strides = array<i32>} : memref<400xf32, #tpu.memory_space<vmem>>, vector<16xf32>,
    %broadcast_in_dim3A_85 = arith.constant 1.000000e+00 : f32
    %broadcast_in_dim3A_86 = vector.broadcast %broadcast_in_dim3A_85 : f32 to vector<16xf32>
    %swap3A_87 = arith.constant 224 : index
    %swap3A_88 = tpu.vector_load %arg7[%swap3A_87] {strides = array<i32>} : memref<400xf32, #tpu.memory_space<vmem>>, vector<16xf32>,
    %swap3A_89 = vector.shape_cast %swap3A_88 : vector<16xf32> to vector<16xf32>
    %swap3A_90 = vector.shape_cast %broadcast_in_dim3A_86 : vector<16xf32> to vector<16xf32>
    tpu.vector_store %arg7[%swap3A_87], %swap3A_90 {strides = array<i32>} : memref<400xf32, #tpu.memory_space<vmem>>, vector<16xf32>,
    %broadcast_in_dim3A_91 = arith.constant 1.000000e+00 : f32
    %broadcast_in_dim3A_92 = vector.broadcast %broadcast_in_dim3A_91 : f32 to vector<16xf32>
    %swap3A_93 = arith.constant 240 : index
    %swap3A_94 = tpu.vector_load %arg7[%swap3A_93] {strides = array<i32>} : memref<400xf32, #tpu.memory_space<vmem>>, vector<16xf32>,
    %swap3A_95 = vector.shape_cast %swap3A_94 : vector<16xf32> to vector<16xf32>
    %swap3A_96 = vector.shape_cast %broadcast_in_dim3A_92 : vector<16xf32> to vector<16xf32>
    tpu.vector_store %arg7[%swap3A_93], %swap3A_96 {strides = array<i32>} : memref<400xf32, #tpu.memory_space<vmem>>, vector<16xf32>,
    %broadcast_in_dim3A_97 = arith.constant 1.000000e+00 : f32
    %broadcast_in_dim3A_98 = vector.broadcast %broadcast_in_dim3A_97 : f32 to vector<16xf32>
    %swap3A_99 = arith.constant 256 : index
    %swap3A_100 = tpu.vector_load %arg7[%swap3A_99] {strides = array<i32>} : memref<400xf32, #tpu.memory_space<vmem>>, vector<16xf32>,
    %swap3A_101 = vector.shape_cast %swap3A_100 : vector<16xf32> to vector<16xf32>
    %swap3A_102 = vector.shape_cast %broadcast_in_dim3A_98 : vector<16xf32> to vector<16xf32>
    tpu.vector_store %arg7[%swap3A_99], %swap3A_102 {strides = array<i32>} : memref<400xf32, #tpu.memory_space<vmem>>, vector<16xf32>,
    %broadcast_in_dim3A_103 = arith.constant 1.000000e+00 : f32
    %broadcast_in_dim3A_104 = vector.broadcast %broadcast_in_dim3A_103 : f32 to vector<16xf32>
    %swap3A_105 = arith.constant 272 : index
    %swap3A_106 = tpu.vector_load %arg7[%swap3A_105] {strides = array<i32>} : memref<400xf32, #tpu.memory_space<vmem>>, vector<16xf32>,
    %swap3A_107 = vector.shape_cast %swap3A_106 : vector<16xf32> to vector<16xf32>
    %swap3A_108 = vector.shape_cast %broadcast_in_dim3A_104 : vector<16xf32> to vector<16xf32>
    tpu.vector_store %arg7[%swap3A_105], %swap3A_108 {strides = array<i32>} : memref<400xf32, #tpu.memory_space<vmem>>, vector<16xf32>,
    %broadcast_in_dim3A_109 = arith.constant 1.000000e+00 : f32
    %broadcast_in_dim3A_110 = vector.broadcast %broadcast_in_dim3A_109 : f32 to vector<16xf32>
    %swap3A_111 = arith.constant 288 : index
    %swap3A_112 = tpu.vector_load %arg7[%swap3A_111] {strides = array<i32>} : memref<400xf32, #tpu.memory_space<vmem>>, vector<16xf32>,
    %swap3A_113 = vector.shape_cast %swap3A_112 : vector<16xf32> to vector<16xf32>
    %swap3A_114 = vector.shape_cast %broadcast_in_dim3A_110 : vector<16xf32> to vector<16xf32>
    tpu.vector_store %arg7[%swap3A_111], %swap3A_114 {strides = array<i32>} : memref<400xf32, #tpu.memory_space<vmem>>, vector<16xf32>,
    %broadcast_in_dim3A_115 = arith.constant 1.000000e+00 : f32
    %broadcast_in_dim3A_116 = vector.broadcast %broadcast_in_dim3A_115 : f32 to vector<16xf32>
    %swap3A_117 = arith.constant 304 : index
    %swap3A_118 = tpu.vector_load %arg7[%swap3A_117] {strides = array<i32>} : memref<400xf32, #tpu.memory_space<vmem>>, vector<16xf32>,
    %swap3A_119 = vector.shape_cast %swap3A_118 : vector<16xf32> to vector<16xf32>
    %swap3A_120 = vector.shape_cast %broadcast_in_dim3A_116 : vector<16xf32> to vector<16xf32>
    tpu.vector_store %arg7[%swap3A_117], %swap3A_120 {strides = array<i32>} : memref<400xf32, #tpu.memory_space<vmem>>, vector<16xf32>,
    %broadcast_in_dim3A_121 = arith.constant 1.000000e+00 : f32
    %broadcast_in_dim3A_122 = vector.broadcast %broadcast_in_dim3A_121 : f32 to vector<16xf32>
    %swap3A_123 = arith.constant 320 : index
    %swap3A_124 = tpu.vector_load %arg7[%swap3A_123] {strides = array<i32>} : memref<400xf32, #tpu.memory_space<vmem>>, vector<16xf32>,
    %swap3A_125 = vector.shape_cast %swap3A_124 : vector<16xf32> to vector<16xf32>
    %swap3A_126 = vector.shape_cast %broadcast_in_dim3A_122 : vector<16xf32> to vector<16xf32>
    tpu.vector_store %arg7[%swap3A_123], %swap3A_126 {strides = array<i32>} : memref<400xf32, #tpu.memory_space<vmem>>, vector<16xf32>,
    %broadcast_in_dim3A_127 = arith.constant 1.000000e+00 : f32
    %broadcast_in_dim3A_128 = vector.broadcast %broadcast_in_dim3A_127 : f32 to vector<16xf32>
    %swap3A_129 = arith.constant 336 : index
    %swap3A_130 = tpu.vector_load %arg7[%swap3A_129] {strides = array<i32>} : memref<400xf32, #tpu.memory_space<vmem>>, vector<16xf32>,
    %swap3A_131 = vector.shape_cast %swap3A_130 : vector<16xf32> to vector<16xf32>
    %swap3A_132 = vector.shape_cast %broadcast_in_dim3A_128 : vector<16xf32> to vector<16xf32>
    tpu.vector_store %arg7[%swap3A_129], %swap3A_132 {strides = array<i32>} : memref<400xf32, #tpu.memory_space<vmem>>, vector<16xf32>,
    %broadcast_in_dim3A_133 = arith.constant 1.000000e+00 : f32
    %broadcast_in_dim3A_134 = vector.broadcast %broadcast_in_dim3A_133 : f32 to vector<16xf32>
    %swap3A_135 = arith.constant 352 : index
    %swap3A_136 = tpu.vector_load %arg7[%swap3A_135] {strides = array<i32>} : memref<400xf32, #tpu.memory_space<vmem>>, vector<16xf32>,
    %swap3A_137 = vector.shape_cast %swap3A_136 : vector<16xf32> to vector<16xf32>
    %swap3A_138 = vector.shape_cast %broadcast_in_dim3A_134 : vector<16xf32> to vector<16xf32>
    tpu.vector_store %arg7[%swap3A_135], %swap3A_138 {strides = array<i32>} : memref<400xf32, #tpu.memory_space<vmem>>, vector<16xf32>,
    %broadcast_in_dim3A_139 = arith.constant 1.000000e+00 : f32
    %broadcast_in_dim3A_140 = vector.broadcast %broadcast_in_dim3A_139 : f32 to vector<16xf32>
    %swap3A_141 = arith.constant 368 : index
    %swap3A_142 = tpu.vector_load %arg7[%swap3A_141] {strides = array<i32>} : memref<400xf32, #tpu.memory_space<vmem>>, vector<16xf32>,
    %swap3A_143 = vector.shape_cast %swap3A_142 : vector<16xf32> to vector<16xf32>
    %swap3A_144 = vector.shape_cast %broadcast_in_dim3A_140 : vector<16xf32> to vector<16xf32>
    tpu.vector_store %arg7[%swap3A_141], %swap3A_144 {strides = array<i32>} : memref<400xf32, #tpu.memory_space<vmem>>, vector<16xf32>,
    %broadcast_in_dim3A_145 = arith.constant 1.000000e+00 : f32
    %broadcast_in_dim3A_146 = vector.broadcast %broadcast_in_dim3A_145 : f32 to vector<16xf32>
    %swap3A_147 = arith.constant 384 : index
    %swap3A_148 = tpu.vector_load %arg7[%swap3A_147] {strides = array<i32>} : memref<400xf32, #tpu.memory_space<vmem>>, vector<16xf32>,
    %swap3A_149 = vector.shape_cast %swap3A_148 : vector<16xf32> to vector<16xf32>
    %swap3A_150 = vector.shape_cast %broadcast_in_dim3A_146 : vector<16xf32> to vector<16xf32>
    tpu.vector_store %arg7[%swap3A_147], %swap3A_150 {strides = array<i32>} : memref<400xf32, #tpu.memory_space<vmem>>, vector<16xf32>,
    %barrier3A = arith.constant 0 : index
    tpu.barrier barrier_id(%barrier3A)
    %run_scoped3A = arith.constant 1 : i32
    "tpu.region"() ({
      %run_scoped3A_396 = tpu.sem_alloc : memref<!tpu.dma_semaphore, #tpu.memory_space<semaphore_mem>>
      %dma_start3A_397 = arith.constant 0 : i32
      %dma_start3A_398 = arith.constant 0 : i32
      %dma_start3A_399 = tpu.memref_slice %arg2[%run_scoped3A, %add3A, %dma_start3A_397, %dma_start3A_398] : memref<2x32x500x400xi32, #tpu.memory_space<hbm>> -> memref<1x1x10x400xi32, #tpu.memory_space<hbm>>
      %dma_start3A_400 = tpu.memref_squeeze %dma_start3A_399 : memref<1x1x10x400xi32, #tpu.memory_space<hbm>> -> memref<10x400xi32, #tpu.memory_space<hbm>>
      %dma_start3A_401 = arith.constant 0 : i32
      %dma_start3A_402 = arith.constant 0 : i32
      %dma_start3A_403 = tpu.memref_slice %arg2[%run_scoped3A, %add3A, %dma_start3A_401, %dma_start3A_402] : memref<2x32x500x400xi32, #tpu.memory_space<hbm>> -> memref<1x1x10x400xi32, #tpu.memory_space<hbm>>
      %dma_start3A_404 = tpu.memref_squeeze %dma_start3A_403 : memref<1x1x10x400xi32, #tpu.memory_space<hbm>> -> memref<10x400xi32, #tpu.memory_space<hbm>>
      tpu.enqueue_dma source(%dma_start3A_404 : memref<10x400xi32, #tpu.memory_space<hbm>>) target(%arg5 : memref<10x400xi32, #tpu.memory_space<vmem>>) target_semaphore(%run_scoped3A_396 : memref<!tpu.dma_semaphore, #tpu.memory_space<semaphore_mem>>)
      %dma_wait3A_405 = arith.constant 0 : i32
      %dma_wait3A_406 = arith.constant 0 : i32
      %dma_wait3A_407 = tpu.memref_slice %arg2[%run_scoped3A, %add3A, %dma_wait3A_405, %dma_wait3A_406] : memref<2x32x500x400xi32, #tpu.memory_space<hbm>> -> memref<1x1x10x400xi32, #tpu.memory_space<hbm>>
      %dma_wait3A_408 = tpu.memref_squeeze %dma_wait3A_407 : memref<1x1x10x400xi32, #tpu.memory_space<hbm>> -> memref<10x400xi32, #tpu.memory_space<hbm>>
      %dma_wait3A_409 = arith.constant 0 : i32
      %dma_wait3A_410 = arith.constant 0 : i32
      %dma_wait3A_411 = tpu.memref_slice %arg2[%run_scoped3A, %add3A, %dma_wait3A_409, %dma_wait3A_410] : memref<2x32x500x400xi32, #tpu.memory_space<hbm>> -> memref<1x1x10x400xi32, #tpu.memory_space<hbm>>
      %dma_wait3A_412 = tpu.memref_squeeze %dma_wait3A_411 : memref<1x1x10x400xi32, #tpu.memory_space<hbm>> -> memref<10x400xi32, #tpu.memory_space<hbm>>
      tpu.wait_dma2 semaphore(%run_scoped3A_396 : memref<!tpu.dma_semaphore, #tpu.memory_space<semaphore_mem>>) src(%dma_wait3A_412 : memref<10x400xi32, #tpu.memory_space<hbm>>) dst(%arg5 : memref<10x400xi32, #tpu.memory_space<vmem>>)
      tpu.yield
    }) : () -> ()
    %scan3A = arith.constant 0 : i32
    %scan3A_151 = arith.constant 0 : i32
    %scan3A_152 = arith.constant 24 : i32
    %scan3A_153 = arith.addi %scan3A_151, %scan3A_152 : i32
    %scan3A_154 = arith.constant 1 : i32
    scf.for %scan3A_396 = %scan3A_151 to %scan3A_153 step %scan3A_154  : i32 {
      %dma_start3A_397 = arith.constant 0 : i32
      %dma_start3A_398 = arith.constant 0 : i32
      %dma_start3A_399 = tpu.memref_slice %arg5[%dma_start3A_397, %dma_start3A_398] : memref<10x400xi32, #tpu.memory_space<vmem>> -> memref<1x400xi32, #tpu.memory_space<vmem>>
      %dma_start3A_400 = tpu.memref_squeeze %dma_start3A_399 : memref<1x400xi32, #tpu.memory_space<vmem>> -> memref<400xi32, #tpu.memory_space<vmem>>
      %dma_start3A_401 = arith.constant 0 : i32
      %dma_start3A_402 = tpu.memref_slice %arg8[%dma_start3A_401] : memref<100352xf32, #tpu.memory_space<vmem_shared>> -> memref<100352xf32, #tpu.memory_space<vmem_shared>>
      tpu.enqueue_indirect_dma source(%arg7 : memref<400xf32, #tpu.memory_space<vmem>>) target(%dma_start3A_402 : memref<100352xf32, #tpu.memory_space<vmem_shared>>) offsets(%dma_start3A_400 : memref<400xi32, #tpu.memory_space<vmem>>) semaphore(%arg9 : memref<!tpu.dma_semaphore, #tpu.memory_space<semaphore_mem>>) {add = true}
      %dma_start3A_403 = arith.constant 1 : i32
      %dma_start3A_404 = arith.constant 0 : i32
      %dma_start3A_405 = tpu.memref_slice %arg5[%dma_start3A_403, %dma_start3A_404] : memref<10x400xi32, #tpu.memory_space<vmem>> -> memref<1x400xi32, #tpu.memory_space<vmem>>
      %dma_start3A_406 = tpu.memref_squeeze %dma_start3A_405 : memref<1x400xi32, #tpu.memory_space<vmem>> -> memref<400xi32, #tpu.memory_space<vmem>>
      %dma_start3A_407 = arith.constant 0 : i32
      %dma_start3A_408 = tpu.memref_slice %arg8[%dma_start3A_407] : memref<100352xf32, #tpu.memory_space<vmem_shared>> -> memref<100352xf32, #tpu.memory_space<vmem_shared>>
      tpu.enqueue_indirect_dma source(%arg7 : memref<400xf32, #tpu.memory_space<vmem>>) target(%dma_start3A_408 : memref<100352xf32, #tpu.memory_space<vmem_shared>>) offsets(%dma_start3A_406 : memref<400xi32, #tpu.memory_space<vmem>>) semaphore(%arg9 : memref<!tpu.dma_semaphore, #tpu.memory_space<semaphore_mem>>) {add = true}
      %dma_start3A_409 = arith.constant 2 : i32
      %dma_start3A_410 = arith.constant 0 : i32
      %dma_start3A_411 = tpu.memref_slice %arg5[%dma_start3A_409, %dma_start3A_410] : memref<10x400xi32, #tpu.memory_space<vmem>> -> memref<1x400xi32, #tpu.memory_space<vmem>>
      %dma_start3A_412 = tpu.memref_squeeze %dma_start3A_411 : memref<1x400xi32, #tpu.memory_space<vmem>> -> memref<400xi32, #tpu.memory_space<vmem>>
      %dma_start3A_413 = arith.constant 0 : i32
      %dma_start3A_414 = tpu.memref_slice %arg8[%dma_start3A_413] : memref<100352xf32, #tpu.memory_space<vmem_shared>> -> memref<100352xf32, #tpu.memory_space<vmem_shared>>
      tpu.enqueue_indirect_dma source(%arg7 : memref<400xf32, #tpu.memory_space<vmem>>) target(%dma_start3A_414 : memref<100352xf32, #tpu.memory_space<vmem_shared>>) offsets(%dma_start3A_412 : memref<400xi32, #tpu.memory_space<vmem>>) semaphore(%arg9 : memref<!tpu.dma_semaphore, #tpu.memory_space<semaphore_mem>>) {add = true}
      %dma_start3A_415 = arith.constant 3 : i32
      %dma_start3A_416 = arith.constant 0 : i32
      %dma_start3A_417 = tpu.memref_slice %arg5[%dma_start3A_415, %dma_start3A_416] : memref<10x400xi32, #tpu.memory_space<vmem>> -> memref<1x400xi32, #tpu.memory_space<vmem>>
      %dma_start3A_418 = tpu.memref_squeeze %dma_start3A_417 : memref<1x400xi32, #tpu.memory_space<vmem>> -> memref<400xi32, #tpu.memory_space<vmem>>
      %dma_start3A_419 = arith.constant 0 : i32
      %dma_start3A_420 = tpu.memref_slice %arg8[%dma_start3A_419] : memref<100352xf32, #tpu.memory_space<vmem_shared>> -> memref<100352xf32, #tpu.memory_space<vmem_shared>>
      tpu.enqueue_indirect_dma source(%arg7 : memref<400xf32, #tpu.memory_space<vmem>>) target(%dma_start3A_420 : memref<100352xf32, #tpu.memory_space<vmem_shared>>) offsets(%dma_start3A_418 : memref<400xi32, #tpu.memory_space<vmem>>) semaphore(%arg9 : memref<!tpu.dma_semaphore, #tpu.memory_space<semaphore_mem>>) {add = true}
      %dma_start3A_421 = arith.constant 4 : i32
      %dma_start3A_422 = arith.constant 0 : i32
      %dma_start3A_423 = tpu.memref_slice %arg5[%dma_start3A_421, %dma_start3A_422] : memref<10x400xi32, #tpu.memory_space<vmem>> -> memref<1x400xi32, #tpu.memory_space<vmem>>
      %dma_start3A_424 = tpu.memref_squeeze %dma_start3A_423 : memref<1x400xi32, #tpu.memory_space<vmem>> -> memref<400xi32, #tpu.memory_space<vmem>>
      %dma_start3A_425 = arith.constant 0 : i32
      %dma_start3A_426 = tpu.memref_slice %arg8[%dma_start3A_425] : memref<100352xf32, #tpu.memory_space<vmem_shared>> -> memref<100352xf32, #tpu.memory_space<vmem_shared>>
      tpu.enqueue_indirect_dma source(%arg7 : memref<400xf32, #tpu.memory_space<vmem>>) target(%dma_start3A_426 : memref<100352xf32, #tpu.memory_space<vmem_shared>>) offsets(%dma_start3A_424 : memref<400xi32, #tpu.memory_space<vmem>>) semaphore(%arg9 : memref<!tpu.dma_semaphore, #tpu.memory_space<semaphore_mem>>) {add = true}
      %dma_start3A_427 = arith.constant 5 : i32
      %dma_start3A_428 = arith.constant 0 : i32
      %dma_start3A_429 = tpu.memref_slice %arg5[%dma_start3A_427, %dma_start3A_428] : memref<10x400xi32, #tpu.memory_space<vmem>> -> memref<1x400xi32, #tpu.memory_space<vmem>>
      %dma_start3A_430 = tpu.memref_squeeze %dma_start3A_429 : memref<1x400xi32, #tpu.memory_space<vmem>> -> memref<400xi32, #tpu.memory_space<vmem>>
      %dma_start3A_431 = arith.constant 0 : i32
      %dma_start3A_432 = tpu.memref_slice %arg8[%dma_start3A_431] : memref<100352xf32, #tpu.memory_space<vmem_shared>> -> memref<100352xf32, #tpu.memory_space<vmem_shared>>
      tpu.enqueue_indirect_dma source(%arg7 : memref<400xf32, #tpu.memory_space<vmem>>) target(%dma_start3A_432 : memref<100352xf32, #tpu.memory_space<vmem_shared>>) offsets(%dma_start3A_430 : memref<400xi32, #tpu.memory_space<vmem>>) semaphore(%arg9 : memref<!tpu.dma_semaphore, #tpu.memory_space<semaphore_mem>>) {add = true}
      %dma_start3A_433 = arith.constant 6 : i32
      %dma_start3A_434 = arith.constant 0 : i32
      %dma_start3A_435 = tpu.memref_slice %arg5[%dma_start3A_433, %dma_start3A_434] : memref<10x400xi32, #tpu.memory_space<vmem>> -> memref<1x400xi32, #tpu.memory_space<vmem>>
      %dma_start3A_436 = tpu.memref_squeeze %dma_start3A_435 : memref<1x400xi32, #tpu.memory_space<vmem>> -> memref<400xi32, #tpu.memory_space<vmem>>
      %dma_start3A_437 = arith.constant 0 : i32
      %dma_start3A_438 = tpu.memref_slice %arg8[%dma_start3A_437] : memref<100352xf32, #tpu.memory_space<vmem_shared>> -> memref<100352xf32, #tpu.memory_space<vmem_shared>>
      tpu.enqueue_indirect_dma source(%arg7 : memref<400xf32, #tpu.memory_space<vmem>>) target(%dma_start3A_438 : memref<100352xf32, #tpu.memory_space<vmem_shared>>) offsets(%dma_start3A_436 : memref<400xi32, #tpu.memory_space<vmem>>) semaphore(%arg9 : memref<!tpu.dma_semaphore, #tpu.memory_space<semaphore_mem>>) {add = true}
      %dma_start3A_439 = arith.constant 7 : i32
      %dma_start3A_440 = arith.constant 0 : i32
      %dma_start3A_441 = tpu.memref_slice %arg5[%dma_start3A_439, %dma_start3A_440] : memref<10x400xi32, #tpu.memory_space<vmem>> -> memref<1x400xi32, #tpu.memory_space<vmem>>
      %dma_start3A_442 = tpu.memref_squeeze %dma_start3A_441 : memref<1x400xi32, #tpu.memory_space<vmem>> -> memref<400xi32, #tpu.memory_space<vmem>>
      %dma_start3A_443 = arith.constant 0 : i32
      %dma_start3A_444 = tpu.memref_slice %arg8[%dma_start3A_443] : memref<100352xf32, #tpu.memory_space<vmem_shared>> -> memref<100352xf32, #tpu.memory_space<vmem_shared>>
      tpu.enqueue_indirect_dma source(%arg7 : memref<400xf32, #tpu.memory_space<vmem>>) target(%dma_start3A_444 : memref<100352xf32, #tpu.memory_space<vmem_shared>>) offsets(%dma_start3A_442 : memref<400xi32, #tpu.memory_space<vmem>>) semaphore(%arg9 : memref<!tpu.dma_semaphore, #tpu.memory_space<semaphore_mem>>) {add = true}
      %dma_start3A_445 = arith.constant 8 : i32
      %dma_start3A_446 = arith.constant 0 : i32
      %dma_start3A_447 = tpu.memref_slice %arg5[%dma_start3A_445, %dma_start3A_446] : memref<10x400xi32, #tpu.memory_space<vmem>> -> memref<1x400xi32, #tpu.memory_space<vmem>>
      %dma_start3A_448 = tpu.memref_squeeze %dma_start3A_447 : memref<1x400xi32, #tpu.memory_space<vmem>> -> memref<400xi32, #tpu.memory_space<vmem>>
      %dma_start3A_449 = arith.constant 0 : i32
      %dma_start3A_450 = tpu.memref_slice %arg8[%dma_start3A_449] : memref<100352xf32, #tpu.memory_space<vmem_shared>> -> memref<100352xf32, #tpu.memory_space<vmem_shared>>
      tpu.enqueue_indirect_dma source(%arg7 : memref<400xf32, #tpu.memory_space<vmem>>) target(%dma_start3A_450 : memref<100352xf32, #tpu.memory_space<vmem_shared>>) offsets(%dma_start3A_448 : memref<400xi32, #tpu.memory_space<vmem>>) semaphore(%arg9 : memref<!tpu.dma_semaphore, #tpu.memory_space<semaphore_mem>>) {add = true}
      %dma_start3A_451 = arith.constant 9 : i32
      %dma_start3A_452 = arith.constant 0 : i32
      %dma_start3A_453 = tpu.memref_slice %arg5[%dma_start3A_451, %dma_start3A_452] : memref<10x400xi32, #tpu.memory_space<vmem>> -> memref<1x400xi32, #tpu.memory_space<vmem>>
      %dma_start3A_454 = tpu.memref_squeeze %dma_start3A_453 : memref<1x400xi32, #tpu.memory_space<vmem>> -> memref<400xi32, #tpu.memory_space<vmem>>
      %dma_start3A_455 = arith.constant 0 : i32
      %dma_start3A_456 = tpu.memref_slice %arg8[%dma_start3A_455] : memref<100352xf32, #tpu.memory_space<vmem_shared>> -> memref<100352xf32, #tpu.memory_space<vmem_shared>>
      tpu.enqueue_indirect_dma source(%arg7 : memref<400xf32, #tpu.memory_space<vmem>>) target(%dma_start3A_456 : memref<100352xf32, #tpu.memory_space<vmem_shared>>) offsets(%dma_start3A_454 : memref<400xi32, #tpu.memory_space<vmem>>) semaphore(%arg9 : memref<!tpu.dma_semaphore, #tpu.memory_space<semaphore_mem>>) {add = true}
      %mul3A_457 = arith.constant 2 : i32
      %mul3A_458 = arith.muli %mul3A_457, %scan3A_396 : i32
      %add3A_459 = arith.constant 1 : i32
      %add3A_460 = arith.addi %mul3A_458, %add3A_459 : i32
      %mul3A_461 = arith.constant 10 : i32
      %mul3A_462 = arith.muli %add3A_460, %mul3A_461 : i32
      %run_scoped3A_463 = arith.constant 1 : i32
      "tpu.region"() ({
        %run_scoped3A_651 = tpu.sem_alloc : memref<!tpu.dma_semaphore, #tpu.memory_space<semaphore_mem>>
        %dma_start3A_652 = arith.constant 0 : i32
        %dma_start3A_653 = tpu.memref_slice %arg2[%run_scoped3A_463, %add3A, %mul3A_462, %dma_start3A_652] : memref<2x32x500x400xi32, #tpu.memory_space<hbm>> -> memref<1x1x10x400xi32, #tpu.memory_space<hbm>>
        %dma_start3A_654 = tpu.memref_squeeze %dma_start3A_653 : memref<1x1x10x400xi32, #tpu.memory_space<hbm>> -> memref<10x400xi32, #tpu.memory_space<hbm>>
        %dma_start3A_655 = arith.constant 0 : i32
        %dma_start3A_656 = tpu.memref_slice %arg2[%run_scoped3A_463, %add3A, %mul3A_462, %dma_start3A_655] : memref<2x32x500x400xi32, #tpu.memory_space<hbm>> -> memref<1x1x10x400xi32, #tpu.memory_space<hbm>>
        %dma_start3A_657 = tpu.memref_squeeze %dma_start3A_656 : memref<1x1x10x400xi32, #tpu.memory_space<hbm>> -> memref<10x400xi32, #tpu.memory_space<hbm>>
        tpu.enqueue_dma source(%dma_start3A_657 : memref<10x400xi32, #tpu.memory_space<hbm>>) target(%arg6 : memref<10x400xi32, #tpu.memory_space<vmem>>) target_semaphore(%run_scoped3A_651 : memref<!tpu.dma_semaphore, #tpu.memory_space<semaphore_mem>>)
        %dma_wait3A_658 = arith.constant 0 : i32
        %dma_wait3A_659 = tpu.memref_slice %arg2[%run_scoped3A_463, %add3A, %mul3A_462, %dma_wait3A_658] : memref<2x32x500x400xi32, #tpu.memory_space<hbm>> -> memref<1x1x10x400xi32, #tpu.memory_space<hbm>>
        %dma_wait3A_660 = tpu.memref_squeeze %dma_wait3A_659 : memref<1x1x10x400xi32, #tpu.memory_space<hbm>> -> memref<10x400xi32, #tpu.memory_space<hbm>>
        %dma_wait3A_661 = arith.constant 0 : i32
        %dma_wait3A_662 = tpu.memref_slice %arg2[%run_scoped3A_463, %add3A, %mul3A_462, %dma_wait3A_661] : memref<2x32x500x400xi32, #tpu.memory_space<hbm>> -> memref<1x1x10x400xi32, #tpu.memory_space<hbm>>
        %dma_wait3A_663 = tpu.memref_squeeze %dma_wait3A_662 : memref<1x1x10x400xi32, #tpu.memory_space<hbm>> -> memref<10x400xi32, #tpu.memory_space<hbm>>
        tpu.wait_dma2 semaphore(%run_scoped3A_651 : memref<!tpu.dma_semaphore, #tpu.memory_space<semaphore_mem>>) src(%dma_wait3A_663 : memref<10x400xi32, #tpu.memory_space<hbm>>) dst(%arg6 : memref<10x400xi32, #tpu.memory_space<vmem>>)
        tpu.yield
      }) : () -> ()
      %dma_wait3A_464 = arith.constant 0 : i32
      %dma_wait3A_465 = arith.constant 0 : i32
      %dma_wait3A_466 = tpu.memref_slice %arg5[%dma_wait3A_464, %dma_wait3A_465] : memref<10x400xi32, #tpu.memory_space<vmem>> -> memref<1x400xi32, #tpu.memory_space<vmem>>
      %dma_wait3A_467 = tpu.memref_squeeze %dma_wait3A_466 : memref<1x400xi32, #tpu.memory_space<vmem>> -> memref<400xi32, #tpu.memory_space<vmem>>
      %dma_wait3A_468 = arith.constant 0 : i32
      %dma_wait3A_469 = tpu.memref_slice %arg8[%dma_wait3A_468] : memref<100352xf32, #tpu.memory_space<vmem_shared>> -> memref<100352xf32, #tpu.memory_space<vmem_shared>>
      tpu.wait_indirect_dma semaphore(%arg9 : memref<!tpu.dma_semaphore, #tpu.memory_space<semaphore_mem>>) src(%arg7 : memref<400xf32, #tpu.memory_space<vmem>>) dst(%dma_wait3A_469 : memref<100352xf32, #tpu.memory_space<vmem_shared>>)
      %dma_wait3A_470 = arith.constant 1 : i32
      %dma_wait3A_471 = arith.constant 0 : i32
      %dma_wait3A_472 = tpu.memref_slice %arg5[%dma_wait3A_470, %dma_wait3A_471] : memref<10x400xi32, #tpu.memory_space<vmem>> -> memref<1x400xi32, #tpu.memory_space<vmem>>
      %dma_wait3A_473 = tpu.memref_squeeze %dma_wait3A_472 : memref<1x400xi32, #tpu.memory_space<vmem>> -> memref<400xi32, #tpu.memory_space<vmem>>
      %dma_wait3A_474 = arith.constant 0 : i32
      %dma_wait3A_475 = tpu.memref_slice %arg8[%dma_wait3A_474] : memref<100352xf32, #tpu.memory_space<vmem_shared>> -> memref<100352xf32, #tpu.memory_space<vmem_shared>>
      tpu.wait_indirect_dma semaphore(%arg9 : memref<!tpu.dma_semaphore, #tpu.memory_space<semaphore_mem>>) src(%arg7 : memref<400xf32, #tpu.memory_space<vmem>>) dst(%dma_wait3A_475 : memref<100352xf32, #tpu.memory_space<vmem_shared>>)
      %dma_wait3A_476 = arith.constant 2 : i32
      %dma_wait3A_477 = arith.constant 0 : i32
      %dma_wait3A_478 = tpu.memref_slice %arg5[%dma_wait3A_476, %dma_wait3A_477] : memref<10x400xi32, #tpu.memory_space<vmem>> -> memref<1x400xi32, #tpu.memory_space<vmem>>
      %dma_wait3A_479 = tpu.memref_squeeze %dma_wait3A_478 : memref<1x400xi32, #tpu.memory_space<vmem>> -> memref<400xi32, #tpu.memory_space<vmem>>
      %dma_wait3A_480 = arith.constant 0 : i32
      %dma_wait3A_481 = tpu.memref_slice %arg8[%dma_wait3A_480] : memref<100352xf32, #tpu.memory_space<vmem_shared>> -> memref<100352xf32, #tpu.memory_space<vmem_shared>>
      tpu.wait_indirect_dma semaphore(%arg9 : memref<!tpu.dma_semaphore, #tpu.memory_space<semaphore_mem>>) src(%arg7 : memref<400xf32, #tpu.memory_space<vmem>>) dst(%dma_wait3A_481 : memref<100352xf32, #tpu.memory_space<vmem_shared>>)
      %dma_wait3A_482 = arith.constant 3 : i32
      %dma_wait3A_483 = arith.constant 0 : i32
      %dma_wait3A_484 = tpu.memref_slice %arg5[%dma_wait3A_482, %dma_wait3A_483] : memref<10x400xi32, #tpu.memory_space<vmem>> -> memref<1x400xi32, #tpu.memory_space<vmem>>
      %dma_wait3A_485 = tpu.memref_squeeze %dma_wait3A_484 : memref<1x400xi32, #tpu.memory_space<vmem>> -> memref<400xi32, #tpu.memory_space<vmem>>
      %dma_wait3A_486 = arith.constant 0 : i32
      %dma_wait3A_487 = tpu.memref_slice %arg8[%dma_wait3A_486] : memref<100352xf32, #tpu.memory_space<vmem_shared>> -> memref<100352xf32, #tpu.memory_space<vmem_shared>>
      tpu.wait_indirect_dma semaphore(%arg9 : memref<!tpu.dma_semaphore, #tpu.memory_space<semaphore_mem>>) src(%arg7 : memref<400xf32, #tpu.memory_space<vmem>>) dst(%dma_wait3A_487 : memref<100352xf32, #tpu.memory_space<vmem_shared>>)
      %dma_wait3A_488 = arith.constant 4 : i32
      %dma_wait3A_489 = arith.constant 0 : i32
      %dma_wait3A_490 = tpu.memref_slice %arg5[%dma_wait3A_488, %dma_wait3A_489] : memref<10x400xi32, #tpu.memory_space<vmem>> -> memref<1x400xi32, #tpu.memory_space<vmem>>
      %dma_wait3A_491 = tpu.memref_squeeze %dma_wait3A_490 : memref<1x400xi32, #tpu.memory_space<vmem>> -> memref<400xi32, #tpu.memory_space<vmem>>
      %dma_wait3A_492 = arith.constant 0 : i32
      %dma_wait3A_493 = tpu.memref_slice %arg8[%dma_wait3A_492] : memref<100352xf32, #tpu.memory_space<vmem_shared>> -> memref<100352xf32, #tpu.memory_space<vmem_shared>>
      tpu.wait_indirect_dma semaphore(%arg9 : memref<!tpu.dma_semaphore, #tpu.memory_space<semaphore_mem>>) src(%arg7 : memref<400xf32, #tpu.memory_space<vmem>>) dst(%dma_wait3A_493 : memref<100352xf32, #tpu.memory_space<vmem_shared>>)
      %dma_wait3A_494 = arith.constant 5 : i32
      %dma_wait3A_495 = arith.constant 0 : i32
      %dma_wait3A_496 = tpu.memref_slice %arg5[%dma_wait3A_494, %dma_wait3A_495] : memref<10x400xi32, #tpu.memory_space<vmem>> -> memref<1x400xi32, #tpu.memory_space<vmem>>
      %dma_wait3A_497 = tpu.memref_squeeze %dma_wait3A_496 : memref<1x400xi32, #tpu.memory_space<vmem>> -> memref<400xi32, #tpu.memory_space<vmem>>
      %dma_wait3A_498 = arith.constant 0 : i32
      %dma_wait3A_499 = tpu.memref_slice %arg8[%dma_wait3A_498] : memref<100352xf32, #tpu.memory_space<vmem_shared>> -> memref<100352xf32, #tpu.memory_space<vmem_shared>>
      tpu.wait_indirect_dma semaphore(%arg9 : memref<!tpu.dma_semaphore, #tpu.memory_space<semaphore_mem>>) src(%arg7 : memref<400xf32, #tpu.memory_space<vmem>>) dst(%dma_wait3A_499 : memref<100352xf32, #tpu.memory_space<vmem_shared>>)
      %dma_wait3A_500 = arith.constant 6 : i32
      %dma_wait3A_501 = arith.constant 0 : i32
      %dma_wait3A_502 = tpu.memref_slice %arg5[%dma_wait3A_500, %dma_wait3A_501] : memref<10x400xi32, #tpu.memory_space<vmem>> -> memref<1x400xi32, #tpu.memory_space<vmem>>
      %dma_wait3A_503 = tpu.memref_squeeze %dma_wait3A_502 : memref<1x400xi32, #tpu.memory_space<vmem>> -> memref<400xi32, #tpu.memory_space<vmem>>
      %dma_wait3A_504 = arith.constant 0 : i32
      %dma_wait3A_505 = tpu.memref_slice %arg8[%dma_wait3A_504] : memref<100352xf32, #tpu.memory_space<vmem_shared>> -> memref<100352xf32, #tpu.memory_space<vmem_shared>>
      tpu.wait_indirect_dma semaphore(%arg9 : memref<!tpu.dma_semaphore, #tpu.memory_space<semaphore_mem>>) src(%arg7 : memref<400xf32, #tpu.memory_space<vmem>>) dst(%dma_wait3A_505 : memref<100352xf32, #tpu.memory_space<vmem_shared>>)
      %dma_wait3A_506 = arith.constant 7 : i32
      %dma_wait3A_507 = arith.constant 0 : i32
      %dma_wait3A_508 = tpu.memref_slice %arg5[%dma_wait3A_506, %dma_wait3A_507] : memref<10x400xi32, #tpu.memory_space<vmem>> -> memref<1x400xi32, #tpu.memory_space<vmem>>
      %dma_wait3A_509 = tpu.memref_squeeze %dma_wait3A_508 : memref<1x400xi32, #tpu.memory_space<vmem>> -> memref<400xi32, #tpu.memory_space<vmem>>
      %dma_wait3A_510 = arith.constant 0 : i32
      %dma_wait3A_511 = tpu.memref_slice %arg8[%dma_wait3A_510] : memref<100352xf32, #tpu.memory_space<vmem_shared>> -> memref<100352xf32, #tpu.memory_space<vmem_shared>>
      tpu.wait_indirect_dma semaphore(%arg9 : memref<!tpu.dma_semaphore, #tpu.memory_space<semaphore_mem>>) src(%arg7 : memref<400xf32, #tpu.memory_space<vmem>>) dst(%dma_wait3A_511 : memref<100352xf32, #tpu.memory_space<vmem_shared>>)
      %dma_wait3A_512 = arith.constant 8 : i32
      %dma_wait3A_513 = arith.constant 0 : i32
      %dma_wait3A_514 = tpu.memref_slice %arg5[%dma_wait3A_512, %dma_wait3A_513] : memref<10x400xi32, #tpu.memory_space<vmem>> -> memref<1x400xi32, #tpu.memory_space<vmem>>
      %dma_wait3A_515 = tpu.memref_squeeze %dma_wait3A_514 : memref<1x400xi32, #tpu.memory_space<vmem>> -> memref<400xi32, #tpu.memory_space<vmem>>
      %dma_wait3A_516 = arith.constant 0 : i32
      %dma_wait3A_517 = tpu.memref_slice %arg8[%dma_wait3A_516] : memref<100352xf32, #tpu.memory_space<vmem_shared>> -> memref<100352xf32, #tpu.memory_space<vmem_shared>>
      tpu.wait_indirect_dma semaphore(%arg9 : memref<!tpu.dma_semaphore, #tpu.memory_space<semaphore_mem>>) src(%arg7 : memref<400xf32, #tpu.memory_space<vmem>>) dst(%dma_wait3A_517 : memref<100352xf32, #tpu.memory_space<vmem_shared>>)
      %dma_wait3A_518 = arith.constant 9 : i32
      %dma_wait3A_519 = arith.constant 0 : i32
      %dma_wait3A_520 = tpu.memref_slice %arg5[%dma_wait3A_518, %dma_wait3A_519] : memref<10x400xi32, #tpu.memory_space<vmem>> -> memref<1x400xi32, #tpu.memory_space<vmem>>
      %dma_wait3A_521 = tpu.memref_squeeze %dma_wait3A_520 : memref<1x400xi32, #tpu.memory_space<vmem>> -> memref<400xi32, #tpu.memory_space<vmem>>
      %dma_wait3A_522 = arith.constant 0 : i32
      %dma_wait3A_523 = tpu.memref_slice %arg8[%dma_wait3A_522] : memref<100352xf32, #tpu.memory_space<vmem_shared>> -> memref<100352xf32, #tpu.memory_space<vmem_shared>>
      tpu.wait_indirect_dma semaphore(%arg9 : memref<!tpu.dma_semaphore, #tpu.memory_space<semaphore_mem>>) src(%arg7 : memref<400xf32, #tpu.memory_space<vmem>>) dst(%dma_wait3A_523 : memref<100352xf32, #tpu.memory_space<vmem_shared>>)
      %dma_start3A_524 = arith.constant 0 : i32
      %dma_start3A_525 = arith.constant 0 : i32
      %dma_start3A_526 = tpu.memref_slice %arg6[%dma_start3A_524, %dma_start3A_525] : memref<10x400xi32, #tpu.memory_space<vmem>> -> memref<1x400xi32, #tpu.memory_space<vmem>>
      %dma_start3A_527 = tpu.memref_squeeze %dma_start3A_526 : memref<1x400xi32, #tpu.memory_space<vmem>> -> memref<400xi32, #tpu.memory_space<vmem>>
      %dma_start3A_528 = arith.constant 0 : i32
      %dma_start3A_529 = tpu.memref_slice %arg8[%dma_start3A_528] : memref<100352xf32, #tpu.memory_space<vmem_shared>> -> memref<100352xf32, #tpu.memory_space<vmem_shared>>
      tpu.enqueue_indirect_dma source(%arg7 : memref<400xf32, #tpu.memory_space<vmem>>) target(%dma_start3A_529 : memref<100352xf32, #tpu.memory_space<vmem_shared>>) offsets(%dma_start3A_527 : memref<400xi32, #tpu.memory_space<vmem>>) semaphore(%arg10 : memref<!tpu.dma_semaphore, #tpu.memory_space<semaphore_mem>>) {add = true}
      %dma_start3A_530 = arith.constant 1 : i32
      %dma_start3A_531 = arith.constant 0 : i32
      %dma_start3A_532 = tpu.memref_slice %arg6[%dma_start3A_530, %dma_start3A_531] : memref<10x400xi32, #tpu.memory_space<vmem>> -> memref<1x400xi32, #tpu.memory_space<vmem>>
      %dma_start3A_533 = tpu.memref_squeeze %dma_start3A_532 : memref<1x400xi32, #tpu.memory_space<vmem>> -> memref<400xi32, #tpu.memory_space<vmem>>
      %dma_start3A_534 = arith.constant 0 : i32
      %dma_start3A_535 = tpu.memref_slice %arg8[%dma_start3A_534] : memref<100352xf32, #tpu.memory_space<vmem_shared>> -> memref<100352xf32, #tpu.memory_space<vmem_shared>>
      tpu.enqueue_indirect_dma source(%arg7 : memref<400xf32, #tpu.memory_space<vmem>>) target(%dma_start3A_535 : memref<100352xf32, #tpu.memory_space<vmem_shared>>) offsets(%dma_start3A_533 : memref<400xi32, #tpu.memory_space<vmem>>) semaphore(%arg10 : memref<!tpu.dma_semaphore, #tpu.memory_space<semaphore_mem>>) {add = true}
      %dma_start3A_536 = arith.constant 2 : i32
      %dma_start3A_537 = arith.constant 0 : i32
      %dma_start3A_538 = tpu.memref_slice %arg6[%dma_start3A_536, %dma_start3A_537] : memref<10x400xi32, #tpu.memory_space<vmem>> -> memref<1x400xi32, #tpu.memory_space<vmem>>
      %dma_start3A_539 = tpu.memref_squeeze %dma_start3A_538 : memref<1x400xi32, #tpu.memory_space<vmem>> -> memref<400xi32, #tpu.memory_space<vmem>>
      %dma_start3A_540 = arith.constant 0 : i32
      %dma_start3A_541 = tpu.memref_slice %arg8[%dma_start3A_540] : memref<100352xf32, #tpu.memory_space<vmem_shared>> -> memref<100352xf32, #tpu.memory_space<vmem_shared>>
      tpu.enqueue_indirect_dma source(%arg7 : memref<400xf32, #tpu.memory_space<vmem>>) target(%dma_start3A_541 : memref<100352xf32, #tpu.memory_space<vmem_shared>>) offsets(%dma_start3A_539 : memref<400xi32, #tpu.memory_space<vmem>>) semaphore(%arg10 : memref<!tpu.dma_semaphore, #tpu.memory_space<semaphore_mem>>) {add = true}
      %dma_start3A_542 = arith.constant 3 : i32
      %dma_start3A_543 = arith.constant 0 : i32
      %dma_start3A_544 = tpu.memref_slice %arg6[%dma_start3A_542, %dma_start3A_543] : memref<10x400xi32, #tpu.memory_space<vmem>> -> memref<1x400xi32, #tpu.memory_space<vmem>>
      %dma_start3A_545 = tpu.memref_squeeze %dma_start3A_544 : memref<1x400xi32, #tpu.memory_space<vmem>> -> memref<400xi32, #tpu.memory_space<vmem>>
      %dma_start3A_546 = arith.constant 0 : i32
      %dma_start3A_547 = tpu.memref_slice %arg8[%dma_start3A_546] : memref<100352xf32, #tpu.memory_space<vmem_shared>> -> memref<100352xf32, #tpu.memory_space<vmem_shared>>
      tpu.enqueue_indirect_dma source(%arg7 : memref<400xf32, #tpu.memory_space<vmem>>) target(%dma_start3A_547 : memref<100352xf32, #tpu.memory_space<vmem_shared>>) offsets(%dma_start3A_545 : memref<400xi32, #tpu.memory_space<vmem>>) semaphore(%arg10 : memref<!tpu.dma_semaphore, #tpu.memory_space<semaphore_mem>>) {add = true}
      %dma_start3A_548 = arith.constant 4 : i32
      %dma_start3A_549 = arith.constant 0 : i32
      %dma_start3A_550 = tpu.memref_slice %arg6[%dma_start3A_548, %dma_start3A_549] : memref<10x400xi32, #tpu.memory_space<vmem>> -> memref<1x400xi32, #tpu.memory_space<vmem>>
      %dma_start3A_551 = tpu.memref_squeeze %dma_start3A_550 : memref<1x400xi32, #tpu.memory_space<vmem>> -> memref<400xi32, #tpu.memory_space<vmem>>
      %dma_start3A_552 = arith.constant 0 : i32
      %dma_start3A_553 = tpu.memref_slice %arg8[%dma_start3A_552] : memref<100352xf32, #tpu.memory_space<vmem_shared>> -> memref<100352xf32, #tpu.memory_space<vmem_shared>>
      tpu.enqueue_indirect_dma source(%arg7 : memref<400xf32, #tpu.memory_space<vmem>>) target(%dma_start3A_553 : memref<100352xf32, #tpu.memory_space<vmem_shared>>) offsets(%dma_start3A_551 : memref<400xi32, #tpu.memory_space<vmem>>) semaphore(%arg10 : memref<!tpu.dma_semaphore, #tpu.memory_space<semaphore_mem>>) {add = true}
      %dma_start3A_554 = arith.constant 5 : i32
      %dma_start3A_555 = arith.constant 0 : i32
      %dma_start3A_556 = tpu.memref_slice %arg6[%dma_start3A_554, %dma_start3A_555] : memref<10x400xi32, #tpu.memory_space<vmem>> -> memref<1x400xi32, #tpu.memory_space<vmem>>
      %dma_start3A_557 = tpu.memref_squeeze %dma_start3A_556 : memref<1x400xi32, #tpu.memory_space<vmem>> -> memref<400xi32, #tpu.memory_space<vmem>>
      %dma_start3A_558 = arith.constant 0 : i32
      %dma_start3A_559 = tpu.memref_slice %arg8[%dma_start3A_558] : memref<100352xf32, #tpu.memory_space<vmem_shared>> -> memref<100352xf32, #tpu.memory_space<vmem_shared>>
      tpu.enqueue_indirect_dma source(%arg7 : memref<400xf32, #tpu.memory_space<vmem>>) target(%dma_start3A_559 : memref<100352xf32, #tpu.memory_space<vmem_shared>>) offsets(%dma_start3A_557 : memref<400xi32, #tpu.memory_space<vmem>>) semaphore(%arg10 : memref<!tpu.dma_semaphore, #tpu.memory_space<semaphore_mem>>) {add = true}
      %dma_start3A_560 = arith.constant 6 : i32
      %dma_start3A_561 = arith.constant 0 : i32
      %dma_start3A_562 = tpu.memref_slice %arg6[%dma_start3A_560, %dma_start3A_561] : memref<10x400xi32, #tpu.memory_space<vmem>> -> memref<1x400xi32, #tpu.memory_space<vmem>>
      %dma_start3A_563 = tpu.memref_squeeze %dma_start3A_562 : memref<1x400xi32, #tpu.memory_space<vmem>> -> memref<400xi32, #tpu.memory_space<vmem>>
      %dma_start3A_564 = arith.constant 0 : i32
      %dma_start3A_565 = tpu.memref_slice %arg8[%dma_start3A_564] : memref<100352xf32, #tpu.memory_space<vmem_shared>> -> memref<100352xf32, #tpu.memory_space<vmem_shared>>
      tpu.enqueue_indirect_dma source(%arg7 : memref<400xf32, #tpu.memory_space<vmem>>) target(%dma_start3A_565 : memref<100352xf32, #tpu.memory_space<vmem_shared>>) offsets(%dma_start3A_563 : memref<400xi32, #tpu.memory_space<vmem>>) semaphore(%arg10 : memref<!tpu.dma_semaphore, #tpu.memory_space<semaphore_mem>>) {add = true}
      %dma_start3A_566 = arith.constant 7 : i32
      %dma_start3A_567 = arith.constant 0 : i32
      %dma_start3A_568 = tpu.memref_slice %arg6[%dma_start3A_566, %dma_start3A_567] : memref<10x400xi32, #tpu.memory_space<vmem>> -> memref<1x400xi32, #tpu.memory_space<vmem>>
      %dma_start3A_569 = tpu.memref_squeeze %dma_start3A_568 : memref<1x400xi32, #tpu.memory_space<vmem>> -> memref<400xi32, #tpu.memory_space<vmem>>
      %dma_start3A_570 = arith.constant 0 : i32
      %dma_start3A_571 = tpu.memref_slice %arg8[%dma_start3A_570] : memref<100352xf32, #tpu.memory_space<vmem_shared>> -> memref<100352xf32, #tpu.memory_space<vmem_shared>>
      tpu.enqueue_indirect_dma source(%arg7 : memref<400xf32, #tpu.memory_space<vmem>>) target(%dma_start3A_571 : memref<100352xf32, #tpu.memory_space<vmem_shared>>) offsets(%dma_start3A_569 : memref<400xi32, #tpu.memory_space<vmem>>) semaphore(%arg10 : memref<!tpu.dma_semaphore, #tpu.memory_space<semaphore_mem>>) {add = true}
      %dma_start3A_572 = arith.constant 8 : i32
      %dma_start3A_573 = arith.constant 0 : i32
      %dma_start3A_574 = tpu.memref_slice %arg6[%dma_start3A_572, %dma_start3A_573] : memref<10x400xi32, #tpu.memory_space<vmem>> -> memref<1x400xi32, #tpu.memory_space<vmem>>
      %dma_start3A_575 = tpu.memref_squeeze %dma_start3A_574 : memref<1x400xi32, #tpu.memory_space<vmem>> -> memref<400xi32, #tpu.memory_space<vmem>>
      %dma_start3A_576 = arith.constant 0 : i32
      %dma_start3A_577 = tpu.memref_slice %arg8[%dma_start3A_576] : memref<100352xf32, #tpu.memory_space<vmem_shared>> -> memref<100352xf32, #tpu.memory_space<vmem_shared>>
      tpu.enqueue_indirect_dma source(%arg7 : memref<400xf32, #tpu.memory_space<vmem>>) target(%dma_start3A_577 : memref<100352xf32, #tpu.memory_space<vmem_shared>>) offsets(%dma_start3A_575 : memref<400xi32, #tpu.memory_space<vmem>>) semaphore(%arg10 : memref<!tpu.dma_semaphore, #tpu.memory_space<semaphore_mem>>) {add = true}
      %dma_start3A_578 = arith.constant 9 : i32
      %dma_start3A_579 = arith.constant 0 : i32
      %dma_start3A_580 = tpu.memref_slice %arg6[%dma_start3A_578, %dma_start3A_579] : memref<10x400xi32, #tpu.memory_space<vmem>> -> memref<1x400xi32, #tpu.memory_space<vmem>>
      %dma_start3A_581 = tpu.memref_squeeze %dma_start3A_580 : memref<1x400xi32, #tpu.memory_space<vmem>> -> memref<400xi32, #tpu.memory_space<vmem>>
      %dma_start3A_582 = arith.constant 0 : i32
      %dma_start3A_583 = tpu.memref_slice %arg8[%dma_start3A_582] : memref<100352xf32, #tpu.memory_space<vmem_shared>> -> memref<100352xf32, #tpu.memory_space<vmem_shared>>
      tpu.enqueue_indirect_dma source(%arg7 : memref<400xf32, #tpu.memory_space<vmem>>) target(%dma_start3A_583 : memref<100352xf32, #tpu.memory_space<vmem_shared>>) offsets(%dma_start3A_581 : memref<400xi32, #tpu.memory_space<vmem>>) semaphore(%arg10 : memref<!tpu.dma_semaphore, #tpu.memory_space<semaphore_mem>>) {add = true}
      %mul3A_584 = arith.constant 2 : i32
      %mul3A_585 = arith.muli %mul3A_584, %scan3A_396 : i32
      %add3A_586 = arith.constant 2 : i32
      %add3A_587 = arith.addi %mul3A_585, %add3A_586 : i32
      %mul3A_588 = arith.constant 10 : i32
      %mul3A_589 = arith.muli %add3A_587, %mul3A_588 : i32
      %run_scoped3A_590 = arith.constant 1 : i32
      "tpu.region"() ({
        %run_scoped3A_651 = tpu.sem_alloc : memref<!tpu.dma_semaphore, #tpu.memory_space<semaphore_mem>>
        %dma_start3A_652 = arith.constant 0 : i32
        %dma_start3A_653 = tpu.memref_slice %arg2[%run_scoped3A_590, %add3A, %mul3A_589, %dma_start3A_652] : memref<2x32x500x400xi32, #tpu.memory_space<hbm>> -> memref<1x1x10x400xi32, #tpu.memory_space<hbm>>
        %dma_start3A_654 = tpu.memref_squeeze %dma_start3A_653 : memref<1x1x10x400xi32, #tpu.memory_space<hbm>> -> memref<10x400xi32, #tpu.memory_space<hbm>>
        %dma_start3A_655 = arith.constant 0 : i32
        %dma_start3A_656 = tpu.memref_slice %arg2[%run_scoped3A_590, %add3A, %mul3A_589, %dma_start3A_655] : memref<2x32x500x400xi32, #tpu.memory_space<hbm>> -> memref<1x1x10x400xi32, #tpu.memory_space<hbm>>
        %dma_start3A_657 = tpu.memref_squeeze %dma_start3A_656 : memref<1x1x10x400xi32, #tpu.memory_space<hbm>> -> memref<10x400xi32, #tpu.memory_space<hbm>>
        tpu.enqueue_dma source(%dma_start3A_657 : memref<10x400xi32, #tpu.memory_space<hbm>>) target(%arg5 : memref<10x400xi32, #tpu.memory_space<vmem>>) target_semaphore(%run_scoped3A_651 : memref<!tpu.dma_semaphore, #tpu.memory_space<semaphore_mem>>)
        %dma_wait3A_658 = arith.constant 0 : i32
        %dma_wait3A_659 = tpu.memref_slice %arg2[%run_scoped3A_590, %add3A, %mul3A_589, %dma_wait3A_658] : memref<2x32x500x400xi32, #tpu.memory_space<hbm>> -> memref<1x1x10x400xi32, #tpu.memory_space<hbm>>
        %dma_wait3A_660 = tpu.memref_squeeze %dma_wait3A_659 : memref<1x1x10x400xi32, #tpu.memory_space<hbm>> -> memref<10x400xi32, #tpu.memory_space<hbm>>
        %dma_wait3A_661 = arith.constant 0 : i32
        %dma_wait3A_662 = tpu.memref_slice %arg2[%run_scoped3A_590, %add3A, %mul3A_589, %dma_wait3A_661] : memref<2x32x500x400xi32, #tpu.memory_space<hbm>> -> memref<1x1x10x400xi32, #tpu.memory_space<hbm>>
        %dma_wait3A_663 = tpu.memref_squeeze %dma_wait3A_662 : memref<1x1x10x400xi32, #tpu.memory_space<hbm>> -> memref<10x400xi32, #tpu.memory_space<hbm>>
        tpu.wait_dma2 semaphore(%run_scoped3A_651 : memref<!tpu.dma_semaphore, #tpu.memory_space<semaphore_mem>>) src(%dma_wait3A_663 : memref<10x400xi32, #tpu.memory_space<hbm>>) dst(%arg5 : memref<10x400xi32, #tpu.memory_space<vmem>>)
        tpu.yield
      }) : () -> ()
      %dma_wait3A_591 = arith.constant 0 : i32
      %dma_wait3A_592 = arith.constant 0 : i32
      %dma_wait3A_593 = tpu.memref_slice %arg6[%dma_wait3A_591, %dma_wait3A_592] : memref<10x400xi32, #tpu.memory_space<vmem>> -> memref<1x400xi32, #tpu.memory_space<vmem>>
      %dma_wait3A_594 = tpu.memref_squeeze %dma_wait3A_593 : memref<1x400xi32, #tpu.memory_space<vmem>> -> memref<400xi32, #tpu.memory_space<vmem>>
      %dma_wait3A_595 = arith.constant 0 : i32
      %dma_wait3A_596 = tpu.memref_slice %arg8[%dma_wait3A_595] : memref<100352xf32, #tpu.memory_space<vmem_shared>> -> memref<100352xf32, #tpu.memory_space<vmem_shared>>
      tpu.wait_indirect_dma semaphore(%arg10 : memref<!tpu.dma_semaphore, #tpu.memory_space<semaphore_mem>>) src(%arg7 : memref<400xf32, #tpu.memory_space<vmem>>) dst(%dma_wait3A_596 : memref<100352xf32, #tpu.memory_space<vmem_shared>>)
      %dma_wait3A_597 = arith.constant 1 : i32
      %dma_wait3A_598 = arith.constant 0 : i32
      %dma_wait3A_599 = tpu.memref_slice %arg6[%dma_wait3A_597, %dma_wait3A_598] : memref<10x400xi32, #tpu.memory_space<vmem>> -> memref<1x400xi32, #tpu.memory_space<vmem>>
      %dma_wait3A_600 = tpu.memref_squeeze %dma_wait3A_599 : memref<1x400xi32, #tpu.memory_space<vmem>> -> memref<400xi32, #tpu.memory_space<vmem>>
      %dma_wait3A_601 = arith.constant 0 : i32
      %dma_wait3A_602 = tpu.memref_slice %arg8[%dma_wait3A_601] : memref<100352xf32, #tpu.memory_space<vmem_shared>> -> memref<100352xf32, #tpu.memory_space<vmem_shared>>
      tpu.wait_indirect_dma semaphore(%arg10 : memref<!tpu.dma_semaphore, #tpu.memory_space<semaphore_mem>>) src(%arg7 : memref<400xf32, #tpu.memory_space<vmem>>) dst(%dma_wait3A_602 : memref<100352xf32, #tpu.memory_space<vmem_shared>>)
      %dma_wait3A_603 = arith.constant 2 : i32
      %dma_wait3A_604 = arith.constant 0 : i32
      %dma_wait3A_605 = tpu.memref_slice %arg6[%dma_wait3A_603, %dma_wait3A_604] : memref<10x400xi32, #tpu.memory_space<vmem>> -> memref<1x400xi32, #tpu.memory_space<vmem>>
      %dma_wait3A_606 = tpu.memref_squeeze %dma_wait3A_605 : memref<1x400xi32, #tpu.memory_space<vmem>> -> memref<400xi32, #tpu.memory_space<vmem>>
      %dma_wait3A_607 = arith.constant 0 : i32
      %dma_wait3A_608 = tpu.memref_slice %arg8[%dma_wait3A_607] : memref<100352xf32, #tpu.memory_space<vmem_shared>> -> memref<100352xf32, #tpu.memory_space<vmem_shared>>
      tpu.wait_indirect_dma semaphore(%arg10 : memref<!tpu.dma_semaphore, #tpu.memory_space<semaphore_mem>>) src(%arg7 : memref<400xf32, #tpu.memory_space<vmem>>) dst(%dma_wait3A_608 : memref<100352xf32, #tpu.memory_space<vmem_shared>>)
      %dma_wait3A_609 = arith.constant 3 : i32
      %dma_wait3A_610 = arith.constant 0 : i32
      %dma_wait3A_611 = tpu.memref_slice %arg6[%dma_wait3A_609, %dma_wait3A_610] : memref<10x400xi32, #tpu.memory_space<vmem>> -> memref<1x400xi32, #tpu.memory_space<vmem>>
      %dma_wait3A_612 = tpu.memref_squeeze %dma_wait3A_611 : memref<1x400xi32, #tpu.memory_space<vmem>> -> memref<400xi32, #tpu.memory_space<vmem>>
      %dma_wait3A_613 = arith.constant 0 : i32
      %dma_wait3A_614 = tpu.memref_slice %arg8[%dma_wait3A_613] : memref<100352xf32, #tpu.memory_space<vmem_shared>> -> memref<100352xf32, #tpu.memory_space<vmem_shared>>
      tpu.wait_indirect_dma semaphore(%arg10 : memref<!tpu.dma_semaphore, #tpu.memory_space<semaphore_mem>>) src(%arg7 : memref<400xf32, #tpu.memory_space<vmem>>) dst(%dma_wait3A_614 : memref<100352xf32, #tpu.memory_space<vmem_shared>>)
      %dma_wait3A_615 = arith.constant 4 : i32
      %dma_wait3A_616 = arith.constant 0 : i32
      %dma_wait3A_617 = tpu.memref_slice %arg6[%dma_wait3A_615, %dma_wait3A_616] : memref<10x400xi32, #tpu.memory_space<vmem>> -> memref<1x400xi32, #tpu.memory_space<vmem>>
      %dma_wait3A_618 = tpu.memref_squeeze %dma_wait3A_617 : memref<1x400xi32, #tpu.memory_space<vmem>> -> memref<400xi32, #tpu.memory_space<vmem>>
      %dma_wait3A_619 = arith.constant 0 : i32
      %dma_wait3A_620 = tpu.memref_slice %arg8[%dma_wait3A_619] : memref<100352xf32, #tpu.memory_space<vmem_shared>> -> memref<100352xf32, #tpu.memory_space<vmem_shared>>
      tpu.wait_indirect_dma semaphore(%arg10 : memref<!tpu.dma_semaphore, #tpu.memory_space<semaphore_mem>>) src(%arg7 : memref<400xf32, #tpu.memory_space<vmem>>) dst(%dma_wait3A_620 : memref<100352xf32, #tpu.memory_space<vmem_shared>>)
      %dma_wait3A_621 = arith.constant 5 : i32
      %dma_wait3A_622 = arith.constant 0 : i32
      %dma_wait3A_623 = tpu.memref_slice %arg6[%dma_wait3A_621, %dma_wait3A_622] : memref<10x400xi32, #tpu.memory_space<vmem>> -> memref<1x400xi32, #tpu.memory_space<vmem>>
      %dma_wait3A_624 = tpu.memref_squeeze %dma_wait3A_623 : memref<1x400xi32, #tpu.memory_space<vmem>> -> memref<400xi32, #tpu.memory_space<vmem>>
      %dma_wait3A_625 = arith.constant 0 : i32
      %dma_wait3A_626 = tpu.memref_slice %arg8[%dma_wait3A_625] : memref<100352xf32, #tpu.memory_space<vmem_shared>> -> memref<100352xf32, #tpu.memory_space<vmem_shared>>
      tpu.wait_indirect_dma semaphore(%arg10 : memref<!tpu.dma_semaphore, #tpu.memory_space<semaphore_mem>>) src(%arg7 : memref<400xf32, #tpu.memory_space<vmem>>) dst(%dma_wait3A_626 : memref<100352xf32, #tpu.memory_space<vmem_shared>>)
      %dma_wait3A_627 = arith.constant 6 : i32
      %dma_wait3A_628 = arith.constant 0 : i32
      %dma_wait3A_629 = tpu.memref_slice %arg6[%dma_wait3A_627, %dma_wait3A_628] : memref<10x400xi32, #tpu.memory_space<vmem>> -> memref<1x400xi32, #tpu.memory_space<vmem>>
      %dma_wait3A_630 = tpu.memref_squeeze %dma_wait3A_629 : memref<1x400xi32, #tpu.memory_space<vmem>> -> memref<400xi32, #tpu.memory_space<vmem>>
      %dma_wait3A_631 = arith.constant 0 : i32
      %dma_wait3A_632 = tpu.memref_slice %arg8[%dma_wait3A_631] : memref<100352xf32, #tpu.memory_space<vmem_shared>> -> memref<100352xf32, #tpu.memory_space<vmem_shared>>
      tpu.wait_indirect_dma semaphore(%arg10 : memref<!tpu.dma_semaphore, #tpu.memory_space<semaphore_mem>>) src(%arg7 : memref<400xf32, #tpu.memory_space<vmem>>) dst(%dma_wait3A_632 : memref<100352xf32, #tpu.memory_space<vmem_shared>>)
      %dma_wait3A_633 = arith.constant 7 : i32
      %dma_wait3A_634 = arith.constant 0 : i32
      %dma_wait3A_635 = tpu.memref_slice %arg6[%dma_wait3A_633, %dma_wait3A_634] : memref<10x400xi32, #tpu.memory_space<vmem>> -> memref<1x400xi32, #tpu.memory_space<vmem>>
      %dma_wait3A_636 = tpu.memref_squeeze %dma_wait3A_635 : memref<1x400xi32, #tpu.memory_space<vmem>> -> memref<400xi32, #tpu.memory_space<vmem>>
      %dma_wait3A_637 = arith.constant 0 : i32
      %dma_wait3A_638 = tpu.memref_slice %arg8[%dma_wait3A_637] : memref<100352xf32, #tpu.memory_space<vmem_shared>> -> memref<100352xf32, #tpu.memory_space<vmem_shared>>
      tpu.wait_indirect_dma semaphore(%arg10 : memref<!tpu.dma_semaphore, #tpu.memory_space<semaphore_mem>>) src(%arg7 : memref<400xf32, #tpu.memory_space<vmem>>) dst(%dma_wait3A_638 : memref<100352xf32, #tpu.memory_space<vmem_shared>>)
      %dma_wait3A_639 = arith.constant 8 : i32
      %dma_wait3A_640 = arith.constant 0 : i32
      %dma_wait3A_641 = tpu.memref_slice %arg6[%dma_wait3A_639, %dma_wait3A_640] : memref<10x400xi32, #tpu.memory_space<vmem>> -> memref<1x400xi32, #tpu.memory_space<vmem>>
      %dma_wait3A_642 = tpu.memref_squeeze %dma_wait3A_641 : memref<1x400xi32, #tpu.memory_space<vmem>> -> memref<400xi32, #tpu.memory_space<vmem>>
      %dma_wait3A_643 = arith.constant 0 : i32
      %dma_wait3A_644 = tpu.memref_slice %arg8[%dma_wait3A_643] : memref<100352xf32, #tpu.memory_space<vmem_shared>> -> memref<100352xf32, #tpu.memory_space<vmem_shared>>
      tpu.wait_indirect_dma semaphore(%arg10 : memref<!tpu.dma_semaphore, #tpu.memory_space<semaphore_mem>>) src(%arg7 : memref<400xf32, #tpu.memory_space<vmem>>) dst(%dma_wait3A_644 : memref<100352xf32, #tpu.memory_space<vmem_shared>>)
      %dma_wait3A_645 = arith.constant 9 : i32
      %dma_wait3A_646 = arith.constant 0 : i32
      %dma_wait3A_647 = tpu.memref_slice %arg6[%dma_wait3A_645, %dma_wait3A_646] : memref<10x400xi32, #tpu.memory_space<vmem>> -> memref<1x400xi32, #tpu.memory_space<vmem>>
      %dma_wait3A_648 = tpu.memref_squeeze %dma_wait3A_647 : memref<1x400xi32, #tpu.memory_space<vmem>> -> memref<400xi32, #tpu.memory_space<vmem>>
      %dma_wait3A_649 = arith.constant 0 : i32
      %dma_wait3A_650 = tpu.memref_slice %arg8[%dma_wait3A_649] : memref<100352xf32, #tpu.memory_space<vmem_shared>> -> memref<100352xf32, #tpu.memory_space<vmem_shared>>
      tpu.wait_indirect_dma semaphore(%arg10 : memref<!tpu.dma_semaphore, #tpu.memory_space<semaphore_mem>>) src(%arg7 : memref<400xf32, #tpu.memory_space<vmem>>) dst(%dma_wait3A_650 : memref<100352xf32, #tpu.memory_space<vmem_shared>>)
    }
    %scan3A_155 = arith.constant 24 : i32
    %dma_start3A = arith.constant 0 : i32
    %dma_start3A_156 = arith.constant 0 : i32
    %dma_start3A_157 = tpu.memref_slice %arg5[%dma_start3A, %dma_start3A_156] : memref<10x400xi32, #tpu.memory_space<vmem>> -> memref<1x400xi32, #tpu.memory_space<vmem>>
    %dma_start3A_158 = tpu.memref_squeeze %dma_start3A_157 : memref<1x400xi32, #tpu.memory_space<vmem>> -> memref<400xi32, #tpu.memory_space<vmem>>
    %dma_start3A_159 = arith.constant 0 : i32
    %dma_start3A_160 = tpu.memref_slice %arg8[%dma_start3A_159] : memref<100352xf32, #tpu.memory_space<vmem_shared>> -> memref<100352xf32, #tpu.memory_space<vmem_shared>>
    tpu.enqueue_indirect_dma source(%arg7 : memref<400xf32, #tpu.memory_space<vmem>>) target(%dma_start3A_160 : memref<100352xf32, #tpu.memory_space<vmem_shared>>) offsets(%dma_start3A_158 : memref<400xi32, #tpu.memory_space<vmem>>) semaphore(%arg9 : memref<!tpu.dma_semaphore, #tpu.memory_space<semaphore_mem>>) {add = true}
    %dma_start3A_161 = arith.constant 1 : i32
    %dma_start3A_162 = arith.constant 0 : i32
    %dma_start3A_163 = tpu.memref_slice %arg5[%dma_start3A_161, %dma_start3A_162] : memref<10x400xi32, #tpu.memory_space<vmem>> -> memref<1x400xi32, #tpu.memory_space<vmem>>
    %dma_start3A_164 = tpu.memref_squeeze %dma_start3A_163 : memref<1x400xi32, #tpu.memory_space<vmem>> -> memref<400xi32, #tpu.memory_space<vmem>>
    %dma_start3A_165 = arith.constant 0 : i32
    %dma_start3A_166 = tpu.memref_slice %arg8[%dma_start3A_165] : memref<100352xf32, #tpu.memory_space<vmem_shared>> -> memref<100352xf32, #tpu.memory_space<vmem_shared>>
    tpu.enqueue_indirect_dma source(%arg7 : memref<400xf32, #tpu.memory_space<vmem>>) target(%dma_start3A_166 : memref<100352xf32, #tpu.memory_space<vmem_shared>>) offsets(%dma_start3A_164 : memref<400xi32, #tpu.memory_space<vmem>>) semaphore(%arg9 : memref<!tpu.dma_semaphore, #tpu.memory_space<semaphore_mem>>) {add = true}
    %dma_start3A_167 = arith.constant 2 : i32
    %dma_start3A_168 = arith.constant 0 : i32
    %dma_start3A_169 = tpu.memref_slice %arg5[%dma_start3A_167, %dma_start3A_168] : memref<10x400xi32, #tpu.memory_space<vmem>> -> memref<1x400xi32, #tpu.memory_space<vmem>>
    %dma_start3A_170 = tpu.memref_squeeze %dma_start3A_169 : memref<1x400xi32, #tpu.memory_space<vmem>> -> memref<400xi32, #tpu.memory_space<vmem>>
    %dma_start3A_171 = arith.constant 0 : i32
    %dma_start3A_172 = tpu.memref_slice %arg8[%dma_start3A_171] : memref<100352xf32, #tpu.memory_space<vmem_shared>> -> memref<100352xf32, #tpu.memory_space<vmem_shared>>
    tpu.enqueue_indirect_dma source(%arg7 : memref<400xf32, #tpu.memory_space<vmem>>) target(%dma_start3A_172 : memref<100352xf32, #tpu.memory_space<vmem_shared>>) offsets(%dma_start3A_170 : memref<400xi32, #tpu.memory_space<vmem>>) semaphore(%arg9 : memref<!tpu.dma_semaphore, #tpu.memory_space<semaphore_mem>>) {add = true}
    %dma_start3A_173 = arith.constant 3 : i32
    %dma_start3A_174 = arith.constant 0 : i32
    %dma_start3A_175 = tpu.memref_slice %arg5[%dma_start3A_173, %dma_start3A_174] : memref<10x400xi32, #tpu.memory_space<vmem>> -> memref<1x400xi32, #tpu.memory_space<vmem>>
    %dma_start3A_176 = tpu.memref_squeeze %dma_start3A_175 : memref<1x400xi32, #tpu.memory_space<vmem>> -> memref<400xi32, #tpu.memory_space<vmem>>
    %dma_start3A_177 = arith.constant 0 : i32
    %dma_start3A_178 = tpu.memref_slice %arg8[%dma_start3A_177] : memref<100352xf32, #tpu.memory_space<vmem_shared>> -> memref<100352xf32, #tpu.memory_space<vmem_shared>>
    tpu.enqueue_indirect_dma source(%arg7 : memref<400xf32, #tpu.memory_space<vmem>>) target(%dma_start3A_178 : memref<100352xf32, #tpu.memory_space<vmem_shared>>) offsets(%dma_start3A_176 : memref<400xi32, #tpu.memory_space<vmem>>) semaphore(%arg9 : memref<!tpu.dma_semaphore, #tpu.memory_space<semaphore_mem>>) {add = true}
    %dma_start3A_179 = arith.constant 4 : i32
    %dma_start3A_180 = arith.constant 0 : i32
    %dma_start3A_181 = tpu.memref_slice %arg5[%dma_start3A_179, %dma_start3A_180] : memref<10x400xi32, #tpu.memory_space<vmem>> -> memref<1x400xi32, #tpu.memory_space<vmem>>
    %dma_start3A_182 = tpu.memref_squeeze %dma_start3A_181 : memref<1x400xi32, #tpu.memory_space<vmem>> -> memref<400xi32, #tpu.memory_space<vmem>>
    %dma_start3A_183 = arith.constant 0 : i32
    %dma_start3A_184 = tpu.memref_slice %arg8[%dma_start3A_183] : memref<100352xf32, #tpu.memory_space<vmem_shared>> -> memref<100352xf32, #tpu.memory_space<vmem_shared>>
    tpu.enqueue_indirect_dma source(%arg7 : memref<400xf32, #tpu.memory_space<vmem>>) target(%dma_start3A_184 : memref<100352xf32, #tpu.memory_space<vmem_shared>>) offsets(%dma_start3A_182 : memref<400xi32, #tpu.memory_space<vmem>>) semaphore(%arg9 : memref<!tpu.dma_semaphore, #tpu.memory_space<semaphore_mem>>) {add = true}
    %dma_start3A_185 = arith.constant 5 : i32
    %dma_start3A_186 = arith.constant 0 : i32
    %dma_start3A_187 = tpu.memref_slice %arg5[%dma_start3A_185, %dma_start3A_186] : memref<10x400xi32, #tpu.memory_space<vmem>> -> memref<1x400xi32, #tpu.memory_space<vmem>>
    %dma_start3A_188 = tpu.memref_squeeze %dma_start3A_187 : memref<1x400xi32, #tpu.memory_space<vmem>> -> memref<400xi32, #tpu.memory_space<vmem>>
    %dma_start3A_189 = arith.constant 0 : i32
    %dma_start3A_190 = tpu.memref_slice %arg8[%dma_start3A_189] : memref<100352xf32, #tpu.memory_space<vmem_shared>> -> memref<100352xf32, #tpu.memory_space<vmem_shared>>
    tpu.enqueue_indirect_dma source(%arg7 : memref<400xf32, #tpu.memory_space<vmem>>) target(%dma_start3A_190 : memref<100352xf32, #tpu.memory_space<vmem_shared>>) offsets(%dma_start3A_188 : memref<400xi32, #tpu.memory_space<vmem>>) semaphore(%arg9 : memref<!tpu.dma_semaphore, #tpu.memory_space<semaphore_mem>>) {add = true}
    %dma_start3A_191 = arith.constant 6 : i32
    %dma_start3A_192 = arith.constant 0 : i32
    %dma_start3A_193 = tpu.memref_slice %arg5[%dma_start3A_191, %dma_start3A_192] : memref<10x400xi32, #tpu.memory_space<vmem>> -> memref<1x400xi32, #tpu.memory_space<vmem>>
    %dma_start3A_194 = tpu.memref_squeeze %dma_start3A_193 : memref<1x400xi32, #tpu.memory_space<vmem>> -> memref<400xi32, #tpu.memory_space<vmem>>
    %dma_start3A_195 = arith.constant 0 : i32
    %dma_start3A_196 = tpu.memref_slice %arg8[%dma_start3A_195] : memref<100352xf32, #tpu.memory_space<vmem_shared>> -> memref<100352xf32, #tpu.memory_space<vmem_shared>>
    tpu.enqueue_indirect_dma source(%arg7 : memref<400xf32, #tpu.memory_space<vmem>>) target(%dma_start3A_196 : memref<100352xf32, #tpu.memory_space<vmem_shared>>) offsets(%dma_start3A_194 : memref<400xi32, #tpu.memory_space<vmem>>) semaphore(%arg9 : memref<!tpu.dma_semaphore, #tpu.memory_space<semaphore_mem>>) {add = true}
    %dma_start3A_197 = arith.constant 7 : i32
    %dma_start3A_198 = arith.constant 0 : i32
    %dma_start3A_199 = tpu.memref_slice %arg5[%dma_start3A_197, %dma_start3A_198] : memref<10x400xi32, #tpu.memory_space<vmem>> -> memref<1x400xi32, #tpu.memory_space<vmem>>
    %dma_start3A_200 = tpu.memref_squeeze %dma_start3A_199 : memref<1x400xi32, #tpu.memory_space<vmem>> -> memref<400xi32, #tpu.memory_space<vmem>>
    %dma_start3A_201 = arith.constant 0 : i32
    %dma_start3A_202 = tpu.memref_slice %arg8[%dma_start3A_201] : memref<100352xf32, #tpu.memory_space<vmem_shared>> -> memref<100352xf32, #tpu.memory_space<vmem_shared>>
    tpu.enqueue_indirect_dma source(%arg7 : memref<400xf32, #tpu.memory_space<vmem>>) target(%dma_start3A_202 : memref<100352xf32, #tpu.memory_space<vmem_shared>>) offsets(%dma_start3A_200 : memref<400xi32, #tpu.memory_space<vmem>>) semaphore(%arg9 : memref<!tpu.dma_semaphore, #tpu.memory_space<semaphore_mem>>) {add = true}
    %dma_start3A_203 = arith.constant 8 : i32
    %dma_start3A_204 = arith.constant 0 : i32
    %dma_start3A_205 = tpu.memref_slice %arg5[%dma_start3A_203, %dma_start3A_204] : memref<10x400xi32, #tpu.memory_space<vmem>> -> memref<1x400xi32, #tpu.memory_space<vmem>>
    %dma_start3A_206 = tpu.memref_squeeze %dma_start3A_205 : memref<1x400xi32, #tpu.memory_space<vmem>> -> memref<400xi32, #tpu.memory_space<vmem>>
    %dma_start3A_207 = arith.constant 0 : i32
    %dma_start3A_208 = tpu.memref_slice %arg8[%dma_start3A_207] : memref<100352xf32, #tpu.memory_space<vmem_shared>> -> memref<100352xf32, #tpu.memory_space<vmem_shared>>
    tpu.enqueue_indirect_dma source(%arg7 : memref<400xf32, #tpu.memory_space<vmem>>) target(%dma_start3A_208 : memref<100352xf32, #tpu.memory_space<vmem_shared>>) offsets(%dma_start3A_206 : memref<400xi32, #tpu.memory_space<vmem>>) semaphore(%arg9 : memref<!tpu.dma_semaphore, #tpu.memory_space<semaphore_mem>>) {add = true}
    %dma_start3A_209 = arith.constant 9 : i32
    %dma_start3A_210 = arith.constant 0 : i32
    %dma_start3A_211 = tpu.memref_slice %arg5[%dma_start3A_209, %dma_start3A_210] : memref<10x400xi32, #tpu.memory_space<vmem>> -> memref<1x400xi32, #tpu.memory_space<vmem>>
    %dma_start3A_212 = tpu.memref_squeeze %dma_start3A_211 : memref<1x400xi32, #tpu.memory_space<vmem>> -> memref<400xi32, #tpu.memory_space<vmem>>
    %dma_start3A_213 = arith.constant 0 : i32
    %dma_start3A_214 = tpu.memref_slice %arg8[%dma_start3A_213] : memref<100352xf32, #tpu.memory_space<vmem_shared>> -> memref<100352xf32, #tpu.memory_space<vmem_shared>>
    tpu.enqueue_indirect_dma source(%arg7 : memref<400xf32, #tpu.memory_space<vmem>>) target(%dma_start3A_214 : memref<100352xf32, #tpu.memory_space<vmem_shared>>) offsets(%dma_start3A_212 : memref<400xi32, #tpu.memory_space<vmem>>) semaphore(%arg9 : memref<!tpu.dma_semaphore, #tpu.memory_space<semaphore_mem>>) {add = true}
    %run_scoped3A_215 = arith.constant 1 : i32
    "tpu.region"() ({
      %run_scoped3A_396 = tpu.sem_alloc : memref<!tpu.dma_semaphore, #tpu.memory_space<semaphore_mem>>
      %dma_start3A_397 = arith.constant 490 : i32
      %dma_start3A_398 = arith.constant 0 : i32
      %dma_start3A_399 = tpu.memref_slice %arg2[%run_scoped3A_215, %add3A, %dma_start3A_397, %dma_start3A_398] : memref<2x32x500x400xi32, #tpu.memory_space<hbm>> -> memref<1x1x10x400xi32, #tpu.memory_space<hbm>>
      %dma_start3A_400 = tpu.memref_squeeze %dma_start3A_399 : memref<1x1x10x400xi32, #tpu.memory_space<hbm>> -> memref<10x400xi32, #tpu.memory_space<hbm>>
      %dma_start3A_401 = arith.constant 490 : i32
      %dma_start3A_402 = arith.constant 0 : i32
      %dma_start3A_403 = tpu.memref_slice %arg2[%run_scoped3A_215, %add3A, %dma_start3A_401, %dma_start3A_402] : memref<2x32x500x400xi32, #tpu.memory_space<hbm>> -> memref<1x1x10x400xi32, #tpu.memory_space<hbm>>
      %dma_start3A_404 = tpu.memref_squeeze %dma_start3A_403 : memref<1x1x10x400xi32, #tpu.memory_space<hbm>> -> memref<10x400xi32, #tpu.memory_space<hbm>>
      tpu.enqueue_dma source(%dma_start3A_404 : memref<10x400xi32, #tpu.memory_space<hbm>>) target(%arg6 : memref<10x400xi32, #tpu.memory_space<vmem>>) target_semaphore(%run_scoped3A_396 : memref<!tpu.dma_semaphore, #tpu.memory_space<semaphore_mem>>)
      %dma_wait3A_405 = arith.constant 490 : i32
      %dma_wait3A_406 = arith.constant 0 : i32
      %dma_wait3A_407 = tpu.memref_slice %arg2[%run_scoped3A_215, %add3A, %dma_wait3A_405, %dma_wait3A_406] : memref<2x32x500x400xi32, #tpu.memory_space<hbm>> -> memref<1x1x10x400xi32, #tpu.memory_space<hbm>>
      %dma_wait3A_408 = tpu.memref_squeeze %dma_wait3A_407 : memref<1x1x10x400xi32, #tpu.memory_space<hbm>> -> memref<10x400xi32, #tpu.memory_space<hbm>>
      %dma_wait3A_409 = arith.constant 490 : i32
      %dma_wait3A_410 = arith.constant 0 : i32
      %dma_wait3A_411 = tpu.memref_slice %arg2[%run_scoped3A_215, %add3A, %dma_wait3A_409, %dma_wait3A_410] : memref<2x32x500x400xi32, #tpu.memory_space<hbm>> -> memref<1x1x10x400xi32, #tpu.memory_space<hbm>>
      %dma_wait3A_412 = tpu.memref_squeeze %dma_wait3A_411 : memref<1x1x10x400xi32, #tpu.memory_space<hbm>> -> memref<10x400xi32, #tpu.memory_space<hbm>>
      tpu.wait_dma2 semaphore(%run_scoped3A_396 : memref<!tpu.dma_semaphore, #tpu.memory_space<semaphore_mem>>) src(%dma_wait3A_412 : memref<10x400xi32, #tpu.memory_space<hbm>>) dst(%arg6 : memref<10x400xi32, #tpu.memory_space<vmem>>)
      tpu.yield
    }) : () -> ()
    %dma_wait3A = arith.constant 0 : i32
    %dma_wait3A_216 = arith.constant 0 : i32
    %dma_wait3A_217 = tpu.memref_slice %arg5[%dma_wait3A, %dma_wait3A_216] : memref<10x400xi32, #tpu.memory_space<vmem>> -> memref<1x400xi32, #tpu.memory_space<vmem>>
    %dma_wait3A_218 = tpu.memref_squeeze %dma_wait3A_217 : memref<1x400xi32, #tpu.memory_space<vmem>> -> memref<400xi32, #tpu.memory_space<vmem>>
    %dma_wait3A_219 = arith.constant 0 : i32
    %dma_wait3A_220 = tpu.memref_slice %arg8[%dma_wait3A_219] : memref<100352xf32, #tpu.memory_space<vmem_shared>> -> memref<100352xf32, #tpu.memory_space<vmem_shared>>
    tpu.wait_indirect_dma semaphore(%arg9 : memref<!tpu.dma_semaphore, #tpu.memory_space<semaphore_mem>>) src(%arg7 : memref<400xf32, #tpu.memory_space<vmem>>) dst(%dma_wait3A_220 : memref<100352xf32, #tpu.memory_space<vmem_shared>>)
    %dma_wait3A_221 = arith.constant 1 : i32
    %dma_wait3A_222 = arith.constant 0 : i32
    %dma_wait3A_223 = tpu.memref_slice %arg5[%dma_wait3A_221, %dma_wait3A_222] : memref<10x400xi32, #tpu.memory_space<vmem>> -> memref<1x400xi32, #tpu.memory_space<vmem>>
    %dma_wait3A_224 = tpu.memref_squeeze %dma_wait3A_223 : memref<1x400xi32, #tpu.memory_space<vmem>> -> memref<400xi32, #tpu.memory_space<vmem>>
    %dma_wait3A_225 = arith.constant 0 : i32
    %dma_wait3A_226 = tpu.memref_slice %arg8[%dma_wait3A_225] : memref<100352xf32, #tpu.memory_space<vmem_shared>> -> memref<100352xf32, #tpu.memory_space<vmem_shared>>
    tpu.wait_indirect_dma semaphore(%arg9 : memref<!tpu.dma_semaphore, #tpu.memory_space<semaphore_mem>>) src(%arg7 : memref<400xf32, #tpu.memory_space<vmem>>) dst(%dma_wait3A_226 : memref<100352xf32, #tpu.memory_space<vmem_shared>>)
    %dma_wait3A_227 = arith.constant 2 : i32
    %dma_wait3A_228 = arith.constant 0 : i32
    %dma_wait3A_229 = tpu.memref_slice %arg5[%dma_wait3A_227, %dma_wait3A_228] : memref<10x400xi32, #tpu.memory_space<vmem>> -> memref<1x400xi32, #tpu.memory_space<vmem>>
    %dma_wait3A_230 = tpu.memref_squeeze %dma_wait3A_229 : memref<1x400xi32, #tpu.memory_space<vmem>> -> memref<400xi32, #tpu.memory_space<vmem>>
    %dma_wait3A_231 = arith.constant 0 : i32
    %dma_wait3A_232 = tpu.memref_slice %arg8[%dma_wait3A_231] : memref<100352xf32, #tpu.memory_space<vmem_shared>> -> memref<100352xf32, #tpu.memory_space<vmem_shared>>
    tpu.wait_indirect_dma semaphore(%arg9 : memref<!tpu.dma_semaphore, #tpu.memory_space<semaphore_mem>>) src(%arg7 : memref<400xf32, #tpu.memory_space<vmem>>) dst(%dma_wait3A_232 : memref<100352xf32, #tpu.memory_space<vmem_shared>>)
    %dma_wait3A_233 = arith.constant 3 : i32
    %dma_wait3A_234 = arith.constant 0 : i32
    %dma_wait3A_235 = tpu.memref_slice %arg5[%dma_wait3A_233, %dma_wait3A_234] : memref<10x400xi32, #tpu.memory_space<vmem>> -> memref<1x400xi32, #tpu.memory_space<vmem>>
    %dma_wait3A_236 = tpu.memref_squeeze %dma_wait3A_235 : memref<1x400xi32, #tpu.memory_space<vmem>> -> memref<400xi32, #tpu.memory_space<vmem>>
    %dma_wait3A_237 = arith.constant 0 : i32
    %dma_wait3A_238 = tpu.memref_slice %arg8[%dma_wait3A_237] : memref<100352xf32, #tpu.memory_space<vmem_shared>> -> memref<100352xf32, #tpu.memory_space<vmem_shared>>
    tpu.wait_indirect_dma semaphore(%arg9 : memref<!tpu.dma_semaphore, #tpu.memory_space<semaphore_mem>>) src(%arg7 : memref<400xf32, #tpu.memory_space<vmem>>) dst(%dma_wait3A_238 : memref<100352xf32, #tpu.memory_space<vmem_shared>>)
    %dma_wait3A_239 = arith.constant 4 : i32
    %dma_wait3A_240 = arith.constant 0 : i32
    %dma_wait3A_241 = tpu.memref_slice %arg5[%dma_wait3A_239, %dma_wait3A_240] : memref<10x400xi32, #tpu.memory_space<vmem>> -> memref<1x400xi32, #tpu.memory_space<vmem>>
    %dma_wait3A_242 = tpu.memref_squeeze %dma_wait3A_241 : memref<1x400xi32, #tpu.memory_space<vmem>> -> memref<400xi32, #tpu.memory_space<vmem>>
    %dma_wait3A_243 = arith.constant 0 : i32
    %dma_wait3A_244 = tpu.memref_slice %arg8[%dma_wait3A_243] : memref<100352xf32, #tpu.memory_space<vmem_shared>> -> memref<100352xf32, #tpu.memory_space<vmem_shared>>
    tpu.wait_indirect_dma semaphore(%arg9 : memref<!tpu.dma_semaphore, #tpu.memory_space<semaphore_mem>>) src(%arg7 : memref<400xf32, #tpu.memory_space<vmem>>) dst(%dma_wait3A_244 : memref<100352xf32, #tpu.memory_space<vmem_shared>>)
    %dma_wait3A_245 = arith.constant 5 : i32
    %dma_wait3A_246 = arith.constant 0 : i32
    %dma_wait3A_247 = tpu.memref_slice %arg5[%dma_wait3A_245, %dma_wait3A_246] : memref<10x400xi32, #tpu.memory_space<vmem>> -> memref<1x400xi32, #tpu.memory_space<vmem>>
    %dma_wait3A_248 = tpu.memref_squeeze %dma_wait3A_247 : memref<1x400xi32, #tpu.memory_space<vmem>> -> memref<400xi32, #tpu.memory_space<vmem>>
    %dma_wait3A_249 = arith.constant 0 : i32
    %dma_wait3A_250 = tpu.memref_slice %arg8[%dma_wait3A_249] : memref<100352xf32, #tpu.memory_space<vmem_shared>> -> memref<100352xf32, #tpu.memory_space<vmem_shared>>
    tpu.wait_indirect_dma semaphore(%arg9 : memref<!tpu.dma_semaphore, #tpu.memory_space<semaphore_mem>>) src(%arg7 : memref<400xf32, #tpu.memory_space<vmem>>) dst(%dma_wait3A_250 : memref<100352xf32, #tpu.memory_space<vmem_shared>>)
    %dma_wait3A_251 = arith.constant 6 : i32
    %dma_wait3A_252 = arith.constant 0 : i32
    %dma_wait3A_253 = tpu.memref_slice %arg5[%dma_wait3A_251, %dma_wait3A_252] : memref<10x400xi32, #tpu.memory_space<vmem>> -> memref<1x400xi32, #tpu.memory_space<vmem>>
    %dma_wait3A_254 = tpu.memref_squeeze %dma_wait3A_253 : memref<1x400xi32, #tpu.memory_space<vmem>> -> memref<400xi32, #tpu.memory_space<vmem>>
    %dma_wait3A_255 = arith.constant 0 : i32
    %dma_wait3A_256 = tpu.memref_slice %arg8[%dma_wait3A_255] : memref<100352xf32, #tpu.memory_space<vmem_shared>> -> memref<100352xf32, #tpu.memory_space<vmem_shared>>
    tpu.wait_indirect_dma semaphore(%arg9 : memref<!tpu.dma_semaphore, #tpu.memory_space<semaphore_mem>>) src(%arg7 : memref<400xf32, #tpu.memory_space<vmem>>) dst(%dma_wait3A_256 : memref<100352xf32, #tpu.memory_space<vmem_shared>>)
    %dma_wait3A_257 = arith.constant 7 : i32
    %dma_wait3A_258 = arith.constant 0 : i32
    %dma_wait3A_259 = tpu.memref_slice %arg5[%dma_wait3A_257, %dma_wait3A_258] : memref<10x400xi32, #tpu.memory_space<vmem>> -> memref<1x400xi32, #tpu.memory_space<vmem>>
    %dma_wait3A_260 = tpu.memref_squeeze %dma_wait3A_259 : memref<1x400xi32, #tpu.memory_space<vmem>> -> memref<400xi32, #tpu.memory_space<vmem>>
    %dma_wait3A_261 = arith.constant 0 : i32
    %dma_wait3A_262 = tpu.memref_slice %arg8[%dma_wait3A_261] : memref<100352xf32, #tpu.memory_space<vmem_shared>> -> memref<100352xf32, #tpu.memory_space<vmem_shared>>
    tpu.wait_indirect_dma semaphore(%arg9 : memref<!tpu.dma_semaphore, #tpu.memory_space<semaphore_mem>>) src(%arg7 : memref<400xf32, #tpu.memory_space<vmem>>) dst(%dma_wait3A_262 : memref<100352xf32, #tpu.memory_space<vmem_shared>>)
    %dma_wait3A_263 = arith.constant 8 : i32
    %dma_wait3A_264 = arith.constant 0 : i32
    %dma_wait3A_265 = tpu.memref_slice %arg5[%dma_wait3A_263, %dma_wait3A_264] : memref<10x400xi32, #tpu.memory_space<vmem>> -> memref<1x400xi32, #tpu.memory_space<vmem>>
    %dma_wait3A_266 = tpu.memref_squeeze %dma_wait3A_265 : memref<1x400xi32, #tpu.memory_space<vmem>> -> memref<400xi32, #tpu.memory_space<vmem>>
    %dma_wait3A_267 = arith.constant 0 : i32
    %dma_wait3A_268 = tpu.memref_slice %arg8[%dma_wait3A_267] : memref<100352xf32, #tpu.memory_space<vmem_shared>> -> memref<100352xf32, #tpu.memory_space<vmem_shared>>
    tpu.wait_indirect_dma semaphore(%arg9 : memref<!tpu.dma_semaphore, #tpu.memory_space<semaphore_mem>>) src(%arg7 : memref<400xf32, #tpu.memory_space<vmem>>) dst(%dma_wait3A_268 : memref<100352xf32, #tpu.memory_space<vmem_shared>>)
    %dma_wait3A_269 = arith.constant 9 : i32
    %dma_wait3A_270 = arith.constant 0 : i32
    %dma_wait3A_271 = tpu.memref_slice %arg5[%dma_wait3A_269, %dma_wait3A_270] : memref<10x400xi32, #tpu.memory_space<vmem>> -> memref<1x400xi32, #tpu.memory_space<vmem>>
    %dma_wait3A_272 = tpu.memref_squeeze %dma_wait3A_271 : memref<1x400xi32, #tpu.memory_space<vmem>> -> memref<400xi32, #tpu.memory_space<vmem>>
    %dma_wait3A_273 = arith.constant 0 : i32
    %dma_wait3A_274 = tpu.memref_slice %arg8[%dma_wait3A_273] : memref<100352xf32, #tpu.memory_space<vmem_shared>> -> memref<100352xf32, #tpu.memory_space<vmem_shared>>
    tpu.wait_indirect_dma semaphore(%arg9 : memref<!tpu.dma_semaphore, #tpu.memory_space<semaphore_mem>>) src(%arg7 : memref<400xf32, #tpu.memory_space<vmem>>) dst(%dma_wait3A_274 : memref<100352xf32, #tpu.memory_space<vmem_shared>>)
    %dma_start3A_275 = arith.constant 0 : i32
    %dma_start3A_276 = arith.constant 0 : i32
    %dma_start3A_277 = tpu.memref_slice %arg6[%dma_start3A_275, %dma_start3A_276] : memref<10x400xi32, #tpu.memory_space<vmem>> -> memref<1x400xi32, #tpu.memory_space<vmem>>
    %dma_start3A_278 = tpu.memref_squeeze %dma_start3A_277 : memref<1x400xi32, #tpu.memory_space<vmem>> -> memref<400xi32, #tpu.memory_space<vmem>>
    %dma_start3A_279 = arith.constant 0 : i32
    %dma_start3A_280 = tpu.memref_slice %arg8[%dma_start3A_279] : memref<100352xf32, #tpu.memory_space<vmem_shared>> -> memref<100352xf32, #tpu.memory_space<vmem_shared>>
    tpu.enqueue_indirect_dma source(%arg7 : memref<400xf32, #tpu.memory_space<vmem>>) target(%dma_start3A_280 : memref<100352xf32, #tpu.memory_space<vmem_shared>>) offsets(%dma_start3A_278 : memref<400xi32, #tpu.memory_space<vmem>>) semaphore(%arg10 : memref<!tpu.dma_semaphore, #tpu.memory_space<semaphore_mem>>) {add = true}
    %dma_start3A_281 = arith.constant 1 : i32
    %dma_start3A_282 = arith.constant 0 : i32
    %dma_start3A_283 = tpu.memref_slice %arg6[%dma_start3A_281, %dma_start3A_282] : memref<10x400xi32, #tpu.memory_space<vmem>> -> memref<1x400xi32, #tpu.memory_space<vmem>>
    %dma_start3A_284 = tpu.memref_squeeze %dma_start3A_283 : memref<1x400xi32, #tpu.memory_space<vmem>> -> memref<400xi32, #tpu.memory_space<vmem>>
    %dma_start3A_285 = arith.constant 0 : i32
    %dma_start3A_286 = tpu.memref_slice %arg8[%dma_start3A_285] : memref<100352xf32, #tpu.memory_space<vmem_shared>> -> memref<100352xf32, #tpu.memory_space<vmem_shared>>
    tpu.enqueue_indirect_dma source(%arg7 : memref<400xf32, #tpu.memory_space<vmem>>) target(%dma_start3A_286 : memref<100352xf32, #tpu.memory_space<vmem_shared>>) offsets(%dma_start3A_284 : memref<400xi32, #tpu.memory_space<vmem>>) semaphore(%arg10 : memref<!tpu.dma_semaphore, #tpu.memory_space<semaphore_mem>>) {add = true}
    %dma_start3A_287 = arith.constant 2 : i32
    %dma_start3A_288 = arith.constant 0 : i32
    %dma_start3A_289 = tpu.memref_slice %arg6[%dma_start3A_287, %dma_start3A_288] : memref<10x400xi32, #tpu.memory_space<vmem>> -> memref<1x400xi32, #tpu.memory_space<vmem>>
    %dma_start3A_290 = tpu.memref_squeeze %dma_start3A_289 : memref<1x400xi32, #tpu.memory_space<vmem>> -> memref<400xi32, #tpu.memory_space<vmem>>
    %dma_start3A_291 = arith.constant 0 : i32
    %dma_start3A_292 = tpu.memref_slice %arg8[%dma_start3A_291] : memref<100352xf32, #tpu.memory_space<vmem_shared>> -> memref<100352xf32, #tpu.memory_space<vmem_shared>>
    tpu.enqueue_indirect_dma source(%arg7 : memref<400xf32, #tpu.memory_space<vmem>>) target(%dma_start3A_292 : memref<100352xf32, #tpu.memory_space<vmem_shared>>) offsets(%dma_start3A_290 : memref<400xi32, #tpu.memory_space<vmem>>) semaphore(%arg10 : memref<!tpu.dma_semaphore, #tpu.memory_space<semaphore_mem>>) {add = true}
    %dma_start3A_293 = arith.constant 3 : i32
    %dma_start3A_294 = arith.constant 0 : i32
    %dma_start3A_295 = tpu.memref_slice %arg6[%dma_start3A_293, %dma_start3A_294] : memref<10x400xi32, #tpu.memory_space<vmem>> -> memref<1x400xi32, #tpu.memory_space<vmem>>
    %dma_start3A_296 = tpu.memref_squeeze %dma_start3A_295 : memref<1x400xi32, #tpu.memory_space<vmem>> -> memref<400xi32, #tpu.memory_space<vmem>>
    %dma_start3A_297 = arith.constant 0 : i32
    %dma_start3A_298 = tpu.memref_slice %arg8[%dma_start3A_297] : memref<100352xf32, #tpu.memory_space<vmem_shared>> -> memref<100352xf32, #tpu.memory_space<vmem_shared>>
    tpu.enqueue_indirect_dma source(%arg7 : memref<400xf32, #tpu.memory_space<vmem>>) target(%dma_start3A_298 : memref<100352xf32, #tpu.memory_space<vmem_shared>>) offsets(%dma_start3A_296 : memref<400xi32, #tpu.memory_space<vmem>>) semaphore(%arg10 : memref<!tpu.dma_semaphore, #tpu.memory_space<semaphore_mem>>) {add = true}
    %dma_start3A_299 = arith.constant 4 : i32
    %dma_start3A_300 = arith.constant 0 : i32
    %dma_start3A_301 = tpu.memref_slice %arg6[%dma_start3A_299, %dma_start3A_300] : memref<10x400xi32, #tpu.memory_space<vmem>> -> memref<1x400xi32, #tpu.memory_space<vmem>>
    %dma_start3A_302 = tpu.memref_squeeze %dma_start3A_301 : memref<1x400xi32, #tpu.memory_space<vmem>> -> memref<400xi32, #tpu.memory_space<vmem>>
    %dma_start3A_303 = arith.constant 0 : i32
    %dma_start3A_304 = tpu.memref_slice %arg8[%dma_start3A_303] : memref<100352xf32, #tpu.memory_space<vmem_shared>> -> memref<100352xf32, #tpu.memory_space<vmem_shared>>
    tpu.enqueue_indirect_dma source(%arg7 : memref<400xf32, #tpu.memory_space<vmem>>) target(%dma_start3A_304 : memref<100352xf32, #tpu.memory_space<vmem_shared>>) offsets(%dma_start3A_302 : memref<400xi32, #tpu.memory_space<vmem>>) semaphore(%arg10 : memref<!tpu.dma_semaphore, #tpu.memory_space<semaphore_mem>>) {add = true}
    %dma_start3A_305 = arith.constant 5 : i32
    %dma_start3A_306 = arith.constant 0 : i32
    %dma_start3A_307 = tpu.memref_slice %arg6[%dma_start3A_305, %dma_start3A_306] : memref<10x400xi32, #tpu.memory_space<vmem>> -> memref<1x400xi32, #tpu.memory_space<vmem>>
    %dma_start3A_308 = tpu.memref_squeeze %dma_start3A_307 : memref<1x400xi32, #tpu.memory_space<vmem>> -> memref<400xi32, #tpu.memory_space<vmem>>
    %dma_start3A_309 = arith.constant 0 : i32
    %dma_start3A_310 = tpu.memref_slice %arg8[%dma_start3A_309] : memref<100352xf32, #tpu.memory_space<vmem_shared>> -> memref<100352xf32, #tpu.memory_space<vmem_shared>>
    tpu.enqueue_indirect_dma source(%arg7 : memref<400xf32, #tpu.memory_space<vmem>>) target(%dma_start3A_310 : memref<100352xf32, #tpu.memory_space<vmem_shared>>) offsets(%dma_start3A_308 : memref<400xi32, #tpu.memory_space<vmem>>) semaphore(%arg10 : memref<!tpu.dma_semaphore, #tpu.memory_space<semaphore_mem>>) {add = true}
    %dma_start3A_311 = arith.constant 6 : i32
    %dma_start3A_312 = arith.constant 0 : i32
    %dma_start3A_313 = tpu.memref_slice %arg6[%dma_start3A_311, %dma_start3A_312] : memref<10x400xi32, #tpu.memory_space<vmem>> -> memref<1x400xi32, #tpu.memory_space<vmem>>
    %dma_start3A_314 = tpu.memref_squeeze %dma_start3A_313 : memref<1x400xi32, #tpu.memory_space<vmem>> -> memref<400xi32, #tpu.memory_space<vmem>>
    %dma_start3A_315 = arith.constant 0 : i32
    %dma_start3A_316 = tpu.memref_slice %arg8[%dma_start3A_315] : memref<100352xf32, #tpu.memory_space<vmem_shared>> -> memref<100352xf32, #tpu.memory_space<vmem_shared>>
    tpu.enqueue_indirect_dma source(%arg7 : memref<400xf32, #tpu.memory_space<vmem>>) target(%dma_start3A_316 : memref<100352xf32, #tpu.memory_space<vmem_shared>>) offsets(%dma_start3A_314 : memref<400xi32, #tpu.memory_space<vmem>>) semaphore(%arg10 : memref<!tpu.dma_semaphore, #tpu.memory_space<semaphore_mem>>) {add = true}
    %dma_start3A_317 = arith.constant 7 : i32
    %dma_start3A_318 = arith.constant 0 : i32
    %dma_start3A_319 = tpu.memref_slice %arg6[%dma_start3A_317, %dma_start3A_318] : memref<10x400xi32, #tpu.memory_space<vmem>> -> memref<1x400xi32, #tpu.memory_space<vmem>>
    %dma_start3A_320 = tpu.memref_squeeze %dma_start3A_319 : memref<1x400xi32, #tpu.memory_space<vmem>> -> memref<400xi32, #tpu.memory_space<vmem>>
    %dma_start3A_321 = arith.constant 0 : i32
    %dma_start3A_322 = tpu.memref_slice %arg8[%dma_start3A_321] : memref<100352xf32, #tpu.memory_space<vmem_shared>> -> memref<100352xf32, #tpu.memory_space<vmem_shared>>
    tpu.enqueue_indirect_dma source(%arg7 : memref<400xf32, #tpu.memory_space<vmem>>) target(%dma_start3A_322 : memref<100352xf32, #tpu.memory_space<vmem_shared>>) offsets(%dma_start3A_320 : memref<400xi32, #tpu.memory_space<vmem>>) semaphore(%arg10 : memref<!tpu.dma_semaphore, #tpu.memory_space<semaphore_mem>>) {add = true}
    %dma_start3A_323 = arith.constant 8 : i32
    %dma_start3A_324 = arith.constant 0 : i32
    %dma_start3A_325 = tpu.memref_slice %arg6[%dma_start3A_323, %dma_start3A_324] : memref<10x400xi32, #tpu.memory_space<vmem>> -> memref<1x400xi32, #tpu.memory_space<vmem>>
    %dma_start3A_326 = tpu.memref_squeeze %dma_start3A_325 : memref<1x400xi32, #tpu.memory_space<vmem>> -> memref<400xi32, #tpu.memory_space<vmem>>
    %dma_start3A_327 = arith.constant 0 : i32
    %dma_start3A_328 = tpu.memref_slice %arg8[%dma_start3A_327] : memref<100352xf32, #tpu.memory_space<vmem_shared>> -> memref<100352xf32, #tpu.memory_space<vmem_shared>>
    tpu.enqueue_indirect_dma source(%arg7 : memref<400xf32, #tpu.memory_space<vmem>>) target(%dma_start3A_328 : memref<100352xf32, #tpu.memory_space<vmem_shared>>) offsets(%dma_start3A_326 : memref<400xi32, #tpu.memory_space<vmem>>) semaphore(%arg10 : memref<!tpu.dma_semaphore, #tpu.memory_space<semaphore_mem>>) {add = true}
    %dma_start3A_329 = arith.constant 9 : i32
    %dma_start3A_330 = arith.constant 0 : i32
    %dma_start3A_331 = tpu.memref_slice %arg6[%dma_start3A_329, %dma_start3A_330] : memref<10x400xi32, #tpu.memory_space<vmem>> -> memref<1x400xi32, #tpu.memory_space<vmem>>
    %dma_start3A_332 = tpu.memref_squeeze %dma_start3A_331 : memref<1x400xi32, #tpu.memory_space<vmem>> -> memref<400xi32, #tpu.memory_space<vmem>>
    %dma_start3A_333 = arith.constant 0 : i32
    %dma_start3A_334 = tpu.memref_slice %arg8[%dma_start3A_333] : memref<100352xf32, #tpu.memory_space<vmem_shared>> -> memref<100352xf32, #tpu.memory_space<vmem_shared>>
    tpu.enqueue_indirect_dma source(%arg7 : memref<400xf32, #tpu.memory_space<vmem>>) target(%dma_start3A_334 : memref<100352xf32, #tpu.memory_space<vmem_shared>>) offsets(%dma_start3A_332 : memref<400xi32, #tpu.memory_space<vmem>>) semaphore(%arg10 : memref<!tpu.dma_semaphore, #tpu.memory_space<semaphore_mem>>) {add = true}
    %dma_wait3A_335 = arith.constant 0 : i32
    %dma_wait3A_336 = arith.constant 0 : i32
    %dma_wait3A_337 = tpu.memref_slice %arg6[%dma_wait3A_335, %dma_wait3A_336] : memref<10x400xi32, #tpu.memory_space<vmem>> -> memref<1x400xi32, #tpu.memory_space<vmem>>
    %dma_wait3A_338 = tpu.memref_squeeze %dma_wait3A_337 : memref<1x400xi32, #tpu.memory_space<vmem>> -> memref<400xi32, #tpu.memory_space<vmem>>
    %dma_wait3A_339 = arith.constant 0 : i32
    %dma_wait3A_340 = tpu.memref_slice %arg8[%dma_wait3A_339] : memref<100352xf32, #tpu.memory_space<vmem_shared>> -> memref<100352xf32, #tpu.memory_space<vmem_shared>>
    tpu.wait_indirect_dma semaphore(%arg10 : memref<!tpu.dma_semaphore, #tpu.memory_space<semaphore_mem>>) src(%arg7 : memref<400xf32, #tpu.memory_space<vmem>>) dst(%dma_wait3A_340 : memref<100352xf32, #tpu.memory_space<vmem_shared>>)
    %dma_wait3A_341 = arith.constant 1 : i32
    %dma_wait3A_342 = arith.constant 0 : i32
    %dma_wait3A_343 = tpu.memref_slice %arg6[%dma_wait3A_341, %dma_wait3A_342] : memref<10x400xi32, #tpu.memory_space<vmem>> -> memref<1x400xi32, #tpu.memory_space<vmem>>
    %dma_wait3A_344 = tpu.memref_squeeze %dma_wait3A_343 : memref<1x400xi32, #tpu.memory_space<vmem>> -> memref<400xi32, #tpu.memory_space<vmem>>
    %dma_wait3A_345 = arith.constant 0 : i32
    %dma_wait3A_346 = tpu.memref_slice %arg8[%dma_wait3A_345] : memref<100352xf32, #tpu.memory_space<vmem_shared>> -> memref<100352xf32, #tpu.memory_space<vmem_shared>>
    tpu.wait_indirect_dma semaphore(%arg10 : memref<!tpu.dma_semaphore, #tpu.memory_space<semaphore_mem>>) src(%arg7 : memref<400xf32, #tpu.memory_space<vmem>>) dst(%dma_wait3A_346 : memref<100352xf32, #tpu.memory_space<vmem_shared>>)
    %dma_wait3A_347 = arith.constant 2 : i32
    %dma_wait3A_348 = arith.constant 0 : i32
    %dma_wait3A_349 = tpu.memref_slice %arg6[%dma_wait3A_347, %dma_wait3A_348] : memref<10x400xi32, #tpu.memory_space<vmem>> -> memref<1x400xi32, #tpu.memory_space<vmem>>
    %dma_wait3A_350 = tpu.memref_squeeze %dma_wait3A_349 : memref<1x400xi32, #tpu.memory_space<vmem>> -> memref<400xi32, #tpu.memory_space<vmem>>
    %dma_wait3A_351 = arith.constant 0 : i32
    %dma_wait3A_352 = tpu.memref_slice %arg8[%dma_wait3A_351] : memref<100352xf32, #tpu.memory_space<vmem_shared>> -> memref<100352xf32, #tpu.memory_space<vmem_shared>>
    tpu.wait_indirect_dma semaphore(%arg10 : memref<!tpu.dma_semaphore, #tpu.memory_space<semaphore_mem>>) src(%arg7 : memref<400xf32, #tpu.memory_space<vmem>>) dst(%dma_wait3A_352 : memref<100352xf32, #tpu.memory_space<vmem_shared>>)
    %dma_wait3A_353 = arith.constant 3 : i32
    %dma_wait3A_354 = arith.constant 0 : i32
    %dma_wait3A_355 = tpu.memref_slice %arg6[%dma_wait3A_353, %dma_wait3A_354] : memref<10x400xi32, #tpu.memory_space<vmem>> -> memref<1x400xi32, #tpu.memory_space<vmem>>
    %dma_wait3A_356 = tpu.memref_squeeze %dma_wait3A_355 : memref<1x400xi32, #tpu.memory_space<vmem>> -> memref<400xi32, #tpu.memory_space<vmem>>
    %dma_wait3A_357 = arith.constant 0 : i32
    %dma_wait3A_358 = tpu.memref_slice %arg8[%dma_wait3A_357] : memref<100352xf32, #tpu.memory_space<vmem_shared>> -> memref<100352xf32, #tpu.memory_space<vmem_shared>>
    tpu.wait_indirect_dma semaphore(%arg10 : memref<!tpu.dma_semaphore, #tpu.memory_space<semaphore_mem>>) src(%arg7 : memref<400xf32, #tpu.memory_space<vmem>>) dst(%dma_wait3A_358 : memref<100352xf32, #tpu.memory_space<vmem_shared>>)
    %dma_wait3A_359 = arith.constant 4 : i32
    %dma_wait3A_360 = arith.constant 0 : i32
    %dma_wait3A_361 = tpu.memref_slice %arg6[%dma_wait3A_359, %dma_wait3A_360] : memref<10x400xi32, #tpu.memory_space<vmem>> -> memref<1x400xi32, #tpu.memory_space<vmem>>
    %dma_wait3A_362 = tpu.memref_squeeze %dma_wait3A_361 : memref<1x400xi32, #tpu.memory_space<vmem>> -> memref<400xi32, #tpu.memory_space<vmem>>
    %dma_wait3A_363 = arith.constant 0 : i32
    %dma_wait3A_364 = tpu.memref_slice %arg8[%dma_wait3A_363] : memref<100352xf32, #tpu.memory_space<vmem_shared>> -> memref<100352xf32, #tpu.memory_space<vmem_shared>>
    tpu.wait_indirect_dma semaphore(%arg10 : memref<!tpu.dma_semaphore, #tpu.memory_space<semaphore_mem>>) src(%arg7 : memref<400xf32, #tpu.memory_space<vmem>>) dst(%dma_wait3A_364 : memref<100352xf32, #tpu.memory_space<vmem_shared>>)
    %dma_wait3A_365 = arith.constant 5 : i32
    %dma_wait3A_366 = arith.constant 0 : i32
    %dma_wait3A_367 = tpu.memref_slice %arg6[%dma_wait3A_365, %dma_wait3A_366] : memref<10x400xi32, #tpu.memory_space<vmem>> -> memref<1x400xi32, #tpu.memory_space<vmem>>
    %dma_wait3A_368 = tpu.memref_squeeze %dma_wait3A_367 : memref<1x400xi32, #tpu.memory_space<vmem>> -> memref<400xi32, #tpu.memory_space<vmem>>
    %dma_wait3A_369 = arith.constant 0 : i32
    %dma_wait3A_370 = tpu.memref_slice %arg8[%dma_wait3A_369] : memref<100352xf32, #tpu.memory_space<vmem_shared>> -> memref<100352xf32, #tpu.memory_space<vmem_shared>>
    tpu.wait_indirect_dma semaphore(%arg10 : memref<!tpu.dma_semaphore, #tpu.memory_space<semaphore_mem>>) src(%arg7 : memref<400xf32, #tpu.memory_space<vmem>>) dst(%dma_wait3A_370 : memref<100352xf32, #tpu.memory_space<vmem_shared>>)
    %dma_wait3A_371 = arith.constant 6 : i32
    %dma_wait3A_372 = arith.constant 0 : i32
    %dma_wait3A_373 = tpu.memref_slice %arg6[%dma_wait3A_371, %dma_wait3A_372] : memref<10x400xi32, #tpu.memory_space<vmem>> -> memref<1x400xi32, #tpu.memory_space<vmem>>
    %dma_wait3A_374 = tpu.memref_squeeze %dma_wait3A_373 : memref<1x400xi32, #tpu.memory_space<vmem>> -> memref<400xi32, #tpu.memory_space<vmem>>
    %dma_wait3A_375 = arith.constant 0 : i32
    %dma_wait3A_376 = tpu.memref_slice %arg8[%dma_wait3A_375] : memref<100352xf32, #tpu.memory_space<vmem_shared>> -> memref<100352xf32, #tpu.memory_space<vmem_shared>>
    tpu.wait_indirect_dma semaphore(%arg10 : memref<!tpu.dma_semaphore, #tpu.memory_space<semaphore_mem>>) src(%arg7 : memref<400xf32, #tpu.memory_space<vmem>>) dst(%dma_wait3A_376 : memref<100352xf32, #tpu.memory_space<vmem_shared>>)
    %dma_wait3A_377 = arith.constant 7 : i32
    %dma_wait3A_378 = arith.constant 0 : i32
    %dma_wait3A_379 = tpu.memref_slice %arg6[%dma_wait3A_377, %dma_wait3A_378] : memref<10x400xi32, #tpu.memory_space<vmem>> -> memref<1x400xi32, #tpu.memory_space<vmem>>
    %dma_wait3A_380 = tpu.memref_squeeze %dma_wait3A_379 : memref<1x400xi32, #tpu.memory_space<vmem>> -> memref<400xi32, #tpu.memory_space<vmem>>
    %dma_wait3A_381 = arith.constant 0 : i32
    %dma_wait3A_382 = tpu.memref_slice %arg8[%dma_wait3A_381] : memref<100352xf32, #tpu.memory_space<vmem_shared>> -> memref<100352xf32, #tpu.memory_space<vmem_shared>>
    tpu.wait_indirect_dma semaphore(%arg10 : memref<!tpu.dma_semaphore, #tpu.memory_space<semaphore_mem>>) src(%arg7 : memref<400xf32, #tpu.memory_space<vmem>>) dst(%dma_wait3A_382 : memref<100352xf32, #tpu.memory_space<vmem_shared>>)
    %dma_wait3A_383 = arith.constant 8 : i32
    %dma_wait3A_384 = arith.constant 0 : i32
    %dma_wait3A_385 = tpu.memref_slice %arg6[%dma_wait3A_383, %dma_wait3A_384] : memref<10x400xi32, #tpu.memory_space<vmem>> -> memref<1x400xi32, #tpu.memory_space<vmem>>
    %dma_wait3A_386 = tpu.memref_squeeze %dma_wait3A_385 : memref<1x400xi32, #tpu.memory_space<vmem>> -> memref<400xi32, #tpu.memory_space<vmem>>
    %dma_wait3A_387 = arith.constant 0 : i32
    %dma_wait3A_388 = tpu.memref_slice %arg8[%dma_wait3A_387] : memref<100352xf32, #tpu.memory_space<vmem_shared>> -> memref<100352xf32, #tpu.memory_space<vmem_shared>>
    tpu.wait_indirect_dma semaphore(%arg10 : memref<!tpu.dma_semaphore, #tpu.memory_space<semaphore_mem>>) src(%arg7 : memref<400xf32, #tpu.memory_space<vmem>>) dst(%dma_wait3A_388 : memref<100352xf32, #tpu.memory_space<vmem_shared>>)
    %dma_wait3A_389 = arith.constant 9 : i32
    %dma_wait3A_390 = arith.constant 0 : i32
    %dma_wait3A_391 = tpu.memref_slice %arg6[%dma_wait3A_389, %dma_wait3A_390] : memref<10x400xi32, #tpu.memory_space<vmem>> -> memref<1x400xi32, #tpu.memory_space<vmem>>
    %dma_wait3A_392 = tpu.memref_squeeze %dma_wait3A_391 : memref<1x400xi32, #tpu.memory_space<vmem>> -> memref<400xi32, #tpu.memory_space<vmem>>
    %dma_wait3A_393 = arith.constant 0 : i32
    %dma_wait3A_394 = tpu.memref_slice %arg8[%dma_wait3A_393] : memref<100352xf32, #tpu.memory_space<vmem_shared>> -> memref<100352xf32, #tpu.memory_space<vmem_shared>>
    tpu.wait_indirect_dma semaphore(%arg10 : memref<!tpu.dma_semaphore, #tpu.memory_space<semaphore_mem>>) src(%arg7 : memref<400xf32, #tpu.memory_space<vmem>>) dst(%dma_wait3A_394 : memref<100352xf32, #tpu.memory_space<vmem_shared>>)
    %barrier3A_395 = arith.constant 0 : index
    tpu.barrier barrier_id(%barrier3A_395)
    "tpu.region"() ({
      %run_scoped3A_396 = tpu.sem_alloc : memref<!tpu.dma_semaphore, #tpu.memory_space<semaphore_mem>>
      %dma_start3A_397 = tpu.memref_slice %arg4[%arg0, %mul3A_2] : memref<2x100352xf32, #tpu.memory_space<hbm>> -> memref<1x6272xf32, #tpu.memory_space<hbm>>
      %dma_start3A_398 = tpu.memref_squeeze %dma_start3A_397 : memref<1x6272xf32, #tpu.memory_space<hbm>> -> memref<6272xf32, #tpu.memory_space<hbm>>
      %dma_start3A_399 = tpu.memref_slice %arg8[%mul3A_2] : memref<100352xf32, #tpu.memory_space<vmem_shared>> -> memref<6272xf32, #tpu.memory_space<vmem_shared>>
      tpu.enqueue_dma source(%dma_start3A_399 : memref<6272xf32, #tpu.memory_space<vmem_shared>>) target(%dma_start3A_398 : memref<6272xf32, #tpu.memory_space<hbm>>) target_semaphore(%run_scoped3A_396 : memref<!tpu.dma_semaphore, #tpu.memory_space<semaphore_mem>>)
      %dma_wait3A_400 = tpu.memref_slice %arg4[%arg0, %mul3A_2] : memref<2x100352xf32, #tpu.memory_space<hbm>> -> memref<1x6272xf32, #tpu.memory_space<hbm>>
      %dma_wait3A_401 = tpu.memref_squeeze %dma_wait3A_400 : memref<1x6272xf32, #tpu.memory_space<hbm>> -> memref<6272xf32, #tpu.memory_space<hbm>>
      %dma_wait3A_402 = tpu.memref_slice %arg8[%mul3A_2] : memref<100352xf32, #tpu.memory_space<vmem_shared>> -> memref<6272xf32, #tpu.memory_space<vmem_shared>>
      tpu.wait_dma2 semaphore(%run_scoped3A_396 : memref<!tpu.dma_semaphore, #tpu.memory_space<semaphore_mem>>) src(%dma_wait3A_402 : memref<6272xf32, #tpu.memory_space<vmem_shared>>) dst(%dma_wait3A_401 : memref<6272xf32, #tpu.memory_space<hbm>>)
      tpu.yield
    }) : () -> ()
    return
  }
}

module attributes {stable_mosaic.version = 14 : i64} {
  func.func @_tc1_body(%arg0: i32, %arg1: memref<2x2048xf32, #tpu.memory_space<vmem>>, %arg2: memref<2048x16xf32, #tpu.memory_space<vmem>>, %arg3: memref<2048xf32, #tpu.memory_space<vmem>>, %arg4: memref<2048x16xf32, #tpu.memory_space<vmem>>) attributes {dimension_semantics = [#tpu.dimension_semantics<arbitrary>], iteration_bounds = array<i64: 49>, scalar_prefetch = 0 : i64, scratch_operands = 0 : i64, tpu.core_type = #tpu.core_type<tc>, window_params = [{transform_indices = @transform_0, window_bounds = array<i64: 2, 2048>}, {transform_indices = @transform_1, window_bounds = array<i64: 2048, 16>}, {transform_indices = @transform_2, window_bounds = array<i64: 2048>}, {transform_indices = @transform_3, window_bounds = array<i64: 2048, 16>}]} {
    %get3A = arith.constant 0 : index
    %get3A_0 = arith.constant 0 : index
    %get3A_1 = vector.load %arg1[%get3A, %get3A_0] : memref<2x2048xf32, #tpu.memory_space<vmem>>, vector<1x2048xf32>
    %get3A_2 = vector.shape_cast %get3A_1 : vector<1x2048xf32> to vector<2048xf32>
    %get3A_3 = arith.constant 1 : index
    %get3A_4 = arith.constant 0 : index
    %get3A_5 = vector.load %arg1[%get3A_3, %get3A_4] : memref<2x2048xf32, #tpu.memory_space<vmem>>, vector<1x2048xf32>
    %get3A_6 = vector.shape_cast %get3A_5 : vector<1x2048xf32> to vector<2048xf32>
    %add3A = arith.addf %get3A_2, %get3A_6 : vector<2048xf32>
    %add3A_7 = arith.constant 1.000000e+00 : f32
    %add3A_8 = vector.broadcast %add3A_7 : f32 to vector<2048xf32>
    %add3A_9 = arith.addf %add3A, %add3A_8 : vector<2048xf32>
    %rsqrt3A = math.rsqrt %add3A_9 : vector<2048xf32>
    %swap3A = arith.constant 0 : index
    %swap3A_10 = vector.load %arg3[%swap3A] : memref<2048xf32, #tpu.memory_space<vmem>>, vector<2048xf32>
    tpu.vector_store %arg3[%swap3A], %rsqrt3A {strides = array<i32>} : memref<2048xf32, #tpu.memory_space<vmem>>, vector<2048xf32>,
    %get3A_11 = arith.constant 0 : index
    %get3A_12 = arith.constant 0 : index
    %get3A_13 = vector.load %arg2[%get3A_11, %get3A_12] : memref<2048x16xf32, #tpu.memory_space<vmem>>, vector<2048x16xf32>
    %broadcast_in_dim3A = vector.shape_cast %rsqrt3A : vector<2048xf32> to vector<2048x1xf32>
    %mul3A = vector.broadcast %broadcast_in_dim3A : vector<2048x1xf32> to vector<2048x16xf32>
    %mul3A_14 = arith.mulf %get3A_13, %mul3A : vector<2048x16xf32>
    %swap3A_15 = arith.constant 0 : index
    %swap3A_16 = arith.constant 0 : index
    %swap3A_17 = vector.load %arg4[%swap3A_15, %swap3A_16] : memref<2048x16xf32, #tpu.memory_space<vmem>>, vector<2048x16xf32>
    tpu.vector_store %arg4[%swap3A_15, %swap3A_16], %mul3A_14 {strides = array<i32>} : memref<2048x16xf32, #tpu.memory_space<vmem>>, vector<2048x16xf32>,
    return
  }
  func.func @transform_0(%arg0: i32) -> (i32, i32) {
    %c0_i32 = arith.constant 0 : i32
    %c0_i32_0 = arith.constant 0 : i32
    return %c0_i32, %arg0 : i32, i32
  }
  func.func @transform_1(%arg0: i32) -> (i32, i32) {
    %c0_i32 = arith.constant 0 : i32
    %c0_i32_0 = arith.constant 0 : i32
    return %arg0, %c0_i32 : i32, i32
  }
  func.func @transform_2(%arg0: i32) -> i32 {
    %c0_i32 = arith.constant 0 : i32
    return %arg0 : i32
  }
  func.func @transform_3(%arg0: i32) -> (i32, i32) {
    %c0_i32 = arith.constant 0 : i32
    %c0_i32_0 = arith.constant 0 : i32
    return %arg0, %c0_i32 : i32, i32
  }
}

module attributes {stable_mosaic.version = 14 : i64} {
  func.func @_tc2_body(%arg0: i32, %arg1: memref<2x2048x16xf32, #tpu.memory_space<vmem>>, %arg2: memref<2048x16xf32, #tpu.memory_space<vmem>>, %arg3: memref<2048xf32, #tpu.memory_space<vmem>>, %arg4: memref<16x16xf32, #tpu.memory_space<vmem>>, %arg5: memref<16xf32, #tpu.memory_space<vmem>>, %arg6: memref<2048x16xf32, #tpu.memory_space<vmem>>) attributes {dimension_semantics = [#tpu.dimension_semantics<arbitrary>], iteration_bounds = array<i64: 49>, scalar_prefetch = 0 : i64, scratch_operands = 0 : i64, tpu.core_type = #tpu.core_type<tc>, window_params = [{transform_indices = @transform_0, window_bounds = array<i64: 2, 2048, 16>}, {transform_indices = @transform_1, window_bounds = array<i64: 2048, 16>}, {transform_indices = @transform_2, window_bounds = array<i64: 2048>}, {pipeline_mode = #tpu.pipeline_mode<synchronous>, transform_indices = @transform_3, window_bounds = array<i64: 16, 16>}, {pipeline_mode = #tpu.pipeline_mode<synchronous>, transform_indices = @transform_4, window_bounds = array<i64: 16>}, {transform_indices = @transform_5, window_bounds = array<i64: 2048, 16>}]} {
    %get3A = arith.constant 0 : index
    %get3A_0 = vector.load %arg3[%get3A] : memref<2048xf32, #tpu.memory_space<vmem>>, vector<2048xf32>
    %broadcast_in_dim3A = vector.shape_cast %get3A_0 : vector<2048xf32> to vector<2048x1xf32>
    %get3A_1 = arith.constant 0 : index
    %get3A_2 = arith.constant 0 : index
    %get3A_3 = arith.constant 0 : index
    %get3A_4 = vector.load %arg1[%get3A_1, %get3A_2, %get3A_3] : memref<2x2048x16xf32, #tpu.memory_space<vmem>>, vector<1x2048x16xf32>
    %get3A_5 = vector.shape_cast %get3A_4 : vector<1x2048x16xf32> to vector<2048x16xf32>
    %get3A_6 = arith.constant 1 : index
    %get3A_7 = arith.constant 0 : index
    %get3A_8 = arith.constant 0 : index
    %get3A_9 = vector.load %arg1[%get3A_6, %get3A_7, %get3A_8] : memref<2x2048x16xf32, #tpu.memory_space<vmem>>, vector<1x2048x16xf32>
    %get3A_10 = vector.shape_cast %get3A_9 : vector<1x2048x16xf32> to vector<2048x16xf32>
    %add3A = arith.addf %get3A_5, %get3A_10 : vector<2048x16xf32>
    %get3A_11 = arith.constant 0 : index
    %get3A_12 = arith.constant 0 : index
    %get3A_13 = vector.load %arg2[%get3A_11, %get3A_12] : memref<2048x16xf32, #tpu.memory_space<vmem>>, vector<2048x16xf32>
    %add3A_14 = arith.addf %add3A, %get3A_13 : vector<2048x16xf32>
    %mul3A = vector.broadcast %broadcast_in_dim3A : vector<2048x1xf32> to vector<2048x16xf32>
    %mul3A_15 = arith.mulf %add3A_14, %mul3A : vector<2048x16xf32>
    %get3A_16 = arith.constant 0 : index
    %get3A_17 = arith.constant 0 : index
    %get3A_18 = vector.load %arg4[%get3A_16, %get3A_17] : memref<16x16xf32, #tpu.memory_space<vmem>>, vector<16x16xf32>
    %dot_general3A = arith.constant dense<0.000000e+00> : vector<2048x16xf32>
    %dot_general3A_19 = tpu.matmul %mul3A_15, %get3A_18, %dot_general3A {dimension_numbers = #tpu.dot_dimension_numbers<[1], [0], [0], [1], [0, 0, 1, 1], [], []>, transpose_lhs_hint = false} : vector<2048x16xf32>, vector<16x16xf32>, vector<2048x16xf32> -> vector<2048x16xf32>
    %get3A_20 = arith.constant 0 : index
    %get3A_21 = vector.load %arg5[%get3A_20] : memref<16xf32, #tpu.memory_space<vmem>>, vector<16xf32>
    %broadcast_in_dim3A_22 = vector.shape_cast %get3A_21 : vector<16xf32> to vector<1x16xf32>
    %add3A_23 = vector.broadcast %broadcast_in_dim3A_22 : vector<1x16xf32> to vector<2048x16xf32>
    %add3A_24 = arith.addf %dot_general3A_19, %add3A_23 : vector<2048x16xf32>
    %max3A = arith.constant 0.000000e+00 : f32
    %max3A_25 = vector.broadcast %max3A : f32 to vector<2048x16xf32>
    %max3A_26 = arith.maximumf %add3A_24, %max3A_25 : vector<2048x16xf32>
    %mul3A_27 = vector.broadcast %broadcast_in_dim3A : vector<2048x1xf32> to vector<2048x16xf32>
    %mul3A_28 = arith.mulf %max3A_26, %mul3A_27 : vector<2048x16xf32>
    %swap3A = arith.constant 0 : index
    %swap3A_29 = arith.constant 0 : index
    %swap3A_30 = vector.load %arg6[%swap3A, %swap3A_29] : memref<2048x16xf32, #tpu.memory_space<vmem>>, vector<2048x16xf32>
    tpu.vector_store %arg6[%swap3A, %swap3A_29], %mul3A_28 {strides = array<i32>} : memref<2048x16xf32, #tpu.memory_space<vmem>>, vector<2048x16xf32>,
    return
  }
  func.func @transform_0(%arg0: i32) -> (i32, i32, i32) {
    %c0_i32 = arith.constant 0 : i32
    %c0_i32_0 = arith.constant 0 : i32
    %c0_i32_1 = arith.constant 0 : i32
    return %c0_i32, %arg0, %c0_i32_0 : i32, i32, i32
  }
  func.func @transform_1(%arg0: i32) -> (i32, i32) {
    %c0_i32 = arith.constant 0 : i32
    %c0_i32_0 = arith.constant 0 : i32
    return %arg0, %c0_i32 : i32, i32
  }
  func.func @transform_2(%arg0: i32) -> i32 {
    %c0_i32 = arith.constant 0 : i32
    return %arg0 : i32
  }
  func.func @transform_3(%arg0: i32) -> (i32, i32) {
    %c0_i32 = arith.constant 0 : i32
    %c0_i32_0 = arith.constant 0 : i32
    %c0_i32_1 = arith.constant 0 : i32
    return %c0_i32, %c0_i32_0 : i32, i32
  }
  func.func @transform_4(%arg0: i32) -> i32 {
    %c0_i32 = arith.constant 0 : i32
    %c0_i32_0 = arith.constant 0 : i32
    return %c0_i32 : i32
  }
  func.func @transform_5(%arg0: i32) -> (i32, i32) {
    %c0_i32 = arith.constant 0 : i32
    %c0_i32_0 = arith.constant 0 : i32
    return %arg0, %c0_i32 : i32, i32
  }
}

module attributes {stable_mosaic.version = 14 : i64} {
  func.func @_tc3_body(%arg0: i32, %arg1: memref<2x2048x16xf32, #tpu.memory_space<vmem>>, %arg2: memref<2048x16xf32, #tpu.memory_space<vmem>>, %arg3: memref<2048xf32, #tpu.memory_space<vmem>>, %arg4: memref<16x7xf32, #tpu.memory_space<vmem>>, %arg5: memref<7xf32, #tpu.memory_space<vmem>>, %arg6: memref<2048x7xf32, #tpu.memory_space<vmem>>) attributes {dimension_semantics = [#tpu.dimension_semantics<arbitrary>], iteration_bounds = array<i64: 49>, scalar_prefetch = 0 : i64, scratch_operands = 0 : i64, tpu.core_type = #tpu.core_type<tc>, window_params = [{transform_indices = @transform_0, window_bounds = array<i64: 2, 2048, 16>}, {transform_indices = @transform_1, window_bounds = array<i64: 2048, 16>}, {transform_indices = @transform_2, window_bounds = array<i64: 2048>}, {pipeline_mode = #tpu.pipeline_mode<synchronous>, transform_indices = @transform_3, window_bounds = array<i64: 16, 7>}, {pipeline_mode = #tpu.pipeline_mode<synchronous>, transform_indices = @transform_4, window_bounds = array<i64: 7>}, {transform_indices = @transform_5, window_bounds = array<i64: 2048, 7>}]} {
    %get3A = arith.constant 0 : index
    %get3A_0 = arith.constant 0 : index
    %get3A_1 = arith.constant 0 : index
    %get3A_2 = vector.load %arg1[%get3A, %get3A_0, %get3A_1] : memref<2x2048x16xf32, #tpu.memory_space<vmem>>, vector<1x2048x16xf32>
    %get3A_3 = vector.shape_cast %get3A_2 : vector<1x2048x16xf32> to vector<2048x16xf32>
    %get3A_4 = arith.constant 1 : index
    %get3A_5 = arith.constant 0 : index
    %get3A_6 = arith.constant 0 : index
    %get3A_7 = vector.load %arg1[%get3A_4, %get3A_5, %get3A_6] : memref<2x2048x16xf32, #tpu.memory_space<vmem>>, vector<1x2048x16xf32>
    %get3A_8 = vector.shape_cast %get3A_7 : vector<1x2048x16xf32> to vector<2048x16xf32>
    %add3A = arith.addf %get3A_3, %get3A_8 : vector<2048x16xf32>
    %get3A_9 = arith.constant 0 : index
    %get3A_10 = arith.constant 0 : index
    %get3A_11 = vector.load %arg2[%get3A_9, %get3A_10] : memref<2048x16xf32, #tpu.memory_space<vmem>>, vector<2048x16xf32>
    %add3A_12 = arith.addf %add3A, %get3A_11 : vector<2048x16xf32>
    %get3A_13 = arith.constant 0 : index
    %get3A_14 = vector.load %arg3[%get3A_13] : memref<2048xf32, #tpu.memory_space<vmem>>, vector<2048xf32>
    %broadcast_in_dim3A = vector.shape_cast %get3A_14 : vector<2048xf32> to vector<2048x1xf32>
    %mul3A = vector.broadcast %broadcast_in_dim3A : vector<2048x1xf32> to vector<2048x16xf32>
    %mul3A_15 = arith.mulf %add3A_12, %mul3A : vector<2048x16xf32>
    %get3A_16 = arith.constant 0 : index
    %get3A_17 = arith.constant 0 : index
    %get3A_18 = vector.load %arg4[%get3A_16, %get3A_17] : memref<16x7xf32, #tpu.memory_space<vmem>>, vector<16x7xf32>
    %dot_general3A = arith.constant dense<0.000000e+00> : vector<2048x7xf32>
    %dot_general3A_19 = tpu.matmul %mul3A_15, %get3A_18, %dot_general3A {dimension_numbers = #tpu.dot_dimension_numbers<[1], [0], [0], [1], [0, 0, 1, 1], [], []>, transpose_lhs_hint = false} : vector<2048x16xf32>, vector<16x7xf32>, vector<2048x7xf32> -> vector<2048x7xf32>
    %get3A_20 = arith.constant 0 : index
    %get3A_21 = vector.load %arg5[%get3A_20] : memref<7xf32, #tpu.memory_space<vmem>>, vector<7xf32>
    %broadcast_in_dim3A_22 = vector.shape_cast %get3A_21 : vector<7xf32> to vector<1x7xf32>
    %add3A_23 = vector.broadcast %broadcast_in_dim3A_22 : vector<1x7xf32> to vector<2048x7xf32>
    %add3A_24 = arith.addf %dot_general3A_19, %add3A_23 : vector<2048x7xf32>
    %reduce_max3A = arith.constant dense<0xFF800000> : vector<2048xf32>
    %reduce_max3A_25 = vector.multi_reduction <maximumf>, %add3A_24, %reduce_max3A [1] : vector<2048x7xf32> to vector<2048xf32>
    %broadcast_in_dim3A_26 = vector.shape_cast %reduce_max3A_25 : vector<2048xf32> to vector<2048x1xf32>
    %sub3A = vector.broadcast %broadcast_in_dim3A_26 : vector<2048x1xf32> to vector<2048x7xf32>
    %sub3A_27 = arith.subf %add3A_24, %sub3A : vector<2048x7xf32>
    %exp3A = math.exp %sub3A_27 : vector<2048x7xf32>
    %reduce_sum3A = arith.constant dense<0.000000e+00> : vector<2048xf32>
    %reduce_sum3A_28 = vector.multi_reduction <add>, %exp3A, %reduce_sum3A [1] : vector<2048x7xf32> to vector<2048xf32>
    %broadcast_in_dim3A_29 = vector.shape_cast %reduce_sum3A_28 : vector<2048xf32> to vector<2048x1xf32>
    %log3A = math.log %broadcast_in_dim3A_29 : vector<2048x1xf32>
    %sub3A_30 = vector.broadcast %broadcast_in_dim3A_26 : vector<2048x1xf32> to vector<2048x7xf32>
    %sub3A_31 = arith.subf %add3A_24, %sub3A_30 : vector<2048x7xf32>
    %sub3A_32 = vector.broadcast %log3A : vector<2048x1xf32> to vector<2048x7xf32>
    %sub3A_33 = arith.subf %sub3A_31, %sub3A_32 : vector<2048x7xf32>
    %swap3A = arith.constant 0 : index
    %swap3A_34 = arith.constant 0 : index
    %swap3A_35 = vector.load %arg6[%swap3A, %swap3A_34] : memref<2048x7xf32, #tpu.memory_space<vmem>>, vector<2048x7xf32>
    tpu.vector_store %arg6[%swap3A, %swap3A_34], %sub3A_33 {strides = array<i32>} : memref<2048x7xf32, #tpu.memory_space<vmem>>, vector<2048x7xf32>,
    return
  }
  func.func @transform_0(%arg0: i32) -> (i32, i32, i32) {
    %c0_i32 = arith.constant 0 : i32
    %c0_i32_0 = arith.constant 0 : i32
    %c0_i32_1 = arith.constant 0 : i32
    return %c0_i32, %arg0, %c0_i32_0 : i32, i32, i32
  }
  func.func @transform_1(%arg0: i32) -> (i32, i32) {
    %c0_i32 = arith.constant 0 : i32
    %c0_i32_0 = arith.constant 0 : i32
    return %arg0, %c0_i32 : i32, i32
  }
  func.func @transform_2(%arg0: i32) -> i32 {
    %c0_i32 = arith.constant 0 : i32
    return %arg0 : i32
  }
  func.func @transform_3(%arg0: i32) -> (i32, i32) {
    %c0_i32 = arith.constant 0 : i32
    %c0_i32_0 = arith.constant 0 : i32
    %c0_i32_1 = arith.constant 0 : i32
    return %c0_i32, %c0_i32_0 : i32, i32
  }
  func.func @transform_4(%arg0: i32) -> i32 {
    %c0_i32 = arith.constant 0 : i32
    %c0_i32_0 = arith.constant 0 : i32
    return %c0_i32 : i32
  }
  func.func @transform_5(%arg0: i32) -> (i32, i32) {
    %c0_i32 = arith.constant 0 : i32
    %c0_i32_0 = arith.constant 0 : i32
    return %arg0, %c0_i32 : i32, i32
  }
}

</mosaic_0001>

<sc_bundles>
// kernel: kernel.11.cloned.1.call-start
scs
__scs_entry_jumppad:
0x0: {  	(pc) =	sbr.rel $0x88, $3  }
0x1: {  	(tag) =	ssettag $0x0;
	lr =	simm.s32 $0x1  }
0x2: {  	[smem:$0x3F9B] =	sst lr;
	_ =	strace $0xD0000000  }
0x3: {  	_ = 	snop  }
0x4: {  	_ = 	snop  }
0x5: {  	_ = 	snop  }
0x6: {  	_ = 	snop  }
0x7: {  	_ = 	snop  }
__scs_overlays_trampoline_lowered:
0x8: {  	[smem:$0x3FAA] =	sst s0  }
0x9: {  	[smem:$0x3FAB] =	sst s1  }
0xa: {  	[smem:$0x3FAC] =	sst s2  }
0xb: {  	[smem:$0x3FAD] =	sst s3  }
0xc: {  	[smem:$0x3FAE] =	sst s4  }
0xd: {  	[smem:$0x3FAF] =	sst s5  }
0xe: {  	[smem:$0x3FB0] =	sst s6  }
0xf: {  	[smem:$0x3FB1] =	sst s7  }
0x10: {  	[smem:$0x3FB2] =	sst s8  }
0x11: {  	[smem:$0x3FB3] =	sst s9;
	s0 =	simm.s32 @!p0 $0x0  }
0x12: {  	s1 =	sld [smem:$0x3F99];
	s0 =	simm.s32 @p0 $0x1  }
0x13: {  	[smem:$0x3FB4] =	sst s0;
	s0 =	simm.s32 @!p1 $0x0  }
0x14: {  	s2 =	sld [smem:$0x3F98];
	s0 =	simm.s32 @p1 $0x1  }
0x15: {  	[smem:$0x3FB5] =	sst s0;
	s0 =	simm.s32 @!p2 $0x0  }
0x16: {  	s3 =	sld [smem:$0x3FDB];
	s0 =	simm.s32 @p2 $0x1  }
0x17: {  	s4 =	simm.s32 $0x1BF5;
	[smem:$0x3FB7] =	sst s0  }
0x18: {  	s0 =	sld [smem:$0x3F9A];
	_ =	swait.ge [sflag:s4], $0x0  }
0x19: {  	s7 =	sld [smem:$0x3F9B]  }
0x1a: {  	s8 =	sadd.s32 $0xFFFFE003, lr  }
0x1b: {  	s9 =	sadd.s32 $0xFFFFFEF7, lr;
	s5 =	simm.s32 $0xFFFFFFFF;
	p2 =	slt.u32 s8, $0xFFFFF086  }
0x1c: {  	p1 =	slt.u32 s9, $0xF7A;
	s5 =	simm.s32 @!p2 $0x0  }
0x1d: {  	s5 =	simm.s32 @p1 $0x1;
	p0 =	seq.s32 s7, s2  }
0x1e: {  	s7 =	smul.u32 @!p0 $0xF7A, s2;
	p2 =	seq.s32 @!p0 s5, $0x0  }
0x1f: {  	s9 =	smul.u32 $0xF7A, s1;
	s8 =	simm.s32 @!p0 $0x1BF5;
	p2 =	por !p2, p0  }
0x20: {  	[sflag:s8] =	ssyncset.s32 @!p0 $0xFFFFF086;
	s6 =	sadd.s32 @!p0 s3, s7;
	s7 =	simm.s32 @!p0 $0x108  }
0x21: {  	s3 =	sadd.s32 s3, s9;
	s6 =	sadd.s32 @!p0 $0x88, s6;
	s7 =	simm.s32 @p2 $0x1082  }
0x22: {  	[simem:s7], [sflag:s8] =	dma.local @!p0 [hbm:s6], $0xF7A  }
0x23: {  	s9 =	sor.u32 $0xD0000000, s2;
	s6 =	simm.s32 $0x108;
	_ =	swait.ge @!p0 [sflag:s8], $0x0  }
0x24: {  	s3 =	sadd.s32 $0x88, s3;
	s6 =	simm.s32 @!p1 $0x1082;
	[sflag:s4] =	ssyncset.s32 $0xFFFFF086  }
0x25: {  	[simem:s6], [sflag:s4] =	dma.local [hbm:s3], $0xF7A  }
0x26: {  	[smem:$0x3F9B] =	sst s1;
	(tag) =	ssettag s2;
	_ =	strace s9  }
0x27: {  	s1 =	sld [smem:$0x3FAB]  }
0x28: {  	s2 =	sld [smem:$0x3FAC]  }
0x29: {  	s4 =	sld [smem:$0x3FAE]  }
0x2a: {  	p0 =	seq.s32 s5, $0x0;
	s5 =	sld [smem:$0x3FAF]  }
0x2b: {  	s6 =	sld [smem:$0x3FB0]  }
0x2c: {  	s7 =	sld [smem:$0x3FB1]  }
0x2d: {  	s3 =	simm.s32 $0x108;
	s8 =	sld [smem:$0x3FB2]  }
0x2e: {  	s3 =	simm.s32 @!p0 $0x1082;
	s9 =	sld [smem:$0x3FB3]  }
0x2f: {  	lr =	sadd.s32 s0, s3;
	s0 =	sld [smem:$0x3FAA]  }
0x30: {  	s3 =	sld [smem:$0x3FAD]  }
0x31: {  	[smem:$0x3FB6] =	sst s10  }
0x32: {  	s10 =	sld [smem:$0x3FB4];
	_ =	sdelay $0x3  }
0x33: {  	p0 =	seq.s32 s10, $0x1;
	s10 =	sld [smem:$0x3FB6];
	_ =	sdelay $0x3  }
0x34: {  	[smem:$0x3FB6] =	sst s10  }
0x35: {  	s10 =	sld [smem:$0x3FB5];
	_ =	sdelay $0x3  }
0x36: {  	p1 =	seq.s32 s10, $0x1;
	s10 =	sld [smem:$0x3FB6];
	_ =	sdelay $0x3  }
0x37: {  	[smem:$0x3FB6] =	sst s10  }
0x38: {  	s10 =	sld [smem:$0x3FB7]  }
0x39: {  	_ = 	snop;
	(pc) =	sbr.ind lr, $3  }
0x3a: {  	_ = 	snop  }
0x3b: {  	_ = 	snop  }
0x3c: {  	p2 =	seq.s32 s10, $0x1;
	s10 =	sld [smem:$0x3FB6]  }
0x3d: {  	_ =	shalt  }
0x3e: {  	_ =	shalt  }
0x3f: {  	_ =	shalt  }
0x40: {  	_ =	shalt  }
0x41: {  	_ =	shalt  }
0x42: {  	_ =	shalt  }
0x43: {  	_ =	shalt  }
0x44: {  	_ =	shalt  }
0x45: {  	_ =	shalt  }
0x46: {  	_ =	shalt  }
0x47: {  	_ =	shalt  }
0x48: {  	_ =	shalt  }
0x49: {  	_ =	shalt  }
0x4a: {  	_ =	shalt  }
0x4b: {  	_ =	shalt  }
0x4c: {  	_ =	shalt  }
0x4d: {  	_ =	shalt  }
0x4e: {  	_ =	shalt  }
0x4f: {  	_ =	shalt  }
0x50: {  	_ =	shalt  }
0x51: {  	_ =	shalt  }
0x52: {  	_ =	shalt  }
0x53: {  	_ =	shalt  }
0x54: {  	_ =	shalt  }
0x55: {  	_ =	shalt  }
0x56: {  	_ =	shalt  }
0x57: {  	_ =	shalt  }
0x58: {  	_ =	shalt  }
0x59: {  	_ =	shalt  }
0x5a: {  	_ =	shalt  }
0x5b: {  	_ =	shalt  }
0x5c: {  	_ =	shalt  }
0x5d: {  	_ =	shalt  }
0x5e: {  	_ =	shalt  }
0x5f: {  	_ =	shalt  }
0x60: {  	_ =	shalt  }
0x61: {  	_ =	shalt  }
0x62: {  	_ =	shalt  }
0x63: {  	_ =	shalt  }
0x64: {  	_ =	shalt  }
0x65: {  	_ =	shalt  }
0x66: {  	_ =	shalt  }
0x67: {  	_ =	shalt  }
0x68: {  	_ =	shalt  }
0x69: {  	_ =	shalt  }
0x6a: {  	_ =	shalt  }
0x6b: {  	_ =	shalt  }
0x6c: {  	_ =	shalt  }
0x6d: {  	_ =	shalt  }
0x6e: {  	_ =	shalt  }
0x6f: {  	_ =	shalt  }
0x70: {  	_ =	shalt  }
0x71: {  	_ =	shalt  }
0x72: {  	_ =	shalt  }
0x73: {  	_ =	shalt  }
0x74: {  	_ =	shalt  }
0x75: {  	_ =	shalt  }
0x76: {  	_ =	shalt  }
0x77: {  	_ =	shalt  }
0x78: {  	_ =	shalt  }
0x79: {  	_ =	shalt  }
0x7a: {  	_ =	shalt  }
0x7b: {  	_ =	shalt  }
0x7c: {  	_ =	shalt  }
0x7d: {  	_ =	shalt  }
0x7e: {  	_ =	shalt  }
0x7f: {  	_ =	shalt  }
0x80: {  	_ =	shalt  }
0x81: {  	_ =	shalt  }
0x82: {  	_ =	shalt  }
0x83: {  	_ =	shalt  }
0x84: {  	_ =	shalt  }
0x85: {  	_ =	shalt  }
0x86: {  	_ =	shalt  }
0x87: {  	_ =	shalt  }
.Lfunc_end0:
.L_simem_size_0:
called_computation.2_lowered:
.L_overlay_start_0:
0x88: {  	s2 =	sld [smem:$0x3FD9]  }
0x89: {  	s3 =	sld [smem:$0x3FFE];
	_ =	sdelay $0x1  }
0x8a: {  	s1 =	srdreg.scid  }
0x8b: {  	s0 =	sand.u32 $0x1, s1  }
0x8c: {  	s16 =	sshll.u32 s0, $0xA;
	s2 =	sadd.s32 s3, s2  }
0x8d: {  	s2 =	sadd.s32 s2, s16  }
0x8e: {  	[smem:$0x3FC2] =	sst s2  }
0x8f: {  	_ = 	snop  }
0x90: {  	(tm) =	ssettm $0x1  }
0x91: {  	s17 =	sld [smem:$0x3FFB];
	_ =	sdelay $0x3  }
0x92: {  	_ =	strace s17  }
0x93: {  	s2 =	sld [smem:$0x3FFC];
	_ =	sdelay $0x3  }
0x94: {  	_ =	strace s2  }
0x95: {  	s2 =	sld [smem:$0x3FFD];
	_ =	sdelay $0x3  }
0x96: {  	_ =	strace s2  }
0x97: {  	_ =	strace $0x8FFFFFFF  }
0x98: {  	s18 =	sld [smem:$0x3FDB];
	_ =	sdelay $0x1  }
0x99: {  	s19 =	simm.s32 $_scs_section_size  }
0x9a: {  	s4 =	simm.s32 $_size__tile_overlayer_lowered;
	s5 =	simm.s32 $_tile_overlayer_lowered  }
0x9b: {  	s22 =	simm.s32 $0x1BFF;
	s21 =	sshll.u32 s5, $0x1;
	s2 =	sadd.s32 s19, s18  }
0x9c: {  	s6 =	simm.s32 $0x0;
	s20 =	sshll.u32 s4, $0x1;
	s4 =	sadd.s32 s21, s2  }
0x9d: {  	[timem:s6], [sflag:s22] =	dma.local [hbm:s4], s20  }
0x9e: {  	_ =	swait.ge [sflag:s22], s20  }
0x9f: {  	s3 =	ssub.s32 $0x0, s20;
	[sflag:s22] =	ssyncset.done $0x0  }
0xa0: {  	[sflag:s22] =	ssyncadd.s32 s3;
	_ =	sdelay $0x1  }
0xa1: {  	s23 =	simm.s32 $0x1B8B  }
0xa2: {  	_ =	swait.ge [sflag:s23], $0x1  }
0xa3: {  	[sflag:s23] =	ssyncset.done $0x0  }
0xa4: {  	s25 =	simm.s32 $0x1B8E;
	s24 =	sld [smem:$0x3FFE];
	[sflag:s23] =	ssyncadd.s32 $0xFFFFFFFF  }
0xa5: {  	s26 =	simm.s32 $execute0_lowered;
	[smem:$0x3FD2] =	sst s25  }
0xa6: {  	s4 =	sshll.u32 s26, $0x1;
	_ =	strace $0x8000004C;
	[dreg:$0x1] =	wrdreg $0xFFFFFFFF  }
0xa7: {  	s28 =	simm.s32 $_size_execute0_lowered;
	s2 =	sadd.s32 s2, s4;
	[dreg:$0x0] =	wrdreg $0x0  }
0xa8: {  	s4 =	sshll.u32 s28, $0x1;
	[dreg:$0x2] =	wrdreg s2  }
0xa9: {  	[dreg:$0x3] =	wrdreg s4  }
0xaa: {  	[dreg:$0x4] =	wrdreg $0xC0  }
0xab: {  	_ =	task [dreg:s6], $0x5FFFF  }
0xac: {  	[dreg:$0x1] =	wrdreg $0xFFFFFFFF  }
0xad: {  	[dreg:$0x0] =	wrdreg $0x60  }
0xae: {  	[dreg:$0x2] =	wrdreg s24  }
0xaf: {  	[dreg:$0x3] =	wrdreg $0x70800  }
0xb0: {  	[dreg:$0x4] =	wrdreg $0x9  }
0xb1: {  	_ =	task.clear_ibuf [dreg:s6], $0x5FFFF;
	_ =	strace $0x9000004C  }
0xb2: {  	s29 =	simm.s32 $0x9;
	_ =	strace $0x8000004E  }
0xb3: {  	_ =	swait.ge [sflag:s29], $0x1  }
0xb4: {  	[sflag:s29] =	ssyncadd.s32 $0xFFFFFFFF  }
0xb5: {  	_ =	strace $0x9000004E  }
0xb6: {  	_ =	sfence  }
0xb7: {  	s30 =	sld [smem:$0x0];
	_ =	sdelay $0x2  }
0xb8: {  	s31 =	sshll.u32 s1, $0xD;
	s1 =	sshrl.u32 s1, $0x2  }
0xb9: {  	s3 =	sand.u32 $0x4000, s31;
	s1 =	sadd.s32 s1, s30  }
0xba: {  	s0 =	sor.u32 s3, s0;
	s1 =	sshll.u32 s1, $0x11  }
0xbb: {  	s0 =	sor.u32 s1, s0  }
0xbc: {  	s0 =	sadd.s32 $0x8F2B, s0  }
0xbd: {  	[sflag:s0] =	ssyncadd.remote.s32 $0x1  }
0xbe: {  	_ =	sfence.sel $0xFFFF  }
0xbf: {  	[dreg:$0x0] =	wrdreg $0xFFFFFFFF;
	(pc) =	sbr.abs _section_cstart, $3  }
0xc0: {  	[dreg:$0x1] =	wrdreg $0xFFFFFFFF  }
0xc1: {  	_ =	task.clear_ibuf [dreg:s6], $0x2FFFF;
	_ =	strace $0x9FFFFFFF  }
0xc2: {  	(tm) =	ssettm $0x7FFFFFFF  }
0xc3: {  	_ =	shalt  }
tec
execute0_lowered:
.L_overlay_start_1:
0x0: {  	(tag) =	ssettag $0x1  }
0x1: {  	s0 =	rddreg [dreg:$0x0]  }
0x2: {  	s2 =	rddreg [dreg:$0x1];
	s3 =	simm.s32 $0x0  }
0x3: {  	s12 =	stileid.u32;
	s4 =	srdreg.scid;
	s28 =	simm.s32 $0x5780  }
0x4: {  	s29 =	simm.s32 $0x1;
	s30 =	simm.s32 $0x4B0;
	s31 =	simm.s32 $0x3  }
0x5: {  	[smem:$0x7FF] =	sst s3;
	s1 =	smul.u32 $0x18800, s12;
	s6 =	sand.u32 $0x1, s4  }
0x6: {  	s4 =	sadd.s32 $0x310600, s0;
	s5 =	sadd.s32 $0x1C00, s0;
	s15 =	smul.u32 $0x30D40, s12  }
0x7: {  	s16 =	sshll.u32 s12, $0x6;
	_ =	strace $0x8000004D;
	s8 =	smul.u32 $0x188000, s6  }
0x8: {  	s9 =	sshll.u32 s6, $0x4;
	s10 =	ssub.s32 $0x2, s6;
	s6 =	smul.u32 $0x30D400, s6  }
0x9: {  	s7 =	sshrl.u32 s1, $0x3;
	s9 =	sor.u32 s12, s9;
	s11 =	sshrl.u32 s10, $0x1  }
0xa: {  	s7 =	sadd.s32 s7, s0;
	s8 =	sadd.s32 s1, s8;
	s9 =	smul.u32 $0x30D40, s9  }
0xb: {  	s10 =	ssub.s32 s10, s11;
	s1 =	sadd.s32 s1, s2;
	s6 =	sadd.s32 s15, s6  }
0xc: {  	s8 =	sshrl.u32 s8, $0x3;
	s7 =	sadd.s32 $0x341600, s7;
	s20 =	sadd.s32 $0x61B160, s6  }
0xd: {  	s21 =	smax.u32 s10, $0x1;
	s23 =	sadd.s32 $0x960, s6;
	s24 =	sadd.s32 $0x61AE40, s6  }
0xe: {  	s0 =	sadd.s32 s8, s0;
	s14 =	sshrl.u32 s9, $0x3;
	[dreg:$0x4] =	wrdreg s7  }
0xf: {  	s8 =	sor.u32 $0x1C05, s16;
	[dreg:$0x9] =	wrdreg s21;
	s22 =	sshrl.u32 s20, $0x3  }
0x10: {  	s25 =	sshrl.u32 s23, $0x3;
	s26 =	sshrl.u32 s24, $0x3;
	s16 =	sadd.s32 $0x640, s6  }
0x11: {  	s20 =	simm.s32 $0x190;
	s21 =	simm.s32 $0xC80;
	s23 =	simm.s32 $0x640  }
0x12: {  	s24 =	simm.s32 $0x960;
	s6 =	simm.s32 $0x4;
	s9 =	simm.s32 $0x0  }
0x13: {  	s7 =	sadd.s32 s5, s14;
	s0 =	sadd.s32 $0x372600, s0;
	s14 =	sadd.s32 s25, s5  }
0x14: {  	s15 =	sadd.s32 s26, s5;
	s17 =	sadd.s32 $0xC3500, s7;
	[dreg:$0x8] =	wrdreg s0  }
0x15: {  	s25 =	simm.s32 $0x3E80;
	s18 =	sadd.s32 $0x64, s7;
	[dreg:$0x5] =	wrdreg s17  }
0x16: {  	s26 =	simm.s32 $0x7D0;
	s19 =	sadd.s32 $0xC3564, s7;
	[dreg:$0x6] =	wrdreg s18  }
0x17: {  	s0 =	sadd.s32 s22, s5;
	s22 =	simm.s32 $0x2580;
	[dreg:$0x7] =	wrdreg s19  }
0x18: {  	[dreg:$0x3] =	wrdreg s0;
	s17 =	sshrl.u32 s1, $0x3;
	s18 =	simm.s32 $0x5  }
0x19: {  	s19 =	simm.s32 $0x320;
	s0 =	simm.s32 $0x2;
	s1 =	simm.s32 $0xAF0  }
.LBB2_1:
0x1a: {  	s10 =	rddreg [dreg:$0x4]  }
0x1b: {  	[spmem:s17], [sflag:s8] =	dma.local [hbm:s10], $0x3100  }
0x1c: {  	_ =	swait.ge [sflag:s18], $0x3100  }
0x1d: {  	[sflag:s18] =	ssyncset.done $0x0  }
0x1e: {  	[sflag:s18] =	ssyncadd.s32 $0xFFFFCF00  }
0x1f: {  	[bflag:$0x0] =	sbarrier.arrive $0xFFFF  }
0x20: {  	[tilespmem:s3], [sflag:$0x5] =	stream.linear.gather [hbm4b:s7+s3], $0x320, $0x38;
	[tilespmem:$0x1F880] =	vst v63  }
0x21: {  	_ =	swait.ge [sflag:s18], $0x320  }
0x22: {  	[sflag:s18] =	ssyncset.done $0x0  }
0x23: {  	s13 =	rddreg [dreg:$0x5];
	[sflag:s18] =	ssyncadd.s32 $0xFFFFFCE0  }
0x24: {  	[tilespmem:s19], [sflag:$0x5] =	stream.linear.gather [hbm4b:s13+s3], $0x320, $0x38;
	[tilespmem:$0x1F880] =	vst v63  }
0x25: {  	_ =	swait.ge [sflag:s18], $0x320  }
0x26: {  	[sflag:s18] =	ssyncset.done $0x0  }
0x27: {  	[sflag:s18] =	ssyncadd.s32 $0xFFFFFCE0  }
0x28: {  	[tilespmem:s21], [sflag:$0x1] =	stream.indirect.gather [hbm4b:s4+s20], $0x10, s3, s20, $0xb8;
	[tilespmem:$0x1F880] =	vst v63  }
0x29: {  	_ = 	snop  }
0x2a: {  	[tilespmem:s22], [sflag:$0x1] =	stream.indirect.gather [hbm4b:s4+s20], $0x10, s20, s20, $0xb8;
	[tilespmem:$0x1F880] =	vst v63  }
0x2b: {  	s11 =	rddreg [dreg:$0x6]  }
0x2c: {  	[tilespmem:s23], [sflag:$0x5] =	stream.linear.gather [hbm4b:s11+s3], $0x320, $0x38;
	[tilespmem:$0x1F880] =	vst v63  }
0x2d: {  	_ =	swait.ge [sflag:s18], $0x320  }
0x2e: {  	[sflag:s18] =	ssyncset.done $0x0  }
0x2f: {  	s12 =	rddreg [dreg:$0x7];
	[sflag:s18] =	ssyncadd.s32 $0xFFFFFCE0  }
0x30: {  	[tilespmem:s24], [sflag:$0x5] =	stream.linear.gather [hbm4b:s12+s3], $0x320, $0x38;
	[tilespmem:$0x1F880] =	vst v63  }
0x31: {  	_ =	swait.ge [sflag:s18], $0x320  }
0x32: {  	[sflag:s18] =	ssyncset.done $0x0  }
0x33: {  	[sflag:s18] =	ssyncadd.s32 $0xFFFFFCE0  }
0x34: {  	[tilespmem:s25], [sflag:$0x2] =	stream.indirect.gather [hbm4b:s4+s20], $0x10, s23, s20, $0xb8;
	[tilespmem:$0x1F880] =	vst v63  }
0x35: {  	_ = 	snop  }
0x36: {  	[tilespmem:s28], [sflag:$0x2] =	stream.indirect.gather [hbm4b:s4+s20], $0x10, s26, s20, $0xb8;
	[tilespmem:$0x1F880] =	vst v63  }
0x37: {  	_ =	swait.ge [sflag:s29], $0x1900  }
0x38: {  	[sflag:s29] =	ssyncset.done $0x0  }
0x39: {  	[sflag:s29] =	ssyncadd.s32 $0xFFFFE700  }
0x3a: {  	_ =	swait.ge [sflag:s29], $0x1900  }
0x3b: {  	[sflag:s29] =	ssyncset.done $0x0  }
0x3c: {  	[sflag:s29] =	ssyncadd.s32 $0xFFFFE700  }
0x3d: {  	[spmem:s2] =	stream.indirect.scatter.add.f32 [tilespmem:s21], [sflag:$0x3], $0x10, s19, s20, $0xb8;
	[tilespmem:$0x1F880] =	vst v63  }
0x3e: {  	_ = 	snop  }
0x3f: {  	[spmem:s2] =	stream.indirect.scatter.add.f32 [tilespmem:s22], [sflag:$0x3], $0x10, s30, s20, $0xb8;
	[tilespmem:$0x1F880] =	vst v63  }
0x40: {  	_ =	swait.ge [sflag:s31], $0x1900  }
0x41: {  	[sflag:s31] =	ssyncset.done $0x0  }
0x42: {  	[sflag:s31] =	ssyncadd.s32 $0xFFFFE700  }
0x43: {  	_ =	swait.ge [sflag:s31], $0x1900  }
0x44: {  	s13 =	sshrl.u32 s16, $0x3;
	[sflag:s31] =	ssyncset.done $0x0  }
0x45: {  	s10 =	sadd.s32 s5, s13;
	[sflag:s31] =	ssyncadd.s32 $0xFFFFE700  }
0x46: {  	[tilespmem:s3], [sflag:$0x5] =	stream.linear.gather [hbm4b:s10+s3], $0x320, $0x38;
	[tilespmem:$0x1F880] =	vst v63  }
0x47: {  	_ =	swait.ge [sflag:s18], $0x320  }
0x48: {  	[sflag:s18] =	ssyncset.done $0x0  }
0x49: {  	s11 =	sadd.s32 $0x0, s15;
	[sflag:s18] =	ssyncadd.s32 $0xFFFFFCE0  }
0x4a: {  	[tilespmem:s19], [sflag:$0x5] =	stream.linear.gather [hbm4b:s11+s3], $0x320, $0x38;
	[tilespmem:$0x1F880] =	vst v63  }
0x4b: {  	_ =	swait.ge [sflag:s18], $0x320  }
0x4c: {  	[sflag:s18] =	ssyncset.done $0x0  }
0x4d: {  	[sflag:s18] =	ssyncadd.s32 $0xFFFFFCE0  }
0x4e: {  	[tilespmem:s21], [sflag:$0x1] =	stream.indirect.gather [hbm4b:s4+s20], $0x10, s3, s20, $0xb8;
	[tilespmem:$0x1F880] =	vst v63  }
0x4f: {  	_ = 	snop  }
0x50: {  	[tilespmem:s22], [sflag:$0x1] =	stream.indirect.gather [hbm4b:s4+s20], $0x10, s20, s20, $0xb8;
	[tilespmem:$0x1F880] =	vst v63  }
0x51: {  	_ =	swait.ge [sflag:s0], $0x1900  }
0x52: {  	[sflag:s0] =	ssyncset.done $0x0  }
0x53: {  	[sflag:s0] =	ssyncadd.s32 $0xFFFFE700  }
0x54: {  	_ =	swait.ge [sflag:s0], $0x1900  }
0x55: {  	[sflag:s0] =	ssyncset.done $0x0  }
0x56: {  	[sflag:s0] =	ssyncadd.s32 $0xFFFFE700  }
0x57: {  	[spmem:s2] =	stream.indirect.scatter.add.f32 [tilespmem:s25], [sflag:$0x4], $0x10, s24, s20, $0xb8;
	[tilespmem:$0x1F880] =	vst v63  }
0x58: {  	_ = 	snop  }
0x59: {  	[spmem:s2] =	stream.indirect.scatter.add.f32 [tilespmem:s28], [sflag:$0x4], $0x10, s1, s20, $0xb8;
	[tilespmem:$0x1F880] =	vst v63  }
0x5a: {  	_ =	swait.ge [sflag:s6], $0x1900  }
0x5b: {  	[sflag:s6] =	ssyncset.done $0x0  }
0x5c: {  	[sflag:s6] =	ssyncadd.s32 $0xFFFFE700  }
0x5d: {  	_ =	swait.ge [sflag:s6], $0x1900  }
0x5e: {  	[sflag:s6] =	ssyncset.done $0x0  }
0x5f: {  	s12 =	sadd.s32 $0x0, s14;
	[sflag:s6] =	ssyncadd.s32 $0xFFFFE700  }
0x60: {  	[tilespmem:s23], [sflag:$0x5] =	stream.linear.gather [hbm4b:s12+s3], $0x320, $0x38;
	[tilespmem:$0x1F880] =	vst v63  }
0x61: {  	_ =	swait.ge [sflag:s18], $0x320  }
0x62: {  	s13 =	rddreg [dreg:$0x3];
	[sflag:s18] =	ssyncset.done $0x0  }
0x63: {  	[sflag:s18] =	ssyncadd.s32 $0xFFFFFCE0;
	s10 =	sadd.s32 $0x0, s13  }
0x64: {  	[tilespmem:s24], [sflag:$0x5] =	stream.linear.gather [hbm4b:s10+s3], $0x320, $0x38;
	[tilespmem:$0x1F880] =	vst v63  }
0x65: {  	_ =	swait.ge [sflag:s18], $0x320  }
0x66: {  	[sflag:s18] =	ssyncset.done $0x0  }
0x67: {  	s11 =	sadd.s32 $0x640, s16;
	s10 =	simm.s32 $0xC8;
	[sflag:s18] =	ssyncadd.s32 $0xFFFFFCE0  }
0x68: {  	[tilespmem:s25], [sflag:$0x2] =	stream.indirect.gather [hbm4b:s4+s20], $0x10, s23, s20, $0xb8;
	[tilespmem:$0x1F880] =	vst v63  }
.LBB2_2:
0x69: {  	[tilespmem:s28], [sflag:$0x2] =	stream.indirect.gather [hbm4b:s4+s20], $0x10, s26, s20, $0xb8;
	[tilespmem:$0x1F880] =	vst v63  }
0x6a: {  	_ =	swait.ge [sflag:s29], $0x1900  }
0x6b: {  	[sflag:s29] =	ssyncset.done $0x0  }
0x6c: {  	[sflag:s29] =	ssyncadd.s32 $0xFFFFE700  }
0x6d: {  	_ =	swait.ge [sflag:s29], $0x1900  }
0x6e: {  	[sflag:s29] =	ssyncset.done $0x0  }
0x6f: {  	[sflag:s29] =	ssyncadd.s32 $0xFFFFE700  }
0x70: {  	[spmem:s2] =	stream.indirect.scatter.add.f32 [tilespmem:s21], [sflag:$0x3], $0x10, s19, s20, $0xb8;
	[tilespmem:$0x1F880] =	vst v63  }
0x71: {  	_ = 	snop  }
0x72: {  	[spmem:s2] =	stream.indirect.scatter.add.f32 [tilespmem:s22], [sflag:$0x3], $0x10, s30, s20, $0xb8;
	[tilespmem:$0x1F880] =	vst v63  }
0x73: {  	_ =	swait.ge [sflag:s31], $0x1900  }
0x74: {  	[sflag:s31] =	ssyncset.done $0x0  }
0x75: {  	[sflag:s31] =	ssyncadd.s32 $0xFFFFE700  }
0x76: {  	_ =	swait.ge [sflag:s31], $0x1900  }
0x77: {  	s13 =	sshrl.u32 s11, $0x3;
	[sflag:s31] =	ssyncset.done $0x0  }
0x78: {  	s13 =	sadd.s32 s5, s13;
	[sflag:s31] =	ssyncadd.s32 $0xFFFFE700  }
0x79: {  	[tilespmem:s3], [sflag:$0x5] =	stream.linear.gather [hbm4b:s13+s3], $0x320, $0x38;
	[tilespmem:$0x1F880] =	vst v63  }
0x7a: {  	_ =	swait.ge [sflag:s18], $0x320  }
0x7b: {  	s12 =	smov.u32 s10;
	[sflag:s18] =	ssyncset.done $0x0  }
0x7c: {  	s13 =	sadd.s32 s12, s15;
	[sflag:s18] =	ssyncadd.s32 $0xFFFFFCE0  }
0x7d: {  	[tilespmem:s19], [sflag:$0x5] =	stream.linear.gather [hbm4b:s13+s3], $0x320, $0x38;
	[tilespmem:$0x1F880] =	vst v63  }
0x7e: {  	_ =	swait.ge [sflag:s18], $0x320  }
0x7f: {  	[sflag:s18] =	ssyncset.done $0x0  }
0x80: {  	[sflag:s18] =	ssyncadd.s32 $0xFFFFFCE0  }
0x81: {  	[tilespmem:s21], [sflag:$0x1] =	stream.indirect.gather [hbm4b:s4+s20], $0x10, s3, s20, $0xb8;
	[tilespmem:$0x1F880] =	vst v63  }
0x82: {  	_ = 	snop  }
0x83: {  	[tilespmem:s22], [sflag:$0x1] =	stream.indirect.gather [hbm4b:s4+s20], $0x10, s20, s20, $0xb8;
	[tilespmem:$0x1F880] =	vst v63  }
0x84: {  	_ =	swait.ge [sflag:s0], $0x1900  }
0x85: {  	[sflag:s0] =	ssyncset.done $0x0  }
0x86: {  	[sflag:s0] =	ssyncadd.s32 $0xFFFFE700  }
0x87: {  	_ =	swait.ge [sflag:s0], $0x1900  }
0x88: {  	[sflag:s0] =	ssyncset.done $0x0  }
0x89: {  	[sflag:s0] =	ssyncadd.s32 $0xFFFFE700  }
0x8a: {  	[spmem:s2] =	stream.indirect.scatter.add.f32 [tilespmem:s25], [sflag:$0x4], $0x10, s24, s20, $0xb8;
	[tilespmem:$0x1F880] =	vst v63  }
0x8b: {  	_ = 	snop  }
0x8c: {  	[spmem:s2] =	stream.indirect.scatter.add.f32 [tilespmem:s28], [sflag:$0x4], $0x10, s1, s20, $0xb8;
	[tilespmem:$0x1F880] =	vst v63  }
0x8d: {  	_ =	swait.ge [sflag:s6], $0x1900  }
0x8e: {  	[sflag:s6] =	ssyncset.done $0x0  }
0x8f: {  	[sflag:s6] =	ssyncadd.s32 $0xFFFFE700  }
0x90: {  	_ =	swait.ge [sflag:s6], $0x1900  }
0x91: {  	[sflag:s6] =	ssyncset.done $0x0  }
0x92: {  	s13 =	sadd.s32 s12, s14;
	[sflag:s6] =	ssyncadd.s32 $0xFFFFE700  }
0x93: {  	[tilespmem:s23], [sflag:$0x5] =	stream.linear.gather [hbm4b:s13+s3], $0x320, $0x38;
	[tilespmem:$0x1F880] =	vst v63  }
0x94: {  	_ =	swait.ge [sflag:s18], $0x320  }
0x95: {  	s13 =	rddreg [dreg:$0x3];
	[sflag:s18] =	ssyncset.done $0x0  }
0x96: {  	p0 =	sne.s32 s10, $0x6018;
	[sflag:s18] =	ssyncadd.s32 $0xFFFFFCE0;
	s12 =	sadd.s32 s12, s13  }
0x97: {  	[tilespmem:s24], [sflag:$0x5] =	stream.linear.gather [hbm4b:s12+s3], $0x320, $0x38;
	[tilespmem:$0x1F880] =	vst v63  }
.Ltmp0:
0x98: {  	_ = 	snop;
	(pc) =	sbr.rel @p0 .LBB2_2-.Ltmp0, $4  }
0x99: {  	_ =	swait.ge [sflag:s18], $0x320  }
0x9a: {  	[sflag:s18] =	ssyncset.done $0x0  }
0x9b: {  	s10 =	sadd.s32 $0xC8, s10;
	s11 =	sadd.s32 $0x640, s11;
	[sflag:s18] =	ssyncadd.s32 $0xFFFFFCE0  }
0x9c: {  	[tilespmem:s25], [sflag:$0x2] =	stream.indirect.gather [hbm4b:s4+s20], $0x10, s23, s20, $0xb8;
	[tilespmem:$0x1F880] =	vst v63  }
0x9d: {  	[tilespmem:s28], [sflag:$0x2] =	stream.indirect.gather [hbm4b:s4+s20], $0x10, s26, s20, $0xb8;
	[tilespmem:$0x1F880] =	vst v63  }
0x9e: {  	_ =	swait.ge [sflag:s29], $0x1900  }
0x9f: {  	[sflag:s29] =	ssyncset.done $0x0  }
0xa0: {  	[sflag:s29] =	ssyncadd.s32 $0xFFFFE700  }
0xa1: {  	_ =	swait.ge [sflag:s29], $0x1900  }
0xa2: {  	[sflag:s29] =	ssyncset.done $0x0  }
0xa3: {  	[sflag:s29] =	ssyncadd.s32 $0xFFFFE700  }
0xa4: {  	[spmem:s2] =	stream.indirect.scatter.add.f32 [tilespmem:s21], [sflag:$0x3], $0x10, s19, s20, $0xb8;
	[tilespmem:$0x1F880] =	vst v63  }
0xa5: {  	_ = 	snop  }
0xa6: {  	[spmem:s2] =	stream.indirect.scatter.add.f32 [tilespmem:s22], [sflag:$0x3], $0x10, s30, s20, $0xb8;
	[tilespmem:$0x1F880] =	vst v63  }
0xa7: {  	_ =	swait.ge [sflag:s0], $0x1900  }
0xa8: {  	[sflag:s0] =	ssyncset.done $0x0  }
0xa9: {  	[sflag:s0] =	ssyncadd.s32 $0xFFFFE700  }
0xaa: {  	_ =	swait.ge [sflag:s0], $0x1900  }
0xab: {  	[sflag:s0] =	ssyncset.done $0x0  }
0xac: {  	[sflag:s0] =	ssyncadd.s32 $0xFFFFE700  }
0xad: {  	[spmem:s2] =	stream.indirect.scatter.add.f32 [tilespmem:s25], [sflag:$0x4], $0x10, s24, s20, $0xb8;
	[tilespmem:$0x1F880] =	vst v63  }
0xae: {  	_ = 	snop  }
0xaf: {  	[spmem:s2] =	stream.indirect.scatter.add.f32 [tilespmem:s28], [sflag:$0x4], $0x10, s1, s20, $0xb8;
	[tilespmem:$0x1F880] =	vst v63  }
0xb0: {  	_ =	swait.ge [sflag:s31], $0x1900  }
0xb1: {  	[sflag:s31] =	ssyncset.done $0x0  }
0xb2: {  	[sflag:s31] =	ssyncadd.s32 $0xFFFFE700  }
0xb3: {  	_ =	swait.ge [sflag:s31], $0x1900  }
0xb4: {  	[sflag:s31] =	ssyncset.done $0x0  }
0xb5: {  	[sflag:s31] =	ssyncadd.s32 $0xFFFFE700  }
0xb6: {  	_ =	swait.ge [sflag:s6], $0x1900  }
0xb7: {  	[sflag:s6] =	ssyncset.done $0x0  }
0xb8: {  	[sflag:s6] =	ssyncadd.s32 $0xFFFFE700  }
0xb9: {  	_ =	swait.ge [sflag:s6], $0x1900  }
0xba: {  	[sflag:s6] =	ssyncset.done $0x0  }
0xbb: {  	[sflag:s6] =	ssyncadd.s32 $0xFFFFE700  }
0xbc: {  	[bflag:$0x0] =	sbarrier.arrive $0xFFFF  }
0xbd: {  	s10 =	rddreg [dreg:$0x8]  }
0xbe: {  	[hbm:s10], [sflag:s8] =	dma.local [spmem:s17], $0x3100  }
0xbf: {  	_ =	swait.ge [sflag:s18], $0x3100  }
0xc0: {  	s9 =	sadd.s32 $0x1, s9;
	s13 =	rddreg [dreg:$0x9]  }
0xc1: {  	p0 =	sne.s32 s9, s13  }
.Ltmp1:
0xc2: {  	_ = 	snop;
	(pc) =	sbr.rel @p0 .LBB2_1-.Ltmp1, $3  }
0xc3: {  	_ =	sdelay $0x1  }
0xc4: {  	[sflag:s18] =	ssyncset.done $0x0  }
0xc5: {  	[sflag:s18] =	ssyncadd.s32 $0xFFFFCF00  }
0xc6: {  	_ =	sfence.sel $0x180000  }
0xc7: {  	[bflag:$0x0] =	sbarrier.arrive $0xFFFF  }
0xc8: {  	_ =	strace $0x9000004D  }
0xc9: {  	s0 =	stileid.u32;
	[bflag:$0x2] =	sbarrier.arrive $0xFFFF  }
0xca: {  	p0 =	sne.s32 s0, $0x0;
	s0 =	rddreg [dreg:$0x2]  }
0xcb: {  	s0 =	sadd.s32 @!p0 $0x100000, s0  }
0xcc: {  	[sflag:s0] =	ssyncadd.tile.s32 @!p0 $0x1;
	_ =	shalt  }
.Lfunc_end2:
_tile_overlayer_lowered:
.L_overlay_start_2:
0xcd: {  	(tag) =	ssettag $0x2  }
0xce: {  	s0 =	rddreg [dreg:$0x0];
	s2 =	stileid.u32  }
0xcf: {  	s1 =	rddreg [dreg:$0x1];
	p0 =	sne.s32 s2, $0x0  }
0xd0: {  	s3 =	rddreg [dreg:$0x2];
	[bflag:$0x3] =	sbarrier.arrive $0xFFFF;
	s2 =	simm.s32 @!p0 $0x1C05  }
0xd1: {  	[timem:s3], [sflag:s2] =	dma.local @!p0 [hbm:s0], s1  }
0xd2: {  	s0 =	simm.s32 @!p0 $0x5  }
0xd3: {  	_ =	swait.ge @!p0 [sflag:s0], s1  }
0xd4: {  	s1 =	ssub.s32 @!p0 $0x0, s1;
	[sflag:s0] =	ssyncset.done @!p0 $0x0  }
0xd5: {  	[sflag:s0] =	ssyncadd.s32 @!p0 s1  }
0xd6: {  	[bflag:$0x3] =	sbarrier.arrive $0xFFFF  }
0xd7: {  	_ =	shalt  }

// kernel: kernel.14.cloned.1.call-start
scs
__scs_entry_jumppad:
0x0: {  	(pc) =	sbr.rel $0x88, $3  }
0x1: {  	(tag) =	ssettag $0x0;
	lr =	simm.s32 $0x1  }
0x2: {  	[smem:$0x3F9B] =	sst lr;
	_ =	strace $0xD0000000  }
0x3: {  	_ = 	snop  }
0x4: {  	_ = 	snop  }
0x5: {  	_ = 	snop  }
0x6: {  	_ = 	snop  }
0x7: {  	_ = 	snop  }
__scs_overlays_trampoline_lowered:
0x8: {  	[smem:$0x3FAA] =	sst s0  }
0x9: {  	[smem:$0x3FAB] =	sst s1  }
0xa: {  	[smem:$0x3FAC] =	sst s2  }
0xb: {  	[smem:$0x3FAD] =	sst s3  }
0xc: {  	[smem:$0x3FAE] =	sst s4  }
0xd: {  	[smem:$0x3FAF] =	sst s5  }
0xe: {  	[smem:$0x3FB0] =	sst s6  }
0xf: {  	[smem:$0x3FB1] =	sst s7  }
0x10: {  	[smem:$0x3FB2] =	sst s8  }
0x11: {  	[smem:$0x3FB3] =	sst s9;
	s0 =	simm.s32 @!p0 $0x0  }
0x12: {  	s1 =	sld [smem:$0x3F99];
	s0 =	simm.s32 @p0 $0x1  }
0x13: {  	[smem:$0x3FB4] =	sst s0;
	s0 =	simm.s32 @!p1 $0x0  }
0x14: {  	s2 =	sld [smem:$0x3F98];
	s0 =	simm.s32 @p1 $0x1  }
0x15: {  	[smem:$0x3FB5] =	sst s0;
	s0 =	simm.s32 @!p2 $0x0  }
0x16: {  	s3 =	sld [smem:$0x3FDB];
	s0 =	simm.s32 @p2 $0x1  }
0x17: {  	s4 =	simm.s32 $0x1BF5;
	[smem:$0x3FB7] =	sst s0  }
0x18: {  	s0 =	sld [smem:$0x3F9A];
	_ =	swait.ge [sflag:s4], $0x0  }
0x19: {  	s7 =	sld [smem:$0x3F9B]  }
0x1a: {  	s8 =	sadd.s32 $0xFFFFE003, lr  }
0x1b: {  	s9 =	sadd.s32 $0xFFFFFEF7, lr;
	s5 =	simm.s32 $0xFFFFFFFF;
	p2 =	slt.u32 s8, $0xFFFFF086  }
0x1c: {  	p1 =	slt.u32 s9, $0xF7A;
	s5 =	simm.s32 @!p2 $0x0  }
0x1d: {  	s5 =	simm.s32 @p1 $0x1;
	p0 =	seq.s32 s7, s2  }
0x1e: {  	s7 =	smul.u32 @!p0 $0xF7A, s2;
	p2 =	seq.s32 @!p0 s5, $0x0  }
0x1f: {  	s9 =	smul.u32 $0xF7A, s1;
	s8 =	simm.s32 @!p0 $0x1BF5;
	p2 =	por !p2, p0  }
0x20: {  	[sflag:s8] =	ssyncset.s32 @!p0 $0xFFFFF086;
	s6 =	sadd.s32 @!p0 s3, s7;
	s7 =	simm.s32 @!p0 $0x108  }
0x21: {  	s3 =	sadd.s32 s3, s9;
	s6 =	sadd.s32 @!p0 $0x88, s6;
	s7 =	simm.s32 @p2 $0x1082  }
0x22: {  	[simem:s7], [sflag:s8] =	dma.local @!p0 [hbm:s6], $0xF7A  }
0x23: {  	s9 =	sor.u32 $0xD0000000, s2;
	s6 =	simm.s32 $0x108;
	_ =	swait.ge @!p0 [sflag:s8], $0x0  }
0x24: {  	s3 =	sadd.s32 $0x88, s3;
	s6 =	simm.s32 @!p1 $0x1082;
	[sflag:s4] =	ssyncset.s32 $0xFFFFF086  }
0x25: {  	[simem:s6], [sflag:s4] =	dma.local [hbm:s3], $0xF7A  }
0x26: {  	[smem:$0x3F9B] =	sst s1;
	(tag) =	ssettag s2;
	_ =	strace s9  }
0x27: {  	s1 =	sld [smem:$0x3FAB]  }
0x28: {  	s2 =	sld [smem:$0x3FAC]  }
0x29: {  	s4 =	sld [smem:$0x3FAE]  }
0x2a: {  	p0 =	seq.s32 s5, $0x0;
	s5 =	sld [smem:$0x3FAF]  }
0x2b: {  	s6 =	sld [smem:$0x3FB0]  }
0x2c: {  	s7 =	sld [smem:$0x3FB1]  }
0x2d: {  	s3 =	simm.s32 $0x108;
	s8 =	sld [smem:$0x3FB2]  }
0x2e: {  	s3 =	simm.s32 @!p0 $0x1082;
	s9 =	sld [smem:$0x3FB3]  }
0x2f: {  	lr =	sadd.s32 s0, s3;
	s0 =	sld [smem:$0x3FAA]  }
0x30: {  	s3 =	sld [smem:$0x3FAD]  }
0x31: {  	[smem:$0x3FB6] =	sst s10  }
0x32: {  	s10 =	sld [smem:$0x3FB4];
	_ =	sdelay $0x3  }
0x33: {  	p0 =	seq.s32 s10, $0x1;
	s10 =	sld [smem:$0x3FB6];
	_ =	sdelay $0x3  }
0x34: {  	[smem:$0x3FB6] =	sst s10  }
0x35: {  	s10 =	sld [smem:$0x3FB5];
	_ =	sdelay $0x3  }
0x36: {  	p1 =	seq.s32 s10, $0x1;
	s10 =	sld [smem:$0x3FB6];
	_ =	sdelay $0x3  }
0x37: {  	[smem:$0x3FB6] =	sst s10  }
0x38: {  	s10 =	sld [smem:$0x3FB7]  }
0x39: {  	_ = 	snop;
	(pc) =	sbr.ind lr, $3  }
0x3a: {  	_ = 	snop  }
0x3b: {  	_ = 	snop  }
0x3c: {  	p2 =	seq.s32 s10, $0x1;
	s10 =	sld [smem:$0x3FB6]  }
0x3d: {  	_ =	shalt  }
0x3e: {  	_ =	shalt  }
0x3f: {  	_ =	shalt  }
0x40: {  	_ =	shalt  }
0x41: {  	_ =	shalt  }
0x42: {  	_ =	shalt  }
0x43: {  	_ =	shalt  }
0x44: {  	_ =	shalt  }
0x45: {  	_ =	shalt  }
0x46: {  	_ =	shalt  }
0x47: {  	_ =	shalt  }
0x48: {  	_ =	shalt  }
0x49: {  	_ =	shalt  }
0x4a: {  	_ =	shalt  }
0x4b: {  	_ =	shalt  }
0x4c: {  	_ =	shalt  }
0x4d: {  	_ =	shalt  }
0x4e: {  	_ =	shalt  }
0x4f: {  	_ =	shalt  }
0x50: {  	_ =	shalt  }
0x51: {  	_ =	shalt  }
0x52: {  	_ =	shalt  }
0x53: {  	_ =	shalt  }
0x54: {  	_ =	shalt  }
0x55: {  	_ =	shalt  }
0x56: {  	_ =	shalt  }
0x57: {  	_ =	shalt  }
0x58: {  	_ =	shalt  }
0x59: {  	_ =	shalt  }
0x5a: {  	_ =	shalt  }
0x5b: {  	_ =	shalt  }
0x5c: {  	_ =	shalt  }
0x5d: {  	_ =	shalt  }
0x5e: {  	_ =	shalt  }
0x5f: {  	_ =	shalt  }
0x60: {  	_ =	shalt  }
0x61: {  	_ =	shalt  }
0x62: {  	_ =	shalt  }
0x63: {  	_ =	shalt  }
0x64: {  	_ =	shalt  }
0x65: {  	_ =	shalt  }
0x66: {  	_ =	shalt  }
0x67: {  	_ =	shalt  }
0x68: {  	_ =	shalt  }
0x69: {  	_ =	shalt  }
0x6a: {  	_ =	shalt  }
0x6b: {  	_ =	shalt  }
0x6c: {  	_ =	shalt  }
0x6d: {  	_ =	shalt  }
0x6e: {  	_ =	shalt  }
0x6f: {  	_ =	shalt  }
0x70: {  	_ =	shalt  }
0x71: {  	_ =	shalt  }
0x72: {  	_ =	shalt  }
0x73: {  	_ =	shalt  }
0x74: {  	_ =	shalt  }
0x75: {  	_ =	shalt  }
0x76: {  	_ =	shalt  }
0x77: {  	_ =	shalt  }
0x78: {  	_ =	shalt  }
0x79: {  	_ =	shalt  }
0x7a: {  	_ =	shalt  }
0x7b: {  	_ =	shalt  }
0x7c: {  	_ =	shalt  }
0x7d: {  	_ =	shalt  }
0x7e: {  	_ =	shalt  }
0x7f: {  	_ =	shalt  }
0x80: {  	_ =	shalt  }
0x81: {  	_ =	shalt  }
0x82: {  	_ =	shalt  }
0x83: {  	_ =	shalt  }
0x84: {  	_ =	shalt  }
0x85: {  	_ =	shalt  }
0x86: {  	_ =	shalt  }
0x87: {  	_ =	shalt  }
.Lfunc_end0:
.L_simem_size_0:
called_computation.3_lowered:
.L_overlay_start_0:
0x88: {  	s2 =	sld [smem:$0x3FD9]  }
0x89: {  	s3 =	sld [smem:$0x3FFE];
	_ =	sdelay $0x1  }
0x8a: {  	s1 =	srdreg.scid  }
0x8b: {  	s0 =	sand.u32 $0x1, s1  }
0x8c: {  	s16 =	sshll.u32 s0, $0xA;
	s2 =	sadd.s32 s3, s2  }
0x8d: {  	s2 =	sadd.s32 s2, s16  }
0x8e: {  	[smem:$0x3FC2] =	sst s2  }
0x8f: {  	_ = 	snop  }
0x90: {  	(tm) =	ssettm $0x1  }
0x91: {  	s17 =	sld [smem:$0x3FFB];
	_ =	sdelay $0x3  }
0x92: {  	_ =	strace s17  }
0x93: {  	s2 =	sld [smem:$0x3FFC];
	_ =	sdelay $0x3  }
0x94: {  	_ =	strace s2  }
0x95: {  	s2 =	sld [smem:$0x3FFD];
	_ =	sdelay $0x3  }
0x96: {  	_ =	strace s2  }
0x97: {  	_ =	strace $0x8FFFFFFF  }
0x98: {  	s18 =	sld [smem:$0x3FDB];
	_ =	sdelay $0x1  }
0x99: {  	s19 =	simm.s32 $_scs_section_size  }
0x9a: {  	s4 =	simm.s32 $_size__tile_overlayer_lowered;
	s5 =	simm.s32 $_tile_overlayer_lowered  }
0x9b: {  	s22 =	simm.s32 $0x1BFF;
	s21 =	sshll.u32 s5, $0x1;
	s2 =	sadd.s32 s19, s18  }
0x9c: {  	s6 =	simm.s32 $0x0;
	s20 =	sshll.u32 s4, $0x1;
	s4 =	sadd.s32 s21, s2  }
0x9d: {  	[timem:s6], [sflag:s22] =	dma.local [hbm:s4], s20  }
0x9e: {  	_ =	swait.ge [sflag:s22], s20  }
0x9f: {  	s3 =	ssub.s32 $0x0, s20;
	[sflag:s22] =	ssyncset.done $0x0  }
0xa0: {  	[sflag:s22] =	ssyncadd.s32 s3;
	_ =	sdelay $0x1  }
0xa1: {  	s23 =	simm.s32 $0x1B8B  }
0xa2: {  	_ =	swait.ge [sflag:s23], $0x1  }
0xa3: {  	[sflag:s23] =	ssyncset.done $0x0  }
0xa4: {  	s25 =	simm.s32 $0x1B8E;
	s24 =	sld [smem:$0x3FFE];
	[sflag:s23] =	ssyncadd.s32 $0xFFFFFFFF  }
0xa5: {  	s26 =	simm.s32 $execute0_lowered;
	[smem:$0x3FD2] =	sst s25  }
0xa6: {  	s4 =	sshll.u32 s26, $0x1;
	_ =	strace $0x8000004F;
	[dreg:$0x1] =	wrdreg $0xFFFFFFFF  }
0xa7: {  	s28 =	simm.s32 $_size_execute0_lowered;
	s2 =	sadd.s32 s2, s4;
	[dreg:$0x0] =	wrdreg $0x0  }
0xa8: {  	s4 =	sshll.u32 s28, $0x1;
	[dreg:$0x2] =	wrdreg s2  }
0xa9: {  	[dreg:$0x3] =	wrdreg s4  }
0xaa: {  	[dreg:$0x4] =	wrdreg $0xC0  }
0xab: {  	_ =	task [dreg:s6], $0x5FFFF  }
0xac: {  	[dreg:$0x1] =	wrdreg $0xFFFFFFFF  }
0xad: {  	[dreg:$0x0] =	wrdreg $0x60  }
0xae: {  	[dreg:$0x2] =	wrdreg s24  }
0xaf: {  	[dreg:$0x3] =	wrdreg $0x70800  }
0xb0: {  	[dreg:$0x4] =	wrdreg $0x9  }
0xb1: {  	_ =	task.clear_ibuf [dreg:s6], $0x5FFFF;
	_ =	strace $0x9000004F  }
0xb2: {  	s29 =	simm.s32 $0x9;
	_ =	strace $0x80000051  }
0xb3: {  	_ =	swait.ge [sflag:s29], $0x1  }
0xb4: {  	[sflag:s29] =	ssyncadd.s32 $0xFFFFFFFF  }
0xb5: {  	_ =	strace $0x90000051  }
0xb6: {  	_ =	sfence  }
0xb7: {  	s30 =	sld [smem:$0x0];
	_ =	sdelay $0x2  }
0xb8: {  	s31 =	sshll.u32 s1, $0xD;
	s1 =	sshrl.u32 s1, $0x2  }
0xb9: {  	s3 =	sand.u32 $0x4000, s31;
	s1 =	sadd.s32 s1, s30  }
0xba: {  	s0 =	sor.u32 s3, s0;
	s1 =	sshll.u32 s1, $0x11  }
0xbb: {  	s0 =	sor.u32 s1, s0  }
0xbc: {  	s0 =	sadd.s32 $0x8F2B, s0  }
0xbd: {  	[sflag:s0] =	ssyncadd.remote.s32 $0x1  }
0xbe: {  	_ =	sfence.sel $0xFFFF  }
0xbf: {  	[dreg:$0x0] =	wrdreg $0xFFFFFFFF;
	(pc) =	sbr.abs _section_cstart, $3  }
0xc0: {  	[dreg:$0x1] =	wrdreg $0xFFFFFFFF  }
0xc1: {  	_ =	task.clear_ibuf [dreg:s6], $0x2FFFF;
	_ =	strace $0x9FFFFFFF  }
0xc2: {  	(tm) =	ssettm $0x7FFFFFFF  }
0xc3: {  	_ =	shalt  }
tec
execute0_lowered:
.L_overlay_start_1:
0x0: {  	(tag) =	ssettag $0x1  }
0x1: {  	s0 =	rddreg [dreg:$0x0]  }
0x2: {  	s2 =	rddreg [dreg:$0x1];
	s3 =	simm.s32 $0x0  }
0x3: {  	s12 =	stileid.u32;
	s4 =	srdreg.scid;
	s28 =	simm.s32 $0x5780  }
0x4: {  	s29 =	simm.s32 $0x1;
	s30 =	simm.s32 $0x4B0;
	s31 =	simm.s32 $0x3  }
0x5: {  	[smem:$0x7FF] =	sst s3;
	s1 =	smul.u32 $0x18800, s12;
	s6 =	sand.u32 $0x1, s4  }
0x6: {  	s4 =	sadd.s32 $0x188600, s0;
	s5 =	sadd.s32 $0x1C00, s0;
	s15 =	smul.u32 $0x30D40, s12  }
0x7: {  	s16 =	sshll.u32 s12, $0x6;
	_ =	strace $0x80000050;
	s8 =	smul.u32 $0x188000, s6  }
0x8: {  	s9 =	sshll.u32 s6, $0x4;
	s10 =	ssub.s32 $0x2, s6;
	s6 =	smul.u32 $0x30D400, s6  }
0x9: {  	s7 =	sshrl.u32 s1, $0x3;
	s9 =	sor.u32 s12, s9;
	s11 =	sshrl.u32 s10, $0x1  }
0xa: {  	s7 =	sadd.s32 s7, s0;
	s8 =	sadd.s32 s1, s8;
	s9 =	smul.u32 $0x30D40, s9  }
0xb: {  	s10 =	ssub.s32 s10, s11;
	s1 =	sadd.s32 s1, s2;
	s6 =	sadd.s32 s15, s6  }
0xc: {  	s8 =	sshrl.u32 s8, $0x3;
	s7 =	sadd.s32 $0x341600, s7;
	s20 =	sadd.s32 $0x61B160, s6  }
0xd: {  	s21 =	smax.u32 s10, $0x1;
	s23 =	sadd.s32 $0x960, s6;
	s24 =	sadd.s32 $0x61AE40, s6  }
0xe: {  	s0 =	sadd.s32 s8, s0;
	s14 =	sshrl.u32 s9, $0x3;
	[dreg:$0x4] =	wrdreg s7  }
0xf: {  	s8 =	sor.u32 $0x1C05, s16;
	[dreg:$0x9] =	wrdreg s21;
	s22 =	sshrl.u32 s20, $0x3  }
0x10: {  	s25 =	sshrl.u32 s23, $0x3;
	s26 =	sshrl.u32 s24, $0x3;
	s16 =	sadd.s32 $0x640, s6  }
0x11: {  	s20 =	simm.s32 $0x190;
	s21 =	simm.s32 $0xC80;
	s23 =	simm.s32 $0x640  }
0x12: {  	s24 =	simm.s32 $0x960;
	s6 =	simm.s32 $0x4;
	s9 =	simm.s32 $0x0  }
0x13: {  	s7 =	sadd.s32 s5, s14;
	s0 =	sadd.s32 $0x1B9600, s0;
	s14 =	sadd.s32 s25, s5  }
0x14: {  	s15 =	sadd.s32 s26, s5;
	s17 =	sadd.s32 $0xC3500, s7;
	[dreg:$0x8] =	wrdreg s0  }
0x15: {  	s25 =	simm.s32 $0x3E80;
	s18 =	sadd.s32 $0x64, s7;
	[dreg:$0x5] =	wrdreg s17  }
0x16: {  	s26 =	simm.s32 $0x7D0;
	s19 =	sadd.s32 $0xC3564, s7;
	[dreg:$0x6] =	wrdreg s18  }
0x17: {  	s0 =	sadd.s32 s22, s5;
	s22 =	simm.s32 $0x2580;
	[dreg:$0x7] =	wrdreg s19  }
0x18: {  	[dreg:$0x3] =	wrdreg s0;
	s17 =	sshrl.u32 s1, $0x3;
	s18 =	simm.s32 $0x5  }
0x19: {  	s19 =	simm.s32 $0x320;
	s0 =	simm.s32 $0x2;
	s1 =	simm.s32 $0xAF0  }
.LBB2_1:
0x1a: {  	s10 =	rddreg [dreg:$0x4]  }
0x1b: {  	[spmem:s17], [sflag:s8] =	dma.local [hbm:s10], $0x3100  }
0x1c: {  	_ =	swait.ge [sflag:s18], $0x3100  }
0x1d: {  	[sflag:s18] =	ssyncset.done $0x0  }
0x1e: {  	[sflag:s18] =	ssyncadd.s32 $0xFFFFCF00  }
0x1f: {  	[bflag:$0x0] =	sbarrier.arrive $0xFFFF  }
0x20: {  	[tilespmem:s3], [sflag:$0x5] =	stream.linear.gather [hbm4b:s7+s3], $0x320, $0x38;
	[tilespmem:$0x1F880] =	vst v63  }
0x21: {  	_ =	swait.ge [sflag:s18], $0x320  }
0x22: {  	[sflag:s18] =	ssyncset.done $0x0  }
0x23: {  	s13 =	rddreg [dreg:$0x5];
	[sflag:s18] =	ssyncadd.s32 $0xFFFFFCE0  }
0x24: {  	[tilespmem:s19], [sflag:$0x5] =	stream.linear.gather [hbm4b:s13+s3], $0x320, $0x38;
	[tilespmem:$0x1F880] =	vst v63  }
0x25: {  	_ =	swait.ge [sflag:s18], $0x320  }
0x26: {  	[sflag:s18] =	ssyncset.done $0x0  }
0x27: {  	[sflag:s18] =	ssyncadd.s32 $0xFFFFFCE0  }
0x28: {  	[tilespmem:s21], [sflag:$0x1] =	stream.indirect.gather [hbm4b:s4+s20], $0x10, s3, s20, $0xb8;
	[tilespmem:$0x1F880] =	vst v63  }
0x29: {  	_ = 	snop  }
0x2a: {  	[tilespmem:s22], [sflag:$0x1] =	stream.indirect.gather [hbm4b:s4+s20], $0x10, s20, s20, $0xb8;
	[tilespmem:$0x1F880] =	vst v63  }
0x2b: {  	s11 =	rddreg [dreg:$0x6]  }
0x2c: {  	[tilespmem:s23], [sflag:$0x5] =	stream.linear.gather [hbm4b:s11+s3], $0x320, $0x38;
	[tilespmem:$0x1F880] =	vst v63  }
0x2d: {  	_ =	swait.ge [sflag:s18], $0x320  }
0x2e: {  	[sflag:s18] =	ssyncset.done $0x0  }
0x2f: {  	s12 =	rddreg [dreg:$0x7];
	[sflag:s18] =	ssyncadd.s32 $0xFFFFFCE0  }
0x30: {  	[tilespmem:s24], [sflag:$0x5] =	stream.linear.gather [hbm4b:s12+s3], $0x320, $0x38;
	[tilespmem:$0x1F880] =	vst v63  }
0x31: {  	_ =	swait.ge [sflag:s18], $0x320  }
0x32: {  	[sflag:s18] =	ssyncset.done $0x0  }
0x33: {  	[sflag:s18] =	ssyncadd.s32 $0xFFFFFCE0  }
0x34: {  	[tilespmem:s25], [sflag:$0x2] =	stream.indirect.gather [hbm4b:s4+s20], $0x10, s23, s20, $0xb8;
	[tilespmem:$0x1F880] =	vst v63  }
0x35: {  	_ = 	snop  }
0x36: {  	[tilespmem:s28], [sflag:$0x2] =	stream.indirect.gather [hbm4b:s4+s20], $0x10, s26, s20, $0xb8;
	[tilespmem:$0x1F880] =	vst v63  }
0x37: {  	_ =	swait.ge [sflag:s29], $0x1900  }
0x38: {  	[sflag:s29] =	ssyncset.done $0x0  }
0x39: {  	[sflag:s29] =	ssyncadd.s32 $0xFFFFE700  }
0x3a: {  	_ =	swait.ge [sflag:s29], $0x1900  }
0x3b: {  	[sflag:s29] =	ssyncset.done $0x0  }
0x3c: {  	[sflag:s29] =	ssyncadd.s32 $0xFFFFE700  }
0x3d: {  	[spmem:s2] =	stream.indirect.scatter.add.f32 [tilespmem:s21], [sflag:$0x3], $0x10, s19, s20, $0xb8;
	[tilespmem:$0x1F880] =	vst v63  }
0x3e: {  	_ = 	snop  }
0x3f: {  	[spmem:s2] =	stream.indirect.scatter.add.f32 [tilespmem:s22], [sflag:$0x3], $0x10, s30, s20, $0xb8;
	[tilespmem:$0x1F880] =	vst v63  }
0x40: {  	_ =	swait.ge [sflag:s31], $0x1900  }
0x41: {  	[sflag:s31] =	ssyncset.done $0x0  }
0x42: {  	[sflag:s31] =	ssyncadd.s32 $0xFFFFE700  }
0x43: {  	_ =	swait.ge [sflag:s31], $0x1900  }
0x44: {  	s13 =	sshrl.u32 s16, $0x3;
	[sflag:s31] =	ssyncset.done $0x0  }
0x45: {  	s10 =	sadd.s32 s5, s13;
	[sflag:s31] =	ssyncadd.s32 $0xFFFFE700  }
0x46: {  	[tilespmem:s3], [sflag:$0x5] =	stream.linear.gather [hbm4b:s10+s3], $0x320, $0x38;
	[tilespmem:$0x1F880] =	vst v63  }
0x47: {  	_ =	swait.ge [sflag:s18], $0x320  }
0x48: {  	[sflag:s18] =	ssyncset.done $0x0  }
0x49: {  	s11 =	sadd.s32 $0x0, s15;
	[sflag:s18] =	ssyncadd.s32 $0xFFFFFCE0  }
0x4a: {  	[tilespmem:s19], [sflag:$0x5] =	stream.linear.gather [hbm4b:s11+s3], $0x320, $0x38;
	[tilespmem:$0x1F880] =	vst v63  }
0x4b: {  	_ =	swait.ge [sflag:s18], $0x320  }
0x4c: {  	[sflag:s18] =	ssyncset.done $0x0  }
0x4d: {  	[sflag:s18] =	ssyncadd.s32 $0xFFFFFCE0  }
0x4e: {  	[tilespmem:s21], [sflag:$0x1] =	stream.indirect.gather [hbm4b:s4+s20], $0x10, s3, s20, $0xb8;
	[tilespmem:$0x1F880] =	vst v63  }
0x4f: {  	_ = 	snop  }
0x50: {  	[tilespmem:s22], [sflag:$0x1] =	stream.indirect.gather [hbm4b:s4+s20], $0x10, s20, s20, $0xb8;
	[tilespmem:$0x1F880] =	vst v63  }
0x51: {  	_ =	swait.ge [sflag:s0], $0x1900  }
0x52: {  	[sflag:s0] =	ssyncset.done $0x0  }
0x53: {  	[sflag:s0] =	ssyncadd.s32 $0xFFFFE700  }
0x54: {  	_ =	swait.ge [sflag:s0], $0x1900  }
0x55: {  	[sflag:s0] =	ssyncset.done $0x0  }
0x56: {  	[sflag:s0] =	ssyncadd.s32 $0xFFFFE700  }
0x57: {  	[spmem:s2] =	stream.indirect.scatter.add.f32 [tilespmem:s25], [sflag:$0x4], $0x10, s24, s20, $0xb8;
	[tilespmem:$0x1F880] =	vst v63  }
0x58: {  	_ = 	snop  }
0x59: {  	[spmem:s2] =	stream.indirect.scatter.add.f32 [tilespmem:s28], [sflag:$0x4], $0x10, s1, s20, $0xb8;
	[tilespmem:$0x1F880] =	vst v63  }
0x5a: {  	_ =	swait.ge [sflag:s6], $0x1900  }
0x5b: {  	[sflag:s6] =	ssyncset.done $0x0  }
0x5c: {  	[sflag:s6] =	ssyncadd.s32 $0xFFFFE700  }
0x5d: {  	_ =	swait.ge [sflag:s6], $0x1900  }
0x5e: {  	[sflag:s6] =	ssyncset.done $0x0  }
0x5f: {  	s12 =	sadd.s32 $0x0, s14;
	[sflag:s6] =	ssyncadd.s32 $0xFFFFE700  }
0x60: {  	[tilespmem:s23], [sflag:$0x5] =	stream.linear.gather [hbm4b:s12+s3], $0x320, $0x38;
	[tilespmem:$0x1F880] =	vst v63  }
0x61: {  	_ =	swait.ge [sflag:s18], $0x320  }
0x62: {  	s13 =	rddreg [dreg:$0x3];
	[sflag:s18] =	ssyncset.done $0x0  }
0x63: {  	[sflag:s18] =	ssyncadd.s32 $0xFFFFFCE0;
	s10 =	sadd.s32 $0x0, s13  }
0x64: {  	[tilespmem:s24], [sflag:$0x5] =	stream.linear.gather [hbm4b:s10+s3], $0x320, $0x38;
	[tilespmem:$0x1F880] =	vst v63  }
0x65: {  	_ =	swait.ge [sflag:s18], $0x320  }
0x66: {  	[sflag:s18] =	ssyncset.done $0x0  }
0x67: {  	s11 =	sadd.s32 $0x640, s16;
	s10 =	simm.s32 $0xC8;
	[sflag:s18] =	ssyncadd.s32 $0xFFFFFCE0  }
0x68: {  	[tilespmem:s25], [sflag:$0x2] =	stream.indirect.gather [hbm4b:s4+s20], $0x10, s23, s20, $0xb8;
	[tilespmem:$0x1F880] =	vst v63  }
.LBB2_2:
0x69: {  	[tilespmem:s28], [sflag:$0x2] =	stream.indirect.gather [hbm4b:s4+s20], $0x10, s26, s20, $0xb8;
	[tilespmem:$0x1F880] =	vst v63  }
0x6a: {  	_ =	swait.ge [sflag:s29], $0x1900  }
0x6b: {  	[sflag:s29] =	ssyncset.done $0x0  }
0x6c: {  	[sflag:s29] =	ssyncadd.s32 $0xFFFFE700  }
0x6d: {  	_ =	swait.ge [sflag:s29], $0x1900  }
0x6e: {  	[sflag:s29] =	ssyncset.done $0x0  }
0x6f: {  	[sflag:s29] =	ssyncadd.s32 $0xFFFFE700  }
0x70: {  	[spmem:s2] =	stream.indirect.scatter.add.f32 [tilespmem:s21], [sflag:$0x3], $0x10, s19, s20, $0xb8;
	[tilespmem:$0x1F880] =	vst v63  }
0x71: {  	_ = 	snop  }
0x72: {  	[spmem:s2] =	stream.indirect.scatter.add.f32 [tilespmem:s22], [sflag:$0x3], $0x10, s30, s20, $0xb8;
	[tilespmem:$0x1F880] =	vst v63  }
0x73: {  	_ =	swait.ge [sflag:s31], $0x1900  }
0x74: {  	[sflag:s31] =	ssyncset.done $0x0  }
0x75: {  	[sflag:s31] =	ssyncadd.s32 $0xFFFFE700  }
0x76: {  	_ =	swait.ge [sflag:s31], $0x1900  }
0x77: {  	s13 =	sshrl.u32 s11, $0x3;
	[sflag:s31] =	ssyncset.done $0x0  }
0x78: {  	s13 =	sadd.s32 s5, s13;
	[sflag:s31] =	ssyncadd.s32 $0xFFFFE700  }
0x79: {  	[tilespmem:s3], [sflag:$0x5] =	stream.linear.gather [hbm4b:s13+s3], $0x320, $0x38;
	[tilespmem:$0x1F880] =	vst v63  }
0x7a: {  	_ =	swait.ge [sflag:s18], $0x320  }
0x7b: {  	s12 =	smov.u32 s10;
	[sflag:s18] =	ssyncset.done $0x0  }
0x7c: {  	s13 =	sadd.s32 s12, s15;
	[sflag:s18] =	ssyncadd.s32 $0xFFFFFCE0  }
0x7d: {  	[tilespmem:s19], [sflag:$0x5] =	stream.linear.gather [hbm4b:s13+s3], $0x320, $0x38;
	[tilespmem:$0x1F880] =	vst v63  }
0x7e: {  	_ =	swait.ge [sflag:s18], $0x320  }
0x7f: {  	[sflag:s18] =	ssyncset.done $0x0  }
0x80: {  	[sflag:s18] =	ssyncadd.s32 $0xFFFFFCE0  }
0x81: {  	[tilespmem:s21], [sflag:$0x1] =	stream.indirect.gather [hbm4b:s4+s20], $0x10, s3, s20, $0xb8;
	[tilespmem:$0x1F880] =	vst v63  }
0x82: {  	_ = 	snop  }
0x83: {  	[tilespmem:s22], [sflag:$0x1] =	stream.indirect.gather [hbm4b:s4+s20], $0x10, s20, s20, $0xb8;
	[tilespmem:$0x1F880] =	vst v63  }
0x84: {  	_ =	swait.ge [sflag:s0], $0x1900  }
0x85: {  	[sflag:s0] =	ssyncset.done $0x0  }
0x86: {  	[sflag:s0] =	ssyncadd.s32 $0xFFFFE700  }
0x87: {  	_ =	swait.ge [sflag:s0], $0x1900  }
0x88: {  	[sflag:s0] =	ssyncset.done $0x0  }
0x89: {  	[sflag:s0] =	ssyncadd.s32 $0xFFFFE700  }
0x8a: {  	[spmem:s2] =	stream.indirect.scatter.add.f32 [tilespmem:s25], [sflag:$0x4], $0x10, s24, s20, $0xb8;
	[tilespmem:$0x1F880] =	vst v63  }
0x8b: {  	_ = 	snop  }
0x8c: {  	[spmem:s2] =	stream.indirect.scatter.add.f32 [tilespmem:s28], [sflag:$0x4], $0x10, s1, s20, $0xb8;
	[tilespmem:$0x1F880] =	vst v63  }
0x8d: {  	_ =	swait.ge [sflag:s6], $0x1900  }
0x8e: {  	[sflag:s6] =	ssyncset.done $0x0  }
0x8f: {  	[sflag:s6] =	ssyncadd.s32 $0xFFFFE700  }
0x90: {  	_ =	swait.ge [sflag:s6], $0x1900  }
0x91: {  	[sflag:s6] =	ssyncset.done $0x0  }
0x92: {  	s13 =	sadd.s32 s12, s14;
	[sflag:s6] =	ssyncadd.s32 $0xFFFFE700  }
0x93: {  	[tilespmem:s23], [sflag:$0x5] =	stream.linear.gather [hbm4b:s13+s3], $0x320, $0x38;
	[tilespmem:$0x1F880] =	vst v63  }
0x94: {  	_ =	swait.ge [sflag:s18], $0x320  }
0x95: {  	s13 =	rddreg [dreg:$0x3];
	[sflag:s18] =	ssyncset.done $0x0  }
0x96: {  	p0 =	sne.s32 s10, $0x6018;
	[sflag:s18] =	ssyncadd.s32 $0xFFFFFCE0;
	s12 =	sadd.s32 s12, s13  }
0x97: {  	[tilespmem:s24], [sflag:$0x5] =	stream.linear.gather [hbm4b:s12+s3], $0x320, $0x38;
	[tilespmem:$0x1F880] =	vst v63  }
.Ltmp0:
0x98: {  	_ = 	snop;
	(pc) =	sbr.rel @p0 .LBB2_2-.Ltmp0, $4  }
0x99: {  	_ =	swait.ge [sflag:s18], $0x320  }
0x9a: {  	[sflag:s18] =	ssyncset.done $0x0  }
0x9b: {  	s10 =	sadd.s32 $0xC8, s10;
	s11 =	sadd.s32 $0x640, s11;
	[sflag:s18] =	ssyncadd.s32 $0xFFFFFCE0  }
0x9c: {  	[tilespmem:s25], [sflag:$0x2] =	stream.indirect.gather [hbm4b:s4+s20], $0x10, s23, s20, $0xb8;
	[tilespmem:$0x1F880] =	vst v63  }
0x9d: {  	[tilespmem:s28], [sflag:$0x2] =	stream.indirect.gather [hbm4b:s4+s20], $0x10, s26, s20, $0xb8;
	[tilespmem:$0x1F880] =	vst v63  }
0x9e: {  	_ =	swait.ge [sflag:s29], $0x1900  }
0x9f: {  	[sflag:s29] =	ssyncset.done $0x0  }
0xa0: {  	[sflag:s29] =	ssyncadd.s32 $0xFFFFE700  }
0xa1: {  	_ =	swait.ge [sflag:s29], $0x1900  }
0xa2: {  	[sflag:s29] =	ssyncset.done $0x0  }
0xa3: {  	[sflag:s29] =	ssyncadd.s32 $0xFFFFE700  }
0xa4: {  	[spmem:s2] =	stream.indirect.scatter.add.f32 [tilespmem:s21], [sflag:$0x3], $0x10, s19, s20, $0xb8;
	[tilespmem:$0x1F880] =	vst v63  }
0xa5: {  	_ = 	snop  }
0xa6: {  	[spmem:s2] =	stream.indirect.scatter.add.f32 [tilespmem:s22], [sflag:$0x3], $0x10, s30, s20, $0xb8;
	[tilespmem:$0x1F880] =	vst v63  }
0xa7: {  	_ =	swait.ge [sflag:s0], $0x1900  }
0xa8: {  	[sflag:s0] =	ssyncset.done $0x0  }
0xa9: {  	[sflag:s0] =	ssyncadd.s32 $0xFFFFE700  }
0xaa: {  	_ =	swait.ge [sflag:s0], $0x1900  }
0xab: {  	[sflag:s0] =	ssyncset.done $0x0  }
0xac: {  	[sflag:s0] =	ssyncadd.s32 $0xFFFFE700  }
0xad: {  	[spmem:s2] =	stream.indirect.scatter.add.f32 [tilespmem:s25], [sflag:$0x4], $0x10, s24, s20, $0xb8;
	[tilespmem:$0x1F880] =	vst v63  }
0xae: {  	_ = 	snop  }
0xaf: {  	[spmem:s2] =	stream.indirect.scatter.add.f32 [tilespmem:s28], [sflag:$0x4], $0x10, s1, s20, $0xb8;
	[tilespmem:$0x1F880] =	vst v63  }
0xb0: {  	_ =	swait.ge [sflag:s31], $0x1900  }
0xb1: {  	[sflag:s31] =	ssyncset.done $0x0  }
0xb2: {  	[sflag:s31] =	ssyncadd.s32 $0xFFFFE700  }
0xb3: {  	_ =	swait.ge [sflag:s31], $0x1900  }
0xb4: {  	[sflag:s31] =	ssyncset.done $0x0  }
0xb5: {  	[sflag:s31] =	ssyncadd.s32 $0xFFFFE700  }
0xb6: {  	_ =	swait.ge [sflag:s6], $0x1900  }
0xb7: {  	[sflag:s6] =	ssyncset.done $0x0  }
0xb8: {  	[sflag:s6] =	ssyncadd.s32 $0xFFFFE700  }
0xb9: {  	_ =	swait.ge [sflag:s6], $0x1900  }
0xba: {  	[sflag:s6] =	ssyncset.done $0x0  }
0xbb: {  	[sflag:s6] =	ssyncadd.s32 $0xFFFFE700  }
0xbc: {  	[bflag:$0x0] =	sbarrier.arrive $0xFFFF  }
0xbd: {  	s10 =	rddreg [dreg:$0x8]  }
0xbe: {  	[hbm:s10], [sflag:s8] =	dma.local [spmem:s17], $0x3100  }
0xbf: {  	_ =	swait.ge [sflag:s18], $0x3100  }
0xc0: {  	s9 =	sadd.s32 $0x1, s9;
	s13 =	rddreg [dreg:$0x9]  }
0xc1: {  	p0 =	sne.s32 s9, s13  }
.Ltmp1:
0xc2: {  	_ = 	snop;
	(pc) =	sbr.rel @p0 .LBB2_1-.Ltmp1, $3  }
0xc3: {  	_ =	sdelay $0x1  }
0xc4: {  	[sflag:s18] =	ssyncset.done $0x0  }
0xc5: {  	[sflag:s18] =	ssyncadd.s32 $0xFFFFCF00  }
0xc6: {  	_ =	sfence.sel $0x180000  }
0xc7: {  	[bflag:$0x0] =	sbarrier.arrive $0xFFFF  }
0xc8: {  	_ =	strace $0x90000050  }
0xc9: {  	s0 =	stileid.u32;
	[bflag:$0x2] =	sbarrier.arrive $0xFFFF  }
0xca: {  	p0 =	sne.s32 s0, $0x0;
	s0 =	rddreg [dreg:$0x2]  }
0xcb: {  	s0 =	sadd.s32 @!p0 $0x100000, s0  }
0xcc: {  	[sflag:s0] =	ssyncadd.tile.s32 @!p0 $0x1;
	_ =	shalt  }
.Lfunc_end2:
_tile_overlayer_lowered:
.L_overlay_start_2:
0xcd: {  	(tag) =	ssettag $0x2  }
0xce: {  	s0 =	rddreg [dreg:$0x0];
	s2 =	stileid.u32  }
0xcf: {  	s1 =	rddreg [dreg:$0x1];
	p0 =	sne.s32 s2, $0x0  }
0xd0: {  	s3 =	rddreg [dreg:$0x2];
	[bflag:$0x3] =	sbarrier.arrive $0xFFFF;
	s2 =	simm.s32 @!p0 $0x1C05  }
0xd1: {  	[timem:s3], [sflag:s2] =	dma.local @!p0 [hbm:s0], s1  }
0xd2: {  	s0 =	simm.s32 @!p0 $0x5  }
0xd3: {  	_ =	swait.ge @!p0 [sflag:s0], s1  }
0xd4: {  	s1 =	ssub.s32 @!p0 $0x0, s1;
	[sflag:s0] =	ssyncset.done @!p0 $0x0  }
0xd5: {  	[sflag:s0] =	ssyncadd.s32 @!p0 s1  }
0xd6: {  	[bflag:$0x3] =	sbarrier.arrive $0xFFFF  }
0xd7: {  	_ =	shalt  }

// kernel: kernel.8.cloned.1.call-start
scs
__scs_entry_jumppad:
0x0: {  	(pc) =	sbr.rel $0x88, $3  }
0x1: {  	(tag) =	ssettag $0x0;
	lr =	simm.s32 $0x1  }
0x2: {  	[smem:$0x3F9B] =	sst lr;
	_ =	strace $0xD0000000  }
0x3: {  	_ = 	snop  }
0x4: {  	_ = 	snop  }
0x5: {  	_ = 	snop  }
0x6: {  	_ = 	snop  }
0x7: {  	_ = 	snop  }
__scs_overlays_trampoline_lowered:
0x8: {  	[smem:$0x3FAA] =	sst s0  }
0x9: {  	[smem:$0x3FAB] =	sst s1  }
0xa: {  	[smem:$0x3FAC] =	sst s2  }
0xb: {  	[smem:$0x3FAD] =	sst s3  }
0xc: {  	[smem:$0x3FAE] =	sst s4  }
0xd: {  	[smem:$0x3FAF] =	sst s5  }
0xe: {  	[smem:$0x3FB0] =	sst s6  }
0xf: {  	[smem:$0x3FB1] =	sst s7  }
0x10: {  	[smem:$0x3FB2] =	sst s8  }
0x11: {  	[smem:$0x3FB3] =	sst s9;
	s0 =	simm.s32 @!p0 $0x0  }
0x12: {  	s1 =	sld [smem:$0x3F99];
	s0 =	simm.s32 @p0 $0x1  }
0x13: {  	[smem:$0x3FB4] =	sst s0;
	s0 =	simm.s32 @!p1 $0x0  }
0x14: {  	s2 =	sld [smem:$0x3F98];
	s0 =	simm.s32 @p1 $0x1  }
0x15: {  	[smem:$0x3FB5] =	sst s0;
	s0 =	simm.s32 @!p2 $0x0  }
0x16: {  	s3 =	sld [smem:$0x3FDB];
	s0 =	simm.s32 @p2 $0x1  }
0x17: {  	s4 =	simm.s32 $0x1BF5;
	[smem:$0x3FB7] =	sst s0  }
0x18: {  	s0 =	sld [smem:$0x3F9A];
	_ =	swait.ge [sflag:s4], $0x0  }
0x19: {  	s7 =	sld [smem:$0x3F9B]  }
0x1a: {  	s8 =	sadd.s32 $0xFFFFE003, lr  }
0x1b: {  	s9 =	sadd.s32 $0xFFFFFEF7, lr;
	s5 =	simm.s32 $0xFFFFFFFF;
	p2 =	slt.u32 s8, $0xFFFFF086  }
0x1c: {  	p1 =	slt.u32 s9, $0xF7A;
	s5 =	simm.s32 @!p2 $0x0  }
0x1d: {  	s5 =	simm.s32 @p1 $0x1;
	p0 =	seq.s32 s7, s2  }
0x1e: {  	s7 =	smul.u32 @!p0 $0xF7A, s2;
	p2 =	seq.s32 @!p0 s5, $0x0  }
0x1f: {  	s9 =	smul.u32 $0xF7A, s1;
	s8 =	simm.s32 @!p0 $0x1BF5;
	p2 =	por !p2, p0  }
0x20: {  	[sflag:s8] =	ssyncset.s32 @!p0 $0xFFFFF086;
	s6 =	sadd.s32 @!p0 s3, s7;
	s7 =	simm.s32 @!p0 $0x108  }
0x21: {  	s3 =	sadd.s32 s3, s9;
	s6 =	sadd.s32 @!p0 $0x88, s6;
	s7 =	simm.s32 @p2 $0x1082  }
0x22: {  	[simem:s7], [sflag:s8] =	dma.local @!p0 [hbm:s6], $0xF7A  }
0x23: {  	s9 =	sor.u32 $0xD0000000, s2;
	s6 =	simm.s32 $0x108;
	_ =	swait.ge @!p0 [sflag:s8], $0x0  }
0x24: {  	s3 =	sadd.s32 $0x88, s3;
	s6 =	simm.s32 @!p1 $0x1082;
	[sflag:s4] =	ssyncset.s32 $0xFFFFF086  }
0x25: {  	[simem:s6], [sflag:s4] =	dma.local [hbm:s3], $0xF7A  }
0x26: {  	[smem:$0x3F9B] =	sst s1;
	(tag) =	ssettag s2;
	_ =	strace s9  }
0x27: {  	s1 =	sld [smem:$0x3FAB]  }
0x28: {  	s2 =	sld [smem:$0x3FAC]  }
0x29: {  	s4 =	sld [smem:$0x3FAE]  }
0x2a: {  	p0 =	seq.s32 s5, $0x0;
	s5 =	sld [smem:$0x3FAF]  }
0x2b: {  	s6 =	sld [smem:$0x3FB0]  }
0x2c: {  	s7 =	sld [smem:$0x3FB1]  }
0x2d: {  	s3 =	simm.s32 $0x108;
	s8 =	sld [smem:$0x3FB2]  }
0x2e: {  	s3 =	simm.s32 @!p0 $0x1082;
	s9 =	sld [smem:$0x3FB3]  }
0x2f: {  	lr =	sadd.s32 s0, s3;
	s0 =	sld [smem:$0x3FAA]  }
0x30: {  	s3 =	sld [smem:$0x3FAD]  }
0x31: {  	[smem:$0x3FB6] =	sst s10  }
0x32: {  	s10 =	sld [smem:$0x3FB4];
	_ =	sdelay $0x3  }
0x33: {  	p0 =	seq.s32 s10, $0x1;
	s10 =	sld [smem:$0x3FB6];
	_ =	sdelay $0x3  }
0x34: {  	[smem:$0x3FB6] =	sst s10  }
0x35: {  	s10 =	sld [smem:$0x3FB5];
	_ =	sdelay $0x3  }
0x36: {  	p1 =	seq.s32 s10, $0x1;
	s10 =	sld [smem:$0x3FB6];
	_ =	sdelay $0x3  }
0x37: {  	[smem:$0x3FB6] =	sst s10  }
0x38: {  	s10 =	sld [smem:$0x3FB7]  }
0x39: {  	_ = 	snop;
	(pc) =	sbr.ind lr, $3  }
0x3a: {  	_ = 	snop  }
0x3b: {  	_ = 	snop  }
0x3c: {  	p2 =	seq.s32 s10, $0x1;
	s10 =	sld [smem:$0x3FB6]  }
0x3d: {  	_ =	shalt  }
0x3e: {  	_ =	shalt  }
0x3f: {  	_ =	shalt  }
0x40: {  	_ =	shalt  }
0x41: {  	_ =	shalt  }
0x42: {  	_ =	shalt  }
0x43: {  	_ =	shalt  }
0x44: {  	_ =	shalt  }
0x45: {  	_ =	shalt  }
0x46: {  	_ =	shalt  }
0x47: {  	_ =	shalt  }
0x48: {  	_ =	shalt  }
0x49: {  	_ =	shalt  }
0x4a: {  	_ =	shalt  }
0x4b: {  	_ =	shalt  }
0x4c: {  	_ =	shalt  }
0x4d: {  	_ =	shalt  }
0x4e: {  	_ =	shalt  }
0x4f: {  	_ =	shalt  }
0x50: {  	_ =	shalt  }
0x51: {  	_ =	shalt  }
0x52: {  	_ =	shalt  }
0x53: {  	_ =	shalt  }
0x54: {  	_ =	shalt  }
0x55: {  	_ =	shalt  }
0x56: {  	_ =	shalt  }
0x57: {  	_ =	shalt  }
0x58: {  	_ =	shalt  }
0x59: {  	_ =	shalt  }
0x5a: {  	_ =	shalt  }
0x5b: {  	_ =	shalt  }
0x5c: {  	_ =	shalt  }
0x5d: {  	_ =	shalt  }
0x5e: {  	_ =	shalt  }
0x5f: {  	_ =	shalt  }
0x60: {  	_ =	shalt  }
0x61: {  	_ =	shalt  }
0x62: {  	_ =	shalt  }
0x63: {  	_ =	shalt  }
0x64: {  	_ =	shalt  }
0x65: {  	_ =	shalt  }
0x66: {  	_ =	shalt  }
0x67: {  	_ =	shalt  }
0x68: {  	_ =	shalt  }
0x69: {  	_ =	shalt  }
0x6a: {  	_ =	shalt  }
0x6b: {  	_ =	shalt  }
0x6c: {  	_ =	shalt  }
0x6d: {  	_ =	shalt  }
0x6e: {  	_ =	shalt  }
0x6f: {  	_ =	shalt  }
0x70: {  	_ =	shalt  }
0x71: {  	_ =	shalt  }
0x72: {  	_ =	shalt  }
0x73: {  	_ =	shalt  }
0x74: {  	_ =	shalt  }
0x75: {  	_ =	shalt  }
0x76: {  	_ =	shalt  }
0x77: {  	_ =	shalt  }
0x78: {  	_ =	shalt  }
0x79: {  	_ =	shalt  }
0x7a: {  	_ =	shalt  }
0x7b: {  	_ =	shalt  }
0x7c: {  	_ =	shalt  }
0x7d: {  	_ =	shalt  }
0x7e: {  	_ =	shalt  }
0x7f: {  	_ =	shalt  }
0x80: {  	_ =	shalt  }
0x81: {  	_ =	shalt  }
0x82: {  	_ =	shalt  }
0x83: {  	_ =	shalt  }
0x84: {  	_ =	shalt  }
0x85: {  	_ =	shalt  }
0x86: {  	_ =	shalt  }
0x87: {  	_ =	shalt  }
.Lfunc_end0:
.L_simem_size_0:
called_computation.1_lowered:
.L_overlay_start_0:
0x88: {  	s2 =	sld [smem:$0x3FD9]  }
0x89: {  	s3 =	sld [smem:$0x3FFE];
	_ =	sdelay $0x1  }
0x8a: {  	s1 =	srdreg.scid  }
0x8b: {  	s0 =	sand.u32 $0x1, s1  }
0x8c: {  	s17 =	sshll.u32 s0, $0xA;
	s2 =	sadd.s32 s3, s2  }
0x8d: {  	s2 =	sadd.s32 s2, s17  }
0x8e: {  	[smem:$0x3FC2] =	sst s2  }
0x8f: {  	_ = 	snop  }
0x90: {  	s2 =	sld [smem:$0x3FD0];
	(tm) =	ssettm $0x1  }
0x91: {  	s18 =	sld [smem:$0x3FFB];
	_ =	sdelay $0x3  }
0x92: {  	_ =	strace s18  }
0x93: {  	s3 =	sld [smem:$0x3FFC];
	_ =	sdelay $0x3  }
0x94: {  	_ =	strace s3  }
0x95: {  	s3 =	sld [smem:$0x3FFD];
	_ =	sdelay $0x3  }
0x96: {  	_ =	strace s3  }
0x97: {  	_ =	strace $0x8FFFFFFF  }
0x98: {  	s19 =	sld [smem:$0x3FDB];
	_ =	sdelay $0x1  }
0x99: {  	s4 =	simm.s32 $_scs_section_size  }
0x9a: {  	s5 =	simm.s32 $_size__tile_overlayer_lowered;
	s6 =	simm.s32 $_tile_overlayer_lowered  }
0x9b: {  	s22 =	simm.s32 $0x1BFF;
	s21 =	sshll.u32 s6, $0x1;
	s3 =	sadd.s32 s4, s19  }
0x9c: {  	s7 =	simm.s32 $0x0;
	s20 =	sshll.u32 s5, $0x1;
	s5 =	sadd.s32 s21, s3  }
0x9d: {  	[timem:s7], [sflag:s22] =	dma.local [hbm:s5], s20  }
0x9e: {  	_ =	swait.ge [sflag:s22], s20  }
0x9f: {  	s4 =	ssub.s32 $0x0, s20;
	[sflag:s22] =	ssyncset.done $0x0  }
0xa0: {  	[sflag:s22] =	ssyncadd.s32 s4;
	_ =	sdelay $0x1  }
0xa1: {  	s23 =	simm.s32 $0x1B8B  }
0xa2: {  	_ =	swait.ge [sflag:s23], $0x1  }
0xa3: {  	[sflag:s23] =	ssyncset.done $0x0  }
0xa4: {  	s25 =	simm.s32 $0x1B8E;
	s24 =	sld [smem:$0x3FFE];
	[sflag:s23] =	ssyncadd.s32 $0xFFFFFFFF  }
0xa5: {  	s26 =	simm.s32 $execute0_lowered;
	[smem:$0x3FD2] =	sst s25  }
0xa6: {  	s5 =	sshll.u32 s26, $0x1;
	_ =	strace $0x80000049;
	[dreg:$0x1] =	wrdreg $0xFFFFFFFF  }
0xa7: {  	s28 =	simm.s32 $_size_execute0_lowered;
	s3 =	sadd.s32 s3, s5;
	[dreg:$0x0] =	wrdreg $0x0  }
0xa8: {  	s5 =	sshll.u32 s28, $0x1;
	[dreg:$0x2] =	wrdreg s3  }
0xa9: {  	[dreg:$0x3] =	wrdreg s5  }
0xaa: {  	[dreg:$0x4] =	wrdreg $0xC0  }
0xab: {  	_ =	task [dreg:s7], $0x5FFFF  }
0xac: {  	[dreg:$0x1] =	wrdreg $0xFFFFFFFF  }
0xad: {  	[dreg:$0x0] =	wrdreg $0x60  }
0xae: {  	[dreg:$0x2] =	wrdreg s24  }
0xaf: {  	[dreg:$0x3] =	wrdreg s2  }
0xb0: {  	[dreg:$0x4] =	wrdreg $0x20D00  }
0xb1: {  	[dreg:$0x5] =	wrdreg $0x9  }
0xb2: {  	_ =	task.clear_ibuf [dreg:s7], $0x6FFFF;
	_ =	strace $0x90000049  }
0xb3: {  	s29 =	simm.s32 $0x9;
	_ =	strace $0x8000004B  }
0xb4: {  	_ =	swait.ge [sflag:s29], $0x1  }
0xb5: {  	[sflag:s29] =	ssyncadd.s32 $0xFFFFFFFF  }
0xb6: {  	_ =	strace $0x9000004B  }
0xb7: {  	_ =	sfence  }
0xb8: {  	s30 =	sld [smem:$0x0];
	_ =	sdelay $0x2  }
0xb9: {  	s31 =	sshll.u32 s1, $0xD;
	s1 =	sshrl.u32 s1, $0x2  }
0xba: {  	s3 =	sand.u32 $0x4000, s31;
	s1 =	sadd.s32 s1, s30  }
0xbb: {  	s0 =	sor.u32 s3, s0;
	s1 =	sshll.u32 s1, $0x11  }
0xbc: {  	s0 =	sor.u32 s1, s0  }
0xbd: {  	s0 =	sadd.s32 $0x8F2B, s0  }
0xbe: {  	[sflag:s0] =	ssyncadd.remote.s32 $0x1  }
0xbf: {  	_ =	sfence.sel $0xFFFF  }
0xc0: {  	[dreg:$0x0] =	wrdreg $0xFFFFFFFF;
	(pc) =	sbr.abs _section_cstart, $3  }
0xc1: {  	[dreg:$0x1] =	wrdreg $0xFFFFFFFF  }
0xc2: {  	_ =	task.clear_ibuf [dreg:s7], $0x2FFFF;
	_ =	strace $0x9FFFFFFF  }
0xc3: {  	(tm) =	ssettm $0x7FFFFFFF  }
tec
execute0_lowered:
.L_overlay_start_1:
0x0: {  	(tag) =	ssettag $0x1  }
0x1: {  	s0 =	rddreg [dreg:$0x0]  }
0x2: {  	s1 =	rddreg [dreg:$0x1]  }
0x3: {  	s2 =	rddreg [dreg:$0x2];
	s4 =	srdreg.scid;
	s3 =	simm.s32 $0x0  }
0x4: {  	s13 =	stileid.u32;
	s14 =	simm.s32 $0x1F40;
	s15 =	simm.s32 $0x320  }
0x5: {  	s16 =	simm.s32 $0x4B0;
	s28 =	simm.s32 $0x1450;
	s29 =	simm.s32 $0x15E0  }
0x6: {  	s30 =	simm.s32 $0x1770;
	s31 =	simm.s32 $0x1900;
	s4 =	sand.u32 $0x1, s4  }
0x7: {  	[smem:$0x7FF] =	sst s3;
	s6 =	smul.u32 $0x1880, s13;
	s7 =	sadd.s32 $0x1C00, s0  }
0x8: {  	s11 =	sshll.u32 s13, $0x6;
	s5 =	sshll.u32 s4, $0x4;
	s10 =	smul.u32 $0x18800, s4  }
0x9: {  	_ =	strace $0x8000004A;
	s9 =	ssub.s32 $0x2, s4;
	s4 =	smul.u32 $0x30D400, s4  }
0xa: {  	s19 =	sor.u32 $0x1C03, s11;
	s5 =	sor.u32 s13, s5;
	s8 =	sshrl.u32 s6, $0x3  }
0xb: {  	s17 =	sshrl.u32 s9, $0x1;
	s18 =	sadd.s32 s6, s2;
	s13 =	smul.u32 $0x30D40, s13  }
0xc: {  	s5 =	smul.u32 $0x30D40, s5;
	s0 =	sadd.s32 s8, s0;
	s8 =	ssub.s32 s9, s17  }
0xd: {  	s6 =	sadd.s32 s6, s10;
	s9 =	sshrl.u32 s18, $0x3;
	s17 =	simm.s32 $0x640  }
0xe: {  	s18 =	simm.s32 $0x7D0;
	s0 =	sadd.s32 $0x188600, s0;
	s4 =	sadd.s32 s13, s4  }
0xf: {  	s22 =	sshrl.u32 s6, $0x3;
	s26 =	smax.u32 s8, $0x1;
	s8 =	smov.u32 s19  }
0x10: {  	s13 =	simm.s32 $0x190;
	s19 =	simm.s32 $0x960;
	[dreg:$0xa] =	wrdreg s9  }
0x11: {  	s6 =	simm.s32 $0x2;
	s12 =	sshrl.u32 s5, $0x3;
	[dreg:$0x5] =	wrdreg s0  }
0x12: {  	s23 =	sadd.s32 $0x61C740, s4;
	s25 =	sadd.s32 $0x61B7A0, s4;
	[dreg:$0x9] =	wrdreg s26  }
0x13: {  	s26 =	simm.s32 $0x12C0;
	s4 =	simm.s32 $0x1DB0;
	s20 =	sadd.s32 s7, s12  }
0x14: {  	s24 =	sshrl.u32 s23, $0x3;
	s12 =	simm.s32 $0x3;
	s21 =	sadd.s32 $0xC3500, s20  }
0x15: {  	s23 =	simm.s32 $0xFA0;
	s0 =	sadd.s32 $0xC94B4, s20;
	[dreg:$0x6] =	wrdreg s21  }
0x16: {  	s20 =	simm.s32 $0xAF0;
	[dreg:$0x7] =	wrdreg s0;
	s0 =	sadd.s32 s1, s22  }
0x17: {  	s1 =	sshrl.u32 s25, $0x3;
	s21 =	simm.s32 $0xC80;
	s22 =	simm.s32 $0xE10  }
0x18: {  	s25 =	simm.s32 $0x1130;
	[dreg:$0x8] =	wrdreg s0;
	s0 =	sadd.s32 s24, s7  }
0x19: {  	s10 =	sadd.s32 s1, s7;
	s24 =	simm.s32 $0x1;
	s1 =	simm.s32 $0x1C20  }
0x1a: {  	v0 =	vimm.f32 $1.000000000e+00;
	s7 =	simm.s32 $0x0;
	[dreg:$0x4] =	wrdreg s0;
	s0 =	simm.s32 $0x1A90  }
.LBB2_1:
0x1b: {  	s5 =	rddreg [dreg:$0x5]  }
0x1c: {  	[spmem:s9], [sflag:s8] =	dma.local [hbm:s5], $0x310  }
0x1d: {  	_ =	swait.ge [sflag:s12], $0x310  }
0x1e: {  	[sflag:s12] =	ssyncset.done $0x0  }
0x1f: {  	[sflag:s12] =	ssyncadd.s32 $0xFFFFFCF0  }
0x20: {  	[tilespmem:$0x1F40] =	vst v0  }
0x21: {  	[tilespmem:$0x1F50] =	vst v0  }
0x22: {  	[tilespmem:$0x1F60] =	vst v0  }
0x23: {  	[tilespmem:$0x1F70] =	vst v0  }
0x24: {  	[tilespmem:$0x1F80] =	vst v0  }
0x25: {  	[tilespmem:$0x1F90] =	vst v0  }
0x26: {  	[tilespmem:$0x1FA0] =	vst v0  }
0x27: {  	[tilespmem:$0x1FB0] =	vst v0  }
0x28: {  	[tilespmem:$0x1FC0] =	vst v0  }
0x29: {  	[tilespmem:$0x1FD0] =	vst v0  }
0x2a: {  	[tilespmem:$0x1FE0] =	vst v0  }
0x2b: {  	[tilespmem:$0x1FF0] =	vst v0  }
0x2c: {  	[tilespmem:$0x2000] =	vst v0  }
0x2d: {  	[tilespmem:$0x2010] =	vst v0  }
0x2e: {  	[tilespmem:$0x2020] =	vst v0  }
0x2f: {  	[tilespmem:$0x2030] =	vst v0  }
0x30: {  	[tilespmem:$0x2040] =	vst v0  }
0x31: {  	[tilespmem:$0x2050] =	vst v0  }
0x32: {  	[tilespmem:$0x2060] =	vst v0  }
0x33: {  	[tilespmem:$0x2070] =	vst v0  }
0x34: {  	[tilespmem:$0x2080] =	vst v0  }
0x35: {  	[tilespmem:$0x2090] =	vst v0  }
0x36: {  	[tilespmem:$0x20A0] =	vst v0  }
0x37: {  	[tilespmem:$0x20B0] =	vst v0  }
0x38: {  	[tilespmem:$0x20C0] =	vst v0  }
0x39: {  	[bflag:$0x0] =	sbarrier.arrive $0xFFFF  }
0x3a: {  	s9 =	rddreg [dreg:$0x6]  }
0x3b: {  	[tilespmem:s3], [sflag:$0x3] =	stream.linear.gather [hbm4b:s9+s3], $0xFA0, $0x38;
	[tilespmem:$0x3950] =	vst v63  }
0x3c: {  	_ =	swait.ge [sflag:s12], $0xFA0  }
0x3d: {  	[sflag:s12] =	ssyncset.done $0x0  }
0x3e: {  	[sflag:s12] =	ssyncadd.s32 $0xFFFFF060  }
0x3f: {  	[spmem:s2] =	stream.indirect.scatter.add.f32 [tilespmem:s14], [sflag:$0x1], $0x1, s3, s13, $0xb8;
	[tilespmem:$0x3950] =	vst v63  }
0x40: {  	_ = 	snop  }
0x41: {  	[spmem:s2] =	stream.indirect.scatter.add.f32 [tilespmem:s14], [sflag:$0x1], $0x1, s13, s13, $0xb8;
	[tilespmem:$0x3950] =	vst v63  }
0x42: {  	_ = 	snop  }
0x43: {  	[spmem:s2] =	stream.indirect.scatter.add.f32 [tilespmem:s14], [sflag:$0x1], $0x1, s15, s13, $0xb8;
	[tilespmem:$0x3950] =	vst v63  }
0x44: {  	_ = 	snop  }
0x45: {  	[spmem:s2] =	stream.indirect.scatter.add.f32 [tilespmem:s14], [sflag:$0x1], $0x1, s16, s13, $0xb8;
	[tilespmem:$0x3950] =	vst v63  }
0x46: {  	_ = 	snop  }
0x47: {  	[spmem:s2] =	stream.indirect.scatter.add.f32 [tilespmem:s14], [sflag:$0x1], $0x1, s17, s13, $0xb8;
	[tilespmem:$0x3950] =	vst v63  }
0x48: {  	_ = 	snop  }
0x49: {  	[spmem:s2] =	stream.indirect.scatter.add.f32 [tilespmem:s14], [sflag:$0x1], $0x1, s18, s13, $0xb8;
	[tilespmem:$0x3950] =	vst v63  }
0x4a: {  	_ = 	snop  }
0x4b: {  	[spmem:s2] =	stream.indirect.scatter.add.f32 [tilespmem:s14], [sflag:$0x1], $0x1, s19, s13, $0xb8;
	[tilespmem:$0x3950] =	vst v63  }
0x4c: {  	_ = 	snop  }
0x4d: {  	[spmem:s2] =	stream.indirect.scatter.add.f32 [tilespmem:s14], [sflag:$0x1], $0x1, s20, s13, $0xb8;
	[tilespmem:$0x3950] =	vst v63  }
0x4e: {  	_ = 	snop  }
0x4f: {  	[spmem:s2] =	stream.indirect.scatter.add.f32 [tilespmem:s14], [sflag:$0x1], $0x1, s21, s13, $0xb8;
	[tilespmem:$0x3950] =	vst v63  }
0x50: {  	_ = 	snop  }
0x51: {  	[spmem:s2] =	stream.indirect.scatter.add.f32 [tilespmem:s14], [sflag:$0x1], $0x1, s22, s13, $0xb8;
	[tilespmem:$0x3950] =	vst v63  }
0x52: {  	s5 =	sadd.s32 $0x0, s10  }
0x53: {  	[tilespmem:s23], [sflag:$0x3] =	stream.linear.gather [hbm4b:s5+s3], $0xFA0, $0x38;
	[tilespmem:$0x3950] =	vst v63  }
0x54: {  	_ =	swait.ge [sflag:s12], $0xFA0  }
0x55: {  	[sflag:s12] =	ssyncset.done $0x0  }
0x56: {  	[sflag:s12] =	ssyncadd.s32 $0xFFFFF060  }
0x57: {  	_ =	swait.ge [sflag:s24], $0x190  }
0x58: {  	[sflag:s24] =	ssyncset.done $0x0  }
0x59: {  	[sflag:s24] =	ssyncadd.s32 $0xFFFFFE70  }
0x5a: {  	_ =	swait.ge [sflag:s24], $0x190  }
0x5b: {  	[sflag:s24] =	ssyncset.done $0x0  }
0x5c: {  	[sflag:s24] =	ssyncadd.s32 $0xFFFFFE70  }
0x5d: {  	_ =	swait.ge [sflag:s24], $0x190  }
0x5e: {  	[sflag:s24] =	ssyncset.done $0x0  }
0x5f: {  	[sflag:s24] =	ssyncadd.s32 $0xFFFFFE70  }
0x60: {  	_ =	swait.ge [sflag:s24], $0x190  }
0x61: {  	[sflag:s24] =	ssyncset.done $0x0  }
0x62: {  	[sflag:s24] =	ssyncadd.s32 $0xFFFFFE70  }
0x63: {  	_ =	swait.ge [sflag:s24], $0x190  }
0x64: {  	[sflag:s24] =	ssyncset.done $0x0  }
0x65: {  	[sflag:s24] =	ssyncadd.s32 $0xFFFFFE70  }
0x66: {  	_ =	swait.ge [sflag:s24], $0x190  }
0x67: {  	[sflag:s24] =	ssyncset.done $0x0  }
0x68: {  	[sflag:s24] =	ssyncadd.s32 $0xFFFFFE70  }
0x69: {  	_ =	swait.ge [sflag:s24], $0x190  }
0x6a: {  	[sflag:s24] =	ssyncset.done $0x0  }
0x6b: {  	[sflag:s24] =	ssyncadd.s32 $0xFFFFFE70  }
0x6c: {  	_ =	swait.ge [sflag:s24], $0x190  }
0x6d: {  	[sflag:s24] =	ssyncset.done $0x0  }
0x6e: {  	[sflag:s24] =	ssyncadd.s32 $0xFFFFFE70  }
0x6f: {  	_ =	swait.ge [sflag:s24], $0x190  }
0x70: {  	[sflag:s24] =	ssyncset.done $0x0  }
0x71: {  	[sflag:s24] =	ssyncadd.s32 $0xFFFFFE70  }
0x72: {  	_ =	swait.ge [sflag:s24], $0x190  }
0x73: {  	[sflag:s24] =	ssyncset.done $0x0  }
0x74: {  	[sflag:s24] =	ssyncadd.s32 $0xFFFFFE70  }
0x75: {  	[spmem:s2] =	stream.indirect.scatter.add.f32 [tilespmem:s14], [sflag:$0x2], $0x1, s23, s13, $0xb8;
	[tilespmem:$0x3950] =	vst v63  }
0x76: {  	_ = 	snop  }
0x77: {  	[spmem:s2] =	stream.indirect.scatter.add.f32 [tilespmem:s14], [sflag:$0x2], $0x1, s25, s13, $0xb8;
	[tilespmem:$0x3950] =	vst v63  }
0x78: {  	_ = 	snop  }
0x79: {  	[spmem:s2] =	stream.indirect.scatter.add.f32 [tilespmem:s14], [sflag:$0x2], $0x1, s26, s13, $0xb8;
	[tilespmem:$0x3950] =	vst v63  }
0x7a: {  	_ = 	snop  }
0x7b: {  	[spmem:s2] =	stream.indirect.scatter.add.f32 [tilespmem:s14], [sflag:$0x2], $0x1, s28, s13, $0xb8;
	[tilespmem:$0x3950] =	vst v63  }
0x7c: {  	_ = 	snop  }
0x7d: {  	[spmem:s2] =	stream.indirect.scatter.add.f32 [tilespmem:s14], [sflag:$0x2], $0x1, s29, s13, $0xb8;
	[tilespmem:$0x3950] =	vst v63  }
0x7e: {  	_ = 	snop  }
0x7f: {  	[spmem:s2] =	stream.indirect.scatter.add.f32 [tilespmem:s14], [sflag:$0x2], $0x1, s30, s13, $0xb8;
	[tilespmem:$0x3950] =	vst v63  }
0x80: {  	_ = 	snop  }
0x81: {  	[spmem:s2] =	stream.indirect.scatter.add.f32 [tilespmem:s14], [sflag:$0x2], $0x1, s31, s13, $0xb8;
	[tilespmem:$0x3950] =	vst v63  }
0x82: {  	_ = 	snop  }
0x83: {  	[spmem:s2] =	stream.indirect.scatter.add.f32 [tilespmem:s14], [sflag:$0x2], $0x1, s0, s13, $0xb8;
	[tilespmem:$0x3950] =	vst v63  }
0x84: {  	_ = 	snop  }
0x85: {  	[spmem:s2] =	stream.indirect.scatter.add.f32 [tilespmem:s14], [sflag:$0x2], $0x1, s1, s13, $0xb8;
	[tilespmem:$0x3950] =	vst v63  }
0x86: {  	s9 =	rddreg [dreg:$0x4]  }
0x87: {  	[spmem:s2] =	stream.indirect.scatter.add.f32 [tilespmem:s14], [sflag:$0x2], $0x1, s4, s13, $0xb8;
	[tilespmem:$0x3950] =	vst v63  }
0x88: {  	s11 =	smov.u32 s8;
	s8 =	sadd.s32 $0x0, s9  }
0x89: {  	[tilespmem:s3], [sflag:$0x3] =	stream.linear.gather [hbm4b:s8+s3], $0xFA0, $0x38;
	[tilespmem:$0x3950] =	vst v63  }
0x8a: {  	_ =	swait.ge [sflag:s12], $0xFA0  }
0x8b: {  	[sflag:s12] =	ssyncset.done $0x0  }
0x8c: {  	[sflag:s12] =	ssyncadd.s32 $0xFFFFF060  }
0x8d: {  	_ =	swait.ge [sflag:s6], $0x190  }
0x8e: {  	[sflag:s6] =	ssyncset.done $0x0  }
0x8f: {  	[sflag:s6] =	ssyncadd.s32 $0xFFFFFE70  }
0x90: {  	_ =	swait.ge [sflag:s6], $0x190  }
0x91: {  	[sflag:s6] =	ssyncset.done $0x0  }
0x92: {  	[sflag:s6] =	ssyncadd.s32 $0xFFFFFE70  }
0x93: {  	_ =	swait.ge [sflag:s6], $0x190  }
0x94: {  	[sflag:s6] =	ssyncset.done $0x0  }
0x95: {  	[sflag:s6] =	ssyncadd.s32 $0xFFFFFE70  }
0x96: {  	_ =	swait.ge [sflag:s6], $0x190  }
0x97: {  	[sflag:s6] =	ssyncset.done $0x0  }
0x98: {  	[sflag:s6] =	ssyncadd.s32 $0xFFFFFE70  }
0x99: {  	_ =	swait.ge [sflag:s6], $0x190  }
0x9a: {  	[sflag:s6] =	ssyncset.done $0x0  }
0x9b: {  	[sflag:s6] =	ssyncadd.s32 $0xFFFFFE70  }
0x9c: {  	_ =	swait.ge [sflag:s6], $0x190  }
0x9d: {  	[sflag:s6] =	ssyncset.done $0x0  }
0x9e: {  	[sflag:s6] =	ssyncadd.s32 $0xFFFFFE70  }
0x9f: {  	_ =	swait.ge [sflag:s6], $0x190  }
0xa0: {  	[sflag:s6] =	ssyncset.done $0x0  }
0xa1: {  	[sflag:s6] =	ssyncadd.s32 $0xFFFFFE70  }
0xa2: {  	_ =	swait.ge [sflag:s6], $0x190  }
0xa3: {  	[sflag:s6] =	ssyncset.done $0x0  }
0xa4: {  	[sflag:s6] =	ssyncadd.s32 $0xFFFFFE70  }
0xa5: {  	_ =	swait.ge [sflag:s6], $0x190  }
0xa6: {  	[sflag:s6] =	ssyncset.done $0x0  }
0xa7: {  	[sflag:s6] =	ssyncadd.s32 $0xFFFFFE70  }
0xa8: {  	_ =	swait.ge [sflag:s6], $0x190  }
0xa9: {  	s8 =	simm.s32 $0x3E8;
	[sflag:s6] =	ssyncset.done $0x0  }
.LBB2_2:
0xaa: {  	[sflag:s6] =	ssyncadd.s32 $0xFFFFFE70  }
0xab: {  	[spmem:s2] =	stream.indirect.scatter.add.f32 [tilespmem:s14], [sflag:$0x1], $0x1, s3, s13, $0xb8;
	[tilespmem:$0x3950] =	vst v63  }
0xac: {  	_ = 	snop  }
0xad: {  	[spmem:s2] =	stream.indirect.scatter.add.f32 [tilespmem:s14], [sflag:$0x1], $0x1, s13, s13, $0xb8;
	[tilespmem:$0x3950] =	vst v63  }
0xae: {  	_ = 	snop  }
0xaf: {  	[spmem:s2] =	stream.indirect.scatter.add.f32 [tilespmem:s14], [sflag:$0x1], $0x1, s15, s13, $0xb8;
	[tilespmem:$0x3950] =	vst v63  }
0xb0: {  	_ = 	snop  }
0xb1: {  	[spmem:s2] =	stream.indirect.scatter.add.f32 [tilespmem:s14], [sflag:$0x1], $0x1, s16, s13, $0xb8;
	[tilespmem:$0x3950] =	vst v63  }
0xb2: {  	_ = 	snop  }
0xb3: {  	[spmem:s2] =	stream.indirect.scatter.add.f32 [tilespmem:s14], [sflag:$0x1], $0x1, s17, s13, $0xb8;
	[tilespmem:$0x3950] =	vst v63  }
0xb4: {  	_ = 	snop  }
0xb5: {  	[spmem:s2] =	stream.indirect.scatter.add.f32 [tilespmem:s14], [sflag:$0x1], $0x1, s18, s13, $0xb8;
	[tilespmem:$0x3950] =	vst v63  }
0xb6: {  	_ = 	snop  }
0xb7: {  	[spmem:s2] =	stream.indirect.scatter.add.f32 [tilespmem:s14], [sflag:$0x1], $0x1, s19, s13, $0xb8;
	[tilespmem:$0x3950] =	vst v63  }
0xb8: {  	_ = 	snop  }
0xb9: {  	[spmem:s2] =	stream.indirect.scatter.add.f32 [tilespmem:s14], [sflag:$0x1], $0x1, s20, s13, $0xb8;
	[tilespmem:$0x3950] =	vst v63  }
0xba: {  	_ = 	snop  }
0xbb: {  	[spmem:s2] =	stream.indirect.scatter.add.f32 [tilespmem:s14], [sflag:$0x1], $0x1, s21, s13, $0xb8;
	[tilespmem:$0x3950] =	vst v63  }
0xbc: {  	s9 =	smov.u32 s8  }
0xbd: {  	[spmem:s2] =	stream.indirect.scatter.add.f32 [tilespmem:s14], [sflag:$0x1], $0x1, s22, s13, $0xb8;
	[tilespmem:$0x3950] =	vst v63  }
0xbe: {  	s5 =	sadd.s32 s9, s10  }
0xbf: {  	[tilespmem:s23], [sflag:$0x3] =	stream.linear.gather [hbm4b:s5+s3], $0xFA0, $0x38;
	[tilespmem:$0x3950] =	vst v63  }
0xc0: {  	_ =	swait.ge [sflag:s12], $0xFA0  }
0xc1: {  	[sflag:s12] =	ssyncset.done $0x0  }
0xc2: {  	[sflag:s12] =	ssyncadd.s32 $0xFFFFF060  }
0xc3: {  	_ =	swait.ge [sflag:s24], $0x190  }
0xc4: {  	[sflag:s24] =	ssyncset.done $0x0  }
0xc5: {  	[sflag:s24] =	ssyncadd.s32 $0xFFFFFE70  }
0xc6: {  	_ =	swait.ge [sflag:s24], $0x190  }
0xc7: {  	[sflag:s24] =	ssyncset.done $0x0  }
0xc8: {  	[sflag:s24] =	ssyncadd.s32 $0xFFFFFE70  }
0xc9: {  	_ =	swait.ge [sflag:s24], $0x190  }
0xca: {  	[sflag:s24] =	ssyncset.done $0x0  }
0xcb: {  	[sflag:s24] =	ssyncadd.s32 $0xFFFFFE70  }
0xcc: {  	_ =	swait.ge [sflag:s24], $0x190  }
0xcd: {  	[sflag:s24] =	ssyncset.done $0x0  }
0xce: {  	[sflag:s24] =	ssyncadd.s32 $0xFFFFFE70  }
0xcf: {  	_ =	swait.ge [sflag:s24], $0x190  }
0xd0: {  	[sflag:s24] =	ssyncset.done $0x0  }
0xd1: {  	[sflag:s24] =	ssyncadd.s32 $0xFFFFFE70  }
0xd2: {  	_ =	swait.ge [sflag:s24], $0x190  }
0xd3: {  	[sflag:s24] =	ssyncset.done $0x0  }
0xd4: {  	[sflag:s24] =	ssyncadd.s32 $0xFFFFFE70  }
0xd5: {  	_ =	swait.ge [sflag:s24], $0x190  }
0xd6: {  	[sflag:s24] =	ssyncset.done $0x0  }
0xd7: {  	[sflag:s24] =	ssyncadd.s32 $0xFFFFFE70  }
0xd8: {  	_ =	swait.ge [sflag:s24], $0x190  }
0xd9: {  	[sflag:s24] =	ssyncset.done $0x0  }
0xda: {  	[sflag:s24] =	ssyncadd.s32 $0xFFFFFE70  }
0xdb: {  	_ =	swait.ge [sflag:s24], $0x190  }
0xdc: {  	[sflag:s24] =	ssyncset.done $0x0  }
0xdd: {  	[sflag:s24] =	ssyncadd.s32 $0xFFFFFE70  }
0xde: {  	_ =	swait.ge [sflag:s24], $0x190  }
0xdf: {  	[sflag:s24] =	ssyncset.done $0x0  }
0xe0: {  	[sflag:s24] =	ssyncadd.s32 $0xFFFFFE70  }
0xe1: {  	[spmem:s2] =	stream.indirect.scatter.add.f32 [tilespmem:s14], [sflag:$0x2], $0x1, s23, s13, $0xb8;
	[tilespmem:$0x3950] =	vst v63  }
0xe2: {  	_ = 	snop  }
0xe3: {  	[spmem:s2] =	stream.indirect.scatter.add.f32 [tilespmem:s14], [sflag:$0x2], $0x1, s25, s13, $0xb8;
	[tilespmem:$0x3950] =	vst v63  }
0xe4: {  	_ = 	snop  }
0xe5: {  	[spmem:s2] =	stream.indirect.scatter.add.f32 [tilespmem:s14], [sflag:$0x2], $0x1, s26, s13, $0xb8;
	[tilespmem:$0x3950] =	vst v63  }
0xe6: {  	_ = 	snop  }
0xe7: {  	[spmem:s2] =	stream.indirect.scatter.add.f32 [tilespmem:s14], [sflag:$0x2], $0x1, s28, s13, $0xb8;
	[tilespmem:$0x3950] =	vst v63  }
0xe8: {  	_ = 	snop  }
0xe9: {  	[spmem:s2] =	stream.indirect.scatter.add.f32 [tilespmem:s14], [sflag:$0x2], $0x1, s29, s13, $0xb8;
	[tilespmem:$0x3950] =	vst v63  }
0xea: {  	_ = 	snop  }
0xeb: {  	[spmem:s2] =	stream.indirect.scatter.add.f32 [tilespmem:s14], [sflag:$0x2], $0x1, s30, s13, $0xb8;
	[tilespmem:$0x3950] =	vst v63  }
0xec: {  	_ = 	snop  }
0xed: {  	[spmem:s2] =	stream.indirect.scatter.add.f32 [tilespmem:s14], [sflag:$0x2], $0x1, s31, s13, $0xb8;
	[tilespmem:$0x3950] =	vst v63  }
0xee: {  	_ = 	snop  }
0xef: {  	[spmem:s2] =	stream.indirect.scatter.add.f32 [tilespmem:s14], [sflag:$0x2], $0x1, s0, s13, $0xb8;
	[tilespmem:$0x3950] =	vst v63  }
0xf0: {  	_ = 	snop  }
0xf1: {  	[spmem:s2] =	stream.indirect.scatter.add.f32 [tilespmem:s14], [sflag:$0x2], $0x1, s1, s13, $0xb8;
	[tilespmem:$0x3950] =	vst v63  }
0xf2: {  	s5 =	rddreg [dreg:$0x4]  }
0xf3: {  	[spmem:s2] =	stream.indirect.scatter.add.f32 [tilespmem:s14], [sflag:$0x2], $0x1, s4, s13, $0xb8;
	[tilespmem:$0x3950] =	vst v63  }
0xf4: {  	s5 =	sadd.s32 s9, s5  }
0xf5: {  	[tilespmem:s3], [sflag:$0x3] =	stream.linear.gather [hbm4b:s5+s3], $0xFA0, $0x38;
	[tilespmem:$0x3950] =	vst v63  }
0xf6: {  	_ =	swait.ge [sflag:s12], $0xFA0  }
0xf7: {  	[sflag:s12] =	ssyncset.done $0x0  }
0xf8: {  	[sflag:s12] =	ssyncadd.s32 $0xFFFFF060  }
0xf9: {  	_ =	swait.ge [sflag:s6], $0x190  }
0xfa: {  	[sflag:s6] =	ssyncset.done $0x0  }
0xfb: {  	[sflag:s6] =	ssyncadd.s32 $0xFFFFFE70  }
0xfc: {  	_ =	swait.ge [sflag:s6], $0x190  }
0xfd: {  	[sflag:s6] =	ssyncset.done $0x0  }
0xfe: {  	[sflag:s6] =	ssyncadd.s32 $0xFFFFFE70  }
0xff: {  	_ =	swait.ge [sflag:s6], $0x190  }
0x100: {  	[sflag:s6] =	ssyncset.done $0x0  }
0x101: {  	[sflag:s6] =	ssyncadd.s32 $0xFFFFFE70  }
0x102: {  	_ =	swait.ge [sflag:s6], $0x190  }
0x103: {  	[sflag:s6] =	ssyncset.done $0x0  }
0x104: {  	[sflag:s6] =	ssyncadd.s32 $0xFFFFFE70  }
0x105: {  	_ =	swait.ge [sflag:s6], $0x190  }
0x106: {  	[sflag:s6] =	ssyncset.done $0x0  }
0x107: {  	[sflag:s6] =	ssyncadd.s32 $0xFFFFFE70  }
0x108: {  	_ =	swait.ge [sflag:s6], $0x190  }
0x109: {  	[sflag:s6] =	ssyncset.done $0x0  }
0x10a: {  	[sflag:s6] =	ssyncadd.s32 $0xFFFFFE70  }
0x10b: {  	_ =	swait.ge [sflag:s6], $0x190  }
0x10c: {  	[sflag:s6] =	ssyncset.done $0x0  }
0x10d: {  	[sflag:s6] =	ssyncadd.s32 $0xFFFFFE70  }
0x10e: {  	_ =	swait.ge [sflag:s6], $0x190  }
0x10f: {  	[sflag:s6] =	ssyncset.done $0x0  }
0x110: {  	p0 =	sne.s32 s8, $0x59D8;
	[sflag:s6] =	ssyncadd.s32 $0xFFFFFE70  }
.Ltmp0:
0x111: {  	_ =	swait.ge [sflag:s6], $0x190;
	(pc) =	sbr.rel @p0 .LBB2_2-.Ltmp0, $4  }
0x112: {  	[sflag:s6] =	ssyncset.done $0x0  }
0x113: {  	[sflag:s6] =	ssyncadd.s32 $0xFFFFFE70  }
0x114: {  	_ =	swait.ge [sflag:s6], $0x190  }
0x115: {  	s8 =	sadd.s32 $0x3E8, s8;
	[sflag:s6] =	ssyncset.done $0x0  }
0x116: {  	[sflag:s6] =	ssyncadd.s32 $0xFFFFFE70  }
0x117: {  	[spmem:s2] =	stream.indirect.scatter.add.f32 [tilespmem:s14], [sflag:$0x1], $0x1, s3, s13, $0xb8;
	[tilespmem:$0x3950] =	vst v63  }
0x118: {  	_ = 	snop  }
0x119: {  	[spmem:s2] =	stream.indirect.scatter.add.f32 [tilespmem:s14], [sflag:$0x1], $0x1, s13, s13, $0xb8;
	[tilespmem:$0x3950] =	vst v63  }
0x11a: {  	_ = 	snop  }
0x11b: {  	[spmem:s2] =	stream.indirect.scatter.add.f32 [tilespmem:s14], [sflag:$0x1], $0x1, s15, s13, $0xb8;
	[tilespmem:$0x3950] =	vst v63  }
0x11c: {  	_ = 	snop  }
0x11d: {  	[spmem:s2] =	stream.indirect.scatter.add.f32 [tilespmem:s14], [sflag:$0x1], $0x1, s16, s13, $0xb8;
	[tilespmem:$0x3950] =	vst v63  }
0x11e: {  	_ = 	snop  }
0x11f: {  	[spmem:s2] =	stream.indirect.scatter.add.f32 [tilespmem:s14], [sflag:$0x1], $0x1, s17, s13, $0xb8;
	[tilespmem:$0x3950] =	vst v63  }
0x120: {  	_ = 	snop  }
0x121: {  	[spmem:s2] =	stream.indirect.scatter.add.f32 [tilespmem:s14], [sflag:$0x1], $0x1, s18, s13, $0xb8;
	[tilespmem:$0x3950] =	vst v63  }
0x122: {  	_ = 	snop  }
0x123: {  	[spmem:s2] =	stream.indirect.scatter.add.f32 [tilespmem:s14], [sflag:$0x1], $0x1, s19, s13, $0xb8;
	[tilespmem:$0x3950] =	vst v63  }
0x124: {  	_ = 	snop  }
0x125: {  	[spmem:s2] =	stream.indirect.scatter.add.f32 [tilespmem:s14], [sflag:$0x1], $0x1, s20, s13, $0xb8;
	[tilespmem:$0x3950] =	vst v63  }
0x126: {  	_ = 	snop  }
0x127: {  	[spmem:s2] =	stream.indirect.scatter.add.f32 [tilespmem:s14], [sflag:$0x1], $0x1, s21, s13, $0xb8;
	[tilespmem:$0x3950] =	vst v63  }
0x128: {  	_ = 	snop  }
0x129: {  	[spmem:s2] =	stream.indirect.scatter.add.f32 [tilespmem:s14], [sflag:$0x1], $0x1, s22, s13, $0xb8;
	[tilespmem:$0x3950] =	vst v63  }
0x12a: {  	s5 =	rddreg [dreg:$0x7]  }
0x12b: {  	[tilespmem:s23], [sflag:$0x3] =	stream.linear.gather [hbm4b:s5+s3], $0xFA0, $0x38;
	[tilespmem:$0x3950] =	vst v63  }
0x12c: {  	_ =	swait.ge [sflag:s12], $0xFA0  }
0x12d: {  	[sflag:s12] =	ssyncset.done $0x0  }
0x12e: {  	[sflag:s12] =	ssyncadd.s32 $0xFFFFF060  }
0x12f: {  	_ =	swait.ge [sflag:s24], $0x190  }
0x130: {  	[sflag:s24] =	ssyncset.done $0x0  }
0x131: {  	[sflag:s24] =	ssyncadd.s32 $0xFFFFFE70  }
0x132: {  	_ =	swait.ge [sflag:s24], $0x190  }
0x133: {  	[sflag:s24] =	ssyncset.done $0x0  }
0x134: {  	[sflag:s24] =	ssyncadd.s32 $0xFFFFFE70  }
0x135: {  	_ =	swait.ge [sflag:s24], $0x190  }
0x136: {  	[sflag:s24] =	ssyncset.done $0x0  }
0x137: {  	[sflag:s24] =	ssyncadd.s32 $0xFFFFFE70  }
0x138: {  	_ =	swait.ge [sflag:s24], $0x190  }
0x139: {  	[sflag:s24] =	ssyncset.done $0x0  }
0x13a: {  	[sflag:s24] =	ssyncadd.s32 $0xFFFFFE70  }
0x13b: {  	_ =	swait.ge [sflag:s24], $0x190  }
0x13c: {  	[sflag:s24] =	ssyncset.done $0x0  }
0x13d: {  	[sflag:s24] =	ssyncadd.s32 $0xFFFFFE70  }
0x13e: {  	_ =	swait.ge [sflag:s24], $0x190  }
0x13f: {  	[sflag:s24] =	ssyncset.done $0x0  }
0x140: {  	[sflag:s24] =	ssyncadd.s32 $0xFFFFFE70  }
0x141: {  	_ =	swait.ge [sflag:s24], $0x190  }
0x142: {  	[sflag:s24] =	ssyncset.done $0x0  }
0x143: {  	[sflag:s24] =	ssyncadd.s32 $0xFFFFFE70  }
0x144: {  	_ =	swait.ge [sflag:s24], $0x190  }
0x145: {  	[sflag:s24] =	ssyncset.done $0x0  }
0x146: {  	[sflag:s24] =	ssyncadd.s32 $0xFFFFFE70  }
0x147: {  	_ =	swait.ge [sflag:s24], $0x190  }
0x148: {  	[sflag:s24] =	ssyncset.done $0x0  }
0x149: {  	[sflag:s24] =	ssyncadd.s32 $0xFFFFFE70  }
0x14a: {  	_ =	swait.ge [sflag:s24], $0x190  }
0x14b: {  	[sflag:s24] =	ssyncset.done $0x0  }
0x14c: {  	[sflag:s24] =	ssyncadd.s32 $0xFFFFFE70  }
0x14d: {  	[spmem:s2] =	stream.indirect.scatter.add.f32 [tilespmem:s14], [sflag:$0x2], $0x1, s23, s13, $0xb8;
	[tilespmem:$0x3950] =	vst v63  }
0x14e: {  	_ = 	snop  }
0x14f: {  	[spmem:s2] =	stream.indirect.scatter.add.f32 [tilespmem:s14], [sflag:$0x2], $0x1, s25, s13, $0xb8;
	[tilespmem:$0x3950] =	vst v63  }
0x150: {  	_ = 	snop  }
0x151: {  	[spmem:s2] =	stream.indirect.scatter.add.f32 [tilespmem:s14], [sflag:$0x2], $0x1, s26, s13, $0xb8;
	[tilespmem:$0x3950] =	vst v63  }
0x152: {  	_ = 	snop  }
0x153: {  	[spmem:s2] =	stream.indirect.scatter.add.f32 [tilespmem:s14], [sflag:$0x2], $0x1, s28, s13, $0xb8;
	[tilespmem:$0x3950] =	vst v63  }
0x154: {  	_ = 	snop  }
0x155: {  	[spmem:s2] =	stream.indirect.scatter.add.f32 [tilespmem:s14], [sflag:$0x2], $0x1, s29, s13, $0xb8;
	[tilespmem:$0x3950] =	vst v63  }
0x156: {  	_ = 	snop  }
0x157: {  	[spmem:s2] =	stream.indirect.scatter.add.f32 [tilespmem:s14], [sflag:$0x2], $0x1, s30, s13, $0xb8;
	[tilespmem:$0x3950] =	vst v63  }
0x158: {  	_ = 	snop  }
0x159: {  	[spmem:s2] =	stream.indirect.scatter.add.f32 [tilespmem:s14], [sflag:$0x2], $0x1, s31, s13, $0xb8;
	[tilespmem:$0x3950] =	vst v63  }
0x15a: {  	_ = 	snop  }
0x15b: {  	[spmem:s2] =	stream.indirect.scatter.add.f32 [tilespmem:s14], [sflag:$0x2], $0x1, s0, s13, $0xb8;
	[tilespmem:$0x3950] =	vst v63  }
0x15c: {  	_ = 	snop  }
0x15d: {  	[spmem:s2] =	stream.indirect.scatter.add.f32 [tilespmem:s14], [sflag:$0x2], $0x1, s1, s13, $0xb8;
	[tilespmem:$0x3950] =	vst v63  }
0x15e: {  	_ = 	snop  }
0x15f: {  	[spmem:s2] =	stream.indirect.scatter.add.f32 [tilespmem:s14], [sflag:$0x2], $0x1, s4, s13, $0xb8;
	[tilespmem:$0x3950] =	vst v63  }
0x160: {  	_ =	swait.ge [sflag:s6], $0x190  }
0x161: {  	[sflag:s6] =	ssyncset.done $0x0  }
0x162: {  	[sflag:s6] =	ssyncadd.s32 $0xFFFFFE70  }
0x163: {  	_ =	swait.ge [sflag:s6], $0x190  }
0x164: {  	[sflag:s6] =	ssyncset.done $0x0  }
0x165: {  	[sflag:s6] =	ssyncadd.s32 $0xFFFFFE70  }
0x166: {  	_ =	swait.ge [sflag:s6], $0x190  }
0x167: {  	[sflag:s6] =	ssyncset.done $0x0  }
0x168: {  	[sflag:s6] =	ssyncadd.s32 $0xFFFFFE70  }
0x169: {  	_ =	swait.ge [sflag:s6], $0x190  }
0x16a: {  	[sflag:s6] =	ssyncset.done $0x0  }
0x16b: {  	[sflag:s6] =	ssyncadd.s32 $0xFFFFFE70  }
0x16c: {  	_ =	swait.ge [sflag:s6], $0x190  }
0x16d: {  	[sflag:s6] =	ssyncset.done $0x0  }
0x16e: {  	[sflag:s6] =	ssyncadd.s32 $0xFFFFFE70  }
0x16f: {  	_ =	swait.ge [sflag:s6], $0x190  }
0x170: {  	[sflag:s6] =	ssyncset.done $0x0  }
0x171: {  	[sflag:s6] =	ssyncadd.s32 $0xFFFFFE70  }
0x172: {  	_ =	swait.ge [sflag:s6], $0x190  }
0x173: {  	[sflag:s6] =	ssyncset.done $0x0  }
0x174: {  	[sflag:s6] =	ssyncadd.s32 $0xFFFFFE70  }
0x175: {  	_ =	swait.ge [sflag:s6], $0x190  }
0x176: {  	[sflag:s6] =	ssyncset.done $0x0  }
0x177: {  	[sflag:s6] =	ssyncadd.s32 $0xFFFFFE70  }
0x178: {  	_ =	swait.ge [sflag:s6], $0x190  }
0x179: {  	[sflag:s6] =	ssyncset.done $0x0  }
0x17a: {  	[sflag:s6] =	ssyncadd.s32 $0xFFFFFE70  }
0x17b: {  	_ =	swait.ge [sflag:s6], $0x190  }
0x17c: {  	[sflag:s6] =	ssyncset.done $0x0  }
0x17d: {  	[sflag:s6] =	ssyncadd.s32 $0xFFFFFE70  }
0x17e: {  	[bflag:$0x0] =	sbarrier.arrive $0xFFFF  }
0x17f: {  	s5 =	rddreg [dreg:$0x8]  }
0x180: {  	s9 =	rddreg [dreg:$0xa]  }
0x181: {  	[hbm:s5], [sflag:s11] =	dma.local [spmem:s9], $0x310  }
0x182: {  	_ =	swait.ge [sflag:s12], $0x310  }
0x183: {  	s8 =	smov.u32 s11;
	s7 =	sadd.s32 $0x1, s7;
	s11 =	rddreg [dreg:$0x9]  }
0x184: {  	p0 =	sne.s32 s7, s11  }
.Ltmp1:
0x185: {  	_ = 	snop;
	(pc) =	sbr.rel @p0 .LBB2_1-.Ltmp1, $3  }
0x186: {  	_ =	sdelay $0x1  }
0x187: {  	[sflag:s12] =	ssyncset.done $0x0  }
0x188: {  	[sflag:s12] =	ssyncadd.s32 $0xFFFFFCF0  }
0x189: {  	_ =	sfence.sel $0x180000  }
0x18a: {  	[bflag:$0x0] =	sbarrier.arrive $0xFFFF  }
0x18b: {  	_ =	strace $0x9000004A  }
0x18c: {  	s0 =	stileid.u32;
	[bflag:$0x2] =	sbarrier.arrive $0xFFFF  }
0x18d: {  	p0 =	sne.s32 s0, $0x0;
	s0 =	rddreg [dreg:$0x3]  }
0x18e: {  	s0 =	sadd.s32 @!p0 $0x100000, s0  }
0x18f: {  	[sflag:s0] =	ssyncadd.tile.s32 @!p0 $0x1;
	_ =	shalt  }
.Lfunc_end2:
_tile_overlayer_lowered:
.L_overlay_start_2:
0x190: {  	(tag) =	ssettag $0x2  }
0x191: {  	s0 =	rddreg [dreg:$0x0];
	s2 =	stileid.u32  }
0x192: {  	s1 =	rddreg [dreg:$0x1];
	p0 =	sne.s32 s2, $0x0  }
0x193: {  	s3 =	rddreg [dreg:$0x2];
	[bflag:$0x3] =	sbarrier.arrive $0xFFFF;
	s2 =	simm.s32 @!p0 $0x1C03  }
0x194: {  	[timem:s3], [sflag:s2] =	dma.local @!p0 [hbm:s0], s1  }
0x195: {  	s0 =	simm.s32 @!p0 $0x3  }
0x196: {  	_ =	swait.ge @!p0 [sflag:s0], s1  }
0x197: {  	s1 =	ssub.s32 @!p0 $0x0, s1;
	[sflag:s0] =	ssyncset.done @!p0 $0x0  }
0x198: {  	[sflag:s0] =	ssyncadd.s32 @!p0 s1  }
0x199: {  	[bflag:$0x3] =	sbarrier.arrive $0xFFFF  }
0x19a: {  	_ =	shalt  }

// kernel: sparse-core-data-format-call.cloned.1.call-start
scs
called_computation_lowered:
.L_overlay_start_0:
0x0: {  	s2 =	sld [smem:$0x3FD9]  }
0x1: {  	s3 =	sld [smem:$0x3FFE];
	_ =	sdelay $0x1  }
0x2: {  	s1 =	srdreg.scid  }
0x3: {  	s0 =	sand.u32 $0x1, s1  }
0x4: {  	s18 =	sshll.u32 s0, $0xA;
	s2 =	sadd.s32 s3, s2  }
0x5: {  	s2 =	sadd.s32 s2, s18  }
0x6: {  	[smem:$0x3FC2] =	sst s2  }
0x7: {  	_ = 	snop  }
0x8: {  	s2 =	sld [smem:$0x3FC8];
	(tm) =	ssettm $0x1  }
0x9: {  	s19 =	sld [smem:$0x3FFB];
	_ =	sdelay $0x3  }
0xa: {  	_ =	strace s19  }
0xb: {  	s3 =	sld [smem:$0x3FFC];
	_ =	sdelay $0x3  }
0xc: {  	_ =	strace s3  }
0xd: {  	s3 =	sld [smem:$0x3FFD];
	_ =	sdelay $0x3  }
0xe: {  	_ =	strace s3  }
0xf: {  	_ =	strace $0x8FFFFFFF  }
0x10: {  	s20 =	sld [smem:$0x3FDB];
	_ =	sdelay $0x1  }
0x11: {  	s4 =	simm.s32 $_scs_section_size  }
0x12: {  	s5 =	simm.s32 $_size__tile_overlayer_lowered;
	s6 =	simm.s32 $_tile_overlayer_lowered  }
0x13: {  	s23 =	simm.s32 $0x1BFF;
	s22 =	sshll.u32 s6, $0x1;
	s3 =	sadd.s32 s4, s20  }
0x14: {  	s7 =	simm.s32 $0x0;
	s21 =	sshll.u32 s5, $0x1;
	s5 =	sadd.s32 s22, s3  }
0x15: {  	[timem:s7], [sflag:s23] =	dma.local [hbm:s5], s21  }
0x16: {  	_ =	swait.ge [sflag:s23], s21  }
0x17: {  	s4 =	ssub.s32 $0x0, s21;
	[sflag:s23] =	ssyncset.done $0x0  }
0x18: {  	[sflag:s23] =	ssyncadd.s32 s4;
	_ =	sdelay $0x1  }
0x19: {  	s24 =	simm.s32 $0x1B8B  }
0x1a: {  	_ =	swait.ge [sflag:s24], $0x1  }
0x1b: {  	[sflag:s24] =	ssyncset.done $0x0  }
0x1c: {  	s26 =	simm.s32 $0x1B8E;
	s25 =	sld [smem:$0x3FFE];
	[sflag:s24] =	ssyncadd.s32 $0xFFFFFFFF  }
0x1d: {  	s27 =	simm.s32 $execute0_lowered;
	[smem:$0x3FD2] =	sst s26  }
0x1e: {  	s5 =	sshll.u32 s27, $0x1;
	_ =	strace $0x80000046;
	[dreg:$0x1] =	wrdreg $0xFFFFFFFF  }
0x1f: {  	s28 =	simm.s32 $_size_execute0_lowered;
	s3 =	sadd.s32 s3, s5;
	[dreg:$0x0] =	wrdreg $0x0  }
0x20: {  	s5 =	sshll.u32 s28, $0x1;
	[dreg:$0x2] =	wrdreg s3  }
0x21: {  	[dreg:$0x3] =	wrdreg s5  }
0x22: {  	[dreg:$0x4] =	wrdreg $0xC0  }
0x23: {  	_ =	task [dreg:s7], $0x5FFFF  }
0x24: {  	[dreg:$0x1] =	wrdreg $0xFFFFFFFF  }
0x25: {  	[dreg:$0x0] =	wrdreg $0x60  }
0x26: {  	[dreg:$0x2] =	wrdreg s2  }
0x27: {  	[dreg:$0x3] =	wrdreg s25  }
0x28: {  	[dreg:$0x4] =	wrdreg $0x9  }
0x29: {  	_ =	task.clear_ibuf [dreg:s7], $0x5FFFF;
	_ =	strace $0x90000046  }
0x2a: {  	s29 =	simm.s32 $0x9;
	_ =	strace $0x80000048  }
0x2b: {  	_ =	swait.ge [sflag:s29], $0x1  }
0x2c: {  	[sflag:s29] =	ssyncadd.s32 $0xFFFFFFFF  }
0x2d: {  	_ =	strace $0x90000048  }
0x2e: {  	_ =	sfence  }
0x2f: {  	s30 =	sld [smem:$0x0];
	_ =	sdelay $0x2  }
0x30: {  	s31 =	sshll.u32 s1, $0xD;
	s1 =	sshrl.u32 s1, $0x2  }
0x31: {  	s3 =	sand.u32 $0x4000, s31;
	s1 =	sadd.s32 s1, s30  }
0x32: {  	s0 =	sor.u32 s3, s0;
	s1 =	sshll.u32 s1, $0x11  }
0x33: {  	s0 =	sor.u32 s1, s0  }
0x34: {  	s0 =	sadd.s32 $0x8F2B, s0  }
0x35: {  	[sflag:s0] =	ssyncadd.remote.s32 $0x1  }
0x36: {  	_ =	sfence.sel $0xFFFF  }
0x37: {  	[dreg:$0x0] =	wrdreg $0xFFFFFFFF;
	(pc) =	sbr.abs _section_cstart, $3  }
0x38: {  	[dreg:$0x1] =	wrdreg $0xFFFFFFFF  }
0x39: {  	_ =	task.clear_ibuf [dreg:s7], $0x2FFFF;
	_ =	strace $0x9FFFFFFF  }
0x3a: {  	(tm) =	ssettm $0x7FFFFFFF  }
0x3b: {  	_ =	shalt  }
tec
execute0_lowered:
.L_overlay_start_1:
0x0: {  	(tag) =	ssettag $0x1  }
0x1: {  	s0 =	stileid.u32;
	s7 =	rddreg [dreg:$0x0]  }
0x2: {  	s1 =	srdreg.scid;
	s4 =	rddreg [dreg:$0x1]  }
0x3: {  	s30 =	simm.s32 $0x2;
	s10 =	simm.s32 $0x0;
	s14 =	simm.s32 $0x0  }
0x4: {  	s15 =	simm.s32 $0x0;
	s11 =	simm.s32 $0x0;
	s13 =	simm.s32 $0x0  }
0x5: {  	s2 =	sand.u32 $0x1, s1;
	s3 =	sshll.u32 s0, $0x7;
	s1 =	rddreg [dreg:$0x2]  }
0x6: {  	_ =	strace $0x80000047;
	s5 =	ssub.s32 $0xC300, s3;
	s6 =	ssub.s32 $0x2, s2  }
.Ltmp0:
0x7: {  	s5 =	sshrl.u32 s5, $0xB;
	s8 =	sshrl.u32 s6, $0x1;
	(pc) =	sbr.rel .LBB1_1-.Ltmp0, $4  }
0x8: {  	s4 =	sadd.s32 $0x1C00, s4;
	s9 =	sadd.s32 $0x1, s5;
	s6 =	ssub.s32 s6, s8  }
0x9: {  	s31 =	sshll.u32 s2, $0x4;
	s5 =	simm.s32 $0x1;
	s6 =	smul.u32 s9, s6  }
0xa: {  	s12 =	smov.u32 s3;
	s7 =	sadd.s32 s7, s31;
	[sflag:s5] =	ssyncpa.u1 $0x0  }
0xb: {  	s9 =	simm.s32 $0x0;
	[sflag:s30] =	ssyncpa.u1 $0x0;
	s8 =	sadd.s32 $0x1, s6  }
.LBB1_4:
0xc: {  	s21 =	simm.s32 $0x0  }
.LBB1_8:
0xd: {  	_ =	sdelay $0x3  }
0xe: {  	v6 =	vld [tilespmem:s18+$0xFFFFFFC0];
	[tilespmem:v0+s20+$0x30 ss:$0x1] =	vst.idx.msk @p0 $0xffff, v2  }
0xf: {  	v58 =	vld [tilespmem:s18+$0xFFFFFFD0];
	[tilespmem:v0+s20+$0x40 ss:$0x1] =	vst.idx.msk @p0 $0xffff, v3;
	s21 =	sadd.s32 @p0 $0x80, s21  }
0x10: {  	v59 =	vld [tilespmem:s18+$0xFFFFFFE0];
	[tilespmem:v0+s20+$0x50 ss:$0x1] =	vst.idx.msk @p0 $0xffff, v5;
	s19 =	smov.u32 @p0 s21  }
0x11: {  	v60 =	vld [tilespmem:s18+$0xFFFFFFF0];
	[tilespmem:v0+s20+$0x60 ss:$0x1] =	vst.idx.msk @p0 $0xffff, v4;
	s19 =	sand.u32 $0x3F80, s19  }
0x12: {  	v61 =	vld [tilespmem:s18+$0x0];
	[tilespmem:v0+s19+$0x70 ss:$0x1] =	vst.idx.msk $0xffff, v1  }
0x13: {  	v62 =	vld [tilespmem:s18+$0x10];
	[tilespmem:v0+s19+$0x0 ss:$0x1] =	vst.idx.msk $0xffff, v6  }
0x14: {  	v63 =	vld [tilespmem:s18+$0x20];
	[tilespmem:v0+s19+$0x10 ss:$0x1] =	vst.idx.msk $0xffff, v58  }
0x15: {  	[tilespmem:v0+s19+$0x20 ss:$0x1] =	vst.idx.msk $0xffff, v59  }
0x16: {  	[tilespmem:v0+s19+$0x30 ss:$0x1] =	vst.idx.msk $0xffff, v60  }
0x17: {  	[tilespmem:v0+s19+$0x40 ss:$0x1] =	vst.idx.msk $0xffff, v61  }
0x18: {  	[tilespmem:v0+s19+$0x50 ss:$0x1] =	vst.idx.msk $0xffff, v62  }
0x19: {  	[tilespmem:v0+s19+$0x60 ss:$0x1] =	vst.idx.msk $0xffff, v63  }
.LBB1_9:
0x1a: {  	s18 =	sand.u32 $0x1FFFFFF, s11  }
0x1b: {  	s19 =	smulhi.u32 $0x14F8B59, s18;
	_ =	sdelay $0x1  }
0x1c: {  	s19 =	sshrl.u32 s19, $0x8  }
0x1d: {  	s19 =	smul.u32 $0xC350, s19  }
0x1e: {  	s15 =	smul.u32 $0xC3500, s15  }
0x1f: {  	s18 =	ssub.s32 s18, s19  }
0x20: {  	s15 =	sadd.s32 s4, s15;
	s18 =	sshll.u32 s18, $0x4  }
0x21: {  	s15 =	sadd.s32 s18, s15  }
0x22: {  	[hbm4b:s15+s9] =	stream.linear.scatter [tilespmem:s17], [sflag:$0x2], s16, $0x38;
	[tilespmem:$0x10000] =	vst v63  }
.LBB1_10:
0x23: {  	p0 =	slt.u32 s13, $0x2  }
0x24: {  	p1 =	sgt.s32 @!p0 s14, $0xC2D0  }
0x25: {  	s15 =	smov.u32 s14;
	s16 =	sshra.s32 @!p0 s14, $0x1F;
	p1 =	por !p1, p0  }
0x26: {  	s14 =	sand.u32 @!p0 s16, s14;
	s15 =	simm.s32 @p1 $0xC2D0  }
0x27: {  	s14 =	ssub.s32 @!p0 s15, s14  }
0x28: {  	s14 =	sadd.s32 @!p0 $0xFFFF3D30, s14  }
0x29: {  	s15 =	sshll.u32 @!p0 s14, $0x7  }
0x2a: {  	p1 =	sgt.s32 @!p0 s14, $0x7F;
	s14 =	ssub.s32 @!p0 $0x4000, s15  }
0x2b: {  	s16 =	sadd.s32 $0x800, s12;
	p1 =	por !p1, p0;
	s14 =	sand.u32 @!p0 $0x3FFFFF80, s14  }
0x2c: {  	s14 =	simm.s32 @!p1 $0x0;
	p1 =	sgt.s32 s16, $0xC34F  }
0x2d: {  	s16 =	smov.u32 @p1 s3;
	p1 =	sne.s32 s13, s8  }
.Ltmp1:
0x2e: {  	_ = 	snop;
	(pc) =	sbr.rel @!p1 .LBB1_11-.Ltmp1, $4  }
0x2f: {  	s10 =	sadd.s32 $0x4000, s10;
	s15 =	simm.s32 @!p0 $0x2  }
0x30: {  	_ =	swait.ge @!p0 [sflag:s15], s14;
	s17 =	ssub.s32 @!p0 $0x0, s14;
	s14 =	smov.u32 s11  }
0x31: {  	s13 =	sadd.s32 $0x1, s13;
	s11 =	smov.u32 s12;
	[sflag:s15] =	ssyncset.done @!p0 $0x0  }
0x32: {  	s12 =	smov.u32 s16;
	[sflag:s15] =	ssyncadd.s32 @!p0 s17;
	s15 =	smov.u32 s2  }
.LBB1_1:
0x33: {  	p0 =	sge.u32 s13, s6  }
0x34: {  	p1 =	sgt.s32 @!p0 s12, $0xC2D0  }
0x35: {  	s16 =	smov.u32 s12;
	s17 =	sshra.s32 @!p0 s12, $0x1F;
	p1 =	por !p1, p0  }
0x36: {  	s17 =	sand.u32 @!p0 s17, s12;
	s16 =	simm.s32 @p1 $0xC2D0  }
0x37: {  	s16 =	ssub.s32 @!p0 s16, s17  }
0x38: {  	s31 =	sadd.s32 $0xFFFFFFFF, s13;
	s18 =	sxor.u32 @!p0 $0xFFFFFFFF, s13;
	s16 =	sadd.s32 @!p0 $0xFFFF3D30, s16  }
0x39: {  	s19 =	simm.s32 @!p0 $0x80;
	s20 =	simm.s32 @!p0 $0x100;
	s17 =	sshll.u32 @!p0 s16, $0x7  }
0x3a: {  	p1 =	sgt.s32 @!p0 s16, $0x7F;
	s16 =	ssub.s32 @!p0 $0x4000, s17;
	s17 =	sshll.u32 @!p0 s18, $0xE  }
0x3b: {  	p1 =	por !p1, p0;
	s18 =	sshll.u32 @!p0 s12, $0x5;
	s16 =	sand.u32 @!p0 $0x3FFFFF80, s16  }
0x3c: {  	s17 =	sand.u32 @!p0 $0x4000, s17;
	s18 =	sadd.s32 @!p0 s18, s7;
	s16 =	simm.s32 @!p1 $0x0  }
0x3d: {  	[tilespmem:s17], [sflag:$0x1] =	stream.strided.gather @!p0 [hbm4b:s18+s19], s16, s20, s19, $0x38;
	[tilespmem:$0x10000] =	vst v63  }
0x3e: {  	p0 =	sge.u32 s31, s6  }
.Ltmp2:
0x3f: {  	_ = 	snop;
	(pc) =	sbr.rel @p0 .LBB1_10-.Ltmp2, $1  }
0x40: {  	_ =	sdelay $0x3  }
0x41: {  	p0 =	sgt.s32 s11, $0xC2D0;
	s16 =	smov.u32 s11;
	s17 =	sshra.s32 s11, $0x1F  }
0x42: {  	s16 =	simm.s32 @!p0 $0xC2D0;
	s17 =	sand.u32 s17, s11  }
0x43: {  	s16 =	ssub.s32 s16, s17  }
0x44: {  	s16 =	sadd.s32 $0xFFFF3D30, s16  }
0x45: {  	s30 =	sshll.u32 s16, $0x7  }
0x46: {  	s17 =	ssub.s32 $0x4000, s30  }
0x47: {  	p0 =	sgt.s32 s16, $0x7F;
	s16 =	sand.u32 $0x3FFFFF80, s17;
	s17 =	sadd.s32 $0x80, s11  }
0x48: {  	s16 =	simm.s32 @p0 $0x0;
	p0 =	slt.s32 s17, $0xC350  }
0x49: {  	s17 =	simm.s32 @!p0 $0xC350  }
0x4a: {  	s20 =	ssub.s32 s17, s11  }
0x4b: {  	p0 =	slt.s32 s20, $0x1  }
.Ltmp3:
0x4c: {  	_ = 	snop;
	(pc) =	sbr.rel @p0 .LBB1_9-.Ltmp3, $4  }
0x4d: {  	_ = 	snop  }
0x4e: {  	s19 =	sshll.u32 s13, $0xE;
	_ =	swait.ge [sflag:s5], s16  }
0x4f: {  	s31 =	sand.u32 $0x4000, s19;
	s18 =	ssub.s32 $0x0, s16;
	[sflag:s5] =	ssyncset.done $0x0  }
0x50: {  	s17 =	sor.u32 $0x8000, s31;
	[sflag:s5] =	ssyncadd.s32 s18  }
0x51: {  	p1 =	sne.s32 s20, $0x1  }
.Ltmp4:
0x52: {  	v0 =	vmov s17;
	(pc) =	sbr.rel @!p1 .LBB1_4-.Ltmp4, $4  }
0x53: {  	_ = 	snop  }
0x54: {  	s18 =	sand.u32 $0x4000, s10  }
0x55: {  	s18 =	sor.u32 $0x40, s18  }
0x56: {  	s19 =	simm.s32 $0x0;
	s21 =	sadd.s32 $0xFFFFFFFF, s20;
	p0 =	por $0x0, $0x0;
	v1 =	vld [tilespmem:s18+$0x30]  }
0x57: {  	v4 =	vld [tilespmem:s18+$0xFFFFFFC0]  }
0x58: {  	v6 =	vld [tilespmem:s18+$0xFFFFFFD0]  }
0x59: {  	v7 =	vld [tilespmem:s18+$0xFFFFFFE0];
	p1 =	sne.s32 s21, $0x1  }
.Ltmp5:
0x5a: {  	v2 =	vld [tilespmem:s18+$0xFFFFFFF0];
	s20 =	sand.u32 $0x3F80, s19;
	(pc) =	sbr.rel @!p1 .LBB1_6-.Ltmp5, $4  }
0x5b: {  	v3 =	vld [tilespmem:s18+$0x0];
	[tilespmem:v0+s20+$0x70 ss:$0x1] =	vst.idx.msk $0xffff, v1  }
0x5c: {  	v5 =	vld [tilespmem:s18+$0x10];
	[tilespmem:v0+s20+$0x0 ss:$0x1] =	vst.idx.msk $0xffff, v4  }
0x5d: {  	v4 =	vld [tilespmem:s18+$0x20];
	[tilespmem:v0+s20+$0x10 ss:$0x1] =	vst.idx.msk $0xffff, v6;
	s18 =	sadd.s32 $0x80, s18  }
0x5e: {  	s22 =	sadd.s32 $0xFFFFFFFF, s21;
	p0 =	por $0x1, $0x1;
	s21 =	simm.s32 $0x0;
	[tilespmem:v0+s20+$0x20 ss:$0x1] =	vst.idx.msk $0xffff, v7;
	v1 =	vld [tilespmem:s18+$0x30]  }
.LBB1_7:
0x5f: {  	p1 =	sne.s32 s22, $0x1;
	v6 =	vld [tilespmem:s18+$0xFFFFFFC0];
	[tilespmem:v0+s20+$0x30 ss:$0x1] =	vst.idx.msk $0xffff, v2  }
0x60: {  	v7 =	vld [tilespmem:s18+$0xFFFFFFD0];
	[tilespmem:v0+s20+$0x40 ss:$0x1] =	vst.idx.msk $0xffff, v3  }
0x61: {  	s21 =	sadd.s32 $0x80, s21;
	v8 =	vld [tilespmem:s18+$0xFFFFFFE0];
	[tilespmem:v0+s20+$0x50 ss:$0x1] =	vst.idx.msk $0xffff, v5  }
.Ltmp6:
0x62: {  	v2 =	vld [tilespmem:s18+$0xFFFFFFF0];
	[tilespmem:v0+s20+$0x60 ss:$0x1] =	vst.idx.msk $0xffff, v4;
	s20 =	sand.u32 $0x3F80, s21;
	(pc) =	sbr.rel @p1 .LBB1_7-.Ltmp6, $4  }
0x63: {  	v3 =	vld [tilespmem:s18+$0x0];
	[tilespmem:v0+s20+$0x70 ss:$0x1] =	vst.idx.msk $0xffff, v1  }
0x64: {  	[tilespmem:v0+s20+$0x0 ss:$0x1] =	vst.idx.msk $0xffff, v6;
	v5 =	vld [tilespmem:s18+$0x10]  }
0x65: {  	[tilespmem:v0+s20+$0x10 ss:$0x1] =	vst.idx.msk $0xffff, v7;
	v4 =	vld [tilespmem:s18+$0x20];
	s18 =	sadd.s32 $0x80, s18  }
0x66: {  	s22 =	sadd.s32 $0xFFFFFFFF, s22;
	v1 =	vld [tilespmem:s18+$0x30];
	[tilespmem:v0+s20+$0x20 ss:$0x1] =	vst.idx.msk $0xffff, v8  }
.Ltmp7:
0x67: {  	_ = 	snop;
	(pc) =	sbr.rel .LBB1_8-.Ltmp7, $1  }
0x68: {  	_ =	sdelay $0x3  }
.LBB1_6:
.Ltmp8:
0x69: {  	(pc) =	sbr.rel .LBB1_8-.Ltmp8, $2  }
0x6a: {  	_ =	sdelay $0x2  }
0x6b: {  	s21 =	simm.s32 $0x0  }
.LBB1_11:
0x6c: {  	_ =	sfence.sel $0x180000  }
0x6d: {  	s2 =	simm.s32 $0x1;
	[bflag:$0x0] =	sbarrier.arrive $0xFFFF  }
0x6e: {  	s31 =	simm.s32 $0x2;
	[sflag:s2] =	ssyncpa.u1 $0x1  }
0x6f: {  	[sflag:s31] =	ssyncpa.u1 $0x1  }
0x70: {  	p0 =	sne.s32 s0, $0x0;
	_ =	strace $0x90000047  }
0x71: {  	s0 =	sadd.s32 @!p0 $0x100000, s1;
	[bflag:$0x2] =	sbarrier.arrive $0xFFFF  }
0x72: {  	[sflag:s0] =	ssyncadd.tile.s32 @!p0 $0x1;
	_ =	shalt  }
.Lfunc_end1:
_tile_overlayer_lowered:
.L_overlay_start_2:
0x73: {  	(tag) =	ssettag $0x2  }
0x74: {  	s0 =	rddreg [dreg:$0x0];
	s2 =	stileid.u32  }
0x75: {  	s1 =	rddreg [dreg:$0x1];
	p0 =	sne.s32 s2, $0x0  }
0x76: {  	s3 =	rddreg [dreg:$0x2];
	[bflag:$0x3] =	sbarrier.arrive $0xFFFF;
	s2 =	simm.s32 @!p0 $0x1C01  }
0x77: {  	[timem:s3], [sflag:s2] =	dma.local @!p0 [hbm:s0], s1  }
0x78: {  	s0 =	simm.s32 @!p0 $0x1  }
0x79: {  	_ =	swait.ge @!p0 [sflag:s0], s1  }
0x7a: {  	s1 =	ssub.s32 @!p0 $0x0, s1;
	[sflag:s0] =	ssyncset.done @!p0 $0x0  }
0x7b: {  	[sflag:s0] =	ssyncadd.s32 @!p0 s1  }
0x7c: {  	[bflag:$0x3] =	sbarrier.arrive $0xFFFF  }
0x7d: {  	_ =	shalt  }

</sc_bundles>
